<compile_context>
chip_gen: v7x
topology: tpu7x:2x2x1
jax: 0.10.2.dev20260603
libtpu: 0.0.44.dev20260713+nightly
codegen_flags: <defaults>
</compile_context>

<pallas_src>
import functools

import jax
import jax.numpy as jnp
from jax import lax
from jax.experimental import pallas as pl
from jax.experimental.pallas import tpu as pltpu
from jax.experimental.pallas import tpu_sc as plsc

N = 10000
E = 320000
F = 128

NC = 2
NS = 16
NW = NC * NS
L = 16
DW = 16

CH = 64
CH2 = 128
GCH = 8
EPW = 10240
NCHUNK = EPW // CH
E_PAD = EPW * NW
ACC_ROWS = 10240
RPT_Z = ACC_ROWS // NS


def _make_segsum_body(with_deg, ch):
    nchunk = E_PAD // (NW * ch)
    ngrp = nchunk // GCH
    zch = RPT_Z // ch
    def body_fn(*refs):
        if with_deg:
            (h_hbm, col_hbm, row_hbm, out_hbm, dout_hbm,
             colb, rowb, rows0, rows1, idxb, ob, zdb, acc, dacc,
             gsem0, gsem1, ssem0, ssem1, sem, dsem) = refs
        else:
            (h_hbm, col_hbm, row_hbm, out_hbm, dout_hbm,
             colb, rowb, rows0, rows1, idxb, acc,
             gsem0, gsem1, ssem0, ssem1, sem) = refs
        rowsb = (rows0, rows1)
        gsem = (gsem0, gsem1)
        ssem = (ssem0, ssem1)
        rows = rows0
        c = lax.axis_index("c")
        s = lax.axis_index("s")
        w = c * NS + s

        zv = jnp.zeros((L,), jnp.float32)

        def zrow(i, carry):
            for j in range(F // L):
                rows[i, pl.ds(j * L, L)] = zv
            return carry
        lax.fori_loop(0, ch, zrow, 0)
        if with_deg:
            ov = jnp.ones((L,), jnp.float32)
            for i in range(ch):
                ob[i, :] = ov
                zdb[i, :] = zv

        iv = lax.iota(jnp.int32, L)

        def fill_idx(base):
            for j in range(ch // L):
                idxb[pl.ds(j * L, L)] = iv + (base + j * L)

        def zloop(k, carry):
            fill_idx(s * RPT_Z + k * ch)
            pltpu.sync_copy(rows, acc.at[idxb])
            if with_deg:
                pltpu.sync_copy(zdb, dacc.at[idxb])
            return carry

        lax.fori_loop(0, zch, zloop, 0)
        plsc.subcore_barrier()

        pltpu.sync_copy(col_hbm.at[w, pl.ds(0, GCH)], colb)
        pltpu.sync_copy(row_hbm.at[w, pl.ds(0, GCH)], rowb)
        pltpu.async_copy(h_hbm.at[colb.at[0]], rows0, gsem0)

        def grp_loop(grp, carry):
            for j in range(GCH):
                b = j & 1
                nb = 1 - b
                if j < GCH - 1:
                    if j > 0:
                        pltpu.make_async_copy(rowsb[nb],
                                              acc.at[rowb.at[j]],
                                              ssem[nb]).wait()
                    pltpu.async_copy(h_hbm.at[colb.at[j + 1]], rowsb[nb],
                                     gsem[nb])
                    pltpu.make_async_copy(h_hbm.at[colb.at[j]], rowsb[b],
                                          gsem[b]).wait()
                    pltpu.async_copy(rowsb[b], acc.at[rowb.at[j]], ssem[b],
                                     add=True)
                    if with_deg:
                        pltpu.async_copy(ob, dacc.at[rowb.at[j]], dsem,
                                         add=True)
                else:
                    pltpu.make_async_copy(rowsb[nb], acc.at[rowb.at[j]],
                                          ssem[nb]).wait()
                    pltpu.make_async_copy(h_hbm.at[colb.at[j]], rowsb[b],
                                          gsem[b]).wait()
                    pltpu.sync_copy(rowsb[b], acc.at[rowb.at[j]], add=True)
                    if with_deg:
                        pltpu.sync_copy(ob, dacc.at[rowb.at[j]], add=True)
                        for _ in range(GCH - 1):
                            pltpu.make_async_copy(ob, dacc.at[rowb.at[j]],
                                                  dsem).wait()

                    @pl.when(grp + 1 < ngrp)
                    def _():
                        pltpu.sync_copy(
                            col_hbm.at[w, pl.ds((grp + 1) * GCH, GCH)], colb)
                        pltpu.sync_copy(
                            row_hbm.at[w, pl.ds((grp + 1) * GCH, GCH)], rowb)
                        pltpu.async_copy(h_hbm.at[colb.at[0]], rowsb[nb],
                                         gsem[nb])
            return carry

        lax.fori_loop(0, ngrp, grp_loop, 0)

        plsc.subcore_barrier()

        def oloop(k, carry):
            base = s * RPT_Z + k * ch
            fill_idx(base)
            pltpu.async_copy(acc.at[idxb], rows, sem).wait()
            pltpu.sync_copy(rows, out_hbm.at[c, pl.ds(base, ch), :])
            if with_deg:
                pltpu.async_copy(dacc.at[idxb], zdb, sem).wait()
                pltpu.sync_copy(zdb, dout_hbm.at[c, pl.ds(base, ch), :])
            return carry

        lax.fori_loop(0, zch, oloop, 0)
    return body_fn


@functools.cache
def _sc_kernels():
    mesh = plsc.VectorSubcoreMesh(core_axis_name="c", subcore_axis_name="s")

    def make(with_deg, ch):
        deg_scratch = [
            pltpu.VMEM((ch, DW), jnp.float32),
            pltpu.VMEM((ch, DW), jnp.float32),
        ] if with_deg else []
        deg_accum = [
            pltpu.VMEM_SHARED((ACC_ROWS, DW), jnp.float32),
        ] if with_deg else []
        dout_rows = ACC_ROWS if with_deg else 16
        return pl.kernel(
            _make_segsum_body(with_deg, ch),
            mesh=mesh,
            out_type=(jax.ShapeDtypeStruct((NC, ACC_ROWS, F), jnp.float32),
                      jax.ShapeDtypeStruct((NC, dout_rows, DW), jnp.float32)),
            scratch_types=[
                pltpu.VMEM((GCH, ch), jnp.int32),
                pltpu.VMEM((GCH, ch), jnp.int32),
                pltpu.VMEM((ch, F), jnp.float32),
                pltpu.VMEM((ch, F), jnp.float32),
                pltpu.VMEM((ch,), jnp.int32),
                *deg_scratch,
                pltpu.VMEM_SHARED((ACC_ROWS, F), jnp.float32),
                *deg_accum,
                pltpu.SemaphoreType.DMA,
                pltpu.SemaphoreType.DMA,
                pltpu.SemaphoreType.DMA,
                pltpu.SemaphoreType.DMA,
                pltpu.SemaphoreType.DMA,
                *([pltpu.SemaphoreType.DMA] if with_deg else []),
            ],
        )

    return make(True, CH), make(False, CH2)


BLK = 1000


def _xci_body(x, wci, bc, o):
    o[...] = (jnp.dot(x[...], wci[...], preferred_element_type=jnp.float32)
              + bc[...])


def _gated(part, h, x, deg, wt, wb, b, wco, xci):
    sup = (part[0] + part[1]) / (deg[0, :, 0:1] + deg[1, :, 0:1])
    hv = h[...]
    xv = x[...]
    out = (jnp.dot(hv, wt[...], preferred_element_type=jnp.float32)
           + jnp.dot(sup, wb[...], preferred_element_type=jnp.float32)
           + b[...])
    z = jax.nn.sigmoid(xci[...]
                       + jnp.dot(out, wco[...], preferred_element_type=jnp.float32))
    return z * out + (1.0 - z) * xv


def _dense_mid(part, h, x, deg, wt, wb, b, wco, xci, o):
    o[...] = jnp.maximum(_gated(part, h, x, deg, wt, wb, b, wco, xci), 0.0)


def _dense_fin(part, h, x, deg, wt, wb, b, wco, xci, wfc, bfc, o):
    g = _gated(part, h, x, deg, wt, wb, b, wco, xci)
    o[...] = jnp.dot(g, wfc[...], preferred_element_type=jnp.float32) + bfc[...]


def _row_spec():
    return pl.BlockSpec((BLK, F), lambda i: (i, 0))


def _full_spec(shape):
    nd = len(shape)
    return pl.BlockSpec(shape, lambda i: (0,) * nd)


def _xci_call(x, wci, bc):
    return pl.pallas_call(
        _xci_body,
        grid=(N // BLK,),
        in_specs=[_row_spec(), _full_spec((F, F)), _full_spec((1, F))],
        out_specs=_row_spec(),
        out_shape=jax.ShapeDtypeStruct((N, F), jnp.float32),
    )(x, wci, bc)


def _dense_call(final, part, h, x, degp, wt, wb, b, wco, xci, *fc):
    in_specs = [
        pl.BlockSpec((NC, BLK, F), lambda i: (0, i, 0)),
        _row_spec(),
        _row_spec(),
        pl.BlockSpec((NC, BLK, DW), lambda i: (0, i, 0)),
        _full_spec((F, F)), _full_spec((F, F)),
        _full_spec((1, F)),
        _full_spec((F, F)),
        _row_spec(),
    ]
    args = [part, h, x, degp, wt, wb, b, wco, xci]
    if final:
        in_specs += [_full_spec((F, F)), _full_spec((1, F))]
        args += list(fc)
    return pl.pallas_call(
        _dense_fin if final else _dense_mid,
        grid=(N // BLK,),
        in_specs=in_specs,
        out_specs=_row_spec(),
        out_shape=jax.ShapeDtypeStruct((N, F), jnp.float32),
    )(*args)


def kernel(x, edge_index, W0, b0, W1, b1, W2, b2, Wci, bci, Wco, bco, Wfc, bfc):
    row = edge_index[0]
    col = edge_index[1]

    pad = E_PAD - E
    pad_i = jnp.arange(pad, dtype=jnp.int32)
    rowp = jnp.concatenate([row, N + pad_i % (ACC_ROWS - N)])
    colp = jnp.concatenate([col, pad_i % 64])
    row3 = rowp.reshape(NW, NCHUNK, CH)
    col3 = colp.reshape(NW, NCHUNK, CH)
    row3b = rowp.reshape(NW, EPW // CH2, CH2)
    col3b = colp.reshape(NW, EPW // CH2, CH2)

    segsum_deg, segsum = _sc_kernels()

    bc = (bci + bco).reshape(1, F)
    bfc2 = bfc.reshape(1, F)

    xci = _xci_call(x, Wci, bc)
    part, degp = segsum_deg(x, col3, row3)
    h1 = _dense_call(False, part, x, x, degp, W0[:F], W0[F:], b0,
                     Wco, xci)
    part, _ = segsum(h1, col3b, row3b)
    h2 = _dense_call(False, part, h1, x, degp, W1[:F], W1[F:], b1,
                     Wco, xci)
    part, _ = segsum(h2, col3b, row3b)
    return _dense_call(True, part, h2, x, degp, W2[:F], W2[F:], b2,
                       Wco, xci, Wfc, bfc2)

# --- scband reference (transcript-rebuilt; emitter-appended) ---
"""Pipeline reference for scband-gcn-35802847380154 (READ-ONLY COPY).

The authoritative reference and input builder live on the scoring server;
editing this copy changes nothing except your own understanding.
"""

import jax, jax.numpy as jnp
import numpy as np

N = 10000
E = 320000
NFEAT = 128
NHID = 128
NCLASS = 128


def setup_inputs(seed: int = 0) -> dict:
    key = jax.random.key(seed)
    ks = jax.random.split(key, 16)
    s = 0.02
    x = jax.random.normal(ks[0], (N, NFEAT), dtype=jnp.float32)
    edge_index = jax.random.randint(ks[1], (2, E), 0, N)
    # GraphSAGELayer params (weight: [2*in, out], bias: [1, out])
    W0 = jax.random.normal(ks[2], (2 * NFEAT, NHID), dtype=jnp.float32) * s
    b0 = jnp.zeros((1, NHID), dtype=jnp.float32)
    W1 = jax.random.normal(ks[3], (2 * NHID, NHID), dtype=jnp.float32) * s
    b1 = jnp.zeros((1, NHID), dtype=jnp.float32)
    W2 = jax.random.normal(ks[4], (2 * NHID, NCLASS), dtype=jnp.float32) * s
    b2 = jnp.zeros((1, NCLASS), dtype=jnp.float32)
    # GatedSkipConnection params (nfeat == nhid so sc.linear is unused)
    Wci = jax.random.normal(ks[5], (NHID, NHID), dtype=jnp.float32) * s
    bci = jnp.zeros((NHID,), dtype=jnp.float32)
    Wco = jax.random.normal(ks[6], (NHID, NHID), dtype=jnp.float32) * s
    bco = jnp.zeros((NHID,), dtype=jnp.float32)
    # fc0: Linear(nhid, nclass)
    Wfc = jax.random.normal(ks[7], (NHID, NCLASS), dtype=jnp.float32) * s
    bfc = jnp.zeros((NCLASS,), dtype=jnp.float32)
    return {"x": x, "edge_index": edge_index, "W0": W0, "b0": b0, "W1": W1,
            "b1": b1, "W2": W2, "b2": b2, "Wci": Wci, "bci": bci,
            "Wco": Wco, "bco": bco, "Wfc": Wfc, "bfc": bfc}


def _sage_layer(h, row, col, W, b):
    # support = adj @ h  (adj values all 1.0, indices = [row; col])
    support = jax.ops.segment_sum(h[col], row, num_segments=N)
    # degree-normalize (intended semantics of torch.div(support, degree))
    deg = jax.ops.segment_sum(jnp.ones((E,), dtype=h.dtype), row, num_segments=N)
    support = support / deg[:, None]
    cat = jnp.concatenate([h, support], axis=1)
    return cat @ W + b


def _gated_skip(in_x, out_x, Wci, bci, Wco, bco):
    z = jax.nn.sigmoid(in_x @ Wci + bci + out_x @ Wco + bco)
    return z * out_x + (1.0 - z) * in_x


def reference(x, edge_index, W0, b0, W1, b1, W2, b2, Wci, bci, Wco, bco, Wfc, bfc):
    row = edge_index[0]
    col = edge_index[1]
    residual = x
    out1 = _sage_layer(x, row, col, W0, b0)
    out2 = _gated_skip(residual, out1, Wci, bci, Wco, bco)
    out3 = jax.nn.relu(out2)
    out4 = _sage_layer(out3, row, col, W1, b1)
    out5 = _gated_skip(residual, out4, Wci, bci, Wco, bco)
    out6 = jax.nn.relu(out5)
    out7 = _sage_layer(out6, row, col, W2, b2)
    out8 = _gated_skip(residual, out7, Wci, bci, Wco, bco)
    out10 = out8 @ Wfc + bfc
    return out10

if __name__ == "__main__":
    import jax
    _d = setup_inputs()
    print(jax.jit(kernel)(*tuple(_d.values())))

</pallas_src>

<mosaic_0001>
#map = affine_map<(d0, d1) -> (0, 0)>
#map1 = affine_map<(d0, d1) -> (0, 0, 0)>
module attributes {stable_mosaic.version = 14 : i64} {
  func.func @body_fn(%arg0: i32, %arg1: i32, %arg2: memref<10000x128xf32, #tpu.memory_space<hbm>>, %arg3: memref<32x160x64xi32, #tpu.memory_space<hbm>>, %arg4: memref<32x160x64xi32, #tpu.memory_space<hbm>>, %arg5: memref<2x10240x128xf32, #tpu.memory_space<hbm>>, %arg6: memref<2x10240x16xf32, #tpu.memory_space<hbm>>, %arg7: memref<8x64xi32, #tpu.memory_space<vmem>>, %arg8: memref<8x64xi32, #tpu.memory_space<vmem>>, %arg9: memref<64x128xf32, #tpu.memory_space<vmem>>, %arg10: memref<64x128xf32, #tpu.memory_space<vmem>>, %arg11: memref<64xi32, #tpu.memory_space<vmem>>, %arg12: memref<64x16xf32, #tpu.memory_space<vmem>>, %arg13: memref<64x16xf32, #tpu.memory_space<vmem>>, %arg14: memref<10240x128xf32, #tpu.memory_space<vmem_shared>>, %arg15: memref<10240x16xf32, #tpu.memory_space<vmem_shared>>, %arg16: memref<!tpu.dma_semaphore, #tpu.memory_space<semaphore_mem>>, %arg17: memref<!tpu.dma_semaphore, #tpu.memory_space<semaphore_mem>>, %arg18: memref<!tpu.dma_semaphore, #tpu.memory_space<semaphore_mem>>, %arg19: memref<!tpu.dma_semaphore, #tpu.memory_space<semaphore_mem>>, %arg20: memref<!tpu.dma_semaphore, #tpu.memory_space<semaphore_mem>>, %arg21: memref<!tpu.dma_semaphore, #tpu.memory_space<semaphore_mem>>) attributes {dimension_semantics = [#tpu.dimension_semantics<core_parallel>, #tpu.dimension_semantics<subcore_parallel>], iteration_bounds = array<i64: 2, 16>, scalar_prefetch = 0 : i64, scratch_operands = 15 : i64, tpu.core_type = #tpu.core_type<sc_vector_subcore>, window_params = [{transform_indices = #map}, {transform_indices = #map1}, {transform_indices = #map1}, {transform_indices = #map1}, {transform_indices = #map1}]} {
    %mul3A = arith.constant 16 : i32
    %mul3A_0 = arith.muli %arg0, %mul3A : i32
    %add3A = arith.addi %mul3A_0, %arg1 : i32
    %broadcast_in_dim3A = arith.constant 0.000000e+00 : f32
    %broadcast_in_dim3A_1 = vector.broadcast %broadcast_in_dim3A : f32 to vector<16xf32>
    %scan3A = arith.constant 0 : i32
    %scan3A_2 = arith.constant 0 : i32
    %scan3A_3 = arith.constant 64 : i32
    %scan3A_4 = arith.addi %scan3A_2, %scan3A_3 : i32
    %scan3A_5 = arith.constant 1 : i32
    scf.for %scan3A_801 = %scan3A_2 to %scan3A_4 step %scan3A_5  : i32 {
      %swap3A_802 = arith.index_cast %scan3A_801 : i32 to index
      %swap3A_803 = arith.constant 0 : index
      %swap3A_804 = tpu.vector_load %arg9[%swap3A_802, %swap3A_803] {strides = array<i32>} : memref<64x128xf32, #tpu.memory_space<vmem>>, vector<1x16xf32>,
      %swap3A_805 = vector.shape_cast %swap3A_804 : vector<1x16xf32> to vector<16xf32>
      %swap3A_806 = vector.shape_cast %broadcast_in_dim3A_1 : vector<16xf32> to vector<1x16xf32>
      tpu.vector_store %arg9[%swap3A_802, %swap3A_803], %swap3A_806 {strides = array<i32>} : memref<64x128xf32, #tpu.memory_space<vmem>>, vector<1x16xf32>,
      %swap3A_807 = arith.index_cast %scan3A_801 : i32 to index
      %swap3A_808 = arith.constant 16 : index
      %swap3A_809 = tpu.vector_load %arg9[%swap3A_807, %swap3A_808] {strides = array<i32>} : memref<64x128xf32, #tpu.memory_space<vmem>>, vector<1x16xf32>,
      %swap3A_810 = vector.shape_cast %swap3A_809 : vector<1x16xf32> to vector<16xf32>
      %swap3A_811 = vector.shape_cast %broadcast_in_dim3A_1 : vector<16xf32> to vector<1x16xf32>
      tpu.vector_store %arg9[%swap3A_807, %swap3A_808], %swap3A_811 {strides = array<i32>} : memref<64x128xf32, #tpu.memory_space<vmem>>, vector<1x16xf32>,
      %swap3A_812 = arith.index_cast %scan3A_801 : i32 to index
      %swap3A_813 = arith.constant 32 : index
      %swap3A_814 = tpu.vector_load %arg9[%swap3A_812, %swap3A_813] {strides = array<i32>} : memref<64x128xf32, #tpu.memory_space<vmem>>, vector<1x16xf32>,
      %swap3A_815 = vector.shape_cast %swap3A_814 : vector<1x16xf32> to vector<16xf32>
      %swap3A_816 = vector.shape_cast %broadcast_in_dim3A_1 : vector<16xf32> to vector<1x16xf32>
      tpu.vector_store %arg9[%swap3A_812, %swap3A_813], %swap3A_816 {strides = array<i32>} : memref<64x128xf32, #tpu.memory_space<vmem>>, vector<1x16xf32>,
      %swap3A_817 = arith.index_cast %scan3A_801 : i32 to index
      %swap3A_818 = arith.constant 48 : index
      %swap3A_819 = tpu.vector_load %arg9[%swap3A_817, %swap3A_818] {strides = array<i32>} : memref<64x128xf32, #tpu.memory_space<vmem>>, vector<1x16xf32>,
      %swap3A_820 = vector.shape_cast %swap3A_819 : vector<1x16xf32> to vector<16xf32>
      %swap3A_821 = vector.shape_cast %broadcast_in_dim3A_1 : vector<16xf32> to vector<1x16xf32>
      tpu.vector_store %arg9[%swap3A_817, %swap3A_818], %swap3A_821 {strides = array<i32>} : memref<64x128xf32, #tpu.memory_space<vmem>>, vector<1x16xf32>,
      %swap3A_822 = arith.index_cast %scan3A_801 : i32 to index
      %swap3A_823 = arith.constant 64 : index
      %swap3A_824 = tpu.vector_load %arg9[%swap3A_822, %swap3A_823] {strides = array<i32>} : memref<64x128xf32, #tpu.memory_space<vmem>>, vector<1x16xf32>,
      %swap3A_825 = vector.shape_cast %swap3A_824 : vector<1x16xf32> to vector<16xf32>
      %swap3A_826 = vector.shape_cast %broadcast_in_dim3A_1 : vector<16xf32> to vector<1x16xf32>
      tpu.vector_store %arg9[%swap3A_822, %swap3A_823], %swap3A_826 {strides = array<i32>} : memref<64x128xf32, #tpu.memory_space<vmem>>, vector<1x16xf32>,
      %swap3A_827 = arith.index_cast %scan3A_801 : i32 to index
      %swap3A_828 = arith.constant 80 : index
      %swap3A_829 = tpu.vector_load %arg9[%swap3A_827, %swap3A_828] {strides = array<i32>} : memref<64x128xf32, #tpu.memory_space<vmem>>, vector<1x16xf32>,
      %swap3A_830 = vector.shape_cast %swap3A_829 : vector<1x16xf32> to vector<16xf32>
      %swap3A_831 = vector.shape_cast %broadcast_in_dim3A_1 : vector<16xf32> to vector<1x16xf32>
      tpu.vector_store %arg9[%swap3A_827, %swap3A_828], %swap3A_831 {strides = array<i32>} : memref<64x128xf32, #tpu.memory_space<vmem>>, vector<1x16xf32>,
      %swap3A_832 = arith.index_cast %scan3A_801 : i32 to index
      %swap3A_833 = arith.constant 96 : index
      %swap3A_834 = tpu.vector_load %arg9[%swap3A_832, %swap3A_833] {strides = array<i32>} : memref<64x128xf32, #tpu.memory_space<vmem>>, vector<1x16xf32>,
      %swap3A_835 = vector.shape_cast %swap3A_834 : vector<1x16xf32> to vector<16xf32>
      %swap3A_836 = vector.shape_cast %broadcast_in_dim3A_1 : vector<16xf32> to vector<1x16xf32>
      tpu.vector_store %arg9[%swap3A_832, %swap3A_833], %swap3A_836 {strides = array<i32>} : memref<64x128xf32, #tpu.memory_space<vmem>>, vector<1x16xf32>,
      %swap3A_837 = arith.index_cast %scan3A_801 : i32 to index
      %swap3A_838 = arith.constant 112 : index
      %swap3A_839 = tpu.vector_load %arg9[%swap3A_837, %swap3A_838] {strides = array<i32>} : memref<64x128xf32, #tpu.memory_space<vmem>>, vector<1x16xf32>,
      %swap3A_840 = vector.shape_cast %swap3A_839 : vector<1x16xf32> to vector<16xf32>
      %swap3A_841 = vector.shape_cast %broadcast_in_dim3A_1 : vector<16xf32> to vector<1x16xf32>
      tpu.vector_store %arg9[%swap3A_837, %swap3A_838], %swap3A_841 {strides = array<i32>} : memref<64x128xf32, #tpu.memory_space<vmem>>, vector<1x16xf32>,
    }
    %scan3A_6 = arith.constant 64 : i32
    %broadcast_in_dim3A_7 = arith.constant 1.000000e+00 : f32
    %broadcast_in_dim3A_8 = vector.broadcast %broadcast_in_dim3A_7 : f32 to vector<16xf32>
    %swap3A = arith.constant 0 : i32
    %swap3A_9 = arith.index_cast %swap3A : i32 to index
    %swap3A_10 = arith.constant 0 : index
    %swap3A_11 = tpu.vector_load %arg12[%swap3A_9, %swap3A_10] {strides = array<i32>} : memref<64x16xf32, #tpu.memory_space<vmem>>, vector<1x16xf32>,
    %swap3A_12 = vector.shape_cast %swap3A_11 : vector<1x16xf32> to vector<16xf32>
    %swap3A_13 = vector.shape_cast %broadcast_in_dim3A_8 : vector<16xf32> to vector<1x16xf32>
    tpu.vector_store %arg12[%swap3A_9, %swap3A_10], %swap3A_13 {strides = array<i32>} : memref<64x16xf32, #tpu.memory_space<vmem>>, vector<1x16xf32>,
    %swap3A_14 = arith.constant 0 : i32
    %swap3A_15 = arith.index_cast %swap3A_14 : i32 to index
    %swap3A_16 = arith.constant 0 : index
    %swap3A_17 = tpu.vector_load %arg13[%swap3A_15, %swap3A_16] {strides = array<i32>} : memref<64x16xf32, #tpu.memory_space<vmem>>, vector<1x16xf32>,
    %swap3A_18 = vector.shape_cast %swap3A_17 : vector<1x16xf32> to vector<16xf32>
    %swap3A_19 = vector.shape_cast %broadcast_in_dim3A_1 : vector<16xf32> to vector<1x16xf32>
    tpu.vector_store %arg13[%swap3A_15, %swap3A_16], %swap3A_19 {strides = array<i32>} : memref<64x16xf32, #tpu.memory_space<vmem>>, vector<1x16xf32>,
    %swap3A_20 = arith.constant 1 : i32
    %swap3A_21 = arith.index_cast %swap3A_20 : i32 to index
    %swap3A_22 = arith.constant 0 : index
    %swap3A_23 = tpu.vector_load %arg12[%swap3A_21, %swap3A_22] {strides = array<i32>} : memref<64x16xf32, #tpu.memory_space<vmem>>, vector<1x16xf32>,
    %swap3A_24 = vector.shape_cast %swap3A_23 : vector<1x16xf32> to vector<16xf32>
    %swap3A_25 = vector.shape_cast %broadcast_in_dim3A_8 : vector<16xf32> to vector<1x16xf32>
    tpu.vector_store %arg12[%swap3A_21, %swap3A_22], %swap3A_25 {strides = array<i32>} : memref<64x16xf32, #tpu.memory_space<vmem>>, vector<1x16xf32>,
    %swap3A_26 = arith.constant 1 : i32
    %swap3A_27 = arith.index_cast %swap3A_26 : i32 to index
    %swap3A_28 = arith.constant 0 : index
    %swap3A_29 = tpu.vector_load %arg13[%swap3A_27, %swap3A_28] {strides = array<i32>} : memref<64x16xf32, #tpu.memory_space<vmem>>, vector<1x16xf32>,
    %swap3A_30 = vector.shape_cast %swap3A_29 : vector<1x16xf32> to vector<16xf32>
    %swap3A_31 = vector.shape_cast %broadcast_in_dim3A_1 : vector<16xf32> to vector<1x16xf32>
    tpu.vector_store %arg13[%swap3A_27, %swap3A_28], %swap3A_31 {strides = array<i32>} : memref<64x16xf32, #tpu.memory_space<vmem>>, vector<1x16xf32>,
    %swap3A_32 = arith.constant 2 : i32
    %swap3A_33 = arith.index_cast %swap3A_32 : i32 to index
    %swap3A_34 = arith.constant 0 : index
    %swap3A_35 = tpu.vector_load %arg12[%swap3A_33, %swap3A_34] {strides = array<i32>} : memref<64x16xf32, #tpu.memory_space<vmem>>, vector<1x16xf32>,
    %swap3A_36 = vector.shape_cast %swap3A_35 : vector<1x16xf32> to vector<16xf32>
    %swap3A_37 = vector.shape_cast %broadcast_in_dim3A_8 : vector<16xf32> to vector<1x16xf32>
    tpu.vector_store %arg12[%swap3A_33, %swap3A_34], %swap3A_37 {strides = array<i32>} : memref<64x16xf32, #tpu.memory_space<vmem>>, vector<1x16xf32>,
    %swap3A_38 = arith.constant 2 : i32
    %swap3A_39 = arith.index_cast %swap3A_38 : i32 to index
    %swap3A_40 = arith.constant 0 : index
    %swap3A_41 = tpu.vector_load %arg13[%swap3A_39, %swap3A_40] {strides = array<i32>} : memref<64x16xf32, #tpu.memory_space<vmem>>, vector<1x16xf32>,
    %swap3A_42 = vector.shape_cast %swap3A_41 : vector<1x16xf32> to vector<16xf32>
    %swap3A_43 = vector.shape_cast %broadcast_in_dim3A_1 : vector<16xf32> to vector<1x16xf32>
    tpu.vector_store %arg13[%swap3A_39, %swap3A_40], %swap3A_43 {strides = array<i32>} : memref<64x16xf32, #tpu.memory_space<vmem>>, vector<1x16xf32>,
    %swap3A_44 = arith.constant 3 : i32
    %swap3A_45 = arith.index_cast %swap3A_44 : i32 to index
    %swap3A_46 = arith.constant 0 : index
    %swap3A_47 = tpu.vector_load %arg12[%swap3A_45, %swap3A_46] {strides = array<i32>} : memref<64x16xf32, #tpu.memory_space<vmem>>, vector<1x16xf32>,
    %swap3A_48 = vector.shape_cast %swap3A_47 : vector<1x16xf32> to vector<16xf32>
    %swap3A_49 = vector.shape_cast %broadcast_in_dim3A_8 : vector<16xf32> to vector<1x16xf32>
    tpu.vector_store %arg12[%swap3A_45, %swap3A_46], %swap3A_49 {strides = array<i32>} : memref<64x16xf32, #tpu.memory_space<vmem>>, vector<1x16xf32>,
    %swap3A_50 = arith.constant 3 : i32
    %swap3A_51 = arith.index_cast %swap3A_50 : i32 to index
    %swap3A_52 = arith.constant 0 : index
    %swap3A_53 = tpu.vector_load %arg13[%swap3A_51, %swap3A_52] {strides = array<i32>} : memref<64x16xf32, #tpu.memory_space<vmem>>, vector<1x16xf32>,
    %swap3A_54 = vector.shape_cast %swap3A_53 : vector<1x16xf32> to vector<16xf32>
    %swap3A_55 = vector.shape_cast %broadcast_in_dim3A_1 : vector<16xf32> to vector<1x16xf32>
    tpu.vector_store %arg13[%swap3A_51, %swap3A_52], %swap3A_55 {strides = array<i32>} : memref<64x16xf32, #tpu.memory_space<vmem>>, vector<1x16xf32>,
    %swap3A_56 = arith.constant 4 : i32
    %swap3A_57 = arith.index_cast %swap3A_56 : i32 to index
    %swap3A_58 = arith.constant 0 : index
    %swap3A_59 = tpu.vector_load %arg12[%swap3A_57, %swap3A_58] {strides = array<i32>} : memref<64x16xf32, #tpu.memory_space<vmem>>, vector<1x16xf32>,
    %swap3A_60 = vector.shape_cast %swap3A_59 : vector<1x16xf32> to vector<16xf32>
    %swap3A_61 = vector.shape_cast %broadcast_in_dim3A_8 : vector<16xf32> to vector<1x16xf32>
    tpu.vector_store %arg12[%swap3A_57, %swap3A_58], %swap3A_61 {strides = array<i32>} : memref<64x16xf32, #tpu.memory_space<vmem>>, vector<1x16xf32>,
    %swap3A_62 = arith.constant 4 : i32
    %swap3A_63 = arith.index_cast %swap3A_62 : i32 to index
    %swap3A_64 = arith.constant 0 : index
    %swap3A_65 = tpu.vector_load %arg13[%swap3A_63, %swap3A_64] {strides = array<i32>} : memref<64x16xf32, #tpu.memory_space<vmem>>, vector<1x16xf32>,
    %swap3A_66 = vector.shape_cast %swap3A_65 : vector<1x16xf32> to vector<16xf32>
    %swap3A_67 = vector.shape_cast %broadcast_in_dim3A_1 : vector<16xf32> to vector<1x16xf32>
    tpu.vector_store %arg13[%swap3A_63, %swap3A_64], %swap3A_67 {strides = array<i32>} : memref<64x16xf32, #tpu.memory_space<vmem>>, vector<1x16xf32>,
    %swap3A_68 = arith.constant 5 : i32
    %swap3A_69 = arith.index_cast %swap3A_68 : i32 to index
    %swap3A_70 = arith.constant 0 : index
    %swap3A_71 = tpu.vector_load %arg12[%swap3A_69, %swap3A_70] {strides = array<i32>} : memref<64x16xf32, #tpu.memory_space<vmem>>, vector<1x16xf32>,
    %swap3A_72 = vector.shape_cast %swap3A_71 : vector<1x16xf32> to vector<16xf32>
    %swap3A_73 = vector.shape_cast %broadcast_in_dim3A_8 : vector<16xf32> to vector<1x16xf32>
    tpu.vector_store %arg12[%swap3A_69, %swap3A_70], %swap3A_73 {strides = array<i32>} : memref<64x16xf32, #tpu.memory_space<vmem>>, vector<1x16xf32>,
    %swap3A_74 = arith.constant 5 : i32
    %swap3A_75 = arith.index_cast %swap3A_74 : i32 to index
    %swap3A_76 = arith.constant 0 : index
    %swap3A_77 = tpu.vector_load %arg13[%swap3A_75, %swap3A_76] {strides = array<i32>} : memref<64x16xf32, #tpu.memory_space<vmem>>, vector<1x16xf32>,
    %swap3A_78 = vector.shape_cast %swap3A_77 : vector<1x16xf32> to vector<16xf32>
    %swap3A_79 = vector.shape_cast %broadcast_in_dim3A_1 : vector<16xf32> to vector<1x16xf32>
    tpu.vector_store %arg13[%swap3A_75, %swap3A_76], %swap3A_79 {strides = array<i32>} : memref<64x16xf32, #tpu.memory_space<vmem>>, vector<1x16xf32>,
    %swap3A_80 = arith.constant 6 : i32
    %swap3A_81 = arith.index_cast %swap3A_80 : i32 to index
    %swap3A_82 = arith.constant 0 : index
    %swap3A_83 = tpu.vector_load %arg12[%swap3A_81, %swap3A_82] {strides = array<i32>} : memref<64x16xf32, #tpu.memory_space<vmem>>, vector<1x16xf32>,
    %swap3A_84 = vector.shape_cast %swap3A_83 : vector<1x16xf32> to vector<16xf32>
    %swap3A_85 = vector.shape_cast %broadcast_in_dim3A_8 : vector<16xf32> to vector<1x16xf32>
    tpu.vector_store %arg12[%swap3A_81, %swap3A_82], %swap3A_85 {strides = array<i32>} : memref<64x16xf32, #tpu.memory_space<vmem>>, vector<1x16xf32>,
    %swap3A_86 = arith.constant 6 : i32
    %swap3A_87 = arith.index_cast %swap3A_86 : i32 to index
    %swap3A_88 = arith.constant 0 : index
    %swap3A_89 = tpu.vector_load %arg13[%swap3A_87, %swap3A_88] {strides = array<i32>} : memref<64x16xf32, #tpu.memory_space<vmem>>, vector<1x16xf32>,
    %swap3A_90 = vector.shape_cast %swap3A_89 : vector<1x16xf32> to vector<16xf32>
    %swap3A_91 = vector.shape_cast %broadcast_in_dim3A_1 : vector<16xf32> to vector<1x16xf32>
    tpu.vector_store %arg13[%swap3A_87, %swap3A_88], %swap3A_91 {strides = array<i32>} : memref<64x16xf32, #tpu.memory_space<vmem>>, vector<1x16xf32>,
    %swap3A_92 = arith.constant 7 : i32
    %swap3A_93 = arith.index_cast %swap3A_92 : i32 to index
    %swap3A_94 = arith.constant 0 : index
    %swap3A_95 = tpu.vector_load %arg12[%swap3A_93, %swap3A_94] {strides = array<i32>} : memref<64x16xf32, #tpu.memory_space<vmem>>, vector<1x16xf32>,
    %swap3A_96 = vector.shape_cast %swap3A_95 : vector<1x16xf32> to vector<16xf32>
    %swap3A_97 = vector.shape_cast %broadcast_in_dim3A_8 : vector<16xf32> to vector<1x16xf32>
    tpu.vector_store %arg12[%swap3A_93, %swap3A_94], %swap3A_97 {strides = array<i32>} : memref<64x16xf32, #tpu.memory_space<vmem>>, vector<1x16xf32>,
    %swap3A_98 = arith.constant 7 : i32
    %swap3A_99 = arith.index_cast %swap3A_98 : i32 to index
    %swap3A_100 = arith.constant 0 : index
    %swap3A_101 = tpu.vector_load %arg13[%swap3A_99, %swap3A_100] {strides = array<i32>} : memref<64x16xf32, #tpu.memory_space<vmem>>, vector<1x16xf32>,
    %swap3A_102 = vector.shape_cast %swap3A_101 : vector<1x16xf32> to vector<16xf32>
    %swap3A_103 = vector.shape_cast %broadcast_in_dim3A_1 : vector<16xf32> to vector<1x16xf32>
    tpu.vector_store %arg13[%swap3A_99, %swap3A_100], %swap3A_103 {strides = array<i32>} : memref<64x16xf32, #tpu.memory_space<vmem>>, vector<1x16xf32>,
    %swap3A_104 = arith.constant 8 : i32
    %swap3A_105 = arith.index_cast %swap3A_104 : i32 to index
    %swap3A_106 = arith.constant 0 : index
    %swap3A_107 = tpu.vector_load %arg12[%swap3A_105, %swap3A_106] {strides = array<i32>} : memref<64x16xf32, #tpu.memory_space<vmem>>, vector<1x16xf32>,
    %swap3A_108 = vector.shape_cast %swap3A_107 : vector<1x16xf32> to vector<16xf32>
    %swap3A_109 = vector.shape_cast %broadcast_in_dim3A_8 : vector<16xf32> to vector<1x16xf32>
    tpu.vector_store %arg12[%swap3A_105, %swap3A_106], %swap3A_109 {strides = array<i32>} : memref<64x16xf32, #tpu.memory_space<vmem>>, vector<1x16xf32>,
    %swap3A_110 = arith.constant 8 : i32
    %swap3A_111 = arith.index_cast %swap3A_110 : i32 to index
    %swap3A_112 = arith.constant 0 : index
    %swap3A_113 = tpu.vector_load %arg13[%swap3A_111, %swap3A_112] {strides = array<i32>} : memref<64x16xf32, #tpu.memory_space<vmem>>, vector<1x16xf32>,
    %swap3A_114 = vector.shape_cast %swap3A_113 : vector<1x16xf32> to vector<16xf32>
    %swap3A_115 = vector.shape_cast %broadcast_in_dim3A_1 : vector<16xf32> to vector<1x16xf32>
    tpu.vector_store %arg13[%swap3A_111, %swap3A_112], %swap3A_115 {strides = array<i32>} : memref<64x16xf32, #tpu.memory_space<vmem>>, vector<1x16xf32>,
    %swap3A_116 = arith.constant 9 : i32
    %swap3A_117 = arith.index_cast %swap3A_116 : i32 to index
    %swap3A_118 = arith.constant 0 : index
    %swap3A_119 = tpu.vector_load %arg12[%swap3A_117, %swap3A_118] {strides = array<i32>} : memref<64x16xf32, #tpu.memory_space<vmem>>, vector<1x16xf32>,
    %swap3A_120 = vector.shape_cast %swap3A_119 : vector<1x16xf32> to vector<16xf32>
    %swap3A_121 = vector.shape_cast %broadcast_in_dim3A_8 : vector<16xf32> to vector<1x16xf32>
    tpu.vector_store %arg12[%swap3A_117, %swap3A_118], %swap3A_121 {strides = array<i32>} : memref<64x16xf32, #tpu.memory_space<vmem>>, vector<1x16xf32>,
    %swap3A_122 = arith.constant 9 : i32
    %swap3A_123 = arith.index_cast %swap3A_122 : i32 to index
    %swap3A_124 = arith.constant 0 : index
    %swap3A_125 = tpu.vector_load %arg13[%swap3A_123, %swap3A_124] {strides = array<i32>} : memref<64x16xf32, #tpu.memory_space<vmem>>, vector<1x16xf32>,
    %swap3A_126 = vector.shape_cast %swap3A_125 : vector<1x16xf32> to vector<16xf32>
    %swap3A_127 = vector.shape_cast %broadcast_in_dim3A_1 : vector<16xf32> to vector<1x16xf32>
    tpu.vector_store %arg13[%swap3A_123, %swap3A_124], %swap3A_127 {strides = array<i32>} : memref<64x16xf32, #tpu.memory_space<vmem>>, vector<1x16xf32>,
    %swap3A_128 = arith.constant 10 : i32
    %swap3A_129 = arith.index_cast %swap3A_128 : i32 to index
    %swap3A_130 = arith.constant 0 : index
    %swap3A_131 = tpu.vector_load %arg12[%swap3A_129, %swap3A_130] {strides = array<i32>} : memref<64x16xf32, #tpu.memory_space<vmem>>, vector<1x16xf32>,
    %swap3A_132 = vector.shape_cast %swap3A_131 : vector<1x16xf32> to vector<16xf32>
    %swap3A_133 = vector.shape_cast %broadcast_in_dim3A_8 : vector<16xf32> to vector<1x16xf32>
    tpu.vector_store %arg12[%swap3A_129, %swap3A_130], %swap3A_133 {strides = array<i32>} : memref<64x16xf32, #tpu.memory_space<vmem>>, vector<1x16xf32>,
    %swap3A_134 = arith.constant 10 : i32
    %swap3A_135 = arith.index_cast %swap3A_134 : i32 to index
    %swap3A_136 = arith.constant 0 : index
    %swap3A_137 = tpu.vector_load %arg13[%swap3A_135, %swap3A_136] {strides = array<i32>} : memref<64x16xf32, #tpu.memory_space<vmem>>, vector<1x16xf32>,
    %swap3A_138 = vector.shape_cast %swap3A_137 : vector<1x16xf32> to vector<16xf32>
    %swap3A_139 = vector.shape_cast %broadcast_in_dim3A_1 : vector<16xf32> to vector<1x16xf32>
    tpu.vector_store %arg13[%swap3A_135, %swap3A_136], %swap3A_139 {strides = array<i32>} : memref<64x16xf32, #tpu.memory_space<vmem>>, vector<1x16xf32>,
    %swap3A_140 = arith.constant 11 : i32
    %swap3A_141 = arith.index_cast %swap3A_140 : i32 to index
    %swap3A_142 = arith.constant 0 : index
    %swap3A_143 = tpu.vector_load %arg12[%swap3A_141, %swap3A_142] {strides = array<i32>} : memref<64x16xf32, #tpu.memory_space<vmem>>, vector<1x16xf32>,
    %swap3A_144 = vector.shape_cast %swap3A_143 : vector<1x16xf32> to vector<16xf32>
    %swap3A_145 = vector.shape_cast %broadcast_in_dim3A_8 : vector<16xf32> to vector<1x16xf32>
    tpu.vector_store %arg12[%swap3A_141, %swap3A_142], %swap3A_145 {strides = array<i32>} : memref<64x16xf32, #tpu.memory_space<vmem>>, vector<1x16xf32>,
    %swap3A_146 = arith.constant 11 : i32
    %swap3A_147 = arith.index_cast %swap3A_146 : i32 to index
    %swap3A_148 = arith.constant 0 : index
    %swap3A_149 = tpu.vector_load %arg13[%swap3A_147, %swap3A_148] {strides = array<i32>} : memref<64x16xf32, #tpu.memory_space<vmem>>, vector<1x16xf32>,
    %swap3A_150 = vector.shape_cast %swap3A_149 : vector<1x16xf32> to vector<16xf32>
    %swap3A_151 = vector.shape_cast %broadcast_in_dim3A_1 : vector<16xf32> to vector<1x16xf32>
    tpu.vector_store %arg13[%swap3A_147, %swap3A_148], %swap3A_151 {strides = array<i32>} : memref<64x16xf32, #tpu.memory_space<vmem>>, vector<1x16xf32>,
    %swap3A_152 = arith.constant 12 : i32
    %swap3A_153 = arith.index_cast %swap3A_152 : i32 to index
    %swap3A_154 = arith.constant 0 : index
    %swap3A_155 = tpu.vector_load %arg12[%swap3A_153, %swap3A_154] {strides = array<i32>} : memref<64x16xf32, #tpu.memory_space<vmem>>, vector<1x16xf32>,
    %swap3A_156 = vector.shape_cast %swap3A_155 : vector<1x16xf32> to vector<16xf32>
    %swap3A_157 = vector.shape_cast %broadcast_in_dim3A_8 : vector<16xf32> to vector<1x16xf32>
    tpu.vector_store %arg12[%swap3A_153, %swap3A_154], %swap3A_157 {strides = array<i32>} : memref<64x16xf32, #tpu.memory_space<vmem>>, vector<1x16xf32>,
    %swap3A_158 = arith.constant 12 : i32
    %swap3A_159 = arith.index_cast %swap3A_158 : i32 to index
    %swap3A_160 = arith.constant 0 : index
    %swap3A_161 = tpu.vector_load %arg13[%swap3A_159, %swap3A_160] {strides = array<i32>} : memref<64x16xf32, #tpu.memory_space<vmem>>, vector<1x16xf32>,
    %swap3A_162 = vector.shape_cast %swap3A_161 : vector<1x16xf32> to vector<16xf32>
    %swap3A_163 = vector.shape_cast %broadcast_in_dim3A_1 : vector<16xf32> to vector<1x16xf32>
    tpu.vector_store %arg13[%swap3A_159, %swap3A_160], %swap3A_163 {strides = array<i32>} : memref<64x16xf32, #tpu.memory_space<vmem>>, vector<1x16xf32>,
    %swap3A_164 = arith.constant 13 : i32
    %swap3A_165 = arith.index_cast %swap3A_164 : i32 to index
    %swap3A_166 = arith.constant 0 : index
    %swap3A_167 = tpu.vector_load %arg12[%swap3A_165, %swap3A_166] {strides = array<i32>} : memref<64x16xf32, #tpu.memory_space<vmem>>, vector<1x16xf32>,
    %swap3A_168 = vector.shape_cast %swap3A_167 : vector<1x16xf32> to vector<16xf32>
    %swap3A_169 = vector.shape_cast %broadcast_in_dim3A_8 : vector<16xf32> to vector<1x16xf32>
    tpu.vector_store %arg12[%swap3A_165, %swap3A_166], %swap3A_169 {strides = array<i32>} : memref<64x16xf32, #tpu.memory_space<vmem>>, vector<1x16xf32>,
    %swap3A_170 = arith.constant 13 : i32
    %swap3A_171 = arith.index_cast %swap3A_170 : i32 to index
    %swap3A_172 = arith.constant 0 : index
    %swap3A_173 = tpu.vector_load %arg13[%swap3A_171, %swap3A_172] {strides = array<i32>} : memref<64x16xf32, #tpu.memory_space<vmem>>, vector<1x16xf32>,
    %swap3A_174 = vector.shape_cast %swap3A_173 : vector<1x16xf32> to vector<16xf32>
    %swap3A_175 = vector.shape_cast %broadcast_in_dim3A_1 : vector<16xf32> to vector<1x16xf32>
    tpu.vector_store %arg13[%swap3A_171, %swap3A_172], %swap3A_175 {strides = array<i32>} : memref<64x16xf32, #tpu.memory_space<vmem>>, vector<1x16xf32>,
    %swap3A_176 = arith.constant 14 : i32
    %swap3A_177 = arith.index_cast %swap3A_176 : i32 to index
    %swap3A_178 = arith.constant 0 : index
    %swap3A_179 = tpu.vector_load %arg12[%swap3A_177, %swap3A_178] {strides = array<i32>} : memref<64x16xf32, #tpu.memory_space<vmem>>, vector<1x16xf32>,
    %swap3A_180 = vector.shape_cast %swap3A_179 : vector<1x16xf32> to vector<16xf32>
    %swap3A_181 = vector.shape_cast %broadcast_in_dim3A_8 : vector<16xf32> to vector<1x16xf32>
    tpu.vector_store %arg12[%swap3A_177, %swap3A_178], %swap3A_181 {strides = array<i32>} : memref<64x16xf32, #tpu.memory_space<vmem>>, vector<1x16xf32>,
    %swap3A_182 = arith.constant 14 : i32
    %swap3A_183 = arith.index_cast %swap3A_182 : i32 to index
    %swap3A_184 = arith.constant 0 : index
    %swap3A_185 = tpu.vector_load %arg13[%swap3A_183, %swap3A_184] {strides = array<i32>} : memref<64x16xf32, #tpu.memory_space<vmem>>, vector<1x16xf32>,
    %swap3A_186 = vector.shape_cast %swap3A_185 : vector<1x16xf32> to vector<16xf32>
    %swap3A_187 = vector.shape_cast %broadcast_in_dim3A_1 : vector<16xf32> to vector<1x16xf32>
    tpu.vector_store %arg13[%swap3A_183, %swap3A_184], %swap3A_187 {strides = array<i32>} : memref<64x16xf32, #tpu.memory_space<vmem>>, vector<1x16xf32>,
    %swap3A_188 = arith.constant 15 : i32
    %swap3A_189 = arith.index_cast %swap3A_188 : i32 to index
    %swap3A_190 = arith.constant 0 : index
    %swap3A_191 = tpu.vector_load %arg12[%swap3A_189, %swap3A_190] {strides = array<i32>} : memref<64x16xf32, #tpu.memory_space<vmem>>, vector<1x16xf32>,
    %swap3A_192 = vector.shape_cast %swap3A_191 : vector<1x16xf32> to vector<16xf32>
    %swap3A_193 = vector.shape_cast %broadcast_in_dim3A_8 : vector<16xf32> to vector<1x16xf32>
    tpu.vector_store %arg12[%swap3A_189, %swap3A_190], %swap3A_193 {strides = array<i32>} : memref<64x16xf32, #tpu.memory_space<vmem>>, vector<1x16xf32>,
    %swap3A_194 = arith.constant 15 : i32
    %swap3A_195 = arith.index_cast %swap3A_194 : i32 to index
    %swap3A_196 = arith.constant 0 : index
    %swap3A_197 = tpu.vector_load %arg13[%swap3A_195, %swap3A_196] {strides = array<i32>} : memref<64x16xf32, #tpu.memory_space<vmem>>, vector<1x16xf32>,
    %swap3A_198 = vector.shape_cast %swap3A_197 : vector<1x16xf32> to vector<16xf32>
    %swap3A_199 = vector.shape_cast %broadcast_in_dim3A_1 : vector<16xf32> to vector<1x16xf32>
    tpu.vector_store %arg13[%swap3A_195, %swap3A_196], %swap3A_199 {strides = array<i32>} : memref<64x16xf32, #tpu.memory_space<vmem>>, vector<1x16xf32>,
    %swap3A_200 = arith.constant 16 : i32
    %swap3A_201 = arith.index_cast %swap3A_200 : i32 to index
    %swap3A_202 = arith.constant 0 : index
    %swap3A_203 = tpu.vector_load %arg12[%swap3A_201, %swap3A_202] {strides = array<i32>} : memref<64x16xf32, #tpu.memory_space<vmem>>, vector<1x16xf32>,
    %swap3A_204 = vector.shape_cast %swap3A_203 : vector<1x16xf32> to vector<16xf32>
    %swap3A_205 = vector.shape_cast %broadcast_in_dim3A_8 : vector<16xf32> to vector<1x16xf32>
    tpu.vector_store %arg12[%swap3A_201, %swap3A_202], %swap3A_205 {strides = array<i32>} : memref<64x16xf32, #tpu.memory_space<vmem>>, vector<1x16xf32>,
    %swap3A_206 = arith.constant 16 : i32
    %swap3A_207 = arith.index_cast %swap3A_206 : i32 to index
    %swap3A_208 = arith.constant 0 : index
    %swap3A_209 = tpu.vector_load %arg13[%swap3A_207, %swap3A_208] {strides = array<i32>} : memref<64x16xf32, #tpu.memory_space<vmem>>, vector<1x16xf32>,
    %swap3A_210 = vector.shape_cast %swap3A_209 : vector<1x16xf32> to vector<16xf32>
    %swap3A_211 = vector.shape_cast %broadcast_in_dim3A_1 : vector<16xf32> to vector<1x16xf32>
    tpu.vector_store %arg13[%swap3A_207, %swap3A_208], %swap3A_211 {strides = array<i32>} : memref<64x16xf32, #tpu.memory_space<vmem>>, vector<1x16xf32>,
    %swap3A_212 = arith.constant 17 : i32
    %swap3A_213 = arith.index_cast %swap3A_212 : i32 to index
    %swap3A_214 = arith.constant 0 : index
    %swap3A_215 = tpu.vector_load %arg12[%swap3A_213, %swap3A_214] {strides = array<i32>} : memref<64x16xf32, #tpu.memory_space<vmem>>, vector<1x16xf32>,
    %swap3A_216 = vector.shape_cast %swap3A_215 : vector<1x16xf32> to vector<16xf32>
    %swap3A_217 = vector.shape_cast %broadcast_in_dim3A_8 : vector<16xf32> to vector<1x16xf32>
    tpu.vector_store %arg12[%swap3A_213, %swap3A_214], %swap3A_217 {strides = array<i32>} : memref<64x16xf32, #tpu.memory_space<vmem>>, vector<1x16xf32>,
    %swap3A_218 = arith.constant 17 : i32
    %swap3A_219 = arith.index_cast %swap3A_218 : i32 to index
    %swap3A_220 = arith.constant 0 : index
    %swap3A_221 = tpu.vector_load %arg13[%swap3A_219, %swap3A_220] {strides = array<i32>} : memref<64x16xf32, #tpu.memory_space<vmem>>, vector<1x16xf32>,
    %swap3A_222 = vector.shape_cast %swap3A_221 : vector<1x16xf32> to vector<16xf32>
    %swap3A_223 = vector.shape_cast %broadcast_in_dim3A_1 : vector<16xf32> to vector<1x16xf32>
    tpu.vector_store %arg13[%swap3A_219, %swap3A_220], %swap3A_223 {strides = array<i32>} : memref<64x16xf32, #tpu.memory_space<vmem>>, vector<1x16xf32>,
    %swap3A_224 = arith.constant 18 : i32
    %swap3A_225 = arith.index_cast %swap3A_224 : i32 to index
    %swap3A_226 = arith.constant 0 : index
    %swap3A_227 = tpu.vector_load %arg12[%swap3A_225, %swap3A_226] {strides = array<i32>} : memref<64x16xf32, #tpu.memory_space<vmem>>, vector<1x16xf32>,
    %swap3A_228 = vector.shape_cast %swap3A_227 : vector<1x16xf32> to vector<16xf32>
    %swap3A_229 = vector.shape_cast %broadcast_in_dim3A_8 : vector<16xf32> to vector<1x16xf32>
    tpu.vector_store %arg12[%swap3A_225, %swap3A_226], %swap3A_229 {strides = array<i32>} : memref<64x16xf32, #tpu.memory_space<vmem>>, vector<1x16xf32>,
    %swap3A_230 = arith.constant 18 : i32
    %swap3A_231 = arith.index_cast %swap3A_230 : i32 to index
    %swap3A_232 = arith.constant 0 : index
    %swap3A_233 = tpu.vector_load %arg13[%swap3A_231, %swap3A_232] {strides = array<i32>} : memref<64x16xf32, #tpu.memory_space<vmem>>, vector<1x16xf32>,
    %swap3A_234 = vector.shape_cast %swap3A_233 : vector<1x16xf32> to vector<16xf32>
    %swap3A_235 = vector.shape_cast %broadcast_in_dim3A_1 : vector<16xf32> to vector<1x16xf32>
    tpu.vector_store %arg13[%swap3A_231, %swap3A_232], %swap3A_235 {strides = array<i32>} : memref<64x16xf32, #tpu.memory_space<vmem>>, vector<1x16xf32>,
    %swap3A_236 = arith.constant 19 : i32
    %swap3A_237 = arith.index_cast %swap3A_236 : i32 to index
    %swap3A_238 = arith.constant 0 : index
    %swap3A_239 = tpu.vector_load %arg12[%swap3A_237, %swap3A_238] {strides = array<i32>} : memref<64x16xf32, #tpu.memory_space<vmem>>, vector<1x16xf32>,
    %swap3A_240 = vector.shape_cast %swap3A_239 : vector<1x16xf32> to vector<16xf32>
    %swap3A_241 = vector.shape_cast %broadcast_in_dim3A_8 : vector<16xf32> to vector<1x16xf32>
    tpu.vector_store %arg12[%swap3A_237, %swap3A_238], %swap3A_241 {strides = array<i32>} : memref<64x16xf32, #tpu.memory_space<vmem>>, vector<1x16xf32>,
    %swap3A_242 = arith.constant 19 : i32
    %swap3A_243 = arith.index_cast %swap3A_242 : i32 to index
    %swap3A_244 = arith.constant 0 : index
    %swap3A_245 = tpu.vector_load %arg13[%swap3A_243, %swap3A_244] {strides = array<i32>} : memref<64x16xf32, #tpu.memory_space<vmem>>, vector<1x16xf32>,
    %swap3A_246 = vector.shape_cast %swap3A_245 : vector<1x16xf32> to vector<16xf32>
    %swap3A_247 = vector.shape_cast %broadcast_in_dim3A_1 : vector<16xf32> to vector<1x16xf32>
    tpu.vector_store %arg13[%swap3A_243, %swap3A_244], %swap3A_247 {strides = array<i32>} : memref<64x16xf32, #tpu.memory_space<vmem>>, vector<1x16xf32>,
    %swap3A_248 = arith.constant 20 : i32
    %swap3A_249 = arith.index_cast %swap3A_248 : i32 to index
    %swap3A_250 = arith.constant 0 : index
    %swap3A_251 = tpu.vector_load %arg12[%swap3A_249, %swap3A_250] {strides = array<i32>} : memref<64x16xf32, #tpu.memory_space<vmem>>, vector<1x16xf32>,
    %swap3A_252 = vector.shape_cast %swap3A_251 : vector<1x16xf32> to vector<16xf32>
    %swap3A_253 = vector.shape_cast %broadcast_in_dim3A_8 : vector<16xf32> to vector<1x16xf32>
    tpu.vector_store %arg12[%swap3A_249, %swap3A_250], %swap3A_253 {strides = array<i32>} : memref<64x16xf32, #tpu.memory_space<vmem>>, vector<1x16xf32>,
    %swap3A_254 = arith.constant 20 : i32
    %swap3A_255 = arith.index_cast %swap3A_254 : i32 to index
    %swap3A_256 = arith.constant 0 : index
    %swap3A_257 = tpu.vector_load %arg13[%swap3A_255, %swap3A_256] {strides = array<i32>} : memref<64x16xf32, #tpu.memory_space<vmem>>, vector<1x16xf32>,
    %swap3A_258 = vector.shape_cast %swap3A_257 : vector<1x16xf32> to vector<16xf32>
    %swap3A_259 = vector.shape_cast %broadcast_in_dim3A_1 : vector<16xf32> to vector<1x16xf32>
    tpu.vector_store %arg13[%swap3A_255, %swap3A_256], %swap3A_259 {strides = array<i32>} : memref<64x16xf32, #tpu.memory_space<vmem>>, vector<1x16xf32>,
    %swap3A_260 = arith.constant 21 : i32
    %swap3A_261 = arith.index_cast %swap3A_260 : i32 to index
    %swap3A_262 = arith.constant 0 : index
    %swap3A_263 = tpu.vector_load %arg12[%swap3A_261, %swap3A_262] {strides = array<i32>} : memref<64x16xf32, #tpu.memory_space<vmem>>, vector<1x16xf32>,
    %swap3A_264 = vector.shape_cast %swap3A_263 : vector<1x16xf32> to vector<16xf32>
    %swap3A_265 = vector.shape_cast %broadcast_in_dim3A_8 : vector<16xf32> to vector<1x16xf32>
    tpu.vector_store %arg12[%swap3A_261, %swap3A_262], %swap3A_265 {strides = array<i32>} : memref<64x16xf32, #tpu.memory_space<vmem>>, vector<1x16xf32>,
    %swap3A_266 = arith.constant 21 : i32
    %swap3A_267 = arith.index_cast %swap3A_266 : i32 to index
    %swap3A_268 = arith.constant 0 : index
    %swap3A_269 = tpu.vector_load %arg13[%swap3A_267, %swap3A_268] {strides = array<i32>} : memref<64x16xf32, #tpu.memory_space<vmem>>, vector<1x16xf32>,
    %swap3A_270 = vector.shape_cast %swap3A_269 : vector<1x16xf32> to vector<16xf32>
    %swap3A_271 = vector.shape_cast %broadcast_in_dim3A_1 : vector<16xf32> to vector<1x16xf32>
    tpu.vector_store %arg13[%swap3A_267, %swap3A_268], %swap3A_271 {strides = array<i32>} : memref<64x16xf32, #tpu.memory_space<vmem>>, vector<1x16xf32>,
    %swap3A_272 = arith.constant 22 : i32
    %swap3A_273 = arith.index_cast %swap3A_272 : i32 to index
    %swap3A_274 = arith.constant 0 : index
    %swap3A_275 = tpu.vector_load %arg12[%swap3A_273, %swap3A_274] {strides = array<i32>} : memref<64x16xf32, #tpu.memory_space<vmem>>, vector<1x16xf32>,
    %swap3A_276 = vector.shape_cast %swap3A_275 : vector<1x16xf32> to vector<16xf32>
    %swap3A_277 = vector.shape_cast %broadcast_in_dim3A_8 : vector<16xf32> to vector<1x16xf32>
    tpu.vector_store %arg12[%swap3A_273, %swap3A_274], %swap3A_277 {strides = array<i32>} : memref<64x16xf32, #tpu.memory_space<vmem>>, vector<1x16xf32>,
    %swap3A_278 = arith.constant 22 : i32
    %swap3A_279 = arith.index_cast %swap3A_278 : i32 to index
    %swap3A_280 = arith.constant 0 : index
    %swap3A_281 = tpu.vector_load %arg13[%swap3A_279, %swap3A_280] {strides = array<i32>} : memref<64x16xf32, #tpu.memory_space<vmem>>, vector<1x16xf32>,
    %swap3A_282 = vector.shape_cast %swap3A_281 : vector<1x16xf32> to vector<16xf32>
    %swap3A_283 = vector.shape_cast %broadcast_in_dim3A_1 : vector<16xf32> to vector<1x16xf32>
    tpu.vector_store %arg13[%swap3A_279, %swap3A_280], %swap3A_283 {strides = array<i32>} : memref<64x16xf32, #tpu.memory_space<vmem>>, vector<1x16xf32>,
    %swap3A_284 = arith.constant 23 : i32
    %swap3A_285 = arith.index_cast %swap3A_284 : i32 to index
    %swap3A_286 = arith.constant 0 : index
    %swap3A_287 = tpu.vector_load %arg12[%swap3A_285, %swap3A_286] {strides = array<i32>} : memref<64x16xf32, #tpu.memory_space<vmem>>, vector<1x16xf32>,
    %swap3A_288 = vector.shape_cast %swap3A_287 : vector<1x16xf32> to vector<16xf32>
    %swap3A_289 = vector.shape_cast %broadcast_in_dim3A_8 : vector<16xf32> to vector<1x16xf32>
    tpu.vector_store %arg12[%swap3A_285, %swap3A_286], %swap3A_289 {strides = array<i32>} : memref<64x16xf32, #tpu.memory_space<vmem>>, vector<1x16xf32>,
    %swap3A_290 = arith.constant 23 : i32
    %swap3A_291 = arith.index_cast %swap3A_290 : i32 to index
    %swap3A_292 = arith.constant 0 : index
    %swap3A_293 = tpu.vector_load %arg13[%swap3A_291, %swap3A_292] {strides = array<i32>} : memref<64x16xf32, #tpu.memory_space<vmem>>, vector<1x16xf32>,
    %swap3A_294 = vector.shape_cast %swap3A_293 : vector<1x16xf32> to vector<16xf32>
    %swap3A_295 = vector.shape_cast %broadcast_in_dim3A_1 : vector<16xf32> to vector<1x16xf32>
    tpu.vector_store %arg13[%swap3A_291, %swap3A_292], %swap3A_295 {strides = array<i32>} : memref<64x16xf32, #tpu.memory_space<vmem>>, vector<1x16xf32>,
    %swap3A_296 = arith.constant 24 : i32
    %swap3A_297 = arith.index_cast %swap3A_296 : i32 to index
    %swap3A_298 = arith.constant 0 : index
    %swap3A_299 = tpu.vector_load %arg12[%swap3A_297, %swap3A_298] {strides = array<i32>} : memref<64x16xf32, #tpu.memory_space<vmem>>, vector<1x16xf32>,
    %swap3A_300 = vector.shape_cast %swap3A_299 : vector<1x16xf32> to vector<16xf32>
    %swap3A_301 = vector.shape_cast %broadcast_in_dim3A_8 : vector<16xf32> to vector<1x16xf32>
    tpu.vector_store %arg12[%swap3A_297, %swap3A_298], %swap3A_301 {strides = array<i32>} : memref<64x16xf32, #tpu.memory_space<vmem>>, vector<1x16xf32>,
    %swap3A_302 = arith.constant 24 : i32
    %swap3A_303 = arith.index_cast %swap3A_302 : i32 to index
    %swap3A_304 = arith.constant 0 : index
    %swap3A_305 = tpu.vector_load %arg13[%swap3A_303, %swap3A_304] {strides = array<i32>} : memref<64x16xf32, #tpu.memory_space<vmem>>, vector<1x16xf32>,
    %swap3A_306 = vector.shape_cast %swap3A_305 : vector<1x16xf32> to vector<16xf32>
    %swap3A_307 = vector.shape_cast %broadcast_in_dim3A_1 : vector<16xf32> to vector<1x16xf32>
    tpu.vector_store %arg13[%swap3A_303, %swap3A_304], %swap3A_307 {strides = array<i32>} : memref<64x16xf32, #tpu.memory_space<vmem>>, vector<1x16xf32>,
    %swap3A_308 = arith.constant 25 : i32
    %swap3A_309 = arith.index_cast %swap3A_308 : i32 to index
    %swap3A_310 = arith.constant 0 : index
    %swap3A_311 = tpu.vector_load %arg12[%swap3A_309, %swap3A_310] {strides = array<i32>} : memref<64x16xf32, #tpu.memory_space<vmem>>, vector<1x16xf32>,
    %swap3A_312 = vector.shape_cast %swap3A_311 : vector<1x16xf32> to vector<16xf32>
    %swap3A_313 = vector.shape_cast %broadcast_in_dim3A_8 : vector<16xf32> to vector<1x16xf32>
    tpu.vector_store %arg12[%swap3A_309, %swap3A_310], %swap3A_313 {strides = array<i32>} : memref<64x16xf32, #tpu.memory_space<vmem>>, vector<1x16xf32>,
    %swap3A_314 = arith.constant 25 : i32
    %swap3A_315 = arith.index_cast %swap3A_314 : i32 to index
    %swap3A_316 = arith.constant 0 : index
    %swap3A_317 = tpu.vector_load %arg13[%swap3A_315, %swap3A_316] {strides = array<i32>} : memref<64x16xf32, #tpu.memory_space<vmem>>, vector<1x16xf32>,
    %swap3A_318 = vector.shape_cast %swap3A_317 : vector<1x16xf32> to vector<16xf32>
    %swap3A_319 = vector.shape_cast %broadcast_in_dim3A_1 : vector<16xf32> to vector<1x16xf32>
    tpu.vector_store %arg13[%swap3A_315, %swap3A_316], %swap3A_319 {strides = array<i32>} : memref<64x16xf32, #tpu.memory_space<vmem>>, vector<1x16xf32>,
    %swap3A_320 = arith.constant 26 : i32
    %swap3A_321 = arith.index_cast %swap3A_320 : i32 to index
    %swap3A_322 = arith.constant 0 : index
    %swap3A_323 = tpu.vector_load %arg12[%swap3A_321, %swap3A_322] {strides = array<i32>} : memref<64x16xf32, #tpu.memory_space<vmem>>, vector<1x16xf32>,
    %swap3A_324 = vector.shape_cast %swap3A_323 : vector<1x16xf32> to vector<16xf32>
    %swap3A_325 = vector.shape_cast %broadcast_in_dim3A_8 : vector<16xf32> to vector<1x16xf32>
    tpu.vector_store %arg12[%swap3A_321, %swap3A_322], %swap3A_325 {strides = array<i32>} : memref<64x16xf32, #tpu.memory_space<vmem>>, vector<1x16xf32>,
    %swap3A_326 = arith.constant 26 : i32
    %swap3A_327 = arith.index_cast %swap3A_326 : i32 to index
    %swap3A_328 = arith.constant 0 : index
    %swap3A_329 = tpu.vector_load %arg13[%swap3A_327, %swap3A_328] {strides = array<i32>} : memref<64x16xf32, #tpu.memory_space<vmem>>, vector<1x16xf32>,
    %swap3A_330 = vector.shape_cast %swap3A_329 : vector<1x16xf32> to vector<16xf32>
    %swap3A_331 = vector.shape_cast %broadcast_in_dim3A_1 : vector<16xf32> to vector<1x16xf32>
    tpu.vector_store %arg13[%swap3A_327, %swap3A_328], %swap3A_331 {strides = array<i32>} : memref<64x16xf32, #tpu.memory_space<vmem>>, vector<1x16xf32>,
    %swap3A_332 = arith.constant 27 : i32
    %swap3A_333 = arith.index_cast %swap3A_332 : i32 to index
    %swap3A_334 = arith.constant 0 : index
    %swap3A_335 = tpu.vector_load %arg12[%swap3A_333, %swap3A_334] {strides = array<i32>} : memref<64x16xf32, #tpu.memory_space<vmem>>, vector<1x16xf32>,
    %swap3A_336 = vector.shape_cast %swap3A_335 : vector<1x16xf32> to vector<16xf32>
    %swap3A_337 = vector.shape_cast %broadcast_in_dim3A_8 : vector<16xf32> to vector<1x16xf32>
    tpu.vector_store %arg12[%swap3A_333, %swap3A_334], %swap3A_337 {strides = array<i32>} : memref<64x16xf32, #tpu.memory_space<vmem>>, vector<1x16xf32>,
    %swap3A_338 = arith.constant 27 : i32
    %swap3A_339 = arith.index_cast %swap3A_338 : i32 to index
    %swap3A_340 = arith.constant 0 : index
    %swap3A_341 = tpu.vector_load %arg13[%swap3A_339, %swap3A_340] {strides = array<i32>} : memref<64x16xf32, #tpu.memory_space<vmem>>, vector<1x16xf32>,
    %swap3A_342 = vector.shape_cast %swap3A_341 : vector<1x16xf32> to vector<16xf32>
    %swap3A_343 = vector.shape_cast %broadcast_in_dim3A_1 : vector<16xf32> to vector<1x16xf32>
    tpu.vector_store %arg13[%swap3A_339, %swap3A_340], %swap3A_343 {strides = array<i32>} : memref<64x16xf32, #tpu.memory_space<vmem>>, vector<1x16xf32>,
    %swap3A_344 = arith.constant 28 : i32
    %swap3A_345 = arith.index_cast %swap3A_344 : i32 to index
    %swap3A_346 = arith.constant 0 : index
    %swap3A_347 = tpu.vector_load %arg12[%swap3A_345, %swap3A_346] {strides = array<i32>} : memref<64x16xf32, #tpu.memory_space<vmem>>, vector<1x16xf32>,
    %swap3A_348 = vector.shape_cast %swap3A_347 : vector<1x16xf32> to vector<16xf32>
    %swap3A_349 = vector.shape_cast %broadcast_in_dim3A_8 : vector<16xf32> to vector<1x16xf32>
    tpu.vector_store %arg12[%swap3A_345, %swap3A_346], %swap3A_349 {strides = array<i32>} : memref<64x16xf32, #tpu.memory_space<vmem>>, vector<1x16xf32>,
    %swap3A_350 = arith.constant 28 : i32
    %swap3A_351 = arith.index_cast %swap3A_350 : i32 to index
    %swap3A_352 = arith.constant 0 : index
    %swap3A_353 = tpu.vector_load %arg13[%swap3A_351, %swap3A_352] {strides = array<i32>} : memref<64x16xf32, #tpu.memory_space<vmem>>, vector<1x16xf32>,
    %swap3A_354 = vector.shape_cast %swap3A_353 : vector<1x16xf32> to vector<16xf32>
    %swap3A_355 = vector.shape_cast %broadcast_in_dim3A_1 : vector<16xf32> to vector<1x16xf32>
    tpu.vector_store %arg13[%swap3A_351, %swap3A_352], %swap3A_355 {strides = array<i32>} : memref<64x16xf32, #tpu.memory_space<vmem>>, vector<1x16xf32>,
    %swap3A_356 = arith.constant 29 : i32
    %swap3A_357 = arith.index_cast %swap3A_356 : i32 to index
    %swap3A_358 = arith.constant 0 : index
    %swap3A_359 = tpu.vector_load %arg12[%swap3A_357, %swap3A_358] {strides = array<i32>} : memref<64x16xf32, #tpu.memory_space<vmem>>, vector<1x16xf32>,
    %swap3A_360 = vector.shape_cast %swap3A_359 : vector<1x16xf32> to vector<16xf32>
    %swap3A_361 = vector.shape_cast %broadcast_in_dim3A_8 : vector<16xf32> to vector<1x16xf32>
    tpu.vector_store %arg12[%swap3A_357, %swap3A_358], %swap3A_361 {strides = array<i32>} : memref<64x16xf32, #tpu.memory_space<vmem>>, vector<1x16xf32>,
    %swap3A_362 = arith.constant 29 : i32
    %swap3A_363 = arith.index_cast %swap3A_362 : i32 to index
    %swap3A_364 = arith.constant 0 : index
    %swap3A_365 = tpu.vector_load %arg13[%swap3A_363, %swap3A_364] {strides = array<i32>} : memref<64x16xf32, #tpu.memory_space<vmem>>, vector<1x16xf32>,
    %swap3A_366 = vector.shape_cast %swap3A_365 : vector<1x16xf32> to vector<16xf32>
    %swap3A_367 = vector.shape_cast %broadcast_in_dim3A_1 : vector<16xf32> to vector<1x16xf32>
    tpu.vector_store %arg13[%swap3A_363, %swap3A_364], %swap3A_367 {strides = array<i32>} : memref<64x16xf32, #tpu.memory_space<vmem>>, vector<1x16xf32>,
    %swap3A_368 = arith.constant 30 : i32
    %swap3A_369 = arith.index_cast %swap3A_368 : i32 to index
    %swap3A_370 = arith.constant 0 : index
    %swap3A_371 = tpu.vector_load %arg12[%swap3A_369, %swap3A_370] {strides = array<i32>} : memref<64x16xf32, #tpu.memory_space<vmem>>, vector<1x16xf32>,
    %swap3A_372 = vector.shape_cast %swap3A_371 : vector<1x16xf32> to vector<16xf32>
    %swap3A_373 = vector.shape_cast %broadcast_in_dim3A_8 : vector<16xf32> to vector<1x16xf32>
    tpu.vector_store %arg12[%swap3A_369, %swap3A_370], %swap3A_373 {strides = array<i32>} : memref<64x16xf32, #tpu.memory_space<vmem>>, vector<1x16xf32>,
    %swap3A_374 = arith.constant 30 : i32
    %swap3A_375 = arith.index_cast %swap3A_374 : i32 to index
    %swap3A_376 = arith.constant 0 : index
    %swap3A_377 = tpu.vector_load %arg13[%swap3A_375, %swap3A_376] {strides = array<i32>} : memref<64x16xf32, #tpu.memory_space<vmem>>, vector<1x16xf32>,
    %swap3A_378 = vector.shape_cast %swap3A_377 : vector<1x16xf32> to vector<16xf32>
    %swap3A_379 = vector.shape_cast %broadcast_in_dim3A_1 : vector<16xf32> to vector<1x16xf32>
    tpu.vector_store %arg13[%swap3A_375, %swap3A_376], %swap3A_379 {strides = array<i32>} : memref<64x16xf32, #tpu.memory_space<vmem>>, vector<1x16xf32>,
    %swap3A_380 = arith.constant 31 : i32
    %swap3A_381 = arith.index_cast %swap3A_380 : i32 to index
    %swap3A_382 = arith.constant 0 : index
    %swap3A_383 = tpu.vector_load %arg12[%swap3A_381, %swap3A_382] {strides = array<i32>} : memref<64x16xf32, #tpu.memory_space<vmem>>, vector<1x16xf32>,
    %swap3A_384 = vector.shape_cast %swap3A_383 : vector<1x16xf32> to vector<16xf32>
    %swap3A_385 = vector.shape_cast %broadcast_in_dim3A_8 : vector<16xf32> to vector<1x16xf32>
    tpu.vector_store %arg12[%swap3A_381, %swap3A_382], %swap3A_385 {strides = array<i32>} : memref<64x16xf32, #tpu.memory_space<vmem>>, vector<1x16xf32>,
    %swap3A_386 = arith.constant 31 : i32
    %swap3A_387 = arith.index_cast %swap3A_386 : i32 to index
    %swap3A_388 = arith.constant 0 : index
    %swap3A_389 = tpu.vector_load %arg13[%swap3A_387, %swap3A_388] {strides = array<i32>} : memref<64x16xf32, #tpu.memory_space<vmem>>, vector<1x16xf32>,
    %swap3A_390 = vector.shape_cast %swap3A_389 : vector<1x16xf32> to vector<16xf32>
    %swap3A_391 = vector.shape_cast %broadcast_in_dim3A_1 : vector<16xf32> to vector<1x16xf32>
    tpu.vector_store %arg13[%swap3A_387, %swap3A_388], %swap3A_391 {strides = array<i32>} : memref<64x16xf32, #tpu.memory_space<vmem>>, vector<1x16xf32>,
    %swap3A_392 = arith.constant 32 : i32
    %swap3A_393 = arith.index_cast %swap3A_392 : i32 to index
    %swap3A_394 = arith.constant 0 : index
    %swap3A_395 = tpu.vector_load %arg12[%swap3A_393, %swap3A_394] {strides = array<i32>} : memref<64x16xf32, #tpu.memory_space<vmem>>, vector<1x16xf32>,
    %swap3A_396 = vector.shape_cast %swap3A_395 : vector<1x16xf32> to vector<16xf32>
    %swap3A_397 = vector.shape_cast %broadcast_in_dim3A_8 : vector<16xf32> to vector<1x16xf32>
    tpu.vector_store %arg12[%swap3A_393, %swap3A_394], %swap3A_397 {strides = array<i32>} : memref<64x16xf32, #tpu.memory_space<vmem>>, vector<1x16xf32>,
    %swap3A_398 = arith.constant 32 : i32
    %swap3A_399 = arith.index_cast %swap3A_398 : i32 to index
    %swap3A_400 = arith.constant 0 : index
    %swap3A_401 = tpu.vector_load %arg13[%swap3A_399, %swap3A_400] {strides = array<i32>} : memref<64x16xf32, #tpu.memory_space<vmem>>, vector<1x16xf32>,
    %swap3A_402 = vector.shape_cast %swap3A_401 : vector<1x16xf32> to vector<16xf32>
    %swap3A_403 = vector.shape_cast %broadcast_in_dim3A_1 : vector<16xf32> to vector<1x16xf32>
    tpu.vector_store %arg13[%swap3A_399, %swap3A_400], %swap3A_403 {strides = array<i32>} : memref<64x16xf32, #tpu.memory_space<vmem>>, vector<1x16xf32>,
    %swap3A_404 = arith.constant 33 : i32
    %swap3A_405 = arith.index_cast %swap3A_404 : i32 to index
    %swap3A_406 = arith.constant 0 : index
    %swap3A_407 = tpu.vector_load %arg12[%swap3A_405, %swap3A_406] {strides = array<i32>} : memref<64x16xf32, #tpu.memory_space<vmem>>, vector<1x16xf32>,
    %swap3A_408 = vector.shape_cast %swap3A_407 : vector<1x16xf32> to vector<16xf32>
    %swap3A_409 = vector.shape_cast %broadcast_in_dim3A_8 : vector<16xf32> to vector<1x16xf32>
    tpu.vector_store %arg12[%swap3A_405, %swap3A_406], %swap3A_409 {strides = array<i32>} : memref<64x16xf32, #tpu.memory_space<vmem>>, vector<1x16xf32>,
    %swap3A_410 = arith.constant 33 : i32
    %swap3A_411 = arith.index_cast %swap3A_410 : i32 to index
    %swap3A_412 = arith.constant 0 : index
    %swap3A_413 = tpu.vector_load %arg13[%swap3A_411, %swap3A_412] {strides = array<i32>} : memref<64x16xf32, #tpu.memory_space<vmem>>, vector<1x16xf32>,
    %swap3A_414 = vector.shape_cast %swap3A_413 : vector<1x16xf32> to vector<16xf32>
    %swap3A_415 = vector.shape_cast %broadcast_in_dim3A_1 : vector<16xf32> to vector<1x16xf32>
    tpu.vector_store %arg13[%swap3A_411, %swap3A_412], %swap3A_415 {strides = array<i32>} : memref<64x16xf32, #tpu.memory_space<vmem>>, vector<1x16xf32>,
    %swap3A_416 = arith.constant 34 : i32
    %swap3A_417 = arith.index_cast %swap3A_416 : i32 to index
    %swap3A_418 = arith.constant 0 : index
    %swap3A_419 = tpu.vector_load %arg12[%swap3A_417, %swap3A_418] {strides = array<i32>} : memref<64x16xf32, #tpu.memory_space<vmem>>, vector<1x16xf32>,
    %swap3A_420 = vector.shape_cast %swap3A_419 : vector<1x16xf32> to vector<16xf32>
    %swap3A_421 = vector.shape_cast %broadcast_in_dim3A_8 : vector<16xf32> to vector<1x16xf32>
    tpu.vector_store %arg12[%swap3A_417, %swap3A_418], %swap3A_421 {strides = array<i32>} : memref<64x16xf32, #tpu.memory_space<vmem>>, vector<1x16xf32>,
    %swap3A_422 = arith.constant 34 : i32
    %swap3A_423 = arith.index_cast %swap3A_422 : i32 to index
    %swap3A_424 = arith.constant 0 : index
    %swap3A_425 = tpu.vector_load %arg13[%swap3A_423, %swap3A_424] {strides = array<i32>} : memref<64x16xf32, #tpu.memory_space<vmem>>, vector<1x16xf32>,
    %swap3A_426 = vector.shape_cast %swap3A_425 : vector<1x16xf32> to vector<16xf32>
    %swap3A_427 = vector.shape_cast %broadcast_in_dim3A_1 : vector<16xf32> to vector<1x16xf32>
    tpu.vector_store %arg13[%swap3A_423, %swap3A_424], %swap3A_427 {strides = array<i32>} : memref<64x16xf32, #tpu.memory_space<vmem>>, vector<1x16xf32>,
    %swap3A_428 = arith.constant 35 : i32
    %swap3A_429 = arith.index_cast %swap3A_428 : i32 to index
    %swap3A_430 = arith.constant 0 : index
    %swap3A_431 = tpu.vector_load %arg12[%swap3A_429, %swap3A_430] {strides = array<i32>} : memref<64x16xf32, #tpu.memory_space<vmem>>, vector<1x16xf32>,
    %swap3A_432 = vector.shape_cast %swap3A_431 : vector<1x16xf32> to vector<16xf32>
    %swap3A_433 = vector.shape_cast %broadcast_in_dim3A_8 : vector<16xf32> to vector<1x16xf32>
    tpu.vector_store %arg12[%swap3A_429, %swap3A_430], %swap3A_433 {strides = array<i32>} : memref<64x16xf32, #tpu.memory_space<vmem>>, vector<1x16xf32>,
    %swap3A_434 = arith.constant 35 : i32
    %swap3A_435 = arith.index_cast %swap3A_434 : i32 to index
    %swap3A_436 = arith.constant 0 : index
    %swap3A_437 = tpu.vector_load %arg13[%swap3A_435, %swap3A_436] {strides = array<i32>} : memref<64x16xf32, #tpu.memory_space<vmem>>, vector<1x16xf32>,
    %swap3A_438 = vector.shape_cast %swap3A_437 : vector<1x16xf32> to vector<16xf32>
    %swap3A_439 = vector.shape_cast %broadcast_in_dim3A_1 : vector<16xf32> to vector<1x16xf32>
    tpu.vector_store %arg13[%swap3A_435, %swap3A_436], %swap3A_439 {strides = array<i32>} : memref<64x16xf32, #tpu.memory_space<vmem>>, vector<1x16xf32>,
    %swap3A_440 = arith.constant 36 : i32
    %swap3A_441 = arith.index_cast %swap3A_440 : i32 to index
    %swap3A_442 = arith.constant 0 : index
    %swap3A_443 = tpu.vector_load %arg12[%swap3A_441, %swap3A_442] {strides = array<i32>} : memref<64x16xf32, #tpu.memory_space<vmem>>, vector<1x16xf32>,
    %swap3A_444 = vector.shape_cast %swap3A_443 : vector<1x16xf32> to vector<16xf32>
    %swap3A_445 = vector.shape_cast %broadcast_in_dim3A_8 : vector<16xf32> to vector<1x16xf32>
    tpu.vector_store %arg12[%swap3A_441, %swap3A_442], %swap3A_445 {strides = array<i32>} : memref<64x16xf32, #tpu.memory_space<vmem>>, vector<1x16xf32>,
    %swap3A_446 = arith.constant 36 : i32
    %swap3A_447 = arith.index_cast %swap3A_446 : i32 to index
    %swap3A_448 = arith.constant 0 : index
    %swap3A_449 = tpu.vector_load %arg13[%swap3A_447, %swap3A_448] {strides = array<i32>} : memref<64x16xf32, #tpu.memory_space<vmem>>, vector<1x16xf32>,
    %swap3A_450 = vector.shape_cast %swap3A_449 : vector<1x16xf32> to vector<16xf32>
    %swap3A_451 = vector.shape_cast %broadcast_in_dim3A_1 : vector<16xf32> to vector<1x16xf32>
    tpu.vector_store %arg13[%swap3A_447, %swap3A_448], %swap3A_451 {strides = array<i32>} : memref<64x16xf32, #tpu.memory_space<vmem>>, vector<1x16xf32>,
    %swap3A_452 = arith.constant 37 : i32
    %swap3A_453 = arith.index_cast %swap3A_452 : i32 to index
    %swap3A_454 = arith.constant 0 : index
    %swap3A_455 = tpu.vector_load %arg12[%swap3A_453, %swap3A_454] {strides = array<i32>} : memref<64x16xf32, #tpu.memory_space<vmem>>, vector<1x16xf32>,
    %swap3A_456 = vector.shape_cast %swap3A_455 : vector<1x16xf32> to vector<16xf32>
    %swap3A_457 = vector.shape_cast %broadcast_in_dim3A_8 : vector<16xf32> to vector<1x16xf32>
    tpu.vector_store %arg12[%swap3A_453, %swap3A_454], %swap3A_457 {strides = array<i32>} : memref<64x16xf32, #tpu.memory_space<vmem>>, vector<1x16xf32>,
    %swap3A_458 = arith.constant 37 : i32
    %swap3A_459 = arith.index_cast %swap3A_458 : i32 to index
    %swap3A_460 = arith.constant 0 : index
    %swap3A_461 = tpu.vector_load %arg13[%swap3A_459, %swap3A_460] {strides = array<i32>} : memref<64x16xf32, #tpu.memory_space<vmem>>, vector<1x16xf32>,
    %swap3A_462 = vector.shape_cast %swap3A_461 : vector<1x16xf32> to vector<16xf32>
    %swap3A_463 = vector.shape_cast %broadcast_in_dim3A_1 : vector<16xf32> to vector<1x16xf32>
    tpu.vector_store %arg13[%swap3A_459, %swap3A_460], %swap3A_463 {strides = array<i32>} : memref<64x16xf32, #tpu.memory_space<vmem>>, vector<1x16xf32>,
    %swap3A_464 = arith.constant 38 : i32
    %swap3A_465 = arith.index_cast %swap3A_464 : i32 to index
    %swap3A_466 = arith.constant 0 : index
    %swap3A_467 = tpu.vector_load %arg12[%swap3A_465, %swap3A_466] {strides = array<i32>} : memref<64x16xf32, #tpu.memory_space<vmem>>, vector<1x16xf32>,
    %swap3A_468 = vector.shape_cast %swap3A_467 : vector<1x16xf32> to vector<16xf32>
    %swap3A_469 = vector.shape_cast %broadcast_in_dim3A_8 : vector<16xf32> to vector<1x16xf32>
    tpu.vector_store %arg12[%swap3A_465, %swap3A_466], %swap3A_469 {strides = array<i32>} : memref<64x16xf32, #tpu.memory_space<vmem>>, vector<1x16xf32>,
    %swap3A_470 = arith.constant 38 : i32
    %swap3A_471 = arith.index_cast %swap3A_470 : i32 to index
    %swap3A_472 = arith.constant 0 : index
    %swap3A_473 = tpu.vector_load %arg13[%swap3A_471, %swap3A_472] {strides = array<i32>} : memref<64x16xf32, #tpu.memory_space<vmem>>, vector<1x16xf32>,
    %swap3A_474 = vector.shape_cast %swap3A_473 : vector<1x16xf32> to vector<16xf32>
    %swap3A_475 = vector.shape_cast %broadcast_in_dim3A_1 : vector<16xf32> to vector<1x16xf32>
    tpu.vector_store %arg13[%swap3A_471, %swap3A_472], %swap3A_475 {strides = array<i32>} : memref<64x16xf32, #tpu.memory_space<vmem>>, vector<1x16xf32>,
    %swap3A_476 = arith.constant 39 : i32
    %swap3A_477 = arith.index_cast %swap3A_476 : i32 to index
    %swap3A_478 = arith.constant 0 : index
    %swap3A_479 = tpu.vector_load %arg12[%swap3A_477, %swap3A_478] {strides = array<i32>} : memref<64x16xf32, #tpu.memory_space<vmem>>, vector<1x16xf32>,
    %swap3A_480 = vector.shape_cast %swap3A_479 : vector<1x16xf32> to vector<16xf32>
    %swap3A_481 = vector.shape_cast %broadcast_in_dim3A_8 : vector<16xf32> to vector<1x16xf32>
    tpu.vector_store %arg12[%swap3A_477, %swap3A_478], %swap3A_481 {strides = array<i32>} : memref<64x16xf32, #tpu.memory_space<vmem>>, vector<1x16xf32>,
    %swap3A_482 = arith.constant 39 : i32
    %swap3A_483 = arith.index_cast %swap3A_482 : i32 to index
    %swap3A_484 = arith.constant 0 : index
    %swap3A_485 = tpu.vector_load %arg13[%swap3A_483, %swap3A_484] {strides = array<i32>} : memref<64x16xf32, #tpu.memory_space<vmem>>, vector<1x16xf32>,
    %swap3A_486 = vector.shape_cast %swap3A_485 : vector<1x16xf32> to vector<16xf32>
    %swap3A_487 = vector.shape_cast %broadcast_in_dim3A_1 : vector<16xf32> to vector<1x16xf32>
    tpu.vector_store %arg13[%swap3A_483, %swap3A_484], %swap3A_487 {strides = array<i32>} : memref<64x16xf32, #tpu.memory_space<vmem>>, vector<1x16xf32>,
    %swap3A_488 = arith.constant 40 : i32
    %swap3A_489 = arith.index_cast %swap3A_488 : i32 to index
    %swap3A_490 = arith.constant 0 : index
    %swap3A_491 = tpu.vector_load %arg12[%swap3A_489, %swap3A_490] {strides = array<i32>} : memref<64x16xf32, #tpu.memory_space<vmem>>, vector<1x16xf32>,
    %swap3A_492 = vector.shape_cast %swap3A_491 : vector<1x16xf32> to vector<16xf32>
    %swap3A_493 = vector.shape_cast %broadcast_in_dim3A_8 : vector<16xf32> to vector<1x16xf32>
    tpu.vector_store %arg12[%swap3A_489, %swap3A_490], %swap3A_493 {strides = array<i32>} : memref<64x16xf32, #tpu.memory_space<vmem>>, vector<1x16xf32>,
    %swap3A_494 = arith.constant 40 : i32
    %swap3A_495 = arith.index_cast %swap3A_494 : i32 to index
    %swap3A_496 = arith.constant 0 : index
    %swap3A_497 = tpu.vector_load %arg13[%swap3A_495, %swap3A_496] {strides = array<i32>} : memref<64x16xf32, #tpu.memory_space<vmem>>, vector<1x16xf32>,
    %swap3A_498 = vector.shape_cast %swap3A_497 : vector<1x16xf32> to vector<16xf32>
    %swap3A_499 = vector.shape_cast %broadcast_in_dim3A_1 : vector<16xf32> to vector<1x16xf32>
    tpu.vector_store %arg13[%swap3A_495, %swap3A_496], %swap3A_499 {strides = array<i32>} : memref<64x16xf32, #tpu.memory_space<vmem>>, vector<1x16xf32>,
    %swap3A_500 = arith.constant 41 : i32
    %swap3A_501 = arith.index_cast %swap3A_500 : i32 to index
    %swap3A_502 = arith.constant 0 : index
    %swap3A_503 = tpu.vector_load %arg12[%swap3A_501, %swap3A_502] {strides = array<i32>} : memref<64x16xf32, #tpu.memory_space<vmem>>, vector<1x16xf32>,
    %swap3A_504 = vector.shape_cast %swap3A_503 : vector<1x16xf32> to vector<16xf32>
    %swap3A_505 = vector.shape_cast %broadcast_in_dim3A_8 : vector<16xf32> to vector<1x16xf32>
    tpu.vector_store %arg12[%swap3A_501, %swap3A_502], %swap3A_505 {strides = array<i32>} : memref<64x16xf32, #tpu.memory_space<vmem>>, vector<1x16xf32>,
    %swap3A_506 = arith.constant 41 : i32
    %swap3A_507 = arith.index_cast %swap3A_506 : i32 to index
    %swap3A_508 = arith.constant 0 : index
    %swap3A_509 = tpu.vector_load %arg13[%swap3A_507, %swap3A_508] {strides = array<i32>} : memref<64x16xf32, #tpu.memory_space<vmem>>, vector<1x16xf32>,
    %swap3A_510 = vector.shape_cast %swap3A_509 : vector<1x16xf32> to vector<16xf32>
    %swap3A_511 = vector.shape_cast %broadcast_in_dim3A_1 : vector<16xf32> to vector<1x16xf32>
    tpu.vector_store %arg13[%swap3A_507, %swap3A_508], %swap3A_511 {strides = array<i32>} : memref<64x16xf32, #tpu.memory_space<vmem>>, vector<1x16xf32>,
    %swap3A_512 = arith.constant 42 : i32
    %swap3A_513 = arith.index_cast %swap3A_512 : i32 to index
    %swap3A_514 = arith.constant 0 : index
    %swap3A_515 = tpu.vector_load %arg12[%swap3A_513, %swap3A_514] {strides = array<i32>} : memref<64x16xf32, #tpu.memory_space<vmem>>, vector<1x16xf32>,
    %swap3A_516 = vector.shape_cast %swap3A_515 : vector<1x16xf32> to vector<16xf32>
    %swap3A_517 = vector.shape_cast %broadcast_in_dim3A_8 : vector<16xf32> to vector<1x16xf32>
    tpu.vector_store %arg12[%swap3A_513, %swap3A_514], %swap3A_517 {strides = array<i32>} : memref<64x16xf32, #tpu.memory_space<vmem>>, vector<1x16xf32>,
    %swap3A_518 = arith.constant 42 : i32
    %swap3A_519 = arith.index_cast %swap3A_518 : i32 to index
    %swap3A_520 = arith.constant 0 : index
    %swap3A_521 = tpu.vector_load %arg13[%swap3A_519, %swap3A_520] {strides = array<i32>} : memref<64x16xf32, #tpu.memory_space<vmem>>, vector<1x16xf32>,
    %swap3A_522 = vector.shape_cast %swap3A_521 : vector<1x16xf32> to vector<16xf32>
    %swap3A_523 = vector.shape_cast %broadcast_in_dim3A_1 : vector<16xf32> to vector<1x16xf32>
    tpu.vector_store %arg13[%swap3A_519, %swap3A_520], %swap3A_523 {strides = array<i32>} : memref<64x16xf32, #tpu.memory_space<vmem>>, vector<1x16xf32>,
    %swap3A_524 = arith.constant 43 : i32
    %swap3A_525 = arith.index_cast %swap3A_524 : i32 to index
    %swap3A_526 = arith.constant 0 : index
    %swap3A_527 = tpu.vector_load %arg12[%swap3A_525, %swap3A_526] {strides = array<i32>} : memref<64x16xf32, #tpu.memory_space<vmem>>, vector<1x16xf32>,
    %swap3A_528 = vector.shape_cast %swap3A_527 : vector<1x16xf32> to vector<16xf32>
    %swap3A_529 = vector.shape_cast %broadcast_in_dim3A_8 : vector<16xf32> to vector<1x16xf32>
    tpu.vector_store %arg12[%swap3A_525, %swap3A_526], %swap3A_529 {strides = array<i32>} : memref<64x16xf32, #tpu.memory_space<vmem>>, vector<1x16xf32>,
    %swap3A_530 = arith.constant 43 : i32
    %swap3A_531 = arith.index_cast %swap3A_530 : i32 to index
    %swap3A_532 = arith.constant 0 : index
    %swap3A_533 = tpu.vector_load %arg13[%swap3A_531, %swap3A_532] {strides = array<i32>} : memref<64x16xf32, #tpu.memory_space<vmem>>, vector<1x16xf32>,
    %swap3A_534 = vector.shape_cast %swap3A_533 : vector<1x16xf32> to vector<16xf32>
    %swap3A_535 = vector.shape_cast %broadcast_in_dim3A_1 : vector<16xf32> to vector<1x16xf32>
    tpu.vector_store %arg13[%swap3A_531, %swap3A_532], %swap3A_535 {strides = array<i32>} : memref<64x16xf32, #tpu.memory_space<vmem>>, vector<1x16xf32>,
    %swap3A_536 = arith.constant 44 : i32
    %swap3A_537 = arith.index_cast %swap3A_536 : i32 to index
    %swap3A_538 = arith.constant 0 : index
    %swap3A_539 = tpu.vector_load %arg12[%swap3A_537, %swap3A_538] {strides = array<i32>} : memref<64x16xf32, #tpu.memory_space<vmem>>, vector<1x16xf32>,
    %swap3A_540 = vector.shape_cast %swap3A_539 : vector<1x16xf32> to vector<16xf32>
    %swap3A_541 = vector.shape_cast %broadcast_in_dim3A_8 : vector<16xf32> to vector<1x16xf32>
    tpu.vector_store %arg12[%swap3A_537, %swap3A_538], %swap3A_541 {strides = array<i32>} : memref<64x16xf32, #tpu.memory_space<vmem>>, vector<1x16xf32>,
    %swap3A_542 = arith.constant 44 : i32
    %swap3A_543 = arith.index_cast %swap3A_542 : i32 to index
    %swap3A_544 = arith.constant 0 : index
    %swap3A_545 = tpu.vector_load %arg13[%swap3A_543, %swap3A_544] {strides = array<i32>} : memref<64x16xf32, #tpu.memory_space<vmem>>, vector<1x16xf32>,
    %swap3A_546 = vector.shape_cast %swap3A_545 : vector<1x16xf32> to vector<16xf32>
    %swap3A_547 = vector.shape_cast %broadcast_in_dim3A_1 : vector<16xf32> to vector<1x16xf32>
    tpu.vector_store %arg13[%swap3A_543, %swap3A_544], %swap3A_547 {strides = array<i32>} : memref<64x16xf32, #tpu.memory_space<vmem>>, vector<1x16xf32>,
    %swap3A_548 = arith.constant 45 : i32
    %swap3A_549 = arith.index_cast %swap3A_548 : i32 to index
    %swap3A_550 = arith.constant 0 : index
    %swap3A_551 = tpu.vector_load %arg12[%swap3A_549, %swap3A_550] {strides = array<i32>} : memref<64x16xf32, #tpu.memory_space<vmem>>, vector<1x16xf32>,
    %swap3A_552 = vector.shape_cast %swap3A_551 : vector<1x16xf32> to vector<16xf32>
    %swap3A_553 = vector.shape_cast %broadcast_in_dim3A_8 : vector<16xf32> to vector<1x16xf32>
    tpu.vector_store %arg12[%swap3A_549, %swap3A_550], %swap3A_553 {strides = array<i32>} : memref<64x16xf32, #tpu.memory_space<vmem>>, vector<1x16xf32>,
    %swap3A_554 = arith.constant 45 : i32
    %swap3A_555 = arith.index_cast %swap3A_554 : i32 to index
    %swap3A_556 = arith.constant 0 : index
    %swap3A_557 = tpu.vector_load %arg13[%swap3A_555, %swap3A_556] {strides = array<i32>} : memref<64x16xf32, #tpu.memory_space<vmem>>, vector<1x16xf32>,
    %swap3A_558 = vector.shape_cast %swap3A_557 : vector<1x16xf32> to vector<16xf32>
    %swap3A_559 = vector.shape_cast %broadcast_in_dim3A_1 : vector<16xf32> to vector<1x16xf32>
    tpu.vector_store %arg13[%swap3A_555, %swap3A_556], %swap3A_559 {strides = array<i32>} : memref<64x16xf32, #tpu.memory_space<vmem>>, vector<1x16xf32>,
    %swap3A_560 = arith.constant 46 : i32
    %swap3A_561 = arith.index_cast %swap3A_560 : i32 to index
    %swap3A_562 = arith.constant 0 : index
    %swap3A_563 = tpu.vector_load %arg12[%swap3A_561, %swap3A_562] {strides = array<i32>} : memref<64x16xf32, #tpu.memory_space<vmem>>, vector<1x16xf32>,
    %swap3A_564 = vector.shape_cast %swap3A_563 : vector<1x16xf32> to vector<16xf32>
    %swap3A_565 = vector.shape_cast %broadcast_in_dim3A_8 : vector<16xf32> to vector<1x16xf32>
    tpu.vector_store %arg12[%swap3A_561, %swap3A_562], %swap3A_565 {strides = array<i32>} : memref<64x16xf32, #tpu.memory_space<vmem>>, vector<1x16xf32>,
    %swap3A_566 = arith.constant 46 : i32
    %swap3A_567 = arith.index_cast %swap3A_566 : i32 to index
    %swap3A_568 = arith.constant 0 : index
    %swap3A_569 = tpu.vector_load %arg13[%swap3A_567, %swap3A_568] {strides = array<i32>} : memref<64x16xf32, #tpu.memory_space<vmem>>, vector<1x16xf32>,
    %swap3A_570 = vector.shape_cast %swap3A_569 : vector<1x16xf32> to vector<16xf32>
    %swap3A_571 = vector.shape_cast %broadcast_in_dim3A_1 : vector<16xf32> to vector<1x16xf32>
    tpu.vector_store %arg13[%swap3A_567, %swap3A_568], %swap3A_571 {strides = array<i32>} : memref<64x16xf32, #tpu.memory_space<vmem>>, vector<1x16xf32>,
    %swap3A_572 = arith.constant 47 : i32
    %swap3A_573 = arith.index_cast %swap3A_572 : i32 to index
    %swap3A_574 = arith.constant 0 : index
    %swap3A_575 = tpu.vector_load %arg12[%swap3A_573, %swap3A_574] {strides = array<i32>} : memref<64x16xf32, #tpu.memory_space<vmem>>, vector<1x16xf32>,
    %swap3A_576 = vector.shape_cast %swap3A_575 : vector<1x16xf32> to vector<16xf32>
    %swap3A_577 = vector.shape_cast %broadcast_in_dim3A_8 : vector<16xf32> to vector<1x16xf32>
    tpu.vector_store %arg12[%swap3A_573, %swap3A_574], %swap3A_577 {strides = array<i32>} : memref<64x16xf32, #tpu.memory_space<vmem>>, vector<1x16xf32>,
    %swap3A_578 = arith.constant 47 : i32
    %swap3A_579 = arith.index_cast %swap3A_578 : i32 to index
    %swap3A_580 = arith.constant 0 : index
    %swap3A_581 = tpu.vector_load %arg13[%swap3A_579, %swap3A_580] {strides = array<i32>} : memref<64x16xf32, #tpu.memory_space<vmem>>, vector<1x16xf32>,
    %swap3A_582 = vector.shape_cast %swap3A_581 : vector<1x16xf32> to vector<16xf32>
    %swap3A_583 = vector.shape_cast %broadcast_in_dim3A_1 : vector<16xf32> to vector<1x16xf32>
    tpu.vector_store %arg13[%swap3A_579, %swap3A_580], %swap3A_583 {strides = array<i32>} : memref<64x16xf32, #tpu.memory_space<vmem>>, vector<1x16xf32>,
    %swap3A_584 = arith.constant 48 : i32
    %swap3A_585 = arith.index_cast %swap3A_584 : i32 to index
    %swap3A_586 = arith.constant 0 : index
    %swap3A_587 = tpu.vector_load %arg12[%swap3A_585, %swap3A_586] {strides = array<i32>} : memref<64x16xf32, #tpu.memory_space<vmem>>, vector<1x16xf32>,
    %swap3A_588 = vector.shape_cast %swap3A_587 : vector<1x16xf32> to vector<16xf32>
    %swap3A_589 = vector.shape_cast %broadcast_in_dim3A_8 : vector<16xf32> to vector<1x16xf32>
    tpu.vector_store %arg12[%swap3A_585, %swap3A_586], %swap3A_589 {strides = array<i32>} : memref<64x16xf32, #tpu.memory_space<vmem>>, vector<1x16xf32>,
    %swap3A_590 = arith.constant 48 : i32
    %swap3A_591 = arith.index_cast %swap3A_590 : i32 to index
    %swap3A_592 = arith.constant 0 : index
    %swap3A_593 = tpu.vector_load %arg13[%swap3A_591, %swap3A_592] {strides = array<i32>} : memref<64x16xf32, #tpu.memory_space<vmem>>, vector<1x16xf32>,
    %swap3A_594 = vector.shape_cast %swap3A_593 : vector<1x16xf32> to vector<16xf32>
    %swap3A_595 = vector.shape_cast %broadcast_in_dim3A_1 : vector<16xf32> to vector<1x16xf32>
    tpu.vector_store %arg13[%swap3A_591, %swap3A_592], %swap3A_595 {strides = array<i32>} : memref<64x16xf32, #tpu.memory_space<vmem>>, vector<1x16xf32>,
    %swap3A_596 = arith.constant 49 : i32
    %swap3A_597 = arith.index_cast %swap3A_596 : i32 to index
    %swap3A_598 = arith.constant 0 : index
    %swap3A_599 = tpu.vector_load %arg12[%swap3A_597, %swap3A_598] {strides = array<i32>} : memref<64x16xf32, #tpu.memory_space<vmem>>, vector<1x16xf32>,
    %swap3A_600 = vector.shape_cast %swap3A_599 : vector<1x16xf32> to vector<16xf32>
    %swap3A_601 = vector.shape_cast %broadcast_in_dim3A_8 : vector<16xf32> to vector<1x16xf32>
    tpu.vector_store %arg12[%swap3A_597, %swap3A_598], %swap3A_601 {strides = array<i32>} : memref<64x16xf32, #tpu.memory_space<vmem>>, vector<1x16xf32>,
    %swap3A_602 = arith.constant 49 : i32
    %swap3A_603 = arith.index_cast %swap3A_602 : i32 to index
    %swap3A_604 = arith.constant 0 : index
    %swap3A_605 = tpu.vector_load %arg13[%swap3A_603, %swap3A_604] {strides = array<i32>} : memref<64x16xf32, #tpu.memory_space<vmem>>, vector<1x16xf32>,
    %swap3A_606 = vector.shape_cast %swap3A_605 : vector<1x16xf32> to vector<16xf32>
    %swap3A_607 = vector.shape_cast %broadcast_in_dim3A_1 : vector<16xf32> to vector<1x16xf32>
    tpu.vector_store %arg13[%swap3A_603, %swap3A_604], %swap3A_607 {strides = array<i32>} : memref<64x16xf32, #tpu.memory_space<vmem>>, vector<1x16xf32>,
    %swap3A_608 = arith.constant 50 : i32
    %swap3A_609 = arith.index_cast %swap3A_608 : i32 to index
    %swap3A_610 = arith.constant 0 : index
    %swap3A_611 = tpu.vector_load %arg12[%swap3A_609, %swap3A_610] {strides = array<i32>} : memref<64x16xf32, #tpu.memory_space<vmem>>, vector<1x16xf32>,
    %swap3A_612 = vector.shape_cast %swap3A_611 : vector<1x16xf32> to vector<16xf32>
    %swap3A_613 = vector.shape_cast %broadcast_in_dim3A_8 : vector<16xf32> to vector<1x16xf32>
    tpu.vector_store %arg12[%swap3A_609, %swap3A_610], %swap3A_613 {strides = array<i32>} : memref<64x16xf32, #tpu.memory_space<vmem>>, vector<1x16xf32>,
    %swap3A_614 = arith.constant 50 : i32
    %swap3A_615 = arith.index_cast %swap3A_614 : i32 to index
    %swap3A_616 = arith.constant 0 : index
    %swap3A_617 = tpu.vector_load %arg13[%swap3A_615, %swap3A_616] {strides = array<i32>} : memref<64x16xf32, #tpu.memory_space<vmem>>, vector<1x16xf32>,
    %swap3A_618 = vector.shape_cast %swap3A_617 : vector<1x16xf32> to vector<16xf32>
    %swap3A_619 = vector.shape_cast %broadcast_in_dim3A_1 : vector<16xf32> to vector<1x16xf32>
    tpu.vector_store %arg13[%swap3A_615, %swap3A_616], %swap3A_619 {strides = array<i32>} : memref<64x16xf32, #tpu.memory_space<vmem>>, vector<1x16xf32>,
    %swap3A_620 = arith.constant 51 : i32
    %swap3A_621 = arith.index_cast %swap3A_620 : i32 to index
    %swap3A_622 = arith.constant 0 : index
    %swap3A_623 = tpu.vector_load %arg12[%swap3A_621, %swap3A_622] {strides = array<i32>} : memref<64x16xf32, #tpu.memory_space<vmem>>, vector<1x16xf32>,
    %swap3A_624 = vector.shape_cast %swap3A_623 : vector<1x16xf32> to vector<16xf32>
    %swap3A_625 = vector.shape_cast %broadcast_in_dim3A_8 : vector<16xf32> to vector<1x16xf32>
    tpu.vector_store %arg12[%swap3A_621, %swap3A_622], %swap3A_625 {strides = array<i32>} : memref<64x16xf32, #tpu.memory_space<vmem>>, vector<1x16xf32>,
    %swap3A_626 = arith.constant 51 : i32
    %swap3A_627 = arith.index_cast %swap3A_626 : i32 to index
    %swap3A_628 = arith.constant 0 : index
    %swap3A_629 = tpu.vector_load %arg13[%swap3A_627, %swap3A_628] {strides = array<i32>} : memref<64x16xf32, #tpu.memory_space<vmem>>, vector<1x16xf32>,
    %swap3A_630 = vector.shape_cast %swap3A_629 : vector<1x16xf32> to vector<16xf32>
    %swap3A_631 = vector.shape_cast %broadcast_in_dim3A_1 : vector<16xf32> to vector<1x16xf32>
    tpu.vector_store %arg13[%swap3A_627, %swap3A_628], %swap3A_631 {strides = array<i32>} : memref<64x16xf32, #tpu.memory_space<vmem>>, vector<1x16xf32>,
    %swap3A_632 = arith.constant 52 : i32
    %swap3A_633 = arith.index_cast %swap3A_632 : i32 to index
    %swap3A_634 = arith.constant 0 : index
    %swap3A_635 = tpu.vector_load %arg12[%swap3A_633, %swap3A_634] {strides = array<i32>} : memref<64x16xf32, #tpu.memory_space<vmem>>, vector<1x16xf32>,
    %swap3A_636 = vector.shape_cast %swap3A_635 : vector<1x16xf32> to vector<16xf32>
    %swap3A_637 = vector.shape_cast %broadcast_in_dim3A_8 : vector<16xf32> to vector<1x16xf32>
    tpu.vector_store %arg12[%swap3A_633, %swap3A_634], %swap3A_637 {strides = array<i32>} : memref<64x16xf32, #tpu.memory_space<vmem>>, vector<1x16xf32>,
    %swap3A_638 = arith.constant 52 : i32
    %swap3A_639 = arith.index_cast %swap3A_638 : i32 to index
    %swap3A_640 = arith.constant 0 : index
    %swap3A_641 = tpu.vector_load %arg13[%swap3A_639, %swap3A_640] {strides = array<i32>} : memref<64x16xf32, #tpu.memory_space<vmem>>, vector<1x16xf32>,
    %swap3A_642 = vector.shape_cast %swap3A_641 : vector<1x16xf32> to vector<16xf32>
    %swap3A_643 = vector.shape_cast %broadcast_in_dim3A_1 : vector<16xf32> to vector<1x16xf32>
    tpu.vector_store %arg13[%swap3A_639, %swap3A_640], %swap3A_643 {strides = array<i32>} : memref<64x16xf32, #tpu.memory_space<vmem>>, vector<1x16xf32>,
    %swap3A_644 = arith.constant 53 : i32
    %swap3A_645 = arith.index_cast %swap3A_644 : i32 to index
    %swap3A_646 = arith.constant 0 : index
    %swap3A_647 = tpu.vector_load %arg12[%swap3A_645, %swap3A_646] {strides = array<i32>} : memref<64x16xf32, #tpu.memory_space<vmem>>, vector<1x16xf32>,
    %swap3A_648 = vector.shape_cast %swap3A_647 : vector<1x16xf32> to vector<16xf32>
    %swap3A_649 = vector.shape_cast %broadcast_in_dim3A_8 : vector<16xf32> to vector<1x16xf32>
    tpu.vector_store %arg12[%swap3A_645, %swap3A_646], %swap3A_649 {strides = array<i32>} : memref<64x16xf32, #tpu.memory_space<vmem>>, vector<1x16xf32>,
    %swap3A_650 = arith.constant 53 : i32
    %swap3A_651 = arith.index_cast %swap3A_650 : i32 to index
    %swap3A_652 = arith.constant 0 : index
    %swap3A_653 = tpu.vector_load %arg13[%swap3A_651, %swap3A_652] {strides = array<i32>} : memref<64x16xf32, #tpu.memory_space<vmem>>, vector<1x16xf32>,
    %swap3A_654 = vector.shape_cast %swap3A_653 : vector<1x16xf32> to vector<16xf32>
    %swap3A_655 = vector.shape_cast %broadcast_in_dim3A_1 : vector<16xf32> to vector<1x16xf32>
    tpu.vector_store %arg13[%swap3A_651, %swap3A_652], %swap3A_655 {strides = array<i32>} : memref<64x16xf32, #tpu.memory_space<vmem>>, vector<1x16xf32>,
    %swap3A_656 = arith.constant 54 : i32
    %swap3A_657 = arith.index_cast %swap3A_656 : i32 to index
    %swap3A_658 = arith.constant 0 : index
    %swap3A_659 = tpu.vector_load %arg12[%swap3A_657, %swap3A_658] {strides = array<i32>} : memref<64x16xf32, #tpu.memory_space<vmem>>, vector<1x16xf32>,
    %swap3A_660 = vector.shape_cast %swap3A_659 : vector<1x16xf32> to vector<16xf32>
    %swap3A_661 = vector.shape_cast %broadcast_in_dim3A_8 : vector<16xf32> to vector<1x16xf32>
    tpu.vector_store %arg12[%swap3A_657, %swap3A_658], %swap3A_661 {strides = array<i32>} : memref<64x16xf32, #tpu.memory_space<vmem>>, vector<1x16xf32>,
    %swap3A_662 = arith.constant 54 : i32
    %swap3A_663 = arith.index_cast %swap3A_662 : i32 to index
    %swap3A_664 = arith.constant 0 : index
    %swap3A_665 = tpu.vector_load %arg13[%swap3A_663, %swap3A_664] {strides = array<i32>} : memref<64x16xf32, #tpu.memory_space<vmem>>, vector<1x16xf32>,
    %swap3A_666 = vector.shape_cast %swap3A_665 : vector<1x16xf32> to vector<16xf32>
    %swap3A_667 = vector.shape_cast %broadcast_in_dim3A_1 : vector<16xf32> to vector<1x16xf32>
    tpu.vector_store %arg13[%swap3A_663, %swap3A_664], %swap3A_667 {strides = array<i32>} : memref<64x16xf32, #tpu.memory_space<vmem>>, vector<1x16xf32>,
    %swap3A_668 = arith.constant 55 : i32
    %swap3A_669 = arith.index_cast %swap3A_668 : i32 to index
    %swap3A_670 = arith.constant 0 : index
    %swap3A_671 = tpu.vector_load %arg12[%swap3A_669, %swap3A_670] {strides = array<i32>} : memref<64x16xf32, #tpu.memory_space<vmem>>, vector<1x16xf32>,
    %swap3A_672 = vector.shape_cast %swap3A_671 : vector<1x16xf32> to vector<16xf32>
    %swap3A_673 = vector.shape_cast %broadcast_in_dim3A_8 : vector<16xf32> to vector<1x16xf32>
    tpu.vector_store %arg12[%swap3A_669, %swap3A_670], %swap3A_673 {strides = array<i32>} : memref<64x16xf32, #tpu.memory_space<vmem>>, vector<1x16xf32>,
    %swap3A_674 = arith.constant 55 : i32
    %swap3A_675 = arith.index_cast %swap3A_674 : i32 to index
    %swap3A_676 = arith.constant 0 : index
    %swap3A_677 = tpu.vector_load %arg13[%swap3A_675, %swap3A_676] {strides = array<i32>} : memref<64x16xf32, #tpu.memory_space<vmem>>, vector<1x16xf32>,
    %swap3A_678 = vector.shape_cast %swap3A_677 : vector<1x16xf32> to vector<16xf32>
    %swap3A_679 = vector.shape_cast %broadcast_in_dim3A_1 : vector<16xf32> to vector<1x16xf32>
    tpu.vector_store %arg13[%swap3A_675, %swap3A_676], %swap3A_679 {strides = array<i32>} : memref<64x16xf32, #tpu.memory_space<vmem>>, vector<1x16xf32>,
    %swap3A_680 = arith.constant 56 : i32
    %swap3A_681 = arith.index_cast %swap3A_680 : i32 to index
    %swap3A_682 = arith.constant 0 : index
    %swap3A_683 = tpu.vector_load %arg12[%swap3A_681, %swap3A_682] {strides = array<i32>} : memref<64x16xf32, #tpu.memory_space<vmem>>, vector<1x16xf32>,
    %swap3A_684 = vector.shape_cast %swap3A_683 : vector<1x16xf32> to vector<16xf32>
    %swap3A_685 = vector.shape_cast %broadcast_in_dim3A_8 : vector<16xf32> to vector<1x16xf32>
    tpu.vector_store %arg12[%swap3A_681, %swap3A_682], %swap3A_685 {strides = array<i32>} : memref<64x16xf32, #tpu.memory_space<vmem>>, vector<1x16xf32>,
    %swap3A_686 = arith.constant 56 : i32
    %swap3A_687 = arith.index_cast %swap3A_686 : i32 to index
    %swap3A_688 = arith.constant 0 : index
    %swap3A_689 = tpu.vector_load %arg13[%swap3A_687, %swap3A_688] {strides = array<i32>} : memref<64x16xf32, #tpu.memory_space<vmem>>, vector<1x16xf32>,
    %swap3A_690 = vector.shape_cast %swap3A_689 : vector<1x16xf32> to vector<16xf32>
    %swap3A_691 = vector.shape_cast %broadcast_in_dim3A_1 : vector<16xf32> to vector<1x16xf32>
    tpu.vector_store %arg13[%swap3A_687, %swap3A_688], %swap3A_691 {strides = array<i32>} : memref<64x16xf32, #tpu.memory_space<vmem>>, vector<1x16xf32>,
    %swap3A_692 = arith.constant 57 : i32
    %swap3A_693 = arith.index_cast %swap3A_692 : i32 to index
    %swap3A_694 = arith.constant 0 : index
    %swap3A_695 = tpu.vector_load %arg12[%swap3A_693, %swap3A_694] {strides = array<i32>} : memref<64x16xf32, #tpu.memory_space<vmem>>, vector<1x16xf32>,
    %swap3A_696 = vector.shape_cast %swap3A_695 : vector<1x16xf32> to vector<16xf32>
    %swap3A_697 = vector.shape_cast %broadcast_in_dim3A_8 : vector<16xf32> to vector<1x16xf32>
    tpu.vector_store %arg12[%swap3A_693, %swap3A_694], %swap3A_697 {strides = array<i32>} : memref<64x16xf32, #tpu.memory_space<vmem>>, vector<1x16xf32>,
    %swap3A_698 = arith.constant 57 : i32
    %swap3A_699 = arith.index_cast %swap3A_698 : i32 to index
    %swap3A_700 = arith.constant 0 : index
    %swap3A_701 = tpu.vector_load %arg13[%swap3A_699, %swap3A_700] {strides = array<i32>} : memref<64x16xf32, #tpu.memory_space<vmem>>, vector<1x16xf32>,
    %swap3A_702 = vector.shape_cast %swap3A_701 : vector<1x16xf32> to vector<16xf32>
    %swap3A_703 = vector.shape_cast %broadcast_in_dim3A_1 : vector<16xf32> to vector<1x16xf32>
    tpu.vector_store %arg13[%swap3A_699, %swap3A_700], %swap3A_703 {strides = array<i32>} : memref<64x16xf32, #tpu.memory_space<vmem>>, vector<1x16xf32>,
    %swap3A_704 = arith.constant 58 : i32
    %swap3A_705 = arith.index_cast %swap3A_704 : i32 to index
    %swap3A_706 = arith.constant 0 : index
    %swap3A_707 = tpu.vector_load %arg12[%swap3A_705, %swap3A_706] {strides = array<i32>} : memref<64x16xf32, #tpu.memory_space<vmem>>, vector<1x16xf32>,
    %swap3A_708 = vector.shape_cast %swap3A_707 : vector<1x16xf32> to vector<16xf32>
    %swap3A_709 = vector.shape_cast %broadcast_in_dim3A_8 : vector<16xf32> to vector<1x16xf32>
    tpu.vector_store %arg12[%swap3A_705, %swap3A_706], %swap3A_709 {strides = array<i32>} : memref<64x16xf32, #tpu.memory_space<vmem>>, vector<1x16xf32>,
    %swap3A_710 = arith.constant 58 : i32
    %swap3A_711 = arith.index_cast %swap3A_710 : i32 to index
    %swap3A_712 = arith.constant 0 : index
    %swap3A_713 = tpu.vector_load %arg13[%swap3A_711, %swap3A_712] {strides = array<i32>} : memref<64x16xf32, #tpu.memory_space<vmem>>, vector<1x16xf32>,
    %swap3A_714 = vector.shape_cast %swap3A_713 : vector<1x16xf32> to vector<16xf32>
    %swap3A_715 = vector.shape_cast %broadcast_in_dim3A_1 : vector<16xf32> to vector<1x16xf32>
    tpu.vector_store %arg13[%swap3A_711, %swap3A_712], %swap3A_715 {strides = array<i32>} : memref<64x16xf32, #tpu.memory_space<vmem>>, vector<1x16xf32>,
    %swap3A_716 = arith.constant 59 : i32
    %swap3A_717 = arith.index_cast %swap3A_716 : i32 to index
    %swap3A_718 = arith.constant 0 : index
    %swap3A_719 = tpu.vector_load %arg12[%swap3A_717, %swap3A_718] {strides = array<i32>} : memref<64x16xf32, #tpu.memory_space<vmem>>, vector<1x16xf32>,
    %swap3A_720 = vector.shape_cast %swap3A_719 : vector<1x16xf32> to vector<16xf32>
    %swap3A_721 = vector.shape_cast %broadcast_in_dim3A_8 : vector<16xf32> to vector<1x16xf32>
    tpu.vector_store %arg12[%swap3A_717, %swap3A_718], %swap3A_721 {strides = array<i32>} : memref<64x16xf32, #tpu.memory_space<vmem>>, vector<1x16xf32>,
    %swap3A_722 = arith.constant 59 : i32
    %swap3A_723 = arith.index_cast %swap3A_722 : i32 to index
    %swap3A_724 = arith.constant 0 : index
    %swap3A_725 = tpu.vector_load %arg13[%swap3A_723, %swap3A_724] {strides = array<i32>} : memref<64x16xf32, #tpu.memory_space<vmem>>, vector<1x16xf32>,
    %swap3A_726 = vector.shape_cast %swap3A_725 : vector<1x16xf32> to vector<16xf32>
    %swap3A_727 = vector.shape_cast %broadcast_in_dim3A_1 : vector<16xf32> to vector<1x16xf32>
    tpu.vector_store %arg13[%swap3A_723, %swap3A_724], %swap3A_727 {strides = array<i32>} : memref<64x16xf32, #tpu.memory_space<vmem>>, vector<1x16xf32>,
    %swap3A_728 = arith.constant 60 : i32
    %swap3A_729 = arith.index_cast %swap3A_728 : i32 to index
    %swap3A_730 = arith.constant 0 : index
    %swap3A_731 = tpu.vector_load %arg12[%swap3A_729, %swap3A_730] {strides = array<i32>} : memref<64x16xf32, #tpu.memory_space<vmem>>, vector<1x16xf32>,
    %swap3A_732 = vector.shape_cast %swap3A_731 : vector<1x16xf32> to vector<16xf32>
    %swap3A_733 = vector.shape_cast %broadcast_in_dim3A_8 : vector<16xf32> to vector<1x16xf32>
    tpu.vector_store %arg12[%swap3A_729, %swap3A_730], %swap3A_733 {strides = array<i32>} : memref<64x16xf32, #tpu.memory_space<vmem>>, vector<1x16xf32>,
    %swap3A_734 = arith.constant 60 : i32
    %swap3A_735 = arith.index_cast %swap3A_734 : i32 to index
    %swap3A_736 = arith.constant 0 : index
    %swap3A_737 = tpu.vector_load %arg13[%swap3A_735, %swap3A_736] {strides = array<i32>} : memref<64x16xf32, #tpu.memory_space<vmem>>, vector<1x16xf32>,
    %swap3A_738 = vector.shape_cast %swap3A_737 : vector<1x16xf32> to vector<16xf32>
    %swap3A_739 = vector.shape_cast %broadcast_in_dim3A_1 : vector<16xf32> to vector<1x16xf32>
    tpu.vector_store %arg13[%swap3A_735, %swap3A_736], %swap3A_739 {strides = array<i32>} : memref<64x16xf32, #tpu.memory_space<vmem>>, vector<1x16xf32>,
    %swap3A_740 = arith.constant 61 : i32
    %swap3A_741 = arith.index_cast %swap3A_740 : i32 to index
    %swap3A_742 = arith.constant 0 : index
    %swap3A_743 = tpu.vector_load %arg12[%swap3A_741, %swap3A_742] {strides = array<i32>} : memref<64x16xf32, #tpu.memory_space<vmem>>, vector<1x16xf32>,
    %swap3A_744 = vector.shape_cast %swap3A_743 : vector<1x16xf32> to vector<16xf32>
    %swap3A_745 = vector.shape_cast %broadcast_in_dim3A_8 : vector<16xf32> to vector<1x16xf32>
    tpu.vector_store %arg12[%swap3A_741, %swap3A_742], %swap3A_745 {strides = array<i32>} : memref<64x16xf32, #tpu.memory_space<vmem>>, vector<1x16xf32>,
    %swap3A_746 = arith.constant 61 : i32
    %swap3A_747 = arith.index_cast %swap3A_746 : i32 to index
    %swap3A_748 = arith.constant 0 : index
    %swap3A_749 = tpu.vector_load %arg13[%swap3A_747, %swap3A_748] {strides = array<i32>} : memref<64x16xf32, #tpu.memory_space<vmem>>, vector<1x16xf32>,
    %swap3A_750 = vector.shape_cast %swap3A_749 : vector<1x16xf32> to vector<16xf32>
    %swap3A_751 = vector.shape_cast %broadcast_in_dim3A_1 : vector<16xf32> to vector<1x16xf32>
    tpu.vector_store %arg13[%swap3A_747, %swap3A_748], %swap3A_751 {strides = array<i32>} : memref<64x16xf32, #tpu.memory_space<vmem>>, vector<1x16xf32>,
    %swap3A_752 = arith.constant 62 : i32
    %swap3A_753 = arith.index_cast %swap3A_752 : i32 to index
    %swap3A_754 = arith.constant 0 : index
    %swap3A_755 = tpu.vector_load %arg12[%swap3A_753, %swap3A_754] {strides = array<i32>} : memref<64x16xf32, #tpu.memory_space<vmem>>, vector<1x16xf32>,
    %swap3A_756 = vector.shape_cast %swap3A_755 : vector<1x16xf32> to vector<16xf32>
    %swap3A_757 = vector.shape_cast %broadcast_in_dim3A_8 : vector<16xf32> to vector<1x16xf32>
    tpu.vector_store %arg12[%swap3A_753, %swap3A_754], %swap3A_757 {strides = array<i32>} : memref<64x16xf32, #tpu.memory_space<vmem>>, vector<1x16xf32>,
    %swap3A_758 = arith.constant 62 : i32
    %swap3A_759 = arith.index_cast %swap3A_758 : i32 to index
    %swap3A_760 = arith.constant 0 : index
    %swap3A_761 = tpu.vector_load %arg13[%swap3A_759, %swap3A_760] {strides = array<i32>} : memref<64x16xf32, #tpu.memory_space<vmem>>, vector<1x16xf32>,
    %swap3A_762 = vector.shape_cast %swap3A_761 : vector<1x16xf32> to vector<16xf32>
    %swap3A_763 = vector.shape_cast %broadcast_in_dim3A_1 : vector<16xf32> to vector<1x16xf32>
    tpu.vector_store %arg13[%swap3A_759, %swap3A_760], %swap3A_763 {strides = array<i32>} : memref<64x16xf32, #tpu.memory_space<vmem>>, vector<1x16xf32>,
    %swap3A_764 = arith.constant 63 : i32
    %swap3A_765 = arith.index_cast %swap3A_764 : i32 to index
    %swap3A_766 = arith.constant 0 : index
    %swap3A_767 = tpu.vector_load %arg12[%swap3A_765, %swap3A_766] {strides = array<i32>} : memref<64x16xf32, #tpu.memory_space<vmem>>, vector<1x16xf32>,
    %swap3A_768 = vector.shape_cast %swap3A_767 : vector<1x16xf32> to vector<16xf32>
    %swap3A_769 = vector.shape_cast %broadcast_in_dim3A_8 : vector<16xf32> to vector<1x16xf32>
    tpu.vector_store %arg12[%swap3A_765, %swap3A_766], %swap3A_769 {strides = array<i32>} : memref<64x16xf32, #tpu.memory_space<vmem>>, vector<1x16xf32>,
    %swap3A_770 = arith.constant 63 : i32
    %swap3A_771 = arith.index_cast %swap3A_770 : i32 to index
    %swap3A_772 = arith.constant 0 : index
    %swap3A_773 = tpu.vector_load %arg13[%swap3A_771, %swap3A_772] {strides = array<i32>} : memref<64x16xf32, #tpu.memory_space<vmem>>, vector<1x16xf32>,
    %swap3A_774 = vector.shape_cast %swap3A_773 : vector<1x16xf32> to vector<16xf32>
    %swap3A_775 = vector.shape_cast %broadcast_in_dim3A_1 : vector<16xf32> to vector<1x16xf32>
    tpu.vector_store %arg13[%swap3A_771, %swap3A_772], %swap3A_775 {strides = array<i32>} : memref<64x16xf32, #tpu.memory_space<vmem>>, vector<1x16xf32>,
    %iota3A = tpu.iota {dimensions = array<i32: 0>} : vector<16xi32>
    %scan3A_776 = arith.constant 0 : i32
    %scan3A_777 = arith.constant 0 : i32
    %scan3A_778 = arith.constant 10 : i32
    %scan3A_779 = arith.addi %scan3A_777, %scan3A_778 : i32
    %scan3A_780 = arith.constant 1 : i32
    scf.for %scan3A_801 = %scan3A_777 to %scan3A_779 step %scan3A_780  : i32 {
      %mul3A_802 = arith.constant 640 : i32
      %mul3A_803 = arith.muli %arg1, %mul3A_802 : i32
      %mul3A_804 = arith.constant 64 : i32
      %mul3A_805 = arith.muli %scan3A_801, %mul3A_804 : i32
      %add3A_806 = arith.addi %mul3A_803, %mul3A_805 : i32
      %add3A_807 = arith.constant 0 : i32
      %add3A_808 = arith.addi %add3A_806, %add3A_807 : i32
      %add3A_809 = vector.broadcast %add3A_808 : i32 to vector<16xi32>
      %add3A_810 = arith.addi %iota3A, %add3A_809 : vector<16xi32>
      %swap3A_811 = arith.constant 0 : index
      %swap3A_812 = tpu.vector_load %arg11[%swap3A_811] {strides = array<i32>} : memref<64xi32, #tpu.memory_space<vmem>>, vector<16xi32>,
      %swap3A_813 = vector.shape_cast %swap3A_812 : vector<16xi32> to vector<16xi32>
      %swap3A_814 = vector.shape_cast %add3A_810 : vector<16xi32> to vector<16xi32>
      tpu.vector_store %arg11[%swap3A_811], %swap3A_814 {strides = array<i32>} : memref<64xi32, #tpu.memory_space<vmem>>, vector<16xi32>,
      %add3A_815 = arith.constant 16 : i32
      %add3A_816 = arith.addi %add3A_806, %add3A_815 : i32
      %add3A_817 = vector.broadcast %add3A_816 : i32 to vector<16xi32>
      %add3A_818 = arith.addi %iota3A, %add3A_817 : vector<16xi32>
      %swap3A_819 = arith.constant 16 : index
      %swap3A_820 = tpu.vector_load %arg11[%swap3A_819] {strides = array<i32>} : memref<64xi32, #tpu.memory_space<vmem>>, vector<16xi32>,
      %swap3A_821 = vector.shape_cast %swap3A_820 : vector<16xi32> to vector<16xi32>
      %swap3A_822 = vector.shape_cast %add3A_818 : vector<16xi32> to vector<16xi32>
      tpu.vector_store %arg11[%swap3A_819], %swap3A_822 {strides = array<i32>} : memref<64xi32, #tpu.memory_space<vmem>>, vector<16xi32>,
      %add3A_823 = arith.constant 32 : i32
      %add3A_824 = arith.addi %add3A_806, %add3A_823 : i32
      %add3A_825 = vector.broadcast %add3A_824 : i32 to vector<16xi32>
      %add3A_826 = arith.addi %iota3A, %add3A_825 : vector<16xi32>
      %swap3A_827 = arith.constant 32 : index
      %swap3A_828 = tpu.vector_load %arg11[%swap3A_827] {strides = array<i32>} : memref<64xi32, #tpu.memory_space<vmem>>, vector<16xi32>,
      %swap3A_829 = vector.shape_cast %swap3A_828 : vector<16xi32> to vector<16xi32>
      %swap3A_830 = vector.shape_cast %add3A_826 : vector<16xi32> to vector<16xi32>
      tpu.vector_store %arg11[%swap3A_827], %swap3A_830 {strides = array<i32>} : memref<64xi32, #tpu.memory_space<vmem>>, vector<16xi32>,
      %add3A_831 = arith.constant 48 : i32
      %add3A_832 = arith.addi %add3A_806, %add3A_831 : i32
      %add3A_833 = vector.broadcast %add3A_832 : i32 to vector<16xi32>
      %add3A_834 = arith.addi %iota3A, %add3A_833 : vector<16xi32>
      %swap3A_835 = arith.constant 48 : index
      %swap3A_836 = tpu.vector_load %arg11[%swap3A_835] {strides = array<i32>} : memref<64xi32, #tpu.memory_space<vmem>>, vector<16xi32>,
      %swap3A_837 = vector.shape_cast %swap3A_836 : vector<16xi32> to vector<16xi32>
      %swap3A_838 = vector.shape_cast %add3A_834 : vector<16xi32> to vector<16xi32>
      tpu.vector_store %arg11[%swap3A_835], %swap3A_838 {strides = array<i32>} : memref<64xi32, #tpu.memory_space<vmem>>, vector<16xi32>,
      "tpu.region"() ({
        %run_scoped3A = tpu.sem_alloc : memref<!tpu.dma_semaphore, #tpu.memory_space<semaphore_mem>>
        %dma_start3A_839 = arith.constant 0 : i32
        %dma_start3A_840 = arith.constant 0 : i32
        %dma_start3A_841 = tpu.memref_slice %arg14[%dma_start3A_839, %dma_start3A_840] : memref<10240x128xf32, #tpu.memory_space<vmem_shared>> -> memref<10240x128xf32, #tpu.memory_space<vmem_shared>>
        tpu.enqueue_indirect_dma source(%arg9 : memref<64x128xf32, #tpu.memory_space<vmem>>) target(%dma_start3A_841 : memref<10240x128xf32, #tpu.memory_space<vmem_shared>>) offsets(%arg11 : memref<64xi32, #tpu.memory_space<vmem>>) semaphore(%run_scoped3A : memref<!tpu.dma_semaphore, #tpu.memory_space<semaphore_mem>>)
        %dma_wait3A = arith.constant 0 : i32
        %dma_wait3A_842 = arith.constant 0 : i32
        %dma_wait3A_843 = tpu.memref_slice %arg14[%dma_wait3A, %dma_wait3A_842] : memref<10240x128xf32, #tpu.memory_space<vmem_shared>> -> memref<10240x128xf32, #tpu.memory_space<vmem_shared>>
        tpu.wait_indirect_dma semaphore(%run_scoped3A : memref<!tpu.dma_semaphore, #tpu.memory_space<semaphore_mem>>) src(%arg9 : memref<64x128xf32, #tpu.memory_space<vmem>>) dst(%dma_wait3A_843 : memref<10240x128xf32, #tpu.memory_space<vmem_shared>>)
        tpu.yield
      }) : () -> ()
      "tpu.region"() ({
        %run_scoped3A = tpu.sem_alloc : memref<!tpu.dma_semaphore, #tpu.memory_space<semaphore_mem>>
        %dma_start3A_839 = arith.constant 0 : i32
        %dma_start3A_840 = arith.constant 0 : i32
        %dma_start3A_841 = tpu.memref_slice %arg15[%dma_start3A_839, %dma_start3A_840] : memref<10240x16xf32, #tpu.memory_space<vmem_shared>> -> memref<10240x16xf32, #tpu.memory_space<vmem_shared>>
        tpu.enqueue_indirect_dma source(%arg13 : memref<64x16xf32, #tpu.memory_space<vmem>>) target(%dma_start3A_841 : memref<10240x16xf32, #tpu.memory_space<vmem_shared>>) offsets(%arg11 : memref<64xi32, #tpu.memory_space<vmem>>) semaphore(%run_scoped3A : memref<!tpu.dma_semaphore, #tpu.memory_space<semaphore_mem>>)
        %dma_wait3A = arith.constant 0 : i32
        %dma_wait3A_842 = arith.constant 0 : i32
        %dma_wait3A_843 = tpu.memref_slice %arg15[%dma_wait3A, %dma_wait3A_842] : memref<10240x16xf32, #tpu.memory_space<vmem_shared>> -> memref<10240x16xf32, #tpu.memory_space<vmem_shared>>
        tpu.wait_indirect_dma semaphore(%run_scoped3A : memref<!tpu.dma_semaphore, #tpu.memory_space<semaphore_mem>>) src(%arg13 : memref<64x16xf32, #tpu.memory_space<vmem>>) dst(%dma_wait3A_843 : memref<10240x16xf32, #tpu.memory_space<vmem_shared>>)
        tpu.yield
      }) : () -> ()
    }
    %scan3A_781 = arith.constant 10 : i32
    %barrier3A = arith.constant 0 : index
    tpu.barrier barrier_id(%barrier3A)
    "tpu.region"() ({
      %run_scoped3A = tpu.sem_alloc : memref<!tpu.dma_semaphore, #tpu.memory_space<semaphore_mem>>
      %dma_start3A_801 = arith.constant 0 : i32
      %dma_start3A_802 = arith.constant 0 : i32
      %dma_start3A_803 = tpu.memref_slice %arg3[%add3A, %dma_start3A_801, %dma_start3A_802] : memref<32x160x64xi32, #tpu.memory_space<hbm>> -> memref<1x8x64xi32, #tpu.memory_space<hbm>>
      %dma_start3A_804 = tpu.memref_squeeze %dma_start3A_803 : memref<1x8x64xi32, #tpu.memory_space<hbm>> -> memref<8x64xi32, #tpu.memory_space<hbm>>
      %dma_start3A_805 = arith.constant 0 : i32
      %dma_start3A_806 = arith.constant 0 : i32
      %dma_start3A_807 = tpu.memref_slice %arg3[%add3A, %dma_start3A_805, %dma_start3A_806] : memref<32x160x64xi32, #tpu.memory_space<hbm>> -> memref<1x8x64xi32, #tpu.memory_space<hbm>>
      %dma_start3A_808 = tpu.memref_squeeze %dma_start3A_807 : memref<1x8x64xi32, #tpu.memory_space<hbm>> -> memref<8x64xi32, #tpu.memory_space<hbm>>
      tpu.enqueue_dma source(%dma_start3A_808 : memref<8x64xi32, #tpu.memory_space<hbm>>) target(%arg7 : memref<8x64xi32, #tpu.memory_space<vmem>>) target_semaphore(%run_scoped3A : memref<!tpu.dma_semaphore, #tpu.memory_space<semaphore_mem>>)
      %dma_wait3A = arith.constant 0 : i32
      %dma_wait3A_809 = arith.constant 0 : i32
      %dma_wait3A_810 = tpu.memref_slice %arg3[%add3A, %dma_wait3A, %dma_wait3A_809] : memref<32x160x64xi32, #tpu.memory_space<hbm>> -> memref<1x8x64xi32, #tpu.memory_space<hbm>>
      %dma_wait3A_811 = tpu.memref_squeeze %dma_wait3A_810 : memref<1x8x64xi32, #tpu.memory_space<hbm>> -> memref<8x64xi32, #tpu.memory_space<hbm>>
      %dma_wait3A_812 = arith.constant 0 : i32
      %dma_wait3A_813 = arith.constant 0 : i32
      %dma_wait3A_814 = tpu.memref_slice %arg3[%add3A, %dma_wait3A_812, %dma_wait3A_813] : memref<32x160x64xi32, #tpu.memory_space<hbm>> -> memref<1x8x64xi32, #tpu.memory_space<hbm>>
      %dma_wait3A_815 = tpu.memref_squeeze %dma_wait3A_814 : memref<1x8x64xi32, #tpu.memory_space<hbm>> -> memref<8x64xi32, #tpu.memory_space<hbm>>
      tpu.wait_dma2 semaphore(%run_scoped3A : memref<!tpu.dma_semaphore, #tpu.memory_space<semaphore_mem>>) src(%dma_wait3A_815 : memref<8x64xi32, #tpu.memory_space<hbm>>) dst(%arg7 : memref<8x64xi32, #tpu.memory_space<vmem>>)
      tpu.yield
    }) : () -> ()
    "tpu.region"() ({
      %run_scoped3A = tpu.sem_alloc : memref<!tpu.dma_semaphore, #tpu.memory_space<semaphore_mem>>
      %dma_start3A_801 = arith.constant 0 : i32
      %dma_start3A_802 = arith.constant 0 : i32
      %dma_start3A_803 = tpu.memref_slice %arg4[%add3A, %dma_start3A_801, %dma_start3A_802] : memref<32x160x64xi32, #tpu.memory_space<hbm>> -> memref<1x8x64xi32, #tpu.memory_space<hbm>>
      %dma_start3A_804 = tpu.memref_squeeze %dma_start3A_803 : memref<1x8x64xi32, #tpu.memory_space<hbm>> -> memref<8x64xi32, #tpu.memory_space<hbm>>
      %dma_start3A_805 = arith.constant 0 : i32
      %dma_start3A_806 = arith.constant 0 : i32
      %dma_start3A_807 = tpu.memref_slice %arg4[%add3A, %dma_start3A_805, %dma_start3A_806] : memref<32x160x64xi32, #tpu.memory_space<hbm>> -> memref<1x8x64xi32, #tpu.memory_space<hbm>>
      %dma_start3A_808 = tpu.memref_squeeze %dma_start3A_807 : memref<1x8x64xi32, #tpu.memory_space<hbm>> -> memref<8x64xi32, #tpu.memory_space<hbm>>
      tpu.enqueue_dma source(%dma_start3A_808 : memref<8x64xi32, #tpu.memory_space<hbm>>) target(%arg8 : memref<8x64xi32, #tpu.memory_space<vmem>>) target_semaphore(%run_scoped3A : memref<!tpu.dma_semaphore, #tpu.memory_space<semaphore_mem>>)
      %dma_wait3A = arith.constant 0 : i32
      %dma_wait3A_809 = arith.constant 0 : i32
      %dma_wait3A_810 = tpu.memref_slice %arg4[%add3A, %dma_wait3A, %dma_wait3A_809] : memref<32x160x64xi32, #tpu.memory_space<hbm>> -> memref<1x8x64xi32, #tpu.memory_space<hbm>>
      %dma_wait3A_811 = tpu.memref_squeeze %dma_wait3A_810 : memref<1x8x64xi32, #tpu.memory_space<hbm>> -> memref<8x64xi32, #tpu.memory_space<hbm>>
      %dma_wait3A_812 = arith.constant 0 : i32
      %dma_wait3A_813 = arith.constant 0 : i32
      %dma_wait3A_814 = tpu.memref_slice %arg4[%add3A, %dma_wait3A_812, %dma_wait3A_813] : memref<32x160x64xi32, #tpu.memory_space<hbm>> -> memref<1x8x64xi32, #tpu.memory_space<hbm>>
      %dma_wait3A_815 = tpu.memref_squeeze %dma_wait3A_814 : memref<1x8x64xi32, #tpu.memory_space<hbm>> -> memref<8x64xi32, #tpu.memory_space<hbm>>
      tpu.wait_dma2 semaphore(%run_scoped3A : memref<!tpu.dma_semaphore, #tpu.memory_space<semaphore_mem>>) src(%dma_wait3A_815 : memref<8x64xi32, #tpu.memory_space<hbm>>) dst(%arg8 : memref<8x64xi32, #tpu.memory_space<vmem>>)
      tpu.yield
    }) : () -> ()
    %dma_start3A = arith.constant 0 : i32
    %dma_start3A_782 = arith.constant 0 : i32
    %dma_start3A_783 = tpu.memref_slice %arg7[%dma_start3A, %dma_start3A_782] : memref<8x64xi32, #tpu.memory_space<vmem>> -> memref<1x64xi32, #tpu.memory_space<vmem>>
    %dma_start3A_784 = tpu.memref_squeeze %dma_start3A_783 : memref<1x64xi32, #tpu.memory_space<vmem>> -> memref<64xi32, #tpu.memory_space<vmem>>
    %dma_start3A_785 = arith.constant 0 : i32
    %dma_start3A_786 = arith.constant 0 : i32
    %dma_start3A_787 = tpu.memref_slice %arg2[%dma_start3A_785, %dma_start3A_786] : memref<10000x128xf32, #tpu.memory_space<hbm>> -> memref<10000x128xf32, #tpu.memory_space<hbm>>
    tpu.enqueue_indirect_dma source(%dma_start3A_787 : memref<10000x128xf32, #tpu.memory_space<hbm>>) target(%arg9 : memref<64x128xf32, #tpu.memory_space<vmem>>) offsets(%dma_start3A_784 : memref<64xi32, #tpu.memory_space<vmem>>) semaphore(%arg16 : memref<!tpu.dma_semaphore, #tpu.memory_space<semaphore_mem>>)
    %scan3A_788 = arith.constant 0 : i32
    %scan3A_789 = arith.constant 0 : i32
    %scan3A_790 = arith.constant 20 : i32
    %scan3A_791 = arith.addi %scan3A_789, %scan3A_790 : i32
    %scan3A_792 = arith.constant 1 : i32
    scf.for %scan3A_801 = %scan3A_789 to %scan3A_791 step %scan3A_792  : i32 {
      %dma_start3A_802 = arith.constant 1 : i32
      %dma_start3A_803 = arith.constant 0 : i32
      %dma_start3A_804 = tpu.memref_slice %arg7[%dma_start3A_802, %dma_start3A_803] : memref<8x64xi32, #tpu.memory_space<vmem>> -> memref<1x64xi32, #tpu.memory_space<vmem>>
      %dma_start3A_805 = tpu.memref_squeeze %dma_start3A_804 : memref<1x64xi32, #tpu.memory_space<vmem>> -> memref<64xi32, #tpu.memory_space<vmem>>
      %dma_start3A_806 = arith.constant 0 : i32
      %dma_start3A_807 = arith.constant 0 : i32
      %dma_start3A_808 = tpu.memref_slice %arg2[%dma_start3A_806, %dma_start3A_807] : memref<10000x128xf32, #tpu.memory_space<hbm>> -> memref<10000x128xf32, #tpu.memory_space<hbm>>
      tpu.enqueue_indirect_dma source(%dma_start3A_808 : memref<10000x128xf32, #tpu.memory_space<hbm>>) target(%arg10 : memref<64x128xf32, #tpu.memory_space<vmem>>) offsets(%dma_start3A_805 : memref<64xi32, #tpu.memory_space<vmem>>) semaphore(%arg17 : memref<!tpu.dma_semaphore, #tpu.memory_space<semaphore_mem>>)
      %dma_wait3A = arith.constant 0 : i32
      %dma_wait3A_809 = arith.constant 0 : i32
      %dma_wait3A_810 = tpu.memref_slice %arg7[%dma_wait3A, %dma_wait3A_809] : memref<8x64xi32, #tpu.memory_space<vmem>> -> memref<1x64xi32, #tpu.memory_space<vmem>>
      %dma_wait3A_811 = tpu.memref_squeeze %dma_wait3A_810 : memref<1x64xi32, #tpu.memory_space<vmem>> -> memref<64xi32, #tpu.memory_space<vmem>>
      %dma_wait3A_812 = arith.constant 0 : i32
      %dma_wait3A_813 = arith.constant 0 : i32
      %dma_wait3A_814 = tpu.memref_slice %arg2[%dma_wait3A_812, %dma_wait3A_813] : memref<10000x128xf32, #tpu.memory_space<hbm>> -> memref<10000x128xf32, #tpu.memory_space<hbm>>
      tpu.wait_indirect_dma semaphore(%arg16 : memref<!tpu.dma_semaphore, #tpu.memory_space<semaphore_mem>>) src(%dma_wait3A_814 : memref<10000x128xf32, #tpu.memory_space<hbm>>) dst(%arg9 : memref<64x128xf32, #tpu.memory_space<vmem>>)
      %dma_start3A_815 = arith.constant 0 : i32
      %dma_start3A_816 = arith.constant 0 : i32
      %dma_start3A_817 = tpu.memref_slice %arg8[%dma_start3A_815, %dma_start3A_816] : memref<8x64xi32, #tpu.memory_space<vmem>> -> memref<1x64xi32, #tpu.memory_space<vmem>>
      %dma_start3A_818 = tpu.memref_squeeze %dma_start3A_817 : memref<1x64xi32, #tpu.memory_space<vmem>> -> memref<64xi32, #tpu.memory_space<vmem>>
      %dma_start3A_819 = arith.constant 0 : i32
      %dma_start3A_820 = arith.constant 0 : i32
      %dma_start3A_821 = tpu.memref_slice %arg14[%dma_start3A_819, %dma_start3A_820] : memref<10240x128xf32, #tpu.memory_space<vmem_shared>> -> memref<10240x128xf32, #tpu.memory_space<vmem_shared>>
      tpu.enqueue_indirect_dma source(%arg9 : memref<64x128xf32, #tpu.memory_space<vmem>>) target(%dma_start3A_821 : memref<10240x128xf32, #tpu.memory_space<vmem_shared>>) offsets(%dma_start3A_818 : memref<64xi32, #tpu.memory_space<vmem>>) semaphore(%arg18 : memref<!tpu.dma_semaphore, #tpu.memory_space<semaphore_mem>>) {add = true}
      %dma_start3A_822 = arith.constant 0 : i32
      %dma_start3A_823 = arith.constant 0 : i32
      %dma_start3A_824 = tpu.memref_slice %arg8[%dma_start3A_822, %dma_start3A_823] : memref<8x64xi32, #tpu.memory_space<vmem>> -> memref<1x64xi32, #tpu.memory_space<vmem>>
      %dma_start3A_825 = tpu.memref_squeeze %dma_start3A_824 : memref<1x64xi32, #tpu.memory_space<vmem>> -> memref<64xi32, #tpu.memory_space<vmem>>
      %dma_start3A_826 = arith.constant 0 : i32
      %dma_start3A_827 = arith.constant 0 : i32
      %dma_start3A_828 = tpu.memref_slice %arg15[%dma_start3A_826, %dma_start3A_827] : memref<10240x16xf32, #tpu.memory_space<vmem_shared>> -> memref<10240x16xf32, #tpu.memory_space<vmem_shared>>
      tpu.enqueue_indirect_dma source(%arg12 : memref<64x16xf32, #tpu.memory_space<vmem>>) target(%dma_start3A_828 : memref<10240x16xf32, #tpu.memory_space<vmem_shared>>) offsets(%dma_start3A_825 : memref<64xi32, #tpu.memory_space<vmem>>) semaphore(%arg21 : memref<!tpu.dma_semaphore, #tpu.memory_space<semaphore_mem>>) {add = true}
      %dma_wait3A_829 = arith.constant 1 : i32
      %dma_wait3A_830 = arith.constant 0 : i32
      %dma_wait3A_831 = tpu.memref_slice %arg8[%dma_wait3A_829, %dma_wait3A_830] : memref<8x64xi32, #tpu.memory_space<vmem>> -> memref<1x64xi32, #tpu.memory_space<vmem>>
      %dma_wait3A_832 = tpu.memref_squeeze %dma_wait3A_831 : memref<1x64xi32, #tpu.memory_space<vmem>> -> memref<64xi32, #tpu.memory_space<vmem>>
      %dma_wait3A_833 = arith.constant 0 : i32
      %dma_wait3A_834 = arith.constant 0 : i32
      %dma_wait3A_835 = tpu.memref_slice %arg14[%dma_wait3A_833, %dma_wait3A_834] : memref<10240x128xf32, #tpu.memory_space<vmem_shared>> -> memref<10240x128xf32, #tpu.memory_space<vmem_shared>>
      tpu.wait_indirect_dma semaphore(%arg18 : memref<!tpu.dma_semaphore, #tpu.memory_space<semaphore_mem>>) src(%arg9 : memref<64x128xf32, #tpu.memory_space<vmem>>) dst(%dma_wait3A_835 : memref<10240x128xf32, #tpu.memory_space<vmem_shared>>)
      %dma_start3A_836 = arith.constant 2 : i32
      %dma_start3A_837 = arith.constant 0 : i32
      %dma_start3A_838 = tpu.memref_slice %arg7[%dma_start3A_836, %dma_start3A_837] : memref<8x64xi32, #tpu.memory_space<vmem>> -> memref<1x64xi32, #tpu.memory_space<vmem>>
      %dma_start3A_839 = tpu.memref_squeeze %dma_start3A_838 : memref<1x64xi32, #tpu.memory_space<vmem>> -> memref<64xi32, #tpu.memory_space<vmem>>
      %dma_start3A_840 = arith.constant 0 : i32
      %dma_start3A_841 = arith.constant 0 : i32
      %dma_start3A_842 = tpu.memref_slice %arg2[%dma_start3A_840, %dma_start3A_841] : memref<10000x128xf32, #tpu.memory_space<hbm>> -> memref<10000x128xf32, #tpu.memory_space<hbm>>
      tpu.enqueue_indirect_dma source(%dma_start3A_842 : memref<10000x128xf32, #tpu.memory_space<hbm>>) target(%arg9 : memref<64x128xf32, #tpu.memory_space<vmem>>) offsets(%dma_start3A_839 : memref<64xi32, #tpu.memory_space<vmem>>) semaphore(%arg16 : memref<!tpu.dma_semaphore, #tpu.memory_space<semaphore_mem>>)
      %dma_wait3A_843 = arith.constant 1 : i32
      %dma_wait3A_844 = arith.constant 0 : i32
      %dma_wait3A_845 = tpu.memref_slice %arg7[%dma_wait3A_843, %dma_wait3A_844] : memref<8x64xi32, #tpu.memory_space<vmem>> -> memref<1x64xi32, #tpu.memory_space<vmem>>
      %dma_wait3A_846 = tpu.memref_squeeze %dma_wait3A_845 : memref<1x64xi32, #tpu.memory_space<vmem>> -> memref<64xi32, #tpu.memory_space<vmem>>
      %dma_wait3A_847 = arith.constant 0 : i32
      %dma_wait3A_848 = arith.constant 0 : i32
      %dma_wait3A_849 = tpu.memref_slice %arg2[%dma_wait3A_847, %dma_wait3A_848] : memref<10000x128xf32, #tpu.memory_space<hbm>> -> memref<10000x128xf32, #tpu.memory_space<hbm>>
      tpu.wait_indirect_dma semaphore(%arg17 : memref<!tpu.dma_semaphore, #tpu.memory_space<semaphore_mem>>) src(%dma_wait3A_849 : memref<10000x128xf32, #tpu.memory_space<hbm>>) dst(%arg10 : memref<64x128xf32, #tpu.memory_space<vmem>>)
      %dma_start3A_850 = arith.constant 1 : i32
      %dma_start3A_851 = arith.constant 0 : i32
      %dma_start3A_852 = tpu.memref_slice %arg8[%dma_start3A_850, %dma_start3A_851] : memref<8x64xi32, #tpu.memory_space<vmem>> -> memref<1x64xi32, #tpu.memory_space<vmem>>
      %dma_start3A_853 = tpu.memref_squeeze %dma_start3A_852 : memref<1x64xi32, #tpu.memory_space<vmem>> -> memref<64xi32, #tpu.memory_space<vmem>>
      %dma_start3A_854 = arith.constant 0 : i32
      %dma_start3A_855 = arith.constant 0 : i32
      %dma_start3A_856 = tpu.memref_slice %arg14[%dma_start3A_854, %dma_start3A_855] : memref<10240x128xf32, #tpu.memory_space<vmem_shared>> -> memref<10240x128xf32, #tpu.memory_space<vmem_shared>>
      tpu.enqueue_indirect_dma source(%arg10 : memref<64x128xf32, #tpu.memory_space<vmem>>) target(%dma_start3A_856 : memref<10240x128xf32, #tpu.memory_space<vmem_shared>>) offsets(%dma_start3A_853 : memref<64xi32, #tpu.memory_space<vmem>>) semaphore(%arg19 : memref<!tpu.dma_semaphore, #tpu.memory_space<semaphore_mem>>) {add = true}
      %dma_start3A_857 = arith.constant 1 : i32
      %dma_start3A_858 = arith.constant 0 : i32
      %dma_start3A_859 = tpu.memref_slice %arg8[%dma_start3A_857, %dma_start3A_858] : memref<8x64xi32, #tpu.memory_space<vmem>> -> memref<1x64xi32, #tpu.memory_space<vmem>>
      %dma_start3A_860 = tpu.memref_squeeze %dma_start3A_859 : memref<1x64xi32, #tpu.memory_space<vmem>> -> memref<64xi32, #tpu.memory_space<vmem>>
      %dma_start3A_861 = arith.constant 0 : i32
      %dma_start3A_862 = arith.constant 0 : i32
      %dma_start3A_863 = tpu.memref_slice %arg15[%dma_start3A_861, %dma_start3A_862] : memref<10240x16xf32, #tpu.memory_space<vmem_shared>> -> memref<10240x16xf32, #tpu.memory_space<vmem_shared>>
      tpu.enqueue_indirect_dma source(%arg12 : memref<64x16xf32, #tpu.memory_space<vmem>>) target(%dma_start3A_863 : memref<10240x16xf32, #tpu.memory_space<vmem_shared>>) offsets(%dma_start3A_860 : memref<64xi32, #tpu.memory_space<vmem>>) semaphore(%arg21 : memref<!tpu.dma_semaphore, #tpu.memory_space<semaphore_mem>>) {add = true}
      %dma_wait3A_864 = arith.constant 2 : i32
      %dma_wait3A_865 = arith.constant 0 : i32
      %dma_wait3A_866 = tpu.memref_slice %arg8[%dma_wait3A_864, %dma_wait3A_865] : memref<8x64xi32, #tpu.memory_space<vmem>> -> memref<1x64xi32, #tpu.memory_space<vmem>>
      %dma_wait3A_867 = tpu.memref_squeeze %dma_wait3A_866 : memref<1x64xi32, #tpu.memory_space<vmem>> -> memref<64xi32, #tpu.memory_space<vmem>>
      %dma_wait3A_868 = arith.constant 0 : i32
      %dma_wait3A_869 = arith.constant 0 : i32
      %dma_wait3A_870 = tpu.memref_slice %arg14[%dma_wait3A_868, %dma_wait3A_869] : memref<10240x128xf32, #tpu.memory_space<vmem_shared>> -> memref<10240x128xf32, #tpu.memory_space<vmem_shared>>
      tpu.wait_indirect_dma semaphore(%arg19 : memref<!tpu.dma_semaphore, #tpu.memory_space<semaphore_mem>>) src(%arg10 : memref<64x128xf32, #tpu.memory_space<vmem>>) dst(%dma_wait3A_870 : memref<10240x128xf32, #tpu.memory_space<vmem_shared>>)
      %dma_start3A_871 = arith.constant 3 : i32
      %dma_start3A_872 = arith.constant 0 : i32
      %dma_start3A_873 = tpu.memref_slice %arg7[%dma_start3A_871, %dma_start3A_872] : memref<8x64xi32, #tpu.memory_space<vmem>> -> memref<1x64xi32, #tpu.memory_space<vmem>>
      %dma_start3A_874 = tpu.memref_squeeze %dma_start3A_873 : memref<1x64xi32, #tpu.memory_space<vmem>> -> memref<64xi32, #tpu.memory_space<vmem>>
      %dma_start3A_875 = arith.constant 0 : i32
      %dma_start3A_876 = arith.constant 0 : i32
      %dma_start3A_877 = tpu.memref_slice %arg2[%dma_start3A_875, %dma_start3A_876] : memref<10000x128xf32, #tpu.memory_space<hbm>> -> memref<10000x128xf32, #tpu.memory_space<hbm>>
      tpu.enqueue_indirect_dma source(%dma_start3A_877 : memref<10000x128xf32, #tpu.memory_space<hbm>>) target(%arg10 : memref<64x128xf32, #tpu.memory_space<vmem>>) offsets(%dma_start3A_874 : memref<64xi32, #tpu.memory_space<vmem>>) semaphore(%arg17 : memref<!tpu.dma_semaphore, #tpu.memory_space<semaphore_mem>>)
      %dma_wait3A_878 = arith.constant 2 : i32
      %dma_wait3A_879 = arith.constant 0 : i32
      %dma_wait3A_880 = tpu.memref_slice %arg7[%dma_wait3A_878, %dma_wait3A_879] : memref<8x64xi32, #tpu.memory_space<vmem>> -> memref<1x64xi32, #tpu.memory_space<vmem>>
      %dma_wait3A_881 = tpu.memref_squeeze %dma_wait3A_880 : memref<1x64xi32, #tpu.memory_space<vmem>> -> memref<64xi32, #tpu.memory_space<vmem>>
      %dma_wait3A_882 = arith.constant 0 : i32
      %dma_wait3A_883 = arith.constant 0 : i32
      %dma_wait3A_884 = tpu.memref_slice %arg2[%dma_wait3A_882, %dma_wait3A_883] : memref<10000x128xf32, #tpu.memory_space<hbm>> -> memref<10000x128xf32, #tpu.memory_space<hbm>>
      tpu.wait_indirect_dma semaphore(%arg16 : memref<!tpu.dma_semaphore, #tpu.memory_space<semaphore_mem>>) src(%dma_wait3A_884 : memref<10000x128xf32, #tpu.memory_space<hbm>>) dst(%arg9 : memref<64x128xf32, #tpu.memory_space<vmem>>)
      %dma_start3A_885 = arith.constant 2 : i32
      %dma_start3A_886 = arith.constant 0 : i32
      %dma_start3A_887 = tpu.memref_slice %arg8[%dma_start3A_885, %dma_start3A_886] : memref<8x64xi32, #tpu.memory_space<vmem>> -> memref<1x64xi32, #tpu.memory_space<vmem>>
      %dma_start3A_888 = tpu.memref_squeeze %dma_start3A_887 : memref<1x64xi32, #tpu.memory_space<vmem>> -> memref<64xi32, #tpu.memory_space<vmem>>
      %dma_start3A_889 = arith.constant 0 : i32
      %dma_start3A_890 = arith.constant 0 : i32
      %dma_start3A_891 = tpu.memref_slice %arg14[%dma_start3A_889, %dma_start3A_890] : memref<10240x128xf32, #tpu.memory_space<vmem_shared>> -> memref<10240x128xf32, #tpu.memory_space<vmem_shared>>
      tpu.enqueue_indirect_dma source(%arg9 : memref<64x128xf32, #tpu.memory_space<vmem>>) target(%dma_start3A_891 : memref<10240x128xf32, #tpu.memory_space<vmem_shared>>) offsets(%dma_start3A_888 : memref<64xi32, #tpu.memory_space<vmem>>) semaphore(%arg18 : memref<!tpu.dma_semaphore, #tpu.memory_space<semaphore_mem>>) {add = true}
      %dma_start3A_892 = arith.constant 2 : i32
      %dma_start3A_893 = arith.constant 0 : i32
      %dma_start3A_894 = tpu.memref_slice %arg8[%dma_start3A_892, %dma_start3A_893] : memref<8x64xi32, #tpu.memory_space<vmem>> -> memref<1x64xi32, #tpu.memory_space<vmem>>
      %dma_start3A_895 = tpu.memref_squeeze %dma_start3A_894 : memref<1x64xi32, #tpu.memory_space<vmem>> -> memref<64xi32, #tpu.memory_space<vmem>>
      %dma_start3A_896 = arith.constant 0 : i32
      %dma_start3A_897 = arith.constant 0 : i32
      %dma_start3A_898 = tpu.memref_slice %arg15[%dma_start3A_896, %dma_start3A_897] : memref<10240x16xf32, #tpu.memory_space<vmem_shared>> -> memref<10240x16xf32, #tpu.memory_space<vmem_shared>>
      tpu.enqueue_indirect_dma source(%arg12 : memref<64x16xf32, #tpu.memory_space<vmem>>) target(%dma_start3A_898 : memref<10240x16xf32, #tpu.memory_space<vmem_shared>>) offsets(%dma_start3A_895 : memref<64xi32, #tpu.memory_space<vmem>>) semaphore(%arg21 : memref<!tpu.dma_semaphore, #tpu.memory_space<semaphore_mem>>) {add = true}
      %dma_wait3A_899 = arith.constant 3 : i32
      %dma_wait3A_900 = arith.constant 0 : i32
      %dma_wait3A_901 = tpu.memref_slice %arg8[%dma_wait3A_899, %dma_wait3A_900] : memref<8x64xi32, #tpu.memory_space<vmem>> -> memref<1x64xi32, #tpu.memory_space<vmem>>
      %dma_wait3A_902 = tpu.memref_squeeze %dma_wait3A_901 : memref<1x64xi32, #tpu.memory_space<vmem>> -> memref<64xi32, #tpu.memory_space<vmem>>
      %dma_wait3A_903 = arith.constant 0 : i32
      %dma_wait3A_904 = arith.constant 0 : i32
      %dma_wait3A_905 = tpu.memref_slice %arg14[%dma_wait3A_903, %dma_wait3A_904] : memref<10240x128xf32, #tpu.memory_space<vmem_shared>> -> memref<10240x128xf32, #tpu.memory_space<vmem_shared>>
      tpu.wait_indirect_dma semaphore(%arg18 : memref<!tpu.dma_semaphore, #tpu.memory_space<semaphore_mem>>) src(%arg9 : memref<64x128xf32, #tpu.memory_space<vmem>>) dst(%dma_wait3A_905 : memref<10240x128xf32, #tpu.memory_space<vmem_shared>>)
      %dma_start3A_906 = arith.constant 4 : i32
      %dma_start3A_907 = arith.constant 0 : i32
      %dma_start3A_908 = tpu.memref_slice %arg7[%dma_start3A_906, %dma_start3A_907] : memref<8x64xi32, #tpu.memory_space<vmem>> -> memref<1x64xi32, #tpu.memory_space<vmem>>
      %dma_start3A_909 = tpu.memref_squeeze %dma_start3A_908 : memref<1x64xi32, #tpu.memory_space<vmem>> -> memref<64xi32, #tpu.memory_space<vmem>>
      %dma_start3A_910 = arith.constant 0 : i32
      %dma_start3A_911 = arith.constant 0 : i32
      %dma_start3A_912 = tpu.memref_slice %arg2[%dma_start3A_910, %dma_start3A_911] : memref<10000x128xf32, #tpu.memory_space<hbm>> -> memref<10000x128xf32, #tpu.memory_space<hbm>>
      tpu.enqueue_indirect_dma source(%dma_start3A_912 : memref<10000x128xf32, #tpu.memory_space<hbm>>) target(%arg9 : memref<64x128xf32, #tpu.memory_space<vmem>>) offsets(%dma_start3A_909 : memref<64xi32, #tpu.memory_space<vmem>>) semaphore(%arg16 : memref<!tpu.dma_semaphore, #tpu.memory_space<semaphore_mem>>)
      %dma_wait3A_913 = arith.constant 3 : i32
      %dma_wait3A_914 = arith.constant 0 : i32
      %dma_wait3A_915 = tpu.memref_slice %arg7[%dma_wait3A_913, %dma_wait3A_914] : memref<8x64xi32, #tpu.memory_space<vmem>> -> memref<1x64xi32, #tpu.memory_space<vmem>>
      %dma_wait3A_916 = tpu.memref_squeeze %dma_wait3A_915 : memref<1x64xi32, #tpu.memory_space<vmem>> -> memref<64xi32, #tpu.memory_space<vmem>>
      %dma_wait3A_917 = arith.constant 0 : i32
      %dma_wait3A_918 = arith.constant 0 : i32
      %dma_wait3A_919 = tpu.memref_slice %arg2[%dma_wait3A_917, %dma_wait3A_918] : memref<10000x128xf32, #tpu.memory_space<hbm>> -> memref<10000x128xf32, #tpu.memory_space<hbm>>
      tpu.wait_indirect_dma semaphore(%arg17 : memref<!tpu.dma_semaphore, #tpu.memory_space<semaphore_mem>>) src(%dma_wait3A_919 : memref<10000x128xf32, #tpu.memory_space<hbm>>) dst(%arg10 : memref<64x128xf32, #tpu.memory_space<vmem>>)
      %dma_start3A_920 = arith.constant 3 : i32
      %dma_start3A_921 = arith.constant 0 : i32
      %dma_start3A_922 = tpu.memref_slice %arg8[%dma_start3A_920, %dma_start3A_921] : memref<8x64xi32, #tpu.memory_space<vmem>> -> memref<1x64xi32, #tpu.memory_space<vmem>>
      %dma_start3A_923 = tpu.memref_squeeze %dma_start3A_922 : memref<1x64xi32, #tpu.memory_space<vmem>> -> memref<64xi32, #tpu.memory_space<vmem>>
      %dma_start3A_924 = arith.constant 0 : i32
      %dma_start3A_925 = arith.constant 0 : i32
      %dma_start3A_926 = tpu.memref_slice %arg14[%dma_start3A_924, %dma_start3A_925] : memref<10240x128xf32, #tpu.memory_space<vmem_shared>> -> memref<10240x128xf32, #tpu.memory_space<vmem_shared>>
      tpu.enqueue_indirect_dma source(%arg10 : memref<64x128xf32, #tpu.memory_space<vmem>>) target(%dma_start3A_926 : memref<10240x128xf32, #tpu.memory_space<vmem_shared>>) offsets(%dma_start3A_923 : memref<64xi32, #tpu.memory_space<vmem>>) semaphore(%arg19 : memref<!tpu.dma_semaphore, #tpu.memory_space<semaphore_mem>>) {add = true}
      %dma_start3A_927 = arith.constant 3 : i32
      %dma_start3A_928 = arith.constant 0 : i32
      %dma_start3A_929 = tpu.memref_slice %arg8[%dma_start3A_927, %dma_start3A_928] : memref<8x64xi32, #tpu.memory_space<vmem>> -> memref<1x64xi32, #tpu.memory_space<vmem>>
      %dma_start3A_930 = tpu.memref_squeeze %dma_start3A_929 : memref<1x64xi32, #tpu.memory_space<vmem>> -> memref<64xi32, #tpu.memory_space<vmem>>
      %dma_start3A_931 = arith.constant 0 : i32
      %dma_start3A_932 = arith.constant 0 : i32
      %dma_start3A_933 = tpu.memref_slice %arg15[%dma_start3A_931, %dma_start3A_932] : memref<10240x16xf32, #tpu.memory_space<vmem_shared>> -> memref<10240x16xf32, #tpu.memory_space<vmem_shared>>
      tpu.enqueue_indirect_dma source(%arg12 : memref<64x16xf32, #tpu.memory_space<vmem>>) target(%dma_start3A_933 : memref<10240x16xf32, #tpu.memory_space<vmem_shared>>) offsets(%dma_start3A_930 : memref<64xi32, #tpu.memory_space<vmem>>) semaphore(%arg21 : memref<!tpu.dma_semaphore, #tpu.memory_space<semaphore_mem>>) {add = true}
      %dma_wait3A_934 = arith.constant 4 : i32
      %dma_wait3A_935 = arith.constant 0 : i32
      %dma_wait3A_936 = tpu.memref_slice %arg8[%dma_wait3A_934, %dma_wait3A_935] : memref<8x64xi32, #tpu.memory_space<vmem>> -> memref<1x64xi32, #tpu.memory_space<vmem>>
      %dma_wait3A_937 = tpu.memref_squeeze %dma_wait3A_936 : memref<1x64xi32, #tpu.memory_space<vmem>> -> memref<64xi32, #tpu.memory_space<vmem>>
      %dma_wait3A_938 = arith.constant 0 : i32
      %dma_wait3A_939 = arith.constant 0 : i32
      %dma_wait3A_940 = tpu.memref_slice %arg14[%dma_wait3A_938, %dma_wait3A_939] : memref<10240x128xf32, #tpu.memory_space<vmem_shared>> -> memref<10240x128xf32, #tpu.memory_space<vmem_shared>>
      tpu.wait_indirect_dma semaphore(%arg19 : memref<!tpu.dma_semaphore, #tpu.memory_space<semaphore_mem>>) src(%arg10 : memref<64x128xf32, #tpu.memory_space<vmem>>) dst(%dma_wait3A_940 : memref<10240x128xf32, #tpu.memory_space<vmem_shared>>)
      %dma_start3A_941 = arith.constant 5 : i32
      %dma_start3A_942 = arith.constant 0 : i32
      %dma_start3A_943 = tpu.memref_slice %arg7[%dma_start3A_941, %dma_start3A_942] : memref<8x64xi32, #tpu.memory_space<vmem>> -> memref<1x64xi32, #tpu.memory_space<vmem>>
      %dma_start3A_944 = tpu.memref_squeeze %dma_start3A_943 : memref<1x64xi32, #tpu.memory_space<vmem>> -> memref<64xi32, #tpu.memory_space<vmem>>
      %dma_start3A_945 = arith.constant 0 : i32
      %dma_start3A_946 = arith.constant 0 : i32
      %dma_start3A_947 = tpu.memref_slice %arg2[%dma_start3A_945, %dma_start3A_946] : memref<10000x128xf32, #tpu.memory_space<hbm>> -> memref<10000x128xf32, #tpu.memory_space<hbm>>
      tpu.enqueue_indirect_dma source(%dma_start3A_947 : memref<10000x128xf32, #tpu.memory_space<hbm>>) target(%arg10 : memref<64x128xf32, #tpu.memory_space<vmem>>) offsets(%dma_start3A_944 : memref<64xi32, #tpu.memory_space<vmem>>) semaphore(%arg17 : memref<!tpu.dma_semaphore, #tpu.memory_space<semaphore_mem>>)
      %dma_wait3A_948 = arith.constant 4 : i32
      %dma_wait3A_949 = arith.constant 0 : i32
      %dma_wait3A_950 = tpu.memref_slice %arg7[%dma_wait3A_948, %dma_wait3A_949] : memref<8x64xi32, #tpu.memory_space<vmem>> -> memref<1x64xi32, #tpu.memory_space<vmem>>
      %dma_wait3A_951 = tpu.memref_squeeze %dma_wait3A_950 : memref<1x64xi32, #tpu.memory_space<vmem>> -> memref<64xi32, #tpu.memory_space<vmem>>
      %dma_wait3A_952 = arith.constant 0 : i32
      %dma_wait3A_953 = arith.constant 0 : i32
      %dma_wait3A_954 = tpu.memref_slice %arg2[%dma_wait3A_952, %dma_wait3A_953] : memref<10000x128xf32, #tpu.memory_space<hbm>> -> memref<10000x128xf32, #tpu.memory_space<hbm>>
      tpu.wait_indirect_dma semaphore(%arg16 : memref<!tpu.dma_semaphore, #tpu.memory_space<semaphore_mem>>) src(%dma_wait3A_954 : memref<10000x128xf32, #tpu.memory_space<hbm>>) dst(%arg9 : memref<64x128xf32, #tpu.memory_space<vmem>>)
      %dma_start3A_955 = arith.constant 4 : i32
      %dma_start3A_956 = arith.constant 0 : i32
      %dma_start3A_957 = tpu.memref_slice %arg8[%dma_start3A_955, %dma_start3A_956] : memref<8x64xi32, #tpu.memory_space<vmem>> -> memref<1x64xi32, #tpu.memory_space<vmem>>
      %dma_start3A_958 = tpu.memref_squeeze %dma_start3A_957 : memref<1x64xi32, #tpu.memory_space<vmem>> -> memref<64xi32, #tpu.memory_space<vmem>>
      %dma_start3A_959 = arith.constant 0 : i32
      %dma_start3A_960 = arith.constant 0 : i32
      %dma_start3A_961 = tpu.memref_slice %arg14[%dma_start3A_959, %dma_start3A_960] : memref<10240x128xf32, #tpu.memory_space<vmem_shared>> -> memref<10240x128xf32, #tpu.memory_space<vmem_shared>>
      tpu.enqueue_indirect_dma source(%arg9 : memref<64x128xf32, #tpu.memory_space<vmem>>) target(%dma_start3A_961 : memref<10240x128xf32, #tpu.memory_space<vmem_shared>>) offsets(%dma_start3A_958 : memref<64xi32, #tpu.memory_space<vmem>>) semaphore(%arg18 : memref<!tpu.dma_semaphore, #tpu.memory_space<semaphore_mem>>) {add = true}
      %dma_start3A_962 = arith.constant 4 : i32
      %dma_start3A_963 = arith.constant 0 : i32
      %dma_start3A_964 = tpu.memref_slice %arg8[%dma_start3A_962, %dma_start3A_963] : memref<8x64xi32, #tpu.memory_space<vmem>> -> memref<1x64xi32, #tpu.memory_space<vmem>>
      %dma_start3A_965 = tpu.memref_squeeze %dma_start3A_964 : memref<1x64xi32, #tpu.memory_space<vmem>> -> memref<64xi32, #tpu.memory_space<vmem>>
      %dma_start3A_966 = arith.constant 0 : i32
      %dma_start3A_967 = arith.constant 0 : i32
      %dma_start3A_968 = tpu.memref_slice %arg15[%dma_start3A_966, %dma_start3A_967] : memref<10240x16xf32, #tpu.memory_space<vmem_shared>> -> memref<10240x16xf32, #tpu.memory_space<vmem_shared>>
      tpu.enqueue_indirect_dma source(%arg12 : memref<64x16xf32, #tpu.memory_space<vmem>>) target(%dma_start3A_968 : memref<10240x16xf32, #tpu.memory_space<vmem_shared>>) offsets(%dma_start3A_965 : memref<64xi32, #tpu.memory_space<vmem>>) semaphore(%arg21 : memref<!tpu.dma_semaphore, #tpu.memory_space<semaphore_mem>>) {add = true}
      %dma_wait3A_969 = arith.constant 5 : i32
      %dma_wait3A_970 = arith.constant 0 : i32
      %dma_wait3A_971 = tpu.memref_slice %arg8[%dma_wait3A_969, %dma_wait3A_970] : memref<8x64xi32, #tpu.memory_space<vmem>> -> memref<1x64xi32, #tpu.memory_space<vmem>>
      %dma_wait3A_972 = tpu.memref_squeeze %dma_wait3A_971 : memref<1x64xi32, #tpu.memory_space<vmem>> -> memref<64xi32, #tpu.memory_space<vmem>>
      %dma_wait3A_973 = arith.constant 0 : i32
      %dma_wait3A_974 = arith.constant 0 : i32
      %dma_wait3A_975 = tpu.memref_slice %arg14[%dma_wait3A_973, %dma_wait3A_974] : memref<10240x128xf32, #tpu.memory_space<vmem_shared>> -> memref<10240x128xf32, #tpu.memory_space<vmem_shared>>
      tpu.wait_indirect_dma semaphore(%arg18 : memref<!tpu.dma_semaphore, #tpu.memory_space<semaphore_mem>>) src(%arg9 : memref<64x128xf32, #tpu.memory_space<vmem>>) dst(%dma_wait3A_975 : memref<10240x128xf32, #tpu.memory_space<vmem_shared>>)
      %dma_start3A_976 = arith.constant 6 : i32
      %dma_start3A_977 = arith.constant 0 : i32
      %dma_start3A_978 = tpu.memref_slice %arg7[%dma_start3A_976, %dma_start3A_977] : memref<8x64xi32, #tpu.memory_space<vmem>> -> memref<1x64xi32, #tpu.memory_space<vmem>>
      %dma_start3A_979 = tpu.memref_squeeze %dma_start3A_978 : memref<1x64xi32, #tpu.memory_space<vmem>> -> memref<64xi32, #tpu.memory_space<vmem>>
      %dma_start3A_980 = arith.constant 0 : i32
      %dma_start3A_981 = arith.constant 0 : i32
      %dma_start3A_982 = tpu.memref_slice %arg2[%dma_start3A_980, %dma_start3A_981] : memref<10000x128xf32, #tpu.memory_space<hbm>> -> memref<10000x128xf32, #tpu.memory_space<hbm>>
      tpu.enqueue_indirect_dma source(%dma_start3A_982 : memref<10000x128xf32, #tpu.memory_space<hbm>>) target(%arg9 : memref<64x128xf32, #tpu.memory_space<vmem>>) offsets(%dma_start3A_979 : memref<64xi32, #tpu.memory_space<vmem>>) semaphore(%arg16 : memref<!tpu.dma_semaphore, #tpu.memory_space<semaphore_mem>>)
      %dma_wait3A_983 = arith.constant 5 : i32
      %dma_wait3A_984 = arith.constant 0 : i32
      %dma_wait3A_985 = tpu.memref_slice %arg7[%dma_wait3A_983, %dma_wait3A_984] : memref<8x64xi32, #tpu.memory_space<vmem>> -> memref<1x64xi32, #tpu.memory_space<vmem>>
      %dma_wait3A_986 = tpu.memref_squeeze %dma_wait3A_985 : memref<1x64xi32, #tpu.memory_space<vmem>> -> memref<64xi32, #tpu.memory_space<vmem>>
      %dma_wait3A_987 = arith.constant 0 : i32
      %dma_wait3A_988 = arith.constant 0 : i32
      %dma_wait3A_989 = tpu.memref_slice %arg2[%dma_wait3A_987, %dma_wait3A_988] : memref<10000x128xf32, #tpu.memory_space<hbm>> -> memref<10000x128xf32, #tpu.memory_space<hbm>>
      tpu.wait_indirect_dma semaphore(%arg17 : memref<!tpu.dma_semaphore, #tpu.memory_space<semaphore_mem>>) src(%dma_wait3A_989 : memref<10000x128xf32, #tpu.memory_space<hbm>>) dst(%arg10 : memref<64x128xf32, #tpu.memory_space<vmem>>)
      %dma_start3A_990 = arith.constant 5 : i32
      %dma_start3A_991 = arith.constant 0 : i32
      %dma_start3A_992 = tpu.memref_slice %arg8[%dma_start3A_990, %dma_start3A_991] : memref<8x64xi32, #tpu.memory_space<vmem>> -> memref<1x64xi32, #tpu.memory_space<vmem>>
      %dma_start3A_993 = tpu.memref_squeeze %dma_start3A_992 : memref<1x64xi32, #tpu.memory_space<vmem>> -> memref<64xi32, #tpu.memory_space<vmem>>
      %dma_start3A_994 = arith.constant 0 : i32
      %dma_start3A_995 = arith.constant 0 : i32
      %dma_start3A_996 = tpu.memref_slice %arg14[%dma_start3A_994, %dma_start3A_995] : memref<10240x128xf32, #tpu.memory_space<vmem_shared>> -> memref<10240x128xf32, #tpu.memory_space<vmem_shared>>
      tpu.enqueue_indirect_dma source(%arg10 : memref<64x128xf32, #tpu.memory_space<vmem>>) target(%dma_start3A_996 : memref<10240x128xf32, #tpu.memory_space<vmem_shared>>) offsets(%dma_start3A_993 : memref<64xi32, #tpu.memory_space<vmem>>) semaphore(%arg19 : memref<!tpu.dma_semaphore, #tpu.memory_space<semaphore_mem>>) {add = true}
      %dma_start3A_997 = arith.constant 5 : i32
      %dma_start3A_998 = arith.constant 0 : i32
      %dma_start3A_999 = tpu.memref_slice %arg8[%dma_start3A_997, %dma_start3A_998] : memref<8x64xi32, #tpu.memory_space<vmem>> -> memref<1x64xi32, #tpu.memory_space<vmem>>
      %dma_start3A_1000 = tpu.memref_squeeze %dma_start3A_999 : memref<1x64xi32, #tpu.memory_space<vmem>> -> memref<64xi32, #tpu.memory_space<vmem>>
      %dma_start3A_1001 = arith.constant 0 : i32
      %dma_start3A_1002 = arith.constant 0 : i32
      %dma_start3A_1003 = tpu.memref_slice %arg15[%dma_start3A_1001, %dma_start3A_1002] : memref<10240x16xf32, #tpu.memory_space<vmem_shared>> -> memref<10240x16xf32, #tpu.memory_space<vmem_shared>>
      tpu.enqueue_indirect_dma source(%arg12 : memref<64x16xf32, #tpu.memory_space<vmem>>) target(%dma_start3A_1003 : memref<10240x16xf32, #tpu.memory_space<vmem_shared>>) offsets(%dma_start3A_1000 : memref<64xi32, #tpu.memory_space<vmem>>) semaphore(%arg21 : memref<!tpu.dma_semaphore, #tpu.memory_space<semaphore_mem>>) {add = true}
      %dma_wait3A_1004 = arith.constant 6 : i32
      %dma_wait3A_1005 = arith.constant 0 : i32
      %dma_wait3A_1006 = tpu.memref_slice %arg8[%dma_wait3A_1004, %dma_wait3A_1005] : memref<8x64xi32, #tpu.memory_space<vmem>> -> memref<1x64xi32, #tpu.memory_space<vmem>>
      %dma_wait3A_1007 = tpu.memref_squeeze %dma_wait3A_1006 : memref<1x64xi32, #tpu.memory_space<vmem>> -> memref<64xi32, #tpu.memory_space<vmem>>
      %dma_wait3A_1008 = arith.constant 0 : i32
      %dma_wait3A_1009 = arith.constant 0 : i32
      %dma_wait3A_1010 = tpu.memref_slice %arg14[%dma_wait3A_1008, %dma_wait3A_1009] : memref<10240x128xf32, #tpu.memory_space<vmem_shared>> -> memref<10240x128xf32, #tpu.memory_space<vmem_shared>>
      tpu.wait_indirect_dma semaphore(%arg19 : memref<!tpu.dma_semaphore, #tpu.memory_space<semaphore_mem>>) src(%arg10 : memref<64x128xf32, #tpu.memory_space<vmem>>) dst(%dma_wait3A_1010 : memref<10240x128xf32, #tpu.memory_space<vmem_shared>>)
      %dma_start3A_1011 = arith.constant 7 : i32
      %dma_start3A_1012 = arith.constant 0 : i32
      %dma_start3A_1013 = tpu.memref_slice %arg7[%dma_start3A_1011, %dma_start3A_1012] : memref<8x64xi32, #tpu.memory_space<vmem>> -> memref<1x64xi32, #tpu.memory_space<vmem>>
      %dma_start3A_1014 = tpu.memref_squeeze %dma_start3A_1013 : memref<1x64xi32, #tpu.memory_space<vmem>> -> memref<64xi32, #tpu.memory_space<vmem>>
      %dma_start3A_1015 = arith.constant 0 : i32
      %dma_start3A_1016 = arith.constant 0 : i32
      %dma_start3A_1017 = tpu.memref_slice %arg2[%dma_start3A_1015, %dma_start3A_1016] : memref<10000x128xf32, #tpu.memory_space<hbm>> -> memref<10000x128xf32, #tpu.memory_space<hbm>>
      tpu.enqueue_indirect_dma source(%dma_start3A_1017 : memref<10000x128xf32, #tpu.memory_space<hbm>>) target(%arg10 : memref<64x128xf32, #tpu.memory_space<vmem>>) offsets(%dma_start3A_1014 : memref<64xi32, #tpu.memory_space<vmem>>) semaphore(%arg17 : memref<!tpu.dma_semaphore, #tpu.memory_space<semaphore_mem>>)
      %dma_wait3A_1018 = arith.constant 6 : i32
      %dma_wait3A_1019 = arith.constant 0 : i32
      %dma_wait3A_1020 = tpu.memref_slice %arg7[%dma_wait3A_1018, %dma_wait3A_1019] : memref<8x64xi32, #tpu.memory_space<vmem>> -> memref<1x64xi32, #tpu.memory_space<vmem>>
      %dma_wait3A_1021 = tpu.memref_squeeze %dma_wait3A_1020 : memref<1x64xi32, #tpu.memory_space<vmem>> -> memref<64xi32, #tpu.memory_space<vmem>>
      %dma_wait3A_1022 = arith.constant 0 : i32
      %dma_wait3A_1023 = arith.constant 0 : i32
      %dma_wait3A_1024 = tpu.memref_slice %arg2[%dma_wait3A_1022, %dma_wait3A_1023] : memref<10000x128xf32, #tpu.memory_space<hbm>> -> memref<10000x128xf32, #tpu.memory_space<hbm>>
      tpu.wait_indirect_dma semaphore(%arg16 : memref<!tpu.dma_semaphore, #tpu.memory_space<semaphore_mem>>) src(%dma_wait3A_1024 : memref<10000x128xf32, #tpu.memory_space<hbm>>) dst(%arg9 : memref<64x128xf32, #tpu.memory_space<vmem>>)
      %dma_start3A_1025 = arith.constant 6 : i32
      %dma_start3A_1026 = arith.constant 0 : i32
      %dma_start3A_1027 = tpu.memref_slice %arg8[%dma_start3A_1025, %dma_start3A_1026] : memref<8x64xi32, #tpu.memory_space<vmem>> -> memref<1x64xi32, #tpu.memory_space<vmem>>
      %dma_start3A_1028 = tpu.memref_squeeze %dma_start3A_1027 : memref<1x64xi32, #tpu.memory_space<vmem>> -> memref<64xi32, #tpu.memory_space<vmem>>
      %dma_start3A_1029 = arith.constant 0 : i32
      %dma_start3A_1030 = arith.constant 0 : i32
      %dma_start3A_1031 = tpu.memref_slice %arg14[%dma_start3A_1029, %dma_start3A_1030] : memref<10240x128xf32, #tpu.memory_space<vmem_shared>> -> memref<10240x128xf32, #tpu.memory_space<vmem_shared>>
      tpu.enqueue_indirect_dma source(%arg9 : memref<64x128xf32, #tpu.memory_space<vmem>>) target(%dma_start3A_1031 : memref<10240x128xf32, #tpu.memory_space<vmem_shared>>) offsets(%dma_start3A_1028 : memref<64xi32, #tpu.memory_space<vmem>>) semaphore(%arg18 : memref<!tpu.dma_semaphore, #tpu.memory_space<semaphore_mem>>) {add = true}
      %dma_start3A_1032 = arith.constant 6 : i32
      %dma_start3A_1033 = arith.constant 0 : i32
      %dma_start3A_1034 = tpu.memref_slice %arg8[%dma_start3A_1032, %dma_start3A_1033] : memref<8x64xi32, #tpu.memory_space<vmem>> -> memref<1x64xi32, #tpu.memory_space<vmem>>
      %dma_start3A_1035 = tpu.memref_squeeze %dma_start3A_1034 : memref<1x64xi32, #tpu.memory_space<vmem>> -> memref<64xi32, #tpu.memory_space<vmem>>
      %dma_start3A_1036 = arith.constant 0 : i32
      %dma_start3A_1037 = arith.constant 0 : i32
      %dma_start3A_1038 = tpu.memref_slice %arg15[%dma_start3A_1036, %dma_start3A_1037] : memref<10240x16xf32, #tpu.memory_space<vmem_shared>> -> memref<10240x16xf32, #tpu.memory_space<vmem_shared>>
      tpu.enqueue_indirect_dma source(%arg12 : memref<64x16xf32, #tpu.memory_space<vmem>>) target(%dma_start3A_1038 : memref<10240x16xf32, #tpu.memory_space<vmem_shared>>) offsets(%dma_start3A_1035 : memref<64xi32, #tpu.memory_space<vmem>>) semaphore(%arg21 : memref<!tpu.dma_semaphore, #tpu.memory_space<semaphore_mem>>) {add = true}
      %dma_wait3A_1039 = arith.constant 7 : i32
      %dma_wait3A_1040 = arith.constant 0 : i32
      %dma_wait3A_1041 = tpu.memref_slice %arg8[%dma_wait3A_1039, %dma_wait3A_1040] : memref<8x64xi32, #tpu.memory_space<vmem>> -> memref<1x64xi32, #tpu.memory_space<vmem>>
      %dma_wait3A_1042 = tpu.memref_squeeze %dma_wait3A_1041 : memref<1x64xi32, #tpu.memory_space<vmem>> -> memref<64xi32, #tpu.memory_space<vmem>>
      %dma_wait3A_1043 = arith.constant 0 : i32
      %dma_wait3A_1044 = arith.constant 0 : i32
      %dma_wait3A_1045 = tpu.memref_slice %arg14[%dma_wait3A_1043, %dma_wait3A_1044] : memref<10240x128xf32, #tpu.memory_space<vmem_shared>> -> memref<10240x128xf32, #tpu.memory_space<vmem_shared>>
      tpu.wait_indirect_dma semaphore(%arg18 : memref<!tpu.dma_semaphore, #tpu.memory_space<semaphore_mem>>) src(%arg9 : memref<64x128xf32, #tpu.memory_space<vmem>>) dst(%dma_wait3A_1045 : memref<10240x128xf32, #tpu.memory_space<vmem_shared>>)
      %dma_wait3A_1046 = arith.constant 7 : i32
      %dma_wait3A_1047 = arith.constant 0 : i32
      %dma_wait3A_1048 = tpu.memref_slice %arg7[%dma_wait3A_1046, %dma_wait3A_1047] : memref<8x64xi32, #tpu.memory_space<vmem>> -> memref<1x64xi32, #tpu.memory_space<vmem>>
      %dma_wait3A_1049 = tpu.memref_squeeze %dma_wait3A_1048 : memref<1x64xi32, #tpu.memory_space<vmem>> -> memref<64xi32, #tpu.memory_space<vmem>>
      %dma_wait3A_1050 = arith.constant 0 : i32
      %dma_wait3A_1051 = arith.constant 0 : i32
      %dma_wait3A_1052 = tpu.memref_slice %arg2[%dma_wait3A_1050, %dma_wait3A_1051] : memref<10000x128xf32, #tpu.memory_space<hbm>> -> memref<10000x128xf32, #tpu.memory_space<hbm>>
      tpu.wait_indirect_dma semaphore(%arg17 : memref<!tpu.dma_semaphore, #tpu.memory_space<semaphore_mem>>) src(%dma_wait3A_1052 : memref<10000x128xf32, #tpu.memory_space<hbm>>) dst(%arg10 : memref<64x128xf32, #tpu.memory_space<vmem>>)
      %run_scoped3A = arith.constant 7 : i32
      "tpu.region"() ({
        %run_scoped3A_1107 = tpu.sem_alloc : memref<!tpu.dma_semaphore, #tpu.memory_space<semaphore_mem>>
        %dma_start3A_1108 = arith.constant 0 : i32
        %dma_start3A_1109 = tpu.memref_slice %arg8[%run_scoped3A, %dma_start3A_1108] : memref<8x64xi32, #tpu.memory_space<vmem>> -> memref<1x64xi32, #tpu.memory_space<vmem>>
        %dma_start3A_1110 = tpu.memref_squeeze %dma_start3A_1109 : memref<1x64xi32, #tpu.memory_space<vmem>> -> memref<64xi32, #tpu.memory_space<vmem>>
        %dma_start3A_1111 = arith.constant 0 : i32
        %dma_start3A_1112 = arith.constant 0 : i32
        %dma_start3A_1113 = tpu.memref_slice %arg14[%dma_start3A_1111, %dma_start3A_1112] : memref<10240x128xf32, #tpu.memory_space<vmem_shared>> -> memref<10240x128xf32, #tpu.memory_space<vmem_shared>>
        tpu.enqueue_indirect_dma source(%arg10 : memref<64x128xf32, #tpu.memory_space<vmem>>) target(%dma_start3A_1113 : memref<10240x128xf32, #tpu.memory_space<vmem_shared>>) offsets(%dma_start3A_1110 : memref<64xi32, #tpu.memory_space<vmem>>) semaphore(%run_scoped3A_1107 : memref<!tpu.dma_semaphore, #tpu.memory_space<semaphore_mem>>) {add = true}
        %dma_wait3A_1114 = arith.constant 0 : i32
        %dma_wait3A_1115 = tpu.memref_slice %arg8[%run_scoped3A, %dma_wait3A_1114] : memref<8x64xi32, #tpu.memory_space<vmem>> -> memref<1x64xi32, #tpu.memory_space<vmem>>
        %dma_wait3A_1116 = tpu.memref_squeeze %dma_wait3A_1115 : memref<1x64xi32, #tpu.memory_space<vmem>> -> memref<64xi32, #tpu.memory_space<vmem>>
        %dma_wait3A_1117 = arith.constant 0 : i32
        %dma_wait3A_1118 = arith.constant 0 : i32
        %dma_wait3A_1119 = tpu.memref_slice %arg14[%dma_wait3A_1117, %dma_wait3A_1118] : memref<10240x128xf32, #tpu.memory_space<vmem_shared>> -> memref<10240x128xf32, #tpu.memory_space<vmem_shared>>
        tpu.wait_indirect_dma semaphore(%run_scoped3A_1107 : memref<!tpu.dma_semaphore, #tpu.memory_space<semaphore_mem>>) src(%arg10 : memref<64x128xf32, #tpu.memory_space<vmem>>) dst(%dma_wait3A_1119 : memref<10240x128xf32, #tpu.memory_space<vmem_shared>>)
        tpu.yield
      }) : () -> ()
      %run_scoped3A_1053 = arith.constant 7 : i32
      "tpu.region"() ({
        %run_scoped3A_1107 = tpu.sem_alloc : memref<!tpu.dma_semaphore, #tpu.memory_space<semaphore_mem>>
        %dma_start3A_1108 = arith.constant 0 : i32
        %dma_start3A_1109 = tpu.memref_slice %arg8[%run_scoped3A_1053, %dma_start3A_1108] : memref<8x64xi32, #tpu.memory_space<vmem>> -> memref<1x64xi32, #tpu.memory_space<vmem>>
        %dma_start3A_1110 = tpu.memref_squeeze %dma_start3A_1109 : memref<1x64xi32, #tpu.memory_space<vmem>> -> memref<64xi32, #tpu.memory_space<vmem>>
        %dma_start3A_1111 = arith.constant 0 : i32
        %dma_start3A_1112 = arith.constant 0 : i32
        %dma_start3A_1113 = tpu.memref_slice %arg15[%dma_start3A_1111, %dma_start3A_1112] : memref<10240x16xf32, #tpu.memory_space<vmem_shared>> -> memref<10240x16xf32, #tpu.memory_space<vmem_shared>>
        tpu.enqueue_indirect_dma source(%arg12 : memref<64x16xf32, #tpu.memory_space<vmem>>) target(%dma_start3A_1113 : memref<10240x16xf32, #tpu.memory_space<vmem_shared>>) offsets(%dma_start3A_1110 : memref<64xi32, #tpu.memory_space<vmem>>) semaphore(%run_scoped3A_1107 : memref<!tpu.dma_semaphore, #tpu.memory_space<semaphore_mem>>) {add = true}
        %dma_wait3A_1114 = arith.constant 0 : i32
        %dma_wait3A_1115 = tpu.memref_slice %arg8[%run_scoped3A_1053, %dma_wait3A_1114] : memref<8x64xi32, #tpu.memory_space<vmem>> -> memref<1x64xi32, #tpu.memory_space<vmem>>
        %dma_wait3A_1116 = tpu.memref_squeeze %dma_wait3A_1115 : memref<1x64xi32, #tpu.memory_space<vmem>> -> memref<64xi32, #tpu.memory_space<vmem>>
        %dma_wait3A_1117 = arith.constant 0 : i32
        %dma_wait3A_1118 = arith.constant 0 : i32
        %dma_wait3A_1119 = tpu.memref_slice %arg15[%dma_wait3A_1117, %dma_wait3A_1118] : memref<10240x16xf32, #tpu.memory_space<vmem_shared>> -> memref<10240x16xf32, #tpu.memory_space<vmem_shared>>
        tpu.wait_indirect_dma semaphore(%run_scoped3A_1107 : memref<!tpu.dma_semaphore, #tpu.memory_space<semaphore_mem>>) src(%arg12 : memref<64x16xf32, #tpu.memory_space<vmem>>) dst(%dma_wait3A_1119 : memref<10240x16xf32, #tpu.memory_space<vmem_shared>>)
        tpu.yield
      }) : () -> ()
      %dma_wait3A_1054 = arith.constant 7 : i32
      %dma_wait3A_1055 = arith.constant 0 : i32
      %dma_wait3A_1056 = tpu.memref_slice %arg8[%dma_wait3A_1054, %dma_wait3A_1055] : memref<8x64xi32, #tpu.memory_space<vmem>> -> memref<1x64xi32, #tpu.memory_space<vmem>>
      %dma_wait3A_1057 = tpu.memref_squeeze %dma_wait3A_1056 : memref<1x64xi32, #tpu.memory_space<vmem>> -> memref<64xi32, #tpu.memory_space<vmem>>
      %dma_wait3A_1058 = arith.constant 0 : i32
      %dma_wait3A_1059 = arith.constant 0 : i32
      %dma_wait3A_1060 = tpu.memref_slice %arg15[%dma_wait3A_1058, %dma_wait3A_1059] : memref<10240x16xf32, #tpu.memory_space<vmem_shared>> -> memref<10240x16xf32, #tpu.memory_space<vmem_shared>>
      tpu.wait_indirect_dma semaphore(%arg21 : memref<!tpu.dma_semaphore, #tpu.memory_space<semaphore_mem>>) src(%arg12 : memref<64x16xf32, #tpu.memory_space<vmem>>) dst(%dma_wait3A_1060 : memref<10240x16xf32, #tpu.memory_space<vmem_shared>>)
      %dma_wait3A_1061 = arith.constant 7 : i32
      %dma_wait3A_1062 = arith.constant 0 : i32
      %dma_wait3A_1063 = tpu.memref_slice %arg8[%dma_wait3A_1061, %dma_wait3A_1062] : memref<8x64xi32, #tpu.memory_space<vmem>> -> memref<1x64xi32, #tpu.memory_space<vmem>>
      %dma_wait3A_1064 = tpu.memref_squeeze %dma_wait3A_1063 : memref<1x64xi32, #tpu.memory_space<vmem>> -> memref<64xi32, #tpu.memory_space<vmem>>
      %dma_wait3A_1065 = arith.constant 0 : i32
      %dma_wait3A_1066 = arith.constant 0 : i32
      %dma_wait3A_1067 = tpu.memref_slice %arg15[%dma_wait3A_1065, %dma_wait3A_1066] : memref<10240x16xf32, #tpu.memory_space<vmem_shared>> -> memref<10240x16xf32, #tpu.memory_space<vmem_shared>>
      tpu.wait_indirect_dma semaphore(%arg21 : memref<!tpu.dma_semaphore, #tpu.memory_space<semaphore_mem>>) src(%arg12 : memref<64x16xf32, #tpu.memory_space<vmem>>) dst(%dma_wait3A_1067 : memref<10240x16xf32, #tpu.memory_space<vmem_shared>>)
      %dma_wait3A_1068 = arith.constant 7 : i32
      %dma_wait3A_1069 = arith.constant 0 : i32
      %dma_wait3A_1070 = tpu.memref_slice %arg8[%dma_wait3A_1068, %dma_wait3A_1069] : memref<8x64xi32, #tpu.memory_space<vmem>> -> memref<1x64xi32, #tpu.memory_space<vmem>>
      %dma_wait3A_1071 = tpu.memref_squeeze %dma_wait3A_1070 : memref<1x64xi32, #tpu.memory_space<vmem>> -> memref<64xi32, #tpu.memory_space<vmem>>
      %dma_wait3A_1072 = arith.constant 0 : i32
      %dma_wait3A_1073 = arith.constant 0 : i32
      %dma_wait3A_1074 = tpu.memref_slice %arg15[%dma_wait3A_1072, %dma_wait3A_1073] : memref<10240x16xf32, #tpu.memory_space<vmem_shared>> -> memref<10240x16xf32, #tpu.memory_space<vmem_shared>>
      tpu.wait_indirect_dma semaphore(%arg21 : memref<!tpu.dma_semaphore, #tpu.memory_space<semaphore_mem>>) src(%arg12 : memref<64x16xf32, #tpu.memory_space<vmem>>) dst(%dma_wait3A_1074 : memref<10240x16xf32, #tpu.memory_space<vmem_shared>>)
      %dma_wait3A_1075 = arith.constant 7 : i32
      %dma_wait3A_1076 = arith.constant 0 : i32
      %dma_wait3A_1077 = tpu.memref_slice %arg8[%dma_wait3A_1075, %dma_wait3A_1076] : memref<8x64xi32, #tpu.memory_space<vmem>> -> memref<1x64xi32, #tpu.memory_space<vmem>>
      %dma_wait3A_1078 = tpu.memref_squeeze %dma_wait3A_1077 : memref<1x64xi32, #tpu.memory_space<vmem>> -> memref<64xi32, #tpu.memory_space<vmem>>
      %dma_wait3A_1079 = arith.constant 0 : i32
      %dma_wait3A_1080 = arith.constant 0 : i32
      %dma_wait3A_1081 = tpu.memref_slice %arg15[%dma_wait3A_1079, %dma_wait3A_1080] : memref<10240x16xf32, #tpu.memory_space<vmem_shared>> -> memref<10240x16xf32, #tpu.memory_space<vmem_shared>>
      tpu.wait_indirect_dma semaphore(%arg21 : memref<!tpu.dma_semaphore, #tpu.memory_space<semaphore_mem>>) src(%arg12 : memref<64x16xf32, #tpu.memory_space<vmem>>) dst(%dma_wait3A_1081 : memref<10240x16xf32, #tpu.memory_space<vmem_shared>>)
      %dma_wait3A_1082 = arith.constant 7 : i32
      %dma_wait3A_1083 = arith.constant 0 : i32
      %dma_wait3A_1084 = tpu.memref_slice %arg8[%dma_wait3A_1082, %dma_wait3A_1083] : memref<8x64xi32, #tpu.memory_space<vmem>> -> memref<1x64xi32, #tpu.memory_space<vmem>>
      %dma_wait3A_1085 = tpu.memref_squeeze %dma_wait3A_1084 : memref<1x64xi32, #tpu.memory_space<vmem>> -> memref<64xi32, #tpu.memory_space<vmem>>
      %dma_wait3A_1086 = arith.constant 0 : i32
      %dma_wait3A_1087 = arith.constant 0 : i32
      %dma_wait3A_1088 = tpu.memref_slice %arg15[%dma_wait3A_1086, %dma_wait3A_1087] : memref<10240x16xf32, #tpu.memory_space<vmem_shared>> -> memref<10240x16xf32, #tpu.memory_space<vmem_shared>>
      tpu.wait_indirect_dma semaphore(%arg21 : memref<!tpu.dma_semaphore, #tpu.memory_space<semaphore_mem>>) src(%arg12 : memref<64x16xf32, #tpu.memory_space<vmem>>) dst(%dma_wait3A_1088 : memref<10240x16xf32, #tpu.memory_space<vmem_shared>>)
      %dma_wait3A_1089 = arith.constant 7 : i32
      %dma_wait3A_1090 = arith.constant 0 : i32
      %dma_wait3A_1091 = tpu.memref_slice %arg8[%dma_wait3A_1089, %dma_wait3A_1090] : memref<8x64xi32, #tpu.memory_space<vmem>> -> memref<1x64xi32, #tpu.memory_space<vmem>>
      %dma_wait3A_1092 = tpu.memref_squeeze %dma_wait3A_1091 : memref<1x64xi32, #tpu.memory_space<vmem>> -> memref<64xi32, #tpu.memory_space<vmem>>
      %dma_wait3A_1093 = arith.constant 0 : i32
      %dma_wait3A_1094 = arith.constant 0 : i32
      %dma_wait3A_1095 = tpu.memref_slice %arg15[%dma_wait3A_1093, %dma_wait3A_1094] : memref<10240x16xf32, #tpu.memory_space<vmem_shared>> -> memref<10240x16xf32, #tpu.memory_space<vmem_shared>>
      tpu.wait_indirect_dma semaphore(%arg21 : memref<!tpu.dma_semaphore, #tpu.memory_space<semaphore_mem>>) src(%arg12 : memref<64x16xf32, #tpu.memory_space<vmem>>) dst(%dma_wait3A_1095 : memref<10240x16xf32, #tpu.memory_space<vmem_shared>>)
      %dma_wait3A_1096 = arith.constant 7 : i32
      %dma_wait3A_1097 = arith.constant 0 : i32
      %dma_wait3A_1098 = tpu.memref_slice %arg8[%dma_wait3A_1096, %dma_wait3A_1097] : memref<8x64xi32, #tpu.memory_space<vmem>> -> memref<1x64xi32, #tpu.memory_space<vmem>>
      %dma_wait3A_1099 = tpu.memref_squeeze %dma_wait3A_1098 : memref<1x64xi32, #tpu.memory_space<vmem>> -> memref<64xi32, #tpu.memory_space<vmem>>
      %dma_wait3A_1100 = arith.constant 0 : i32
      %dma_wait3A_1101 = arith.constant 0 : i32
      %dma_wait3A_1102 = tpu.memref_slice %arg15[%dma_wait3A_1100, %dma_wait3A_1101] : memref<10240x16xf32, #tpu.memory_space<vmem_shared>> -> memref<10240x16xf32, #tpu.memory_space<vmem_shared>>
      tpu.wait_indirect_dma semaphore(%arg21 : memref<!tpu.dma_semaphore, #tpu.memory_space<semaphore_mem>>) src(%arg12 : memref<64x16xf32, #tpu.memory_space<vmem>>) dst(%dma_wait3A_1102 : memref<10240x16xf32, #tpu.memory_space<vmem_shared>>)
      %add3A_1103 = arith.constant 1 : i32
      %add3A_1104 = arith.addi %scan3A_801, %add3A_1103 : i32
      %lt3A = arith.constant 20 : i32
      %lt3A_1105 = arith.cmpi slt, %add3A_1104, %lt3A : i32
      %convert_element_type3A = arith.extui %lt3A_1105 : i1 to i32
      %cond3A = arith.constant 0 : i32
      %cond3A_1106 = arith.cmpi ne, %convert_element_type3A, %cond3A : i32
      scf.if %cond3A_1106 {
        %add3A_1107 = arith.constant 1 : i32
        %add3A_1108 = arith.addi %scan3A_801, %add3A_1107 : i32
        %mul3A_1109 = arith.constant 8 : i32
        %mul3A_1110 = arith.muli %add3A_1108, %mul3A_1109 : i32
        "tpu.region"() ({
          %run_scoped3A_1122 = tpu.sem_alloc : memref<!tpu.dma_semaphore, #tpu.memory_space<semaphore_mem>>
          %dma_start3A_1123 = arith.constant 0 : i32
          %dma_start3A_1124 = tpu.memref_slice %arg3[%add3A, %mul3A_1110, %dma_start3A_1123] : memref<32x160x64xi32, #tpu.memory_space<hbm>> -> memref<1x8x64xi32, #tpu.memory_space<hbm>>
          %dma_start3A_1125 = tpu.memref_squeeze %dma_start3A_1124 : memref<1x8x64xi32, #tpu.memory_space<hbm>> -> memref<8x64xi32, #tpu.memory_space<hbm>>
          %dma_start3A_1126 = arith.constant 0 : i32
          %dma_start3A_1127 = tpu.memref_slice %arg3[%add3A, %mul3A_1110, %dma_start3A_1126] : memref<32x160x64xi32, #tpu.memory_space<hbm>> -> memref<1x8x64xi32, #tpu.memory_space<hbm>>
          %dma_start3A_1128 = tpu.memref_squeeze %dma_start3A_1127 : memref<1x8x64xi32, #tpu.memory_space<hbm>> -> memref<8x64xi32, #tpu.memory_space<hbm>>
          tpu.enqueue_dma source(%dma_start3A_1128 : memref<8x64xi32, #tpu.memory_space<hbm>>) target(%arg7 : memref<8x64xi32, #tpu.memory_space<vmem>>) target_semaphore(%run_scoped3A_1122 : memref<!tpu.dma_semaphore, #tpu.memory_space<semaphore_mem>>)
          %dma_wait3A_1129 = arith.constant 0 : i32
          %dma_wait3A_1130 = tpu.memref_slice %arg3[%add3A, %mul3A_1110, %dma_wait3A_1129] : memref<32x160x64xi32, #tpu.memory_space<hbm>> -> memref<1x8x64xi32, #tpu.memory_space<hbm>>
          %dma_wait3A_1131 = tpu.memref_squeeze %dma_wait3A_1130 : memref<1x8x64xi32, #tpu.memory_space<hbm>> -> memref<8x64xi32, #tpu.memory_space<hbm>>
          %dma_wait3A_1132 = arith.constant 0 : i32
          %dma_wait3A_1133 = tpu.memref_slice %arg3[%add3A, %mul3A_1110, %dma_wait3A_1132] : memref<32x160x64xi32, #tpu.memory_space<hbm>> -> memref<1x8x64xi32, #tpu.memory_space<hbm>>
          %dma_wait3A_1134 = tpu.memref_squeeze %dma_wait3A_1133 : memref<1x8x64xi32, #tpu.memory_space<hbm>> -> memref<8x64xi32, #tpu.memory_space<hbm>>
          tpu.wait_dma2 semaphore(%run_scoped3A_1122 : memref<!tpu.dma_semaphore, #tpu.memory_space<semaphore_mem>>) src(%dma_wait3A_1134 : memref<8x64xi32, #tpu.memory_space<hbm>>) dst(%arg7 : memref<8x64xi32, #tpu.memory_space<vmem>>)
          tpu.yield
        }) : () -> ()
        %add3A_1111 = arith.constant 1 : i32
        %add3A_1112 = arith.addi %scan3A_801, %add3A_1111 : i32
        %mul3A_1113 = arith.constant 8 : i32
        %mul3A_1114 = arith.muli %add3A_1112, %mul3A_1113 : i32
        "tpu.region"() ({
          %run_scoped3A_1122 = tpu.sem_alloc : memref<!tpu.dma_semaphore, #tpu.memory_space<semaphore_mem>>
          %dma_start3A_1123 = arith.constant 0 : i32
          %dma_start3A_1124 = tpu.memref_slice %arg4[%add3A, %mul3A_1114, %dma_start3A_1123] : memref<32x160x64xi32, #tpu.memory_space<hbm>> -> memref<1x8x64xi32, #tpu.memory_space<hbm>>
          %dma_start3A_1125 = tpu.memref_squeeze %dma_start3A_1124 : memref<1x8x64xi32, #tpu.memory_space<hbm>> -> memref<8x64xi32, #tpu.memory_space<hbm>>
          %dma_start3A_1126 = arith.constant 0 : i32
          %dma_start3A_1127 = tpu.memref_slice %arg4[%add3A, %mul3A_1114, %dma_start3A_1126] : memref<32x160x64xi32, #tpu.memory_space<hbm>> -> memref<1x8x64xi32, #tpu.memory_space<hbm>>
          %dma_start3A_1128 = tpu.memref_squeeze %dma_start3A_1127 : memref<1x8x64xi32, #tpu.memory_space<hbm>> -> memref<8x64xi32, #tpu.memory_space<hbm>>
          tpu.enqueue_dma source(%dma_start3A_1128 : memref<8x64xi32, #tpu.memory_space<hbm>>) target(%arg8 : memref<8x64xi32, #tpu.memory_space<vmem>>) target_semaphore(%run_scoped3A_1122 : memref<!tpu.dma_semaphore, #tpu.memory_space<semaphore_mem>>)
          %dma_wait3A_1129 = arith.constant 0 : i32
          %dma_wait3A_1130 = tpu.memref_slice %arg4[%add3A, %mul3A_1114, %dma_wait3A_1129] : memref<32x160x64xi32, #tpu.memory_space<hbm>> -> memref<1x8x64xi32, #tpu.memory_space<hbm>>
          %dma_wait3A_1131 = tpu.memref_squeeze %dma_wait3A_1130 : memref<1x8x64xi32, #tpu.memory_space<hbm>> -> memref<8x64xi32, #tpu.memory_space<hbm>>
          %dma_wait3A_1132 = arith.constant 0 : i32
          %dma_wait3A_1133 = tpu.memref_slice %arg4[%add3A, %mul3A_1114, %dma_wait3A_1132] : memref<32x160x64xi32, #tpu.memory_space<hbm>> -> memref<1x8x64xi32, #tpu.memory_space<hbm>>
          %dma_wait3A_1134 = tpu.memref_squeeze %dma_wait3A_1133 : memref<1x8x64xi32, #tpu.memory_space<hbm>> -> memref<8x64xi32, #tpu.memory_space<hbm>>
          tpu.wait_dma2 semaphore(%run_scoped3A_1122 : memref<!tpu.dma_semaphore, #tpu.memory_space<semaphore_mem>>) src(%dma_wait3A_1134 : memref<8x64xi32, #tpu.memory_space<hbm>>) dst(%arg8 : memref<8x64xi32, #tpu.memory_space<vmem>>)
          tpu.yield
        }) : () -> ()
        %dma_start3A_1115 = arith.constant 0 : i32
        %dma_start3A_1116 = arith.constant 0 : i32
        %dma_start3A_1117 = tpu.memref_slice %arg7[%dma_start3A_1115, %dma_start3A_1116] : memref<8x64xi32, #tpu.memory_space<vmem>> -> memref<1x64xi32, #tpu.memory_space<vmem>>
        %dma_start3A_1118 = tpu.memref_squeeze %dma_start3A_1117 : memref<1x64xi32, #tpu.memory_space<vmem>> -> memref<64xi32, #tpu.memory_space<vmem>>
        %dma_start3A_1119 = arith.constant 0 : i32
        %dma_start3A_1120 = arith.constant 0 : i32
        %dma_start3A_1121 = tpu.memref_slice %arg2[%dma_start3A_1119, %dma_start3A_1120] : memref<10000x128xf32, #tpu.memory_space<hbm>> -> memref<10000x128xf32, #tpu.memory_space<hbm>>
        tpu.enqueue_indirect_dma source(%dma_start3A_1121 : memref<10000x128xf32, #tpu.memory_space<hbm>>) target(%arg9 : memref<64x128xf32, #tpu.memory_space<vmem>>) offsets(%dma_start3A_1118 : memref<64xi32, #tpu.memory_space<vmem>>) semaphore(%arg16 : memref<!tpu.dma_semaphore, #tpu.memory_space<semaphore_mem>>)
      } else {
      }
    }
    %scan3A_793 = arith.constant 20 : i32
    %barrier3A_794 = arith.constant 0 : index
    tpu.barrier barrier_id(%barrier3A_794)
    %scan3A_795 = arith.constant 0 : i32
    %scan3A_796 = arith.constant 0 : i32
    %scan3A_797 = arith.constant 10 : i32
    %scan3A_798 = arith.addi %scan3A_796, %scan3A_797 : i32
    %scan3A_799 = arith.constant 1 : i32
    scf.for %scan3A_801 = %scan3A_796 to %scan3A_798 step %scan3A_799  : i32 {
      %mul3A_802 = arith.constant 640 : i32
      %mul3A_803 = arith.muli %arg1, %mul3A_802 : i32
      %mul3A_804 = arith.constant 64 : i32
      %mul3A_805 = arith.muli %scan3A_801, %mul3A_804 : i32
      %add3A_806 = arith.addi %mul3A_803, %mul3A_805 : i32
      %add3A_807 = arith.constant 0 : i32
      %add3A_808 = arith.addi %add3A_806, %add3A_807 : i32
      %add3A_809 = vector.broadcast %add3A_808 : i32 to vector<16xi32>
      %add3A_810 = arith.addi %iota3A, %add3A_809 : vector<16xi32>
      %swap3A_811 = arith.constant 0 : index
      %swap3A_812 = tpu.vector_load %arg11[%swap3A_811] {strides = array<i32>} : memref<64xi32, #tpu.memory_space<vmem>>, vector<16xi32>,
      %swap3A_813 = vector.shape_cast %swap3A_812 : vector<16xi32> to vector<16xi32>
      %swap3A_814 = vector.shape_cast %add3A_810 : vector<16xi32> to vector<16xi32>
      tpu.vector_store %arg11[%swap3A_811], %swap3A_814 {strides = array<i32>} : memref<64xi32, #tpu.memory_space<vmem>>, vector<16xi32>,
      %add3A_815 = arith.constant 16 : i32
      %add3A_816 = arith.addi %add3A_806, %add3A_815 : i32
      %add3A_817 = vector.broadcast %add3A_816 : i32 to vector<16xi32>
      %add3A_818 = arith.addi %iota3A, %add3A_817 : vector<16xi32>
      %swap3A_819 = arith.constant 16 : index
      %swap3A_820 = tpu.vector_load %arg11[%swap3A_819] {strides = array<i32>} : memref<64xi32, #tpu.memory_space<vmem>>, vector<16xi32>,
      %swap3A_821 = vector.shape_cast %swap3A_820 : vector<16xi32> to vector<16xi32>
      %swap3A_822 = vector.shape_cast %add3A_818 : vector<16xi32> to vector<16xi32>
      tpu.vector_store %arg11[%swap3A_819], %swap3A_822 {strides = array<i32>} : memref<64xi32, #tpu.memory_space<vmem>>, vector<16xi32>,
      %add3A_823 = arith.constant 32 : i32
      %add3A_824 = arith.addi %add3A_806, %add3A_823 : i32
      %add3A_825 = vector.broadcast %add3A_824 : i32 to vector<16xi32>
      %add3A_826 = arith.addi %iota3A, %add3A_825 : vector<16xi32>
      %swap3A_827 = arith.constant 32 : index
      %swap3A_828 = tpu.vector_load %arg11[%swap3A_827] {strides = array<i32>} : memref<64xi32, #tpu.memory_space<vmem>>, vector<16xi32>,
      %swap3A_829 = vector.shape_cast %swap3A_828 : vector<16xi32> to vector<16xi32>
      %swap3A_830 = vector.shape_cast %add3A_826 : vector<16xi32> to vector<16xi32>
      tpu.vector_store %arg11[%swap3A_827], %swap3A_830 {strides = array<i32>} : memref<64xi32, #tpu.memory_space<vmem>>, vector<16xi32>,
      %add3A_831 = arith.constant 48 : i32
      %add3A_832 = arith.addi %add3A_806, %add3A_831 : i32
      %add3A_833 = vector.broadcast %add3A_832 : i32 to vector<16xi32>
      %add3A_834 = arith.addi %iota3A, %add3A_833 : vector<16xi32>
      %swap3A_835 = arith.constant 48 : index
      %swap3A_836 = tpu.vector_load %arg11[%swap3A_835] {strides = array<i32>} : memref<64xi32, #tpu.memory_space<vmem>>, vector<16xi32>,
      %swap3A_837 = vector.shape_cast %swap3A_836 : vector<16xi32> to vector<16xi32>
      %swap3A_838 = vector.shape_cast %add3A_834 : vector<16xi32> to vector<16xi32>
      tpu.vector_store %arg11[%swap3A_835], %swap3A_838 {strides = array<i32>} : memref<64xi32, #tpu.memory_space<vmem>>, vector<16xi32>,
      %dma_start3A_839 = arith.constant 0 : i32
      %dma_start3A_840 = arith.constant 0 : i32
      %dma_start3A_841 = tpu.memref_slice %arg14[%dma_start3A_839, %dma_start3A_840] : memref<10240x128xf32, #tpu.memory_space<vmem_shared>> -> memref<10240x128xf32, #tpu.memory_space<vmem_shared>>
      tpu.enqueue_indirect_dma source(%dma_start3A_841 : memref<10240x128xf32, #tpu.memory_space<vmem_shared>>) target(%arg9 : memref<64x128xf32, #tpu.memory_space<vmem>>) offsets(%arg11 : memref<64xi32, #tpu.memory_space<vmem>>) semaphore(%arg20 : memref<!tpu.dma_semaphore, #tpu.memory_space<semaphore_mem>>)
      %dma_wait3A = arith.constant 0 : i32
      %dma_wait3A_842 = arith.constant 0 : i32
      %dma_wait3A_843 = tpu.memref_slice %arg14[%dma_wait3A, %dma_wait3A_842] : memref<10240x128xf32, #tpu.memory_space<vmem_shared>> -> memref<10240x128xf32, #tpu.memory_space<vmem_shared>>
      tpu.wait_indirect_dma semaphore(%arg20 : memref<!tpu.dma_semaphore, #tpu.memory_space<semaphore_mem>>) src(%dma_wait3A_843 : memref<10240x128xf32, #tpu.memory_space<vmem_shared>>) dst(%arg9 : memref<64x128xf32, #tpu.memory_space<vmem>>)
      "tpu.region"() ({
        %run_scoped3A = tpu.sem_alloc : memref<!tpu.dma_semaphore, #tpu.memory_space<semaphore_mem>>
        %dma_start3A_850 = arith.constant 0 : i32
        %dma_start3A_851 = tpu.memref_slice %arg5[%arg0, %add3A_806, %dma_start3A_850] : memref<2x10240x128xf32, #tpu.memory_space<hbm>> -> memref<1x64x128xf32, #tpu.memory_space<hbm>>
        %dma_start3A_852 = tpu.memref_squeeze %dma_start3A_851 : memref<1x64x128xf32, #tpu.memory_space<hbm>> -> memref<64x128xf32, #tpu.memory_space<hbm>>
        %dma_start3A_853 = arith.constant 0 : i32
        %dma_start3A_854 = tpu.memref_slice %arg5[%arg0, %add3A_806, %dma_start3A_853] : memref<2x10240x128xf32, #tpu.memory_space<hbm>> -> memref<1x64x128xf32, #tpu.memory_space<hbm>>
        %dma_start3A_855 = tpu.memref_squeeze %dma_start3A_854 : memref<1x64x128xf32, #tpu.memory_space<hbm>> -> memref<64x128xf32, #tpu.memory_space<hbm>>
        tpu.enqueue_dma source(%arg9 : memref<64x128xf32, #tpu.memory_space<vmem>>) target(%dma_start3A_855 : memref<64x128xf32, #tpu.memory_space<hbm>>) target_semaphore(%run_scoped3A : memref<!tpu.dma_semaphore, #tpu.memory_space<semaphore_mem>>)
        %dma_wait3A_856 = arith.constant 0 : i32
        %dma_wait3A_857 = tpu.memref_slice %arg5[%arg0, %add3A_806, %dma_wait3A_856] : memref<2x10240x128xf32, #tpu.memory_space<hbm>> -> memref<1x64x128xf32, #tpu.memory_space<hbm>>
        %dma_wait3A_858 = tpu.memref_squeeze %dma_wait3A_857 : memref<1x64x128xf32, #tpu.memory_space<hbm>> -> memref<64x128xf32, #tpu.memory_space<hbm>>
        %dma_wait3A_859 = arith.constant 0 : i32
        %dma_wait3A_860 = tpu.memref_slice %arg5[%arg0, %add3A_806, %dma_wait3A_859] : memref<2x10240x128xf32, #tpu.memory_space<hbm>> -> memref<1x64x128xf32, #tpu.memory_space<hbm>>
        %dma_wait3A_861 = tpu.memref_squeeze %dma_wait3A_860 : memref<1x64x128xf32, #tpu.memory_space<hbm>> -> memref<64x128xf32, #tpu.memory_space<hbm>>
        tpu.wait_dma2 semaphore(%run_scoped3A : memref<!tpu.dma_semaphore, #tpu.memory_space<semaphore_mem>>) src(%arg9 : memref<64x128xf32, #tpu.memory_space<vmem>>) dst(%dma_wait3A_861 : memref<64x128xf32, #tpu.memory_space<hbm>>)
        tpu.yield
      }) : () -> ()
      %dma_start3A_844 = arith.constant 0 : i32
      %dma_start3A_845 = arith.constant 0 : i32
      %dma_start3A_846 = tpu.memref_slice %arg15[%dma_start3A_844, %dma_start3A_845] : memref<10240x16xf32, #tpu.memory_space<vmem_shared>> -> memref<10240x16xf32, #tpu.memory_space<vmem_shared>>
      tpu.enqueue_indirect_dma source(%dma_start3A_846 : memref<10240x16xf32, #tpu.memory_space<vmem_shared>>) target(%arg13 : memref<64x16xf32, #tpu.memory_space<vmem>>) offsets(%arg11 : memref<64xi32, #tpu.memory_space<vmem>>) semaphore(%arg20 : memref<!tpu.dma_semaphore, #tpu.memory_space<semaphore_mem>>)
      %dma_wait3A_847 = arith.constant 0 : i32
      %dma_wait3A_848 = arith.constant 0 : i32
      %dma_wait3A_849 = tpu.memref_slice %arg15[%dma_wait3A_847, %dma_wait3A_848] : memref<10240x16xf32, #tpu.memory_space<vmem_shared>> -> memref<10240x16xf32, #tpu.memory_space<vmem_shared>>
      tpu.wait_indirect_dma semaphore(%arg20 : memref<!tpu.dma_semaphore, #tpu.memory_space<semaphore_mem>>) src(%dma_wait3A_849 : memref<10240x16xf32, #tpu.memory_space<vmem_shared>>) dst(%arg13 : memref<64x16xf32, #tpu.memory_space<vmem>>)
      "tpu.region"() ({
        %run_scoped3A = tpu.sem_alloc : memref<!tpu.dma_semaphore, #tpu.memory_space<semaphore_mem>>
        %dma_start3A_850 = arith.constant 0 : i32
        %dma_start3A_851 = tpu.memref_slice %arg6[%arg0, %add3A_806, %dma_start3A_850] : memref<2x10240x16xf32, #tpu.memory_space<hbm>> -> memref<1x64x16xf32, #tpu.memory_space<hbm>>
        %dma_start3A_852 = tpu.memref_squeeze %dma_start3A_851 : memref<1x64x16xf32, #tpu.memory_space<hbm>> -> memref<64x16xf32, #tpu.memory_space<hbm>>
        %dma_start3A_853 = arith.constant 0 : i32
        %dma_start3A_854 = tpu.memref_slice %arg6[%arg0, %add3A_806, %dma_start3A_853] : memref<2x10240x16xf32, #tpu.memory_space<hbm>> -> memref<1x64x16xf32, #tpu.memory_space<hbm>>
        %dma_start3A_855 = tpu.memref_squeeze %dma_start3A_854 : memref<1x64x16xf32, #tpu.memory_space<hbm>> -> memref<64x16xf32, #tpu.memory_space<hbm>>
        tpu.enqueue_dma source(%arg13 : memref<64x16xf32, #tpu.memory_space<vmem>>) target(%dma_start3A_855 : memref<64x16xf32, #tpu.memory_space<hbm>>) target_semaphore(%run_scoped3A : memref<!tpu.dma_semaphore, #tpu.memory_space<semaphore_mem>>)
        %dma_wait3A_856 = arith.constant 0 : i32
        %dma_wait3A_857 = tpu.memref_slice %arg6[%arg0, %add3A_806, %dma_wait3A_856] : memref<2x10240x16xf32, #tpu.memory_space<hbm>> -> memref<1x64x16xf32, #tpu.memory_space<hbm>>
        %dma_wait3A_858 = tpu.memref_squeeze %dma_wait3A_857 : memref<1x64x16xf32, #tpu.memory_space<hbm>> -> memref<64x16xf32, #tpu.memory_space<hbm>>
        %dma_wait3A_859 = arith.constant 0 : i32
        %dma_wait3A_860 = tpu.memref_slice %arg6[%arg0, %add3A_806, %dma_wait3A_859] : memref<2x10240x16xf32, #tpu.memory_space<hbm>> -> memref<1x64x16xf32, #tpu.memory_space<hbm>>
        %dma_wait3A_861 = tpu.memref_squeeze %dma_wait3A_860 : memref<1x64x16xf32, #tpu.memory_space<hbm>> -> memref<64x16xf32, #tpu.memory_space<hbm>>
        tpu.wait_dma2 semaphore(%run_scoped3A : memref<!tpu.dma_semaphore, #tpu.memory_space<semaphore_mem>>) src(%arg13 : memref<64x16xf32, #tpu.memory_space<vmem>>) dst(%dma_wait3A_861 : memref<64x16xf32, #tpu.memory_space<hbm>>)
        tpu.yield
      }) : () -> ()
    }
    %scan3A_800 = arith.constant 10 : i32
    return
  }
}

#map = affine_map<(d0, d1) -> (0, 0)>
#map1 = affine_map<(d0, d1) -> (0, 0, 0)>
module attributes {stable_mosaic.version = 14 : i64} {
  func.func @body_fn(%arg0: i32, %arg1: i32, %arg2: memref<10000x128xf32, #tpu.memory_space<hbm>>, %arg3: memref<32x80x128xi32, #tpu.memory_space<hbm>>, %arg4: memref<32x80x128xi32, #tpu.memory_space<hbm>>, %arg5: memref<2x10240x128xf32, #tpu.memory_space<hbm>>, %arg6: memref<2x16x16xf32, #tpu.memory_space<hbm>>, %arg7: memref<8x128xi32, #tpu.memory_space<vmem>>, %arg8: memref<8x128xi32, #tpu.memory_space<vmem>>, %arg9: memref<128x128xf32, #tpu.memory_space<vmem>>, %arg10: memref<128x128xf32, #tpu.memory_space<vmem>>, %arg11: memref<128xi32, #tpu.memory_space<vmem>>, %arg12: memref<10240x128xf32, #tpu.memory_space<vmem_shared>>, %arg13: memref<!tpu.dma_semaphore, #tpu.memory_space<semaphore_mem>>, %arg14: memref<!tpu.dma_semaphore, #tpu.memory_space<semaphore_mem>>, %arg15: memref<!tpu.dma_semaphore, #tpu.memory_space<semaphore_mem>>, %arg16: memref<!tpu.dma_semaphore, #tpu.memory_space<semaphore_mem>>, %arg17: memref<!tpu.dma_semaphore, #tpu.memory_space<semaphore_mem>>) attributes {dimension_semantics = [#tpu.dimension_semantics<core_parallel>, #tpu.dimension_semantics<subcore_parallel>], iteration_bounds = array<i64: 2, 16>, scalar_prefetch = 0 : i64, scratch_operands = 11 : i64, tpu.core_type = #tpu.core_type<sc_vector_subcore>, window_params = [{transform_indices = #map}, {transform_indices = #map1}, {transform_indices = #map1}, {transform_indices = #map1}, {transform_indices = #map1}]} {
    %mul3A = arith.constant 16 : i32
    %mul3A_0 = arith.muli %arg0, %mul3A : i32
    %add3A = arith.addi %mul3A_0, %arg1 : i32
    %broadcast_in_dim3A = arith.constant 0.000000e+00 : f32
    %broadcast_in_dim3A_1 = vector.broadcast %broadcast_in_dim3A : f32 to vector<16xf32>
    %scan3A = arith.constant 0 : i32
    %scan3A_2 = arith.constant 0 : i32
    %scan3A_3 = arith.constant 128 : i32
    %scan3A_4 = arith.addi %scan3A_2, %scan3A_3 : i32
    %scan3A_5 = arith.constant 1 : i32
    scf.for %scan3A_32 = %scan3A_2 to %scan3A_4 step %scan3A_5  : i32 {
      %swap3A = arith.index_cast %scan3A_32 : i32 to index
      %swap3A_33 = arith.constant 0 : index
      %swap3A_34 = tpu.vector_load %arg9[%swap3A, %swap3A_33] {strides = array<i32>} : memref<128x128xf32, #tpu.memory_space<vmem>>, vector<1x16xf32>,
      %swap3A_35 = vector.shape_cast %swap3A_34 : vector<1x16xf32> to vector<16xf32>
      %swap3A_36 = vector.shape_cast %broadcast_in_dim3A_1 : vector<16xf32> to vector<1x16xf32>
      tpu.vector_store %arg9[%swap3A, %swap3A_33], %swap3A_36 {strides = array<i32>} : memref<128x128xf32, #tpu.memory_space<vmem>>, vector<1x16xf32>,
      %swap3A_37 = arith.index_cast %scan3A_32 : i32 to index
      %swap3A_38 = arith.constant 16 : index
      %swap3A_39 = tpu.vector_load %arg9[%swap3A_37, %swap3A_38] {strides = array<i32>} : memref<128x128xf32, #tpu.memory_space<vmem>>, vector<1x16xf32>,
      %swap3A_40 = vector.shape_cast %swap3A_39 : vector<1x16xf32> to vector<16xf32>
      %swap3A_41 = vector.shape_cast %broadcast_in_dim3A_1 : vector<16xf32> to vector<1x16xf32>
      tpu.vector_store %arg9[%swap3A_37, %swap3A_38], %swap3A_41 {strides = array<i32>} : memref<128x128xf32, #tpu.memory_space<vmem>>, vector<1x16xf32>,
      %swap3A_42 = arith.index_cast %scan3A_32 : i32 to index
      %swap3A_43 = arith.constant 32 : index
      %swap3A_44 = tpu.vector_load %arg9[%swap3A_42, %swap3A_43] {strides = array<i32>} : memref<128x128xf32, #tpu.memory_space<vmem>>, vector<1x16xf32>,
      %swap3A_45 = vector.shape_cast %swap3A_44 : vector<1x16xf32> to vector<16xf32>
      %swap3A_46 = vector.shape_cast %broadcast_in_dim3A_1 : vector<16xf32> to vector<1x16xf32>
      tpu.vector_store %arg9[%swap3A_42, %swap3A_43], %swap3A_46 {strides = array<i32>} : memref<128x128xf32, #tpu.memory_space<vmem>>, vector<1x16xf32>,
      %swap3A_47 = arith.index_cast %scan3A_32 : i32 to index
      %swap3A_48 = arith.constant 48 : index
      %swap3A_49 = tpu.vector_load %arg9[%swap3A_47, %swap3A_48] {strides = array<i32>} : memref<128x128xf32, #tpu.memory_space<vmem>>, vector<1x16xf32>,
      %swap3A_50 = vector.shape_cast %swap3A_49 : vector<1x16xf32> to vector<16xf32>
      %swap3A_51 = vector.shape_cast %broadcast_in_dim3A_1 : vector<16xf32> to vector<1x16xf32>
      tpu.vector_store %arg9[%swap3A_47, %swap3A_48], %swap3A_51 {strides = array<i32>} : memref<128x128xf32, #tpu.memory_space<vmem>>, vector<1x16xf32>,
      %swap3A_52 = arith.index_cast %scan3A_32 : i32 to index
      %swap3A_53 = arith.constant 64 : index
      %swap3A_54 = tpu.vector_load %arg9[%swap3A_52, %swap3A_53] {strides = array<i32>} : memref<128x128xf32, #tpu.memory_space<vmem>>, vector<1x16xf32>,
      %swap3A_55 = vector.shape_cast %swap3A_54 : vector<1x16xf32> to vector<16xf32>
      %swap3A_56 = vector.shape_cast %broadcast_in_dim3A_1 : vector<16xf32> to vector<1x16xf32>
      tpu.vector_store %arg9[%swap3A_52, %swap3A_53], %swap3A_56 {strides = array<i32>} : memref<128x128xf32, #tpu.memory_space<vmem>>, vector<1x16xf32>,
      %swap3A_57 = arith.index_cast %scan3A_32 : i32 to index
      %swap3A_58 = arith.constant 80 : index
      %swap3A_59 = tpu.vector_load %arg9[%swap3A_57, %swap3A_58] {strides = array<i32>} : memref<128x128xf32, #tpu.memory_space<vmem>>, vector<1x16xf32>,
      %swap3A_60 = vector.shape_cast %swap3A_59 : vector<1x16xf32> to vector<16xf32>
      %swap3A_61 = vector.shape_cast %broadcast_in_dim3A_1 : vector<16xf32> to vector<1x16xf32>
      tpu.vector_store %arg9[%swap3A_57, %swap3A_58], %swap3A_61 {strides = array<i32>} : memref<128x128xf32, #tpu.memory_space<vmem>>, vector<1x16xf32>,
      %swap3A_62 = arith.index_cast %scan3A_32 : i32 to index
      %swap3A_63 = arith.constant 96 : index
      %swap3A_64 = tpu.vector_load %arg9[%swap3A_62, %swap3A_63] {strides = array<i32>} : memref<128x128xf32, #tpu.memory_space<vmem>>, vector<1x16xf32>,
      %swap3A_65 = vector.shape_cast %swap3A_64 : vector<1x16xf32> to vector<16xf32>
      %swap3A_66 = vector.shape_cast %broadcast_in_dim3A_1 : vector<16xf32> to vector<1x16xf32>
      tpu.vector_store %arg9[%swap3A_62, %swap3A_63], %swap3A_66 {strides = array<i32>} : memref<128x128xf32, #tpu.memory_space<vmem>>, vector<1x16xf32>,
      %swap3A_67 = arith.index_cast %scan3A_32 : i32 to index
      %swap3A_68 = arith.constant 112 : index
      %swap3A_69 = tpu.vector_load %arg9[%swap3A_67, %swap3A_68] {strides = array<i32>} : memref<128x128xf32, #tpu.memory_space<vmem>>, vector<1x16xf32>,
      %swap3A_70 = vector.shape_cast %swap3A_69 : vector<1x16xf32> to vector<16xf32>
      %swap3A_71 = vector.shape_cast %broadcast_in_dim3A_1 : vector<16xf32> to vector<1x16xf32>
      tpu.vector_store %arg9[%swap3A_67, %swap3A_68], %swap3A_71 {strides = array<i32>} : memref<128x128xf32, #tpu.memory_space<vmem>>, vector<1x16xf32>,
    }
    %scan3A_6 = arith.constant 128 : i32
    %iota3A = tpu.iota {dimensions = array<i32: 0>} : vector<16xi32>
    %scan3A_7 = arith.constant 0 : i32
    %scan3A_8 = arith.constant 0 : i32
    %scan3A_9 = arith.constant 5 : i32
    %scan3A_10 = arith.addi %scan3A_8, %scan3A_9 : i32
    %scan3A_11 = arith.constant 1 : i32
    scf.for %scan3A_32 = %scan3A_8 to %scan3A_10 step %scan3A_11  : i32 {
      %mul3A_33 = arith.constant 640 : i32
      %mul3A_34 = arith.muli %arg1, %mul3A_33 : i32
      %mul3A_35 = arith.constant 128 : i32
      %mul3A_36 = arith.muli %scan3A_32, %mul3A_35 : i32
      %add3A_37 = arith.addi %mul3A_34, %mul3A_36 : i32
      %add3A_38 = arith.constant 0 : i32
      %add3A_39 = arith.addi %add3A_37, %add3A_38 : i32
      %add3A_40 = vector.broadcast %add3A_39 : i32 to vector<16xi32>
      %add3A_41 = arith.addi %iota3A, %add3A_40 : vector<16xi32>
      %swap3A = arith.constant 0 : index
      %swap3A_42 = tpu.vector_load %arg11[%swap3A] {strides = array<i32>} : memref<128xi32, #tpu.memory_space<vmem>>, vector<16xi32>,
      %swap3A_43 = vector.shape_cast %swap3A_42 : vector<16xi32> to vector<16xi32>
      %swap3A_44 = vector.shape_cast %add3A_41 : vector<16xi32> to vector<16xi32>
      tpu.vector_store %arg11[%swap3A], %swap3A_44 {strides = array<i32>} : memref<128xi32, #tpu.memory_space<vmem>>, vector<16xi32>,
      %add3A_45 = arith.constant 16 : i32
      %add3A_46 = arith.addi %add3A_37, %add3A_45 : i32
      %add3A_47 = vector.broadcast %add3A_46 : i32 to vector<16xi32>
      %add3A_48 = arith.addi %iota3A, %add3A_47 : vector<16xi32>
      %swap3A_49 = arith.constant 16 : index
      %swap3A_50 = tpu.vector_load %arg11[%swap3A_49] {strides = array<i32>} : memref<128xi32, #tpu.memory_space<vmem>>, vector<16xi32>,
      %swap3A_51 = vector.shape_cast %swap3A_50 : vector<16xi32> to vector<16xi32>
      %swap3A_52 = vector.shape_cast %add3A_48 : vector<16xi32> to vector<16xi32>
      tpu.vector_store %arg11[%swap3A_49], %swap3A_52 {strides = array<i32>} : memref<128xi32, #tpu.memory_space<vmem>>, vector<16xi32>,
      %add3A_53 = arith.constant 32 : i32
      %add3A_54 = arith.addi %add3A_37, %add3A_53 : i32
      %add3A_55 = vector.broadcast %add3A_54 : i32 to vector<16xi32>
      %add3A_56 = arith.addi %iota3A, %add3A_55 : vector<16xi32>
      %swap3A_57 = arith.constant 32 : index
      %swap3A_58 = tpu.vector_load %arg11[%swap3A_57] {strides = array<i32>} : memref<128xi32, #tpu.memory_space<vmem>>, vector<16xi32>,
      %swap3A_59 = vector.shape_cast %swap3A_58 : vector<16xi32> to vector<16xi32>
      %swap3A_60 = vector.shape_cast %add3A_56 : vector<16xi32> to vector<16xi32>
      tpu.vector_store %arg11[%swap3A_57], %swap3A_60 {strides = array<i32>} : memref<128xi32, #tpu.memory_space<vmem>>, vector<16xi32>,
      %add3A_61 = arith.constant 48 : i32
      %add3A_62 = arith.addi %add3A_37, %add3A_61 : i32
      %add3A_63 = vector.broadcast %add3A_62 : i32 to vector<16xi32>
      %add3A_64 = arith.addi %iota3A, %add3A_63 : vector<16xi32>
      %swap3A_65 = arith.constant 48 : index
      %swap3A_66 = tpu.vector_load %arg11[%swap3A_65] {strides = array<i32>} : memref<128xi32, #tpu.memory_space<vmem>>, vector<16xi32>,
      %swap3A_67 = vector.shape_cast %swap3A_66 : vector<16xi32> to vector<16xi32>
      %swap3A_68 = vector.shape_cast %add3A_64 : vector<16xi32> to vector<16xi32>
      tpu.vector_store %arg11[%swap3A_65], %swap3A_68 {strides = array<i32>} : memref<128xi32, #tpu.memory_space<vmem>>, vector<16xi32>,
      %add3A_69 = arith.constant 64 : i32
      %add3A_70 = arith.addi %add3A_37, %add3A_69 : i32
      %add3A_71 = vector.broadcast %add3A_70 : i32 to vector<16xi32>
      %add3A_72 = arith.addi %iota3A, %add3A_71 : vector<16xi32>
      %swap3A_73 = arith.constant 64 : index
      %swap3A_74 = tpu.vector_load %arg11[%swap3A_73] {strides = array<i32>} : memref<128xi32, #tpu.memory_space<vmem>>, vector<16xi32>,
      %swap3A_75 = vector.shape_cast %swap3A_74 : vector<16xi32> to vector<16xi32>
      %swap3A_76 = vector.shape_cast %add3A_72 : vector<16xi32> to vector<16xi32>
      tpu.vector_store %arg11[%swap3A_73], %swap3A_76 {strides = array<i32>} : memref<128xi32, #tpu.memory_space<vmem>>, vector<16xi32>,
      %add3A_77 = arith.constant 80 : i32
      %add3A_78 = arith.addi %add3A_37, %add3A_77 : i32
      %add3A_79 = vector.broadcast %add3A_78 : i32 to vector<16xi32>
      %add3A_80 = arith.addi %iota3A, %add3A_79 : vector<16xi32>
      %swap3A_81 = arith.constant 80 : index
      %swap3A_82 = tpu.vector_load %arg11[%swap3A_81] {strides = array<i32>} : memref<128xi32, #tpu.memory_space<vmem>>, vector<16xi32>,
      %swap3A_83 = vector.shape_cast %swap3A_82 : vector<16xi32> to vector<16xi32>
      %swap3A_84 = vector.shape_cast %add3A_80 : vector<16xi32> to vector<16xi32>
      tpu.vector_store %arg11[%swap3A_81], %swap3A_84 {strides = array<i32>} : memref<128xi32, #tpu.memory_space<vmem>>, vector<16xi32>,
      %add3A_85 = arith.constant 96 : i32
      %add3A_86 = arith.addi %add3A_37, %add3A_85 : i32
      %add3A_87 = vector.broadcast %add3A_86 : i32 to vector<16xi32>
      %add3A_88 = arith.addi %iota3A, %add3A_87 : vector<16xi32>
      %swap3A_89 = arith.constant 96 : index
      %swap3A_90 = tpu.vector_load %arg11[%swap3A_89] {strides = array<i32>} : memref<128xi32, #tpu.memory_space<vmem>>, vector<16xi32>,
      %swap3A_91 = vector.shape_cast %swap3A_90 : vector<16xi32> to vector<16xi32>
      %swap3A_92 = vector.shape_cast %add3A_88 : vector<16xi32> to vector<16xi32>
      tpu.vector_store %arg11[%swap3A_89], %swap3A_92 {strides = array<i32>} : memref<128xi32, #tpu.memory_space<vmem>>, vector<16xi32>,
      %add3A_93 = arith.constant 112 : i32
      %add3A_94 = arith.addi %add3A_37, %add3A_93 : i32
      %add3A_95 = vector.broadcast %add3A_94 : i32 to vector<16xi32>
      %add3A_96 = arith.addi %iota3A, %add3A_95 : vector<16xi32>
      %swap3A_97 = arith.constant 112 : index
      %swap3A_98 = tpu.vector_load %arg11[%swap3A_97] {strides = array<i32>} : memref<128xi32, #tpu.memory_space<vmem>>, vector<16xi32>,
      %swap3A_99 = vector.shape_cast %swap3A_98 : vector<16xi32> to vector<16xi32>
      %swap3A_100 = vector.shape_cast %add3A_96 : vector<16xi32> to vector<16xi32>
      tpu.vector_store %arg11[%swap3A_97], %swap3A_100 {strides = array<i32>} : memref<128xi32, #tpu.memory_space<vmem>>, vector<16xi32>,
      "tpu.region"() ({
        %run_scoped3A = tpu.sem_alloc : memref<!tpu.dma_semaphore, #tpu.memory_space<semaphore_mem>>
        %dma_start3A_101 = arith.constant 0 : i32
        %dma_start3A_102 = arith.constant 0 : i32
        %dma_start3A_103 = tpu.memref_slice %arg12[%dma_start3A_101, %dma_start3A_102] : memref<10240x128xf32, #tpu.memory_space<vmem_shared>> -> memref<10240x128xf32, #tpu.memory_space<vmem_shared>>
        tpu.enqueue_indirect_dma source(%arg9 : memref<128x128xf32, #tpu.memory_space<vmem>>) target(%dma_start3A_103 : memref<10240x128xf32, #tpu.memory_space<vmem_shared>>) offsets(%arg11 : memref<128xi32, #tpu.memory_space<vmem>>) semaphore(%run_scoped3A : memref<!tpu.dma_semaphore, #tpu.memory_space<semaphore_mem>>)
        %dma_wait3A = arith.constant 0 : i32
        %dma_wait3A_104 = arith.constant 0 : i32
        %dma_wait3A_105 = tpu.memref_slice %arg12[%dma_wait3A, %dma_wait3A_104] : memref<10240x128xf32, #tpu.memory_space<vmem_shared>> -> memref<10240x128xf32, #tpu.memory_space<vmem_shared>>
        tpu.wait_indirect_dma semaphore(%run_scoped3A : memref<!tpu.dma_semaphore, #tpu.memory_space<semaphore_mem>>) src(%arg9 : memref<128x128xf32, #tpu.memory_space<vmem>>) dst(%dma_wait3A_105 : memref<10240x128xf32, #tpu.memory_space<vmem_shared>>)
        tpu.yield
      }) : () -> ()
    }
    %scan3A_12 = arith.constant 5 : i32
    %barrier3A = arith.constant 0 : index
    tpu.barrier barrier_id(%barrier3A)
    "tpu.region"() ({
      %run_scoped3A = tpu.sem_alloc : memref<!tpu.dma_semaphore, #tpu.memory_space<semaphore_mem>>
      %dma_start3A_32 = arith.constant 0 : i32
      %dma_start3A_33 = arith.constant 0 : i32
      %dma_start3A_34 = tpu.memref_slice %arg3[%add3A, %dma_start3A_32, %dma_start3A_33] : memref<32x80x128xi32, #tpu.memory_space<hbm>> -> memref<1x8x128xi32, #tpu.memory_space<hbm>>
      %dma_start3A_35 = tpu.memref_squeeze %dma_start3A_34 : memref<1x8x128xi32, #tpu.memory_space<hbm>> -> memref<8x128xi32, #tpu.memory_space<hbm>>
      %dma_start3A_36 = arith.constant 0 : i32
      %dma_start3A_37 = arith.constant 0 : i32
      %dma_start3A_38 = tpu.memref_slice %arg3[%add3A, %dma_start3A_36, %dma_start3A_37] : memref<32x80x128xi32, #tpu.memory_space<hbm>> -> memref<1x8x128xi32, #tpu.memory_space<hbm>>
      %dma_start3A_39 = tpu.memref_squeeze %dma_start3A_38 : memref<1x8x128xi32, #tpu.memory_space<hbm>> -> memref<8x128xi32, #tpu.memory_space<hbm>>
      tpu.enqueue_dma source(%dma_start3A_39 : memref<8x128xi32, #tpu.memory_space<hbm>>) target(%arg7 : memref<8x128xi32, #tpu.memory_space<vmem>>) target_semaphore(%run_scoped3A : memref<!tpu.dma_semaphore, #tpu.memory_space<semaphore_mem>>)
      %dma_wait3A = arith.constant 0 : i32
      %dma_wait3A_40 = arith.constant 0 : i32
      %dma_wait3A_41 = tpu.memref_slice %arg3[%add3A, %dma_wait3A, %dma_wait3A_40] : memref<32x80x128xi32, #tpu.memory_space<hbm>> -> memref<1x8x128xi32, #tpu.memory_space<hbm>>
      %dma_wait3A_42 = tpu.memref_squeeze %dma_wait3A_41 : memref<1x8x128xi32, #tpu.memory_space<hbm>> -> memref<8x128xi32, #tpu.memory_space<hbm>>
      %dma_wait3A_43 = arith.constant 0 : i32
      %dma_wait3A_44 = arith.constant 0 : i32
      %dma_wait3A_45 = tpu.memref_slice %arg3[%add3A, %dma_wait3A_43, %dma_wait3A_44] : memref<32x80x128xi32, #tpu.memory_space<hbm>> -> memref<1x8x128xi32, #tpu.memory_space<hbm>>
      %dma_wait3A_46 = tpu.memref_squeeze %dma_wait3A_45 : memref<1x8x128xi32, #tpu.memory_space<hbm>> -> memref<8x128xi32, #tpu.memory_space<hbm>>
      tpu.wait_dma2 semaphore(%run_scoped3A : memref<!tpu.dma_semaphore, #tpu.memory_space<semaphore_mem>>) src(%dma_wait3A_46 : memref<8x128xi32, #tpu.memory_space<hbm>>) dst(%arg7 : memref<8x128xi32, #tpu.memory_space<vmem>>)
      tpu.yield
    }) : () -> ()
    "tpu.region"() ({
      %run_scoped3A = tpu.sem_alloc : memref<!tpu.dma_semaphore, #tpu.memory_space<semaphore_mem>>
      %dma_start3A_32 = arith.constant 0 : i32
      %dma_start3A_33 = arith.constant 0 : i32
      %dma_start3A_34 = tpu.memref_slice %arg4[%add3A, %dma_start3A_32, %dma_start3A_33] : memref<32x80x128xi32, #tpu.memory_space<hbm>> -> memref<1x8x128xi32, #tpu.memory_space<hbm>>
      %dma_start3A_35 = tpu.memref_squeeze %dma_start3A_34 : memref<1x8x128xi32, #tpu.memory_space<hbm>> -> memref<8x128xi32, #tpu.memory_space<hbm>>
      %dma_start3A_36 = arith.constant 0 : i32
      %dma_start3A_37 = arith.constant 0 : i32
      %dma_start3A_38 = tpu.memref_slice %arg4[%add3A, %dma_start3A_36, %dma_start3A_37] : memref<32x80x128xi32, #tpu.memory_space<hbm>> -> memref<1x8x128xi32, #tpu.memory_space<hbm>>
      %dma_start3A_39 = tpu.memref_squeeze %dma_start3A_38 : memref<1x8x128xi32, #tpu.memory_space<hbm>> -> memref<8x128xi32, #tpu.memory_space<hbm>>
      tpu.enqueue_dma source(%dma_start3A_39 : memref<8x128xi32, #tpu.memory_space<hbm>>) target(%arg8 : memref<8x128xi32, #tpu.memory_space<vmem>>) target_semaphore(%run_scoped3A : memref<!tpu.dma_semaphore, #tpu.memory_space<semaphore_mem>>)
      %dma_wait3A = arith.constant 0 : i32
      %dma_wait3A_40 = arith.constant 0 : i32
      %dma_wait3A_41 = tpu.memref_slice %arg4[%add3A, %dma_wait3A, %dma_wait3A_40] : memref<32x80x128xi32, #tpu.memory_space<hbm>> -> memref<1x8x128xi32, #tpu.memory_space<hbm>>
      %dma_wait3A_42 = tpu.memref_squeeze %dma_wait3A_41 : memref<1x8x128xi32, #tpu.memory_space<hbm>> -> memref<8x128xi32, #tpu.memory_space<hbm>>
      %dma_wait3A_43 = arith.constant 0 : i32
      %dma_wait3A_44 = arith.constant 0 : i32
      %dma_wait3A_45 = tpu.memref_slice %arg4[%add3A, %dma_wait3A_43, %dma_wait3A_44] : memref<32x80x128xi32, #tpu.memory_space<hbm>> -> memref<1x8x128xi32, #tpu.memory_space<hbm>>
      %dma_wait3A_46 = tpu.memref_squeeze %dma_wait3A_45 : memref<1x8x128xi32, #tpu.memory_space<hbm>> -> memref<8x128xi32, #tpu.memory_space<hbm>>
      tpu.wait_dma2 semaphore(%run_scoped3A : memref<!tpu.dma_semaphore, #tpu.memory_space<semaphore_mem>>) src(%dma_wait3A_46 : memref<8x128xi32, #tpu.memory_space<hbm>>) dst(%arg8 : memref<8x128xi32, #tpu.memory_space<vmem>>)
      tpu.yield
    }) : () -> ()
    %dma_start3A = arith.constant 0 : i32
    %dma_start3A_13 = arith.constant 0 : i32
    %dma_start3A_14 = tpu.memref_slice %arg7[%dma_start3A, %dma_start3A_13] : memref<8x128xi32, #tpu.memory_space<vmem>> -> memref<1x128xi32, #tpu.memory_space<vmem>>
    %dma_start3A_15 = tpu.memref_squeeze %dma_start3A_14 : memref<1x128xi32, #tpu.memory_space<vmem>> -> memref<128xi32, #tpu.memory_space<vmem>>
    %dma_start3A_16 = arith.constant 0 : i32
    %dma_start3A_17 = arith.constant 0 : i32
    %dma_start3A_18 = tpu.memref_slice %arg2[%dma_start3A_16, %dma_start3A_17] : memref<10000x128xf32, #tpu.memory_space<hbm>> -> memref<10000x128xf32, #tpu.memory_space<hbm>>
    tpu.enqueue_indirect_dma source(%dma_start3A_18 : memref<10000x128xf32, #tpu.memory_space<hbm>>) target(%arg9 : memref<128x128xf32, #tpu.memory_space<vmem>>) offsets(%dma_start3A_15 : memref<128xi32, #tpu.memory_space<vmem>>) semaphore(%arg13 : memref<!tpu.dma_semaphore, #tpu.memory_space<semaphore_mem>>)
    %scan3A_19 = arith.constant 0 : i32
    %scan3A_20 = arith.constant 0 : i32
    %scan3A_21 = arith.constant 10 : i32
    %scan3A_22 = arith.addi %scan3A_20, %scan3A_21 : i32
    %scan3A_23 = arith.constant 1 : i32
    scf.for %scan3A_32 = %scan3A_20 to %scan3A_22 step %scan3A_23  : i32 {
      %dma_start3A_33 = arith.constant 1 : i32
      %dma_start3A_34 = arith.constant 0 : i32
      %dma_start3A_35 = tpu.memref_slice %arg7[%dma_start3A_33, %dma_start3A_34] : memref<8x128xi32, #tpu.memory_space<vmem>> -> memref<1x128xi32, #tpu.memory_space<vmem>>
      %dma_start3A_36 = tpu.memref_squeeze %dma_start3A_35 : memref<1x128xi32, #tpu.memory_space<vmem>> -> memref<128xi32, #tpu.memory_space<vmem>>
      %dma_start3A_37 = arith.constant 0 : i32
      %dma_start3A_38 = arith.constant 0 : i32
      %dma_start3A_39 = tpu.memref_slice %arg2[%dma_start3A_37, %dma_start3A_38] : memref<10000x128xf32, #tpu.memory_space<hbm>> -> memref<10000x128xf32, #tpu.memory_space<hbm>>
      tpu.enqueue_indirect_dma source(%dma_start3A_39 : memref<10000x128xf32, #tpu.memory_space<hbm>>) target(%arg10 : memref<128x128xf32, #tpu.memory_space<vmem>>) offsets(%dma_start3A_36 : memref<128xi32, #tpu.memory_space<vmem>>) semaphore(%arg14 : memref<!tpu.dma_semaphore, #tpu.memory_space<semaphore_mem>>)
      %dma_wait3A = arith.constant 0 : i32
      %dma_wait3A_40 = arith.constant 0 : i32
      %dma_wait3A_41 = tpu.memref_slice %arg7[%dma_wait3A, %dma_wait3A_40] : memref<8x128xi32, #tpu.memory_space<vmem>> -> memref<1x128xi32, #tpu.memory_space<vmem>>
      %dma_wait3A_42 = tpu.memref_squeeze %dma_wait3A_41 : memref<1x128xi32, #tpu.memory_space<vmem>> -> memref<128xi32, #tpu.memory_space<vmem>>
      %dma_wait3A_43 = arith.constant 0 : i32
      %dma_wait3A_44 = arith.constant 0 : i32
      %dma_wait3A_45 = tpu.memref_slice %arg2[%dma_wait3A_43, %dma_wait3A_44] : memref<10000x128xf32, #tpu.memory_space<hbm>> -> memref<10000x128xf32, #tpu.memory_space<hbm>>
      tpu.wait_indirect_dma semaphore(%arg13 : memref<!tpu.dma_semaphore, #tpu.memory_space<semaphore_mem>>) src(%dma_wait3A_45 : memref<10000x128xf32, #tpu.memory_space<hbm>>) dst(%arg9 : memref<128x128xf32, #tpu.memory_space<vmem>>)
      %dma_start3A_46 = arith.constant 0 : i32
      %dma_start3A_47 = arith.constant 0 : i32
      %dma_start3A_48 = tpu.memref_slice %arg8[%dma_start3A_46, %dma_start3A_47] : memref<8x128xi32, #tpu.memory_space<vmem>> -> memref<1x128xi32, #tpu.memory_space<vmem>>
      %dma_start3A_49 = tpu.memref_squeeze %dma_start3A_48 : memref<1x128xi32, #tpu.memory_space<vmem>> -> memref<128xi32, #tpu.memory_space<vmem>>
      %dma_start3A_50 = arith.constant 0 : i32
      %dma_start3A_51 = arith.constant 0 : i32
      %dma_start3A_52 = tpu.memref_slice %arg12[%dma_start3A_50, %dma_start3A_51] : memref<10240x128xf32, #tpu.memory_space<vmem_shared>> -> memref<10240x128xf32, #tpu.memory_space<vmem_shared>>
      tpu.enqueue_indirect_dma source(%arg9 : memref<128x128xf32, #tpu.memory_space<vmem>>) target(%dma_start3A_52 : memref<10240x128xf32, #tpu.memory_space<vmem_shared>>) offsets(%dma_start3A_49 : memref<128xi32, #tpu.memory_space<vmem>>) semaphore(%arg15 : memref<!tpu.dma_semaphore, #tpu.memory_space<semaphore_mem>>) {add = true}
      %dma_wait3A_53 = arith.constant 1 : i32
      %dma_wait3A_54 = arith.constant 0 : i32
      %dma_wait3A_55 = tpu.memref_slice %arg8[%dma_wait3A_53, %dma_wait3A_54] : memref<8x128xi32, #tpu.memory_space<vmem>> -> memref<1x128xi32, #tpu.memory_space<vmem>>
      %dma_wait3A_56 = tpu.memref_squeeze %dma_wait3A_55 : memref<1x128xi32, #tpu.memory_space<vmem>> -> memref<128xi32, #tpu.memory_space<vmem>>
      %dma_wait3A_57 = arith.constant 0 : i32
      %dma_wait3A_58 = arith.constant 0 : i32
      %dma_wait3A_59 = tpu.memref_slice %arg12[%dma_wait3A_57, %dma_wait3A_58] : memref<10240x128xf32, #tpu.memory_space<vmem_shared>> -> memref<10240x128xf32, #tpu.memory_space<vmem_shared>>
      tpu.wait_indirect_dma semaphore(%arg15 : memref<!tpu.dma_semaphore, #tpu.memory_space<semaphore_mem>>) src(%arg9 : memref<128x128xf32, #tpu.memory_space<vmem>>) dst(%dma_wait3A_59 : memref<10240x128xf32, #tpu.memory_space<vmem_shared>>)
      %dma_start3A_60 = arith.constant 2 : i32
      %dma_start3A_61 = arith.constant 0 : i32
      %dma_start3A_62 = tpu.memref_slice %arg7[%dma_start3A_60, %dma_start3A_61] : memref<8x128xi32, #tpu.memory_space<vmem>> -> memref<1x128xi32, #tpu.memory_space<vmem>>
      %dma_start3A_63 = tpu.memref_squeeze %dma_start3A_62 : memref<1x128xi32, #tpu.memory_space<vmem>> -> memref<128xi32, #tpu.memory_space<vmem>>
      %dma_start3A_64 = arith.constant 0 : i32
      %dma_start3A_65 = arith.constant 0 : i32
      %dma_start3A_66 = tpu.memref_slice %arg2[%dma_start3A_64, %dma_start3A_65] : memref<10000x128xf32, #tpu.memory_space<hbm>> -> memref<10000x128xf32, #tpu.memory_space<hbm>>
      tpu.enqueue_indirect_dma source(%dma_start3A_66 : memref<10000x128xf32, #tpu.memory_space<hbm>>) target(%arg9 : memref<128x128xf32, #tpu.memory_space<vmem>>) offsets(%dma_start3A_63 : memref<128xi32, #tpu.memory_space<vmem>>) semaphore(%arg13 : memref<!tpu.dma_semaphore, #tpu.memory_space<semaphore_mem>>)
      %dma_wait3A_67 = arith.constant 1 : i32
      %dma_wait3A_68 = arith.constant 0 : i32
      %dma_wait3A_69 = tpu.memref_slice %arg7[%dma_wait3A_67, %dma_wait3A_68] : memref<8x128xi32, #tpu.memory_space<vmem>> -> memref<1x128xi32, #tpu.memory_space<vmem>>
      %dma_wait3A_70 = tpu.memref_squeeze %dma_wait3A_69 : memref<1x128xi32, #tpu.memory_space<vmem>> -> memref<128xi32, #tpu.memory_space<vmem>>
      %dma_wait3A_71 = arith.constant 0 : i32
      %dma_wait3A_72 = arith.constant 0 : i32
      %dma_wait3A_73 = tpu.memref_slice %arg2[%dma_wait3A_71, %dma_wait3A_72] : memref<10000x128xf32, #tpu.memory_space<hbm>> -> memref<10000x128xf32, #tpu.memory_space<hbm>>
      tpu.wait_indirect_dma semaphore(%arg14 : memref<!tpu.dma_semaphore, #tpu.memory_space<semaphore_mem>>) src(%dma_wait3A_73 : memref<10000x128xf32, #tpu.memory_space<hbm>>) dst(%arg10 : memref<128x128xf32, #tpu.memory_space<vmem>>)
      %dma_start3A_74 = arith.constant 1 : i32
      %dma_start3A_75 = arith.constant 0 : i32
      %dma_start3A_76 = tpu.memref_slice %arg8[%dma_start3A_74, %dma_start3A_75] : memref<8x128xi32, #tpu.memory_space<vmem>> -> memref<1x128xi32, #tpu.memory_space<vmem>>
      %dma_start3A_77 = tpu.memref_squeeze %dma_start3A_76 : memref<1x128xi32, #tpu.memory_space<vmem>> -> memref<128xi32, #tpu.memory_space<vmem>>
      %dma_start3A_78 = arith.constant 0 : i32
      %dma_start3A_79 = arith.constant 0 : i32
      %dma_start3A_80 = tpu.memref_slice %arg12[%dma_start3A_78, %dma_start3A_79] : memref<10240x128xf32, #tpu.memory_space<vmem_shared>> -> memref<10240x128xf32, #tpu.memory_space<vmem_shared>>
      tpu.enqueue_indirect_dma source(%arg10 : memref<128x128xf32, #tpu.memory_space<vmem>>) target(%dma_start3A_80 : memref<10240x128xf32, #tpu.memory_space<vmem_shared>>) offsets(%dma_start3A_77 : memref<128xi32, #tpu.memory_space<vmem>>) semaphore(%arg16 : memref<!tpu.dma_semaphore, #tpu.memory_space<semaphore_mem>>) {add = true}
      %dma_wait3A_81 = arith.constant 2 : i32
      %dma_wait3A_82 = arith.constant 0 : i32
      %dma_wait3A_83 = tpu.memref_slice %arg8[%dma_wait3A_81, %dma_wait3A_82] : memref<8x128xi32, #tpu.memory_space<vmem>> -> memref<1x128xi32, #tpu.memory_space<vmem>>
      %dma_wait3A_84 = tpu.memref_squeeze %dma_wait3A_83 : memref<1x128xi32, #tpu.memory_space<vmem>> -> memref<128xi32, #tpu.memory_space<vmem>>
      %dma_wait3A_85 = arith.constant 0 : i32
      %dma_wait3A_86 = arith.constant 0 : i32
      %dma_wait3A_87 = tpu.memref_slice %arg12[%dma_wait3A_85, %dma_wait3A_86] : memref<10240x128xf32, #tpu.memory_space<vmem_shared>> -> memref<10240x128xf32, #tpu.memory_space<vmem_shared>>
      tpu.wait_indirect_dma semaphore(%arg16 : memref<!tpu.dma_semaphore, #tpu.memory_space<semaphore_mem>>) src(%arg10 : memref<128x128xf32, #tpu.memory_space<vmem>>) dst(%dma_wait3A_87 : memref<10240x128xf32, #tpu.memory_space<vmem_shared>>)
      %dma_start3A_88 = arith.constant 3 : i32
      %dma_start3A_89 = arith.constant 0 : i32
      %dma_start3A_90 = tpu.memref_slice %arg7[%dma_start3A_88, %dma_start3A_89] : memref<8x128xi32, #tpu.memory_space<vmem>> -> memref<1x128xi32, #tpu.memory_space<vmem>>
      %dma_start3A_91 = tpu.memref_squeeze %dma_start3A_90 : memref<1x128xi32, #tpu.memory_space<vmem>> -> memref<128xi32, #tpu.memory_space<vmem>>
      %dma_start3A_92 = arith.constant 0 : i32
      %dma_start3A_93 = arith.constant 0 : i32
      %dma_start3A_94 = tpu.memref_slice %arg2[%dma_start3A_92, %dma_start3A_93] : memref<10000x128xf32, #tpu.memory_space<hbm>> -> memref<10000x128xf32, #tpu.memory_space<hbm>>
      tpu.enqueue_indirect_dma source(%dma_start3A_94 : memref<10000x128xf32, #tpu.memory_space<hbm>>) target(%arg10 : memref<128x128xf32, #tpu.memory_space<vmem>>) offsets(%dma_start3A_91 : memref<128xi32, #tpu.memory_space<vmem>>) semaphore(%arg14 : memref<!tpu.dma_semaphore, #tpu.memory_space<semaphore_mem>>)
      %dma_wait3A_95 = arith.constant 2 : i32
      %dma_wait3A_96 = arith.constant 0 : i32
      %dma_wait3A_97 = tpu.memref_slice %arg7[%dma_wait3A_95, %dma_wait3A_96] : memref<8x128xi32, #tpu.memory_space<vmem>> -> memref<1x128xi32, #tpu.memory_space<vmem>>
      %dma_wait3A_98 = tpu.memref_squeeze %dma_wait3A_97 : memref<1x128xi32, #tpu.memory_space<vmem>> -> memref<128xi32, #tpu.memory_space<vmem>>
      %dma_wait3A_99 = arith.constant 0 : i32
      %dma_wait3A_100 = arith.constant 0 : i32
      %dma_wait3A_101 = tpu.memref_slice %arg2[%dma_wait3A_99, %dma_wait3A_100] : memref<10000x128xf32, #tpu.memory_space<hbm>> -> memref<10000x128xf32, #tpu.memory_space<hbm>>
      tpu.wait_indirect_dma semaphore(%arg13 : memref<!tpu.dma_semaphore, #tpu.memory_space<semaphore_mem>>) src(%dma_wait3A_101 : memref<10000x128xf32, #tpu.memory_space<hbm>>) dst(%arg9 : memref<128x128xf32, #tpu.memory_space<vmem>>)
      %dma_start3A_102 = arith.constant 2 : i32
      %dma_start3A_103 = arith.constant 0 : i32
      %dma_start3A_104 = tpu.memref_slice %arg8[%dma_start3A_102, %dma_start3A_103] : memref<8x128xi32, #tpu.memory_space<vmem>> -> memref<1x128xi32, #tpu.memory_space<vmem>>
      %dma_start3A_105 = tpu.memref_squeeze %dma_start3A_104 : memref<1x128xi32, #tpu.memory_space<vmem>> -> memref<128xi32, #tpu.memory_space<vmem>>
      %dma_start3A_106 = arith.constant 0 : i32
      %dma_start3A_107 = arith.constant 0 : i32
      %dma_start3A_108 = tpu.memref_slice %arg12[%dma_start3A_106, %dma_start3A_107] : memref<10240x128xf32, #tpu.memory_space<vmem_shared>> -> memref<10240x128xf32, #tpu.memory_space<vmem_shared>>
      tpu.enqueue_indirect_dma source(%arg9 : memref<128x128xf32, #tpu.memory_space<vmem>>) target(%dma_start3A_108 : memref<10240x128xf32, #tpu.memory_space<vmem_shared>>) offsets(%dma_start3A_105 : memref<128xi32, #tpu.memory_space<vmem>>) semaphore(%arg15 : memref<!tpu.dma_semaphore, #tpu.memory_space<semaphore_mem>>) {add = true}
      %dma_wait3A_109 = arith.constant 3 : i32
      %dma_wait3A_110 = arith.constant 0 : i32
      %dma_wait3A_111 = tpu.memref_slice %arg8[%dma_wait3A_109, %dma_wait3A_110] : memref<8x128xi32, #tpu.memory_space<vmem>> -> memref<1x128xi32, #tpu.memory_space<vmem>>
      %dma_wait3A_112 = tpu.memref_squeeze %dma_wait3A_111 : memref<1x128xi32, #tpu.memory_space<vmem>> -> memref<128xi32, #tpu.memory_space<vmem>>
      %dma_wait3A_113 = arith.constant 0 : i32
      %dma_wait3A_114 = arith.constant 0 : i32
      %dma_wait3A_115 = tpu.memref_slice %arg12[%dma_wait3A_113, %dma_wait3A_114] : memref<10240x128xf32, #tpu.memory_space<vmem_shared>> -> memref<10240x128xf32, #tpu.memory_space<vmem_shared>>
      tpu.wait_indirect_dma semaphore(%arg15 : memref<!tpu.dma_semaphore, #tpu.memory_space<semaphore_mem>>) src(%arg9 : memref<128x128xf32, #tpu.memory_space<vmem>>) dst(%dma_wait3A_115 : memref<10240x128xf32, #tpu.memory_space<vmem_shared>>)
      %dma_start3A_116 = arith.constant 4 : i32
      %dma_start3A_117 = arith.constant 0 : i32
      %dma_start3A_118 = tpu.memref_slice %arg7[%dma_start3A_116, %dma_start3A_117] : memref<8x128xi32, #tpu.memory_space<vmem>> -> memref<1x128xi32, #tpu.memory_space<vmem>>
      %dma_start3A_119 = tpu.memref_squeeze %dma_start3A_118 : memref<1x128xi32, #tpu.memory_space<vmem>> -> memref<128xi32, #tpu.memory_space<vmem>>
      %dma_start3A_120 = arith.constant 0 : i32
      %dma_start3A_121 = arith.constant 0 : i32
      %dma_start3A_122 = tpu.memref_slice %arg2[%dma_start3A_120, %dma_start3A_121] : memref<10000x128xf32, #tpu.memory_space<hbm>> -> memref<10000x128xf32, #tpu.memory_space<hbm>>
      tpu.enqueue_indirect_dma source(%dma_start3A_122 : memref<10000x128xf32, #tpu.memory_space<hbm>>) target(%arg9 : memref<128x128xf32, #tpu.memory_space<vmem>>) offsets(%dma_start3A_119 : memref<128xi32, #tpu.memory_space<vmem>>) semaphore(%arg13 : memref<!tpu.dma_semaphore, #tpu.memory_space<semaphore_mem>>)
      %dma_wait3A_123 = arith.constant 3 : i32
      %dma_wait3A_124 = arith.constant 0 : i32
      %dma_wait3A_125 = tpu.memref_slice %arg7[%dma_wait3A_123, %dma_wait3A_124] : memref<8x128xi32, #tpu.memory_space<vmem>> -> memref<1x128xi32, #tpu.memory_space<vmem>>
      %dma_wait3A_126 = tpu.memref_squeeze %dma_wait3A_125 : memref<1x128xi32, #tpu.memory_space<vmem>> -> memref<128xi32, #tpu.memory_space<vmem>>
      %dma_wait3A_127 = arith.constant 0 : i32
      %dma_wait3A_128 = arith.constant 0 : i32
      %dma_wait3A_129 = tpu.memref_slice %arg2[%dma_wait3A_127, %dma_wait3A_128] : memref<10000x128xf32, #tpu.memory_space<hbm>> -> memref<10000x128xf32, #tpu.memory_space<hbm>>
      tpu.wait_indirect_dma semaphore(%arg14 : memref<!tpu.dma_semaphore, #tpu.memory_space<semaphore_mem>>) src(%dma_wait3A_129 : memref<10000x128xf32, #tpu.memory_space<hbm>>) dst(%arg10 : memref<128x128xf32, #tpu.memory_space<vmem>>)
      %dma_start3A_130 = arith.constant 3 : i32
      %dma_start3A_131 = arith.constant 0 : i32
      %dma_start3A_132 = tpu.memref_slice %arg8[%dma_start3A_130, %dma_start3A_131] : memref<8x128xi32, #tpu.memory_space<vmem>> -> memref<1x128xi32, #tpu.memory_space<vmem>>
      %dma_start3A_133 = tpu.memref_squeeze %dma_start3A_132 : memref<1x128xi32, #tpu.memory_space<vmem>> -> memref<128xi32, #tpu.memory_space<vmem>>
      %dma_start3A_134 = arith.constant 0 : i32
      %dma_start3A_135 = arith.constant 0 : i32
      %dma_start3A_136 = tpu.memref_slice %arg12[%dma_start3A_134, %dma_start3A_135] : memref<10240x128xf32, #tpu.memory_space<vmem_shared>> -> memref<10240x128xf32, #tpu.memory_space<vmem_shared>>
      tpu.enqueue_indirect_dma source(%arg10 : memref<128x128xf32, #tpu.memory_space<vmem>>) target(%dma_start3A_136 : memref<10240x128xf32, #tpu.memory_space<vmem_shared>>) offsets(%dma_start3A_133 : memref<128xi32, #tpu.memory_space<vmem>>) semaphore(%arg16 : memref<!tpu.dma_semaphore, #tpu.memory_space<semaphore_mem>>) {add = true}
      %dma_wait3A_137 = arith.constant 4 : i32
      %dma_wait3A_138 = arith.constant 0 : i32
      %dma_wait3A_139 = tpu.memref_slice %arg8[%dma_wait3A_137, %dma_wait3A_138] : memref<8x128xi32, #tpu.memory_space<vmem>> -> memref<1x128xi32, #tpu.memory_space<vmem>>
      %dma_wait3A_140 = tpu.memref_squeeze %dma_wait3A_139 : memref<1x128xi32, #tpu.memory_space<vmem>> -> memref<128xi32, #tpu.memory_space<vmem>>
      %dma_wait3A_141 = arith.constant 0 : i32
      %dma_wait3A_142 = arith.constant 0 : i32
      %dma_wait3A_143 = tpu.memref_slice %arg12[%dma_wait3A_141, %dma_wait3A_142] : memref<10240x128xf32, #tpu.memory_space<vmem_shared>> -> memref<10240x128xf32, #tpu.memory_space<vmem_shared>>
      tpu.wait_indirect_dma semaphore(%arg16 : memref<!tpu.dma_semaphore, #tpu.memory_space<semaphore_mem>>) src(%arg10 : memref<128x128xf32, #tpu.memory_space<vmem>>) dst(%dma_wait3A_143 : memref<10240x128xf32, #tpu.memory_space<vmem_shared>>)
      %dma_start3A_144 = arith.constant 5 : i32
      %dma_start3A_145 = arith.constant 0 : i32
      %dma_start3A_146 = tpu.memref_slice %arg7[%dma_start3A_144, %dma_start3A_145] : memref<8x128xi32, #tpu.memory_space<vmem>> -> memref<1x128xi32, #tpu.memory_space<vmem>>
      %dma_start3A_147 = tpu.memref_squeeze %dma_start3A_146 : memref<1x128xi32, #tpu.memory_space<vmem>> -> memref<128xi32, #tpu.memory_space<vmem>>
      %dma_start3A_148 = arith.constant 0 : i32
      %dma_start3A_149 = arith.constant 0 : i32
      %dma_start3A_150 = tpu.memref_slice %arg2[%dma_start3A_148, %dma_start3A_149] : memref<10000x128xf32, #tpu.memory_space<hbm>> -> memref<10000x128xf32, #tpu.memory_space<hbm>>
      tpu.enqueue_indirect_dma source(%dma_start3A_150 : memref<10000x128xf32, #tpu.memory_space<hbm>>) target(%arg10 : memref<128x128xf32, #tpu.memory_space<vmem>>) offsets(%dma_start3A_147 : memref<128xi32, #tpu.memory_space<vmem>>) semaphore(%arg14 : memref<!tpu.dma_semaphore, #tpu.memory_space<semaphore_mem>>)
      %dma_wait3A_151 = arith.constant 4 : i32
      %dma_wait3A_152 = arith.constant 0 : i32
      %dma_wait3A_153 = tpu.memref_slice %arg7[%dma_wait3A_151, %dma_wait3A_152] : memref<8x128xi32, #tpu.memory_space<vmem>> -> memref<1x128xi32, #tpu.memory_space<vmem>>
      %dma_wait3A_154 = tpu.memref_squeeze %dma_wait3A_153 : memref<1x128xi32, #tpu.memory_space<vmem>> -> memref<128xi32, #tpu.memory_space<vmem>>
      %dma_wait3A_155 = arith.constant 0 : i32
      %dma_wait3A_156 = arith.constant 0 : i32
      %dma_wait3A_157 = tpu.memref_slice %arg2[%dma_wait3A_155, %dma_wait3A_156] : memref<10000x128xf32, #tpu.memory_space<hbm>> -> memref<10000x128xf32, #tpu.memory_space<hbm>>
      tpu.wait_indirect_dma semaphore(%arg13 : memref<!tpu.dma_semaphore, #tpu.memory_space<semaphore_mem>>) src(%dma_wait3A_157 : memref<10000x128xf32, #tpu.memory_space<hbm>>) dst(%arg9 : memref<128x128xf32, #tpu.memory_space<vmem>>)
      %dma_start3A_158 = arith.constant 4 : i32
      %dma_start3A_159 = arith.constant 0 : i32
      %dma_start3A_160 = tpu.memref_slice %arg8[%dma_start3A_158, %dma_start3A_159] : memref<8x128xi32, #tpu.memory_space<vmem>> -> memref<1x128xi32, #tpu.memory_space<vmem>>
      %dma_start3A_161 = tpu.memref_squeeze %dma_start3A_160 : memref<1x128xi32, #tpu.memory_space<vmem>> -> memref<128xi32, #tpu.memory_space<vmem>>
      %dma_start3A_162 = arith.constant 0 : i32
      %dma_start3A_163 = arith.constant 0 : i32
      %dma_start3A_164 = tpu.memref_slice %arg12[%dma_start3A_162, %dma_start3A_163] : memref<10240x128xf32, #tpu.memory_space<vmem_shared>> -> memref<10240x128xf32, #tpu.memory_space<vmem_shared>>
      tpu.enqueue_indirect_dma source(%arg9 : memref<128x128xf32, #tpu.memory_space<vmem>>) target(%dma_start3A_164 : memref<10240x128xf32, #tpu.memory_space<vmem_shared>>) offsets(%dma_start3A_161 : memref<128xi32, #tpu.memory_space<vmem>>) semaphore(%arg15 : memref<!tpu.dma_semaphore, #tpu.memory_space<semaphore_mem>>) {add = true}
      %dma_wait3A_165 = arith.constant 5 : i32
      %dma_wait3A_166 = arith.constant 0 : i32
      %dma_wait3A_167 = tpu.memref_slice %arg8[%dma_wait3A_165, %dma_wait3A_166] : memref<8x128xi32, #tpu.memory_space<vmem>> -> memref<1x128xi32, #tpu.memory_space<vmem>>
      %dma_wait3A_168 = tpu.memref_squeeze %dma_wait3A_167 : memref<1x128xi32, #tpu.memory_space<vmem>> -> memref<128xi32, #tpu.memory_space<vmem>>
      %dma_wait3A_169 = arith.constant 0 : i32
      %dma_wait3A_170 = arith.constant 0 : i32
      %dma_wait3A_171 = tpu.memref_slice %arg12[%dma_wait3A_169, %dma_wait3A_170] : memref<10240x128xf32, #tpu.memory_space<vmem_shared>> -> memref<10240x128xf32, #tpu.memory_space<vmem_shared>>
      tpu.wait_indirect_dma semaphore(%arg15 : memref<!tpu.dma_semaphore, #tpu.memory_space<semaphore_mem>>) src(%arg9 : memref<128x128xf32, #tpu.memory_space<vmem>>) dst(%dma_wait3A_171 : memref<10240x128xf32, #tpu.memory_space<vmem_shared>>)
      %dma_start3A_172 = arith.constant 6 : i32
      %dma_start3A_173 = arith.constant 0 : i32
      %dma_start3A_174 = tpu.memref_slice %arg7[%dma_start3A_172, %dma_start3A_173] : memref<8x128xi32, #tpu.memory_space<vmem>> -> memref<1x128xi32, #tpu.memory_space<vmem>>
      %dma_start3A_175 = tpu.memref_squeeze %dma_start3A_174 : memref<1x128xi32, #tpu.memory_space<vmem>> -> memref<128xi32, #tpu.memory_space<vmem>>
      %dma_start3A_176 = arith.constant 0 : i32
      %dma_start3A_177 = arith.constant 0 : i32
      %dma_start3A_178 = tpu.memref_slice %arg2[%dma_start3A_176, %dma_start3A_177] : memref<10000x128xf32, #tpu.memory_space<hbm>> -> memref<10000x128xf32, #tpu.memory_space<hbm>>
      tpu.enqueue_indirect_dma source(%dma_start3A_178 : memref<10000x128xf32, #tpu.memory_space<hbm>>) target(%arg9 : memref<128x128xf32, #tpu.memory_space<vmem>>) offsets(%dma_start3A_175 : memref<128xi32, #tpu.memory_space<vmem>>) semaphore(%arg13 : memref<!tpu.dma_semaphore, #tpu.memory_space<semaphore_mem>>)
      %dma_wait3A_179 = arith.constant 5 : i32
      %dma_wait3A_180 = arith.constant 0 : i32
      %dma_wait3A_181 = tpu.memref_slice %arg7[%dma_wait3A_179, %dma_wait3A_180] : memref<8x128xi32, #tpu.memory_space<vmem>> -> memref<1x128xi32, #tpu.memory_space<vmem>>
      %dma_wait3A_182 = tpu.memref_squeeze %dma_wait3A_181 : memref<1x128xi32, #tpu.memory_space<vmem>> -> memref<128xi32, #tpu.memory_space<vmem>>
      %dma_wait3A_183 = arith.constant 0 : i32
      %dma_wait3A_184 = arith.constant 0 : i32
      %dma_wait3A_185 = tpu.memref_slice %arg2[%dma_wait3A_183, %dma_wait3A_184] : memref<10000x128xf32, #tpu.memory_space<hbm>> -> memref<10000x128xf32, #tpu.memory_space<hbm>>
      tpu.wait_indirect_dma semaphore(%arg14 : memref<!tpu.dma_semaphore, #tpu.memory_space<semaphore_mem>>) src(%dma_wait3A_185 : memref<10000x128xf32, #tpu.memory_space<hbm>>) dst(%arg10 : memref<128x128xf32, #tpu.memory_space<vmem>>)
      %dma_start3A_186 = arith.constant 5 : i32
      %dma_start3A_187 = arith.constant 0 : i32
      %dma_start3A_188 = tpu.memref_slice %arg8[%dma_start3A_186, %dma_start3A_187] : memref<8x128xi32, #tpu.memory_space<vmem>> -> memref<1x128xi32, #tpu.memory_space<vmem>>
      %dma_start3A_189 = tpu.memref_squeeze %dma_start3A_188 : memref<1x128xi32, #tpu.memory_space<vmem>> -> memref<128xi32, #tpu.memory_space<vmem>>
      %dma_start3A_190 = arith.constant 0 : i32
      %dma_start3A_191 = arith.constant 0 : i32
      %dma_start3A_192 = tpu.memref_slice %arg12[%dma_start3A_190, %dma_start3A_191] : memref<10240x128xf32, #tpu.memory_space<vmem_shared>> -> memref<10240x128xf32, #tpu.memory_space<vmem_shared>>
      tpu.enqueue_indirect_dma source(%arg10 : memref<128x128xf32, #tpu.memory_space<vmem>>) target(%dma_start3A_192 : memref<10240x128xf32, #tpu.memory_space<vmem_shared>>) offsets(%dma_start3A_189 : memref<128xi32, #tpu.memory_space<vmem>>) semaphore(%arg16 : memref<!tpu.dma_semaphore, #tpu.memory_space<semaphore_mem>>) {add = true}
      %dma_wait3A_193 = arith.constant 6 : i32
      %dma_wait3A_194 = arith.constant 0 : i32
      %dma_wait3A_195 = tpu.memref_slice %arg8[%dma_wait3A_193, %dma_wait3A_194] : memref<8x128xi32, #tpu.memory_space<vmem>> -> memref<1x128xi32, #tpu.memory_space<vmem>>
      %dma_wait3A_196 = tpu.memref_squeeze %dma_wait3A_195 : memref<1x128xi32, #tpu.memory_space<vmem>> -> memref<128xi32, #tpu.memory_space<vmem>>
      %dma_wait3A_197 = arith.constant 0 : i32
      %dma_wait3A_198 = arith.constant 0 : i32
      %dma_wait3A_199 = tpu.memref_slice %arg12[%dma_wait3A_197, %dma_wait3A_198] : memref<10240x128xf32, #tpu.memory_space<vmem_shared>> -> memref<10240x128xf32, #tpu.memory_space<vmem_shared>>
      tpu.wait_indirect_dma semaphore(%arg16 : memref<!tpu.dma_semaphore, #tpu.memory_space<semaphore_mem>>) src(%arg10 : memref<128x128xf32, #tpu.memory_space<vmem>>) dst(%dma_wait3A_199 : memref<10240x128xf32, #tpu.memory_space<vmem_shared>>)
      %dma_start3A_200 = arith.constant 7 : i32
      %dma_start3A_201 = arith.constant 0 : i32
      %dma_start3A_202 = tpu.memref_slice %arg7[%dma_start3A_200, %dma_start3A_201] : memref<8x128xi32, #tpu.memory_space<vmem>> -> memref<1x128xi32, #tpu.memory_space<vmem>>
      %dma_start3A_203 = tpu.memref_squeeze %dma_start3A_202 : memref<1x128xi32, #tpu.memory_space<vmem>> -> memref<128xi32, #tpu.memory_space<vmem>>
      %dma_start3A_204 = arith.constant 0 : i32
      %dma_start3A_205 = arith.constant 0 : i32
      %dma_start3A_206 = tpu.memref_slice %arg2[%dma_start3A_204, %dma_start3A_205] : memref<10000x128xf32, #tpu.memory_space<hbm>> -> memref<10000x128xf32, #tpu.memory_space<hbm>>
      tpu.enqueue_indirect_dma source(%dma_start3A_206 : memref<10000x128xf32, #tpu.memory_space<hbm>>) target(%arg10 : memref<128x128xf32, #tpu.memory_space<vmem>>) offsets(%dma_start3A_203 : memref<128xi32, #tpu.memory_space<vmem>>) semaphore(%arg14 : memref<!tpu.dma_semaphore, #tpu.memory_space<semaphore_mem>>)
      %dma_wait3A_207 = arith.constant 6 : i32
      %dma_wait3A_208 = arith.constant 0 : i32
      %dma_wait3A_209 = tpu.memref_slice %arg7[%dma_wait3A_207, %dma_wait3A_208] : memref<8x128xi32, #tpu.memory_space<vmem>> -> memref<1x128xi32, #tpu.memory_space<vmem>>
      %dma_wait3A_210 = tpu.memref_squeeze %dma_wait3A_209 : memref<1x128xi32, #tpu.memory_space<vmem>> -> memref<128xi32, #tpu.memory_space<vmem>>
      %dma_wait3A_211 = arith.constant 0 : i32
      %dma_wait3A_212 = arith.constant 0 : i32
      %dma_wait3A_213 = tpu.memref_slice %arg2[%dma_wait3A_211, %dma_wait3A_212] : memref<10000x128xf32, #tpu.memory_space<hbm>> -> memref<10000x128xf32, #tpu.memory_space<hbm>>
      tpu.wait_indirect_dma semaphore(%arg13 : memref<!tpu.dma_semaphore, #tpu.memory_space<semaphore_mem>>) src(%dma_wait3A_213 : memref<10000x128xf32, #tpu.memory_space<hbm>>) dst(%arg9 : memref<128x128xf32, #tpu.memory_space<vmem>>)
      %dma_start3A_214 = arith.constant 6 : i32
      %dma_start3A_215 = arith.constant 0 : i32
      %dma_start3A_216 = tpu.memref_slice %arg8[%dma_start3A_214, %dma_start3A_215] : memref<8x128xi32, #tpu.memory_space<vmem>> -> memref<1x128xi32, #tpu.memory_space<vmem>>
      %dma_start3A_217 = tpu.memref_squeeze %dma_start3A_216 : memref<1x128xi32, #tpu.memory_space<vmem>> -> memref<128xi32, #tpu.memory_space<vmem>>
      %dma_start3A_218 = arith.constant 0 : i32
      %dma_start3A_219 = arith.constant 0 : i32
      %dma_start3A_220 = tpu.memref_slice %arg12[%dma_start3A_218, %dma_start3A_219] : memref<10240x128xf32, #tpu.memory_space<vmem_shared>> -> memref<10240x128xf32, #tpu.memory_space<vmem_shared>>
      tpu.enqueue_indirect_dma source(%arg9 : memref<128x128xf32, #tpu.memory_space<vmem>>) target(%dma_start3A_220 : memref<10240x128xf32, #tpu.memory_space<vmem_shared>>) offsets(%dma_start3A_217 : memref<128xi32, #tpu.memory_space<vmem>>) semaphore(%arg15 : memref<!tpu.dma_semaphore, #tpu.memory_space<semaphore_mem>>) {add = true}
      %dma_wait3A_221 = arith.constant 7 : i32
      %dma_wait3A_222 = arith.constant 0 : i32
      %dma_wait3A_223 = tpu.memref_slice %arg8[%dma_wait3A_221, %dma_wait3A_222] : memref<8x128xi32, #tpu.memory_space<vmem>> -> memref<1x128xi32, #tpu.memory_space<vmem>>
      %dma_wait3A_224 = tpu.memref_squeeze %dma_wait3A_223 : memref<1x128xi32, #tpu.memory_space<vmem>> -> memref<128xi32, #tpu.memory_space<vmem>>
      %dma_wait3A_225 = arith.constant 0 : i32
      %dma_wait3A_226 = arith.constant 0 : i32
      %dma_wait3A_227 = tpu.memref_slice %arg12[%dma_wait3A_225, %dma_wait3A_226] : memref<10240x128xf32, #tpu.memory_space<vmem_shared>> -> memref<10240x128xf32, #tpu.memory_space<vmem_shared>>
      tpu.wait_indirect_dma semaphore(%arg15 : memref<!tpu.dma_semaphore, #tpu.memory_space<semaphore_mem>>) src(%arg9 : memref<128x128xf32, #tpu.memory_space<vmem>>) dst(%dma_wait3A_227 : memref<10240x128xf32, #tpu.memory_space<vmem_shared>>)
      %dma_wait3A_228 = arith.constant 7 : i32
      %dma_wait3A_229 = arith.constant 0 : i32
      %dma_wait3A_230 = tpu.memref_slice %arg7[%dma_wait3A_228, %dma_wait3A_229] : memref<8x128xi32, #tpu.memory_space<vmem>> -> memref<1x128xi32, #tpu.memory_space<vmem>>
      %dma_wait3A_231 = tpu.memref_squeeze %dma_wait3A_230 : memref<1x128xi32, #tpu.memory_space<vmem>> -> memref<128xi32, #tpu.memory_space<vmem>>
      %dma_wait3A_232 = arith.constant 0 : i32
      %dma_wait3A_233 = arith.constant 0 : i32
      %dma_wait3A_234 = tpu.memref_slice %arg2[%dma_wait3A_232, %dma_wait3A_233] : memref<10000x128xf32, #tpu.memory_space<hbm>> -> memref<10000x128xf32, #tpu.memory_space<hbm>>
      tpu.wait_indirect_dma semaphore(%arg14 : memref<!tpu.dma_semaphore, #tpu.memory_space<semaphore_mem>>) src(%dma_wait3A_234 : memref<10000x128xf32, #tpu.memory_space<hbm>>) dst(%arg10 : memref<128x128xf32, #tpu.memory_space<vmem>>)
      %run_scoped3A = arith.constant 7 : i32
      "tpu.region"() ({
        %run_scoped3A_239 = tpu.sem_alloc : memref<!tpu.dma_semaphore, #tpu.memory_space<semaphore_mem>>
        %dma_start3A_240 = arith.constant 0 : i32
        %dma_start3A_241 = tpu.memref_slice %arg8[%run_scoped3A, %dma_start3A_240] : memref<8x128xi32, #tpu.memory_space<vmem>> -> memref<1x128xi32, #tpu.memory_space<vmem>>
        %dma_start3A_242 = tpu.memref_squeeze %dma_start3A_241 : memref<1x128xi32, #tpu.memory_space<vmem>> -> memref<128xi32, #tpu.memory_space<vmem>>
        %dma_start3A_243 = arith.constant 0 : i32
        %dma_start3A_244 = arith.constant 0 : i32
        %dma_start3A_245 = tpu.memref_slice %arg12[%dma_start3A_243, %dma_start3A_244] : memref<10240x128xf32, #tpu.memory_space<vmem_shared>> -> memref<10240x128xf32, #tpu.memory_space<vmem_shared>>
        tpu.enqueue_indirect_dma source(%arg10 : memref<128x128xf32, #tpu.memory_space<vmem>>) target(%dma_start3A_245 : memref<10240x128xf32, #tpu.memory_space<vmem_shared>>) offsets(%dma_start3A_242 : memref<128xi32, #tpu.memory_space<vmem>>) semaphore(%run_scoped3A_239 : memref<!tpu.dma_semaphore, #tpu.memory_space<semaphore_mem>>) {add = true}
        %dma_wait3A_246 = arith.constant 0 : i32
        %dma_wait3A_247 = tpu.memref_slice %arg8[%run_scoped3A, %dma_wait3A_246] : memref<8x128xi32, #tpu.memory_space<vmem>> -> memref<1x128xi32, #tpu.memory_space<vmem>>
        %dma_wait3A_248 = tpu.memref_squeeze %dma_wait3A_247 : memref<1x128xi32, #tpu.memory_space<vmem>> -> memref<128xi32, #tpu.memory_space<vmem>>
        %dma_wait3A_249 = arith.constant 0 : i32
        %dma_wait3A_250 = arith.constant 0 : i32
        %dma_wait3A_251 = tpu.memref_slice %arg12[%dma_wait3A_249, %dma_wait3A_250] : memref<10240x128xf32, #tpu.memory_space<vmem_shared>> -> memref<10240x128xf32, #tpu.memory_space<vmem_shared>>
        tpu.wait_indirect_dma semaphore(%run_scoped3A_239 : memref<!tpu.dma_semaphore, #tpu.memory_space<semaphore_mem>>) src(%arg10 : memref<128x128xf32, #tpu.memory_space<vmem>>) dst(%dma_wait3A_251 : memref<10240x128xf32, #tpu.memory_space<vmem_shared>>)
        tpu.yield
      }) : () -> ()
      %add3A_235 = arith.constant 1 : i32
      %add3A_236 = arith.addi %scan3A_32, %add3A_235 : i32
      %lt3A = arith.constant 10 : i32
      %lt3A_237 = arith.cmpi slt, %add3A_236, %lt3A : i32
      %convert_element_type3A = arith.extui %lt3A_237 : i1 to i32
      %cond3A = arith.constant 0 : i32
      %cond3A_238 = arith.cmpi ne, %convert_element_type3A, %cond3A : i32
      scf.if %cond3A_238 {
        %add3A_239 = arith.constant 1 : i32
        %add3A_240 = arith.addi %scan3A_32, %add3A_239 : i32
        %mul3A_241 = arith.constant 8 : i32
        %mul3A_242 = arith.muli %add3A_240, %mul3A_241 : i32
        "tpu.region"() ({
          %run_scoped3A_254 = tpu.sem_alloc : memref<!tpu.dma_semaphore, #tpu.memory_space<semaphore_mem>>
          %dma_start3A_255 = arith.constant 0 : i32
          %dma_start3A_256 = tpu.memref_slice %arg3[%add3A, %mul3A_242, %dma_start3A_255] : memref<32x80x128xi32, #tpu.memory_space<hbm>> -> memref<1x8x128xi32, #tpu.memory_space<hbm>>
          %dma_start3A_257 = tpu.memref_squeeze %dma_start3A_256 : memref<1x8x128xi32, #tpu.memory_space<hbm>> -> memref<8x128xi32, #tpu.memory_space<hbm>>
          %dma_start3A_258 = arith.constant 0 : i32
          %dma_start3A_259 = tpu.memref_slice %arg3[%add3A, %mul3A_242, %dma_start3A_258] : memref<32x80x128xi32, #tpu.memory_space<hbm>> -> memref<1x8x128xi32, #tpu.memory_space<hbm>>
          %dma_start3A_260 = tpu.memref_squeeze %dma_start3A_259 : memref<1x8x128xi32, #tpu.memory_space<hbm>> -> memref<8x128xi32, #tpu.memory_space<hbm>>
          tpu.enqueue_dma source(%dma_start3A_260 : memref<8x128xi32, #tpu.memory_space<hbm>>) target(%arg7 : memref<8x128xi32, #tpu.memory_space<vmem>>) target_semaphore(%run_scoped3A_254 : memref<!tpu.dma_semaphore, #tpu.memory_space<semaphore_mem>>)
          %dma_wait3A_261 = arith.constant 0 : i32
          %dma_wait3A_262 = tpu.memref_slice %arg3[%add3A, %mul3A_242, %dma_wait3A_261] : memref<32x80x128xi32, #tpu.memory_space<hbm>> -> memref<1x8x128xi32, #tpu.memory_space<hbm>>
          %dma_wait3A_263 = tpu.memref_squeeze %dma_wait3A_262 : memref<1x8x128xi32, #tpu.memory_space<hbm>> -> memref<8x128xi32, #tpu.memory_space<hbm>>
          %dma_wait3A_264 = arith.constant 0 : i32
          %dma_wait3A_265 = tpu.memref_slice %arg3[%add3A, %mul3A_242, %dma_wait3A_264] : memref<32x80x128xi32, #tpu.memory_space<hbm>> -> memref<1x8x128xi32, #tpu.memory_space<hbm>>
          %dma_wait3A_266 = tpu.memref_squeeze %dma_wait3A_265 : memref<1x8x128xi32, #tpu.memory_space<hbm>> -> memref<8x128xi32, #tpu.memory_space<hbm>>
          tpu.wait_dma2 semaphore(%run_scoped3A_254 : memref<!tpu.dma_semaphore, #tpu.memory_space<semaphore_mem>>) src(%dma_wait3A_266 : memref<8x128xi32, #tpu.memory_space<hbm>>) dst(%arg7 : memref<8x128xi32, #tpu.memory_space<vmem>>)
          tpu.yield
        }) : () -> ()
        %add3A_243 = arith.constant 1 : i32
        %add3A_244 = arith.addi %scan3A_32, %add3A_243 : i32
        %mul3A_245 = arith.constant 8 : i32
        %mul3A_246 = arith.muli %add3A_244, %mul3A_245 : i32
        "tpu.region"() ({
          %run_scoped3A_254 = tpu.sem_alloc : memref<!tpu.dma_semaphore, #tpu.memory_space<semaphore_mem>>
          %dma_start3A_255 = arith.constant 0 : i32
          %dma_start3A_256 = tpu.memref_slice %arg4[%add3A, %mul3A_246, %dma_start3A_255] : memref<32x80x128xi32, #tpu.memory_space<hbm>> -> memref<1x8x128xi32, #tpu.memory_space<hbm>>
          %dma_start3A_257 = tpu.memref_squeeze %dma_start3A_256 : memref<1x8x128xi32, #tpu.memory_space<hbm>> -> memref<8x128xi32, #tpu.memory_space<hbm>>
          %dma_start3A_258 = arith.constant 0 : i32
          %dma_start3A_259 = tpu.memref_slice %arg4[%add3A, %mul3A_246, %dma_start3A_258] : memref<32x80x128xi32, #tpu.memory_space<hbm>> -> memref<1x8x128xi32, #tpu.memory_space<hbm>>
          %dma_start3A_260 = tpu.memref_squeeze %dma_start3A_259 : memref<1x8x128xi32, #tpu.memory_space<hbm>> -> memref<8x128xi32, #tpu.memory_space<hbm>>
          tpu.enqueue_dma source(%dma_start3A_260 : memref<8x128xi32, #tpu.memory_space<hbm>>) target(%arg8 : memref<8x128xi32, #tpu.memory_space<vmem>>) target_semaphore(%run_scoped3A_254 : memref<!tpu.dma_semaphore, #tpu.memory_space<semaphore_mem>>)
          %dma_wait3A_261 = arith.constant 0 : i32
          %dma_wait3A_262 = tpu.memref_slice %arg4[%add3A, %mul3A_246, %dma_wait3A_261] : memref<32x80x128xi32, #tpu.memory_space<hbm>> -> memref<1x8x128xi32, #tpu.memory_space<hbm>>
          %dma_wait3A_263 = tpu.memref_squeeze %dma_wait3A_262 : memref<1x8x128xi32, #tpu.memory_space<hbm>> -> memref<8x128xi32, #tpu.memory_space<hbm>>
          %dma_wait3A_264 = arith.constant 0 : i32
          %dma_wait3A_265 = tpu.memref_slice %arg4[%add3A, %mul3A_246, %dma_wait3A_264] : memref<32x80x128xi32, #tpu.memory_space<hbm>> -> memref<1x8x128xi32, #tpu.memory_space<hbm>>
          %dma_wait3A_266 = tpu.memref_squeeze %dma_wait3A_265 : memref<1x8x128xi32, #tpu.memory_space<hbm>> -> memref<8x128xi32, #tpu.memory_space<hbm>>
          tpu.wait_dma2 semaphore(%run_scoped3A_254 : memref<!tpu.dma_semaphore, #tpu.memory_space<semaphore_mem>>) src(%dma_wait3A_266 : memref<8x128xi32, #tpu.memory_space<hbm>>) dst(%arg8 : memref<8x128xi32, #tpu.memory_space<vmem>>)
          tpu.yield
        }) : () -> ()
        %dma_start3A_247 = arith.constant 0 : i32
        %dma_start3A_248 = arith.constant 0 : i32
        %dma_start3A_249 = tpu.memref_slice %arg7[%dma_start3A_247, %dma_start3A_248] : memref<8x128xi32, #tpu.memory_space<vmem>> -> memref<1x128xi32, #tpu.memory_space<vmem>>
        %dma_start3A_250 = tpu.memref_squeeze %dma_start3A_249 : memref<1x128xi32, #tpu.memory_space<vmem>> -> memref<128xi32, #tpu.memory_space<vmem>>
        %dma_start3A_251 = arith.constant 0 : i32
        %dma_start3A_252 = arith.constant 0 : i32
        %dma_start3A_253 = tpu.memref_slice %arg2[%dma_start3A_251, %dma_start3A_252] : memref<10000x128xf32, #tpu.memory_space<hbm>> -> memref<10000x128xf32, #tpu.memory_space<hbm>>
        tpu.enqueue_indirect_dma source(%dma_start3A_253 : memref<10000x128xf32, #tpu.memory_space<hbm>>) target(%arg9 : memref<128x128xf32, #tpu.memory_space<vmem>>) offsets(%dma_start3A_250 : memref<128xi32, #tpu.memory_space<vmem>>) semaphore(%arg13 : memref<!tpu.dma_semaphore, #tpu.memory_space<semaphore_mem>>)
      } else {
      }
    }
    %scan3A_24 = arith.constant 10 : i32
    %barrier3A_25 = arith.constant 0 : index
    tpu.barrier barrier_id(%barrier3A_25)
    %scan3A_26 = arith.constant 0 : i32
    %scan3A_27 = arith.constant 0 : i32
    %scan3A_28 = arith.constant 5 : i32
    %scan3A_29 = arith.addi %scan3A_27, %scan3A_28 : i32
    %scan3A_30 = arith.constant 1 : i32
    scf.for %scan3A_32 = %scan3A_27 to %scan3A_29 step %scan3A_30  : i32 {
      %mul3A_33 = arith.constant 640 : i32
      %mul3A_34 = arith.muli %arg1, %mul3A_33 : i32
      %mul3A_35 = arith.constant 128 : i32
      %mul3A_36 = arith.muli %scan3A_32, %mul3A_35 : i32
      %add3A_37 = arith.addi %mul3A_34, %mul3A_36 : i32
      %add3A_38 = arith.constant 0 : i32
      %add3A_39 = arith.addi %add3A_37, %add3A_38 : i32
      %add3A_40 = vector.broadcast %add3A_39 : i32 to vector<16xi32>
      %add3A_41 = arith.addi %iota3A, %add3A_40 : vector<16xi32>
      %swap3A = arith.constant 0 : index
      %swap3A_42 = tpu.vector_load %arg11[%swap3A] {strides = array<i32>} : memref<128xi32, #tpu.memory_space<vmem>>, vector<16xi32>,
      %swap3A_43 = vector.shape_cast %swap3A_42 : vector<16xi32> to vector<16xi32>
      %swap3A_44 = vector.shape_cast %add3A_41 : vector<16xi32> to vector<16xi32>
      tpu.vector_store %arg11[%swap3A], %swap3A_44 {strides = array<i32>} : memref<128xi32, #tpu.memory_space<vmem>>, vector<16xi32>,
      %add3A_45 = arith.constant 16 : i32
      %add3A_46 = arith.addi %add3A_37, %add3A_45 : i32
      %add3A_47 = vector.broadcast %add3A_46 : i32 to vector<16xi32>
      %add3A_48 = arith.addi %iota3A, %add3A_47 : vector<16xi32>
      %swap3A_49 = arith.constant 16 : index
      %swap3A_50 = tpu.vector_load %arg11[%swap3A_49] {strides = array<i32>} : memref<128xi32, #tpu.memory_space<vmem>>, vector<16xi32>,
      %swap3A_51 = vector.shape_cast %swap3A_50 : vector<16xi32> to vector<16xi32>
      %swap3A_52 = vector.shape_cast %add3A_48 : vector<16xi32> to vector<16xi32>
      tpu.vector_store %arg11[%swap3A_49], %swap3A_52 {strides = array<i32>} : memref<128xi32, #tpu.memory_space<vmem>>, vector<16xi32>,
      %add3A_53 = arith.constant 32 : i32
      %add3A_54 = arith.addi %add3A_37, %add3A_53 : i32
      %add3A_55 = vector.broadcast %add3A_54 : i32 to vector<16xi32>
      %add3A_56 = arith.addi %iota3A, %add3A_55 : vector<16xi32>
      %swap3A_57 = arith.constant 32 : index
      %swap3A_58 = tpu.vector_load %arg11[%swap3A_57] {strides = array<i32>} : memref<128xi32, #tpu.memory_space<vmem>>, vector<16xi32>,
      %swap3A_59 = vector.shape_cast %swap3A_58 : vector<16xi32> to vector<16xi32>
      %swap3A_60 = vector.shape_cast %add3A_56 : vector<16xi32> to vector<16xi32>
      tpu.vector_store %arg11[%swap3A_57], %swap3A_60 {strides = array<i32>} : memref<128xi32, #tpu.memory_space<vmem>>, vector<16xi32>,
      %add3A_61 = arith.constant 48 : i32
      %add3A_62 = arith.addi %add3A_37, %add3A_61 : i32
      %add3A_63 = vector.broadcast %add3A_62 : i32 to vector<16xi32>
      %add3A_64 = arith.addi %iota3A, %add3A_63 : vector<16xi32>
      %swap3A_65 = arith.constant 48 : index
      %swap3A_66 = tpu.vector_load %arg11[%swap3A_65] {strides = array<i32>} : memref<128xi32, #tpu.memory_space<vmem>>, vector<16xi32>,
      %swap3A_67 = vector.shape_cast %swap3A_66 : vector<16xi32> to vector<16xi32>
      %swap3A_68 = vector.shape_cast %add3A_64 : vector<16xi32> to vector<16xi32>
      tpu.vector_store %arg11[%swap3A_65], %swap3A_68 {strides = array<i32>} : memref<128xi32, #tpu.memory_space<vmem>>, vector<16xi32>,
      %add3A_69 = arith.constant 64 : i32
      %add3A_70 = arith.addi %add3A_37, %add3A_69 : i32
      %add3A_71 = vector.broadcast %add3A_70 : i32 to vector<16xi32>
      %add3A_72 = arith.addi %iota3A, %add3A_71 : vector<16xi32>
      %swap3A_73 = arith.constant 64 : index
      %swap3A_74 = tpu.vector_load %arg11[%swap3A_73] {strides = array<i32>} : memref<128xi32, #tpu.memory_space<vmem>>, vector<16xi32>,
      %swap3A_75 = vector.shape_cast %swap3A_74 : vector<16xi32> to vector<16xi32>
      %swap3A_76 = vector.shape_cast %add3A_72 : vector<16xi32> to vector<16xi32>
      tpu.vector_store %arg11[%swap3A_73], %swap3A_76 {strides = array<i32>} : memref<128xi32, #tpu.memory_space<vmem>>, vector<16xi32>,
      %add3A_77 = arith.constant 80 : i32
      %add3A_78 = arith.addi %add3A_37, %add3A_77 : i32
      %add3A_79 = vector.broadcast %add3A_78 : i32 to vector<16xi32>
      %add3A_80 = arith.addi %iota3A, %add3A_79 : vector<16xi32>
      %swap3A_81 = arith.constant 80 : index
      %swap3A_82 = tpu.vector_load %arg11[%swap3A_81] {strides = array<i32>} : memref<128xi32, #tpu.memory_space<vmem>>, vector<16xi32>,
      %swap3A_83 = vector.shape_cast %swap3A_82 : vector<16xi32> to vector<16xi32>
      %swap3A_84 = vector.shape_cast %add3A_80 : vector<16xi32> to vector<16xi32>
      tpu.vector_store %arg11[%swap3A_81], %swap3A_84 {strides = array<i32>} : memref<128xi32, #tpu.memory_space<vmem>>, vector<16xi32>,
      %add3A_85 = arith.constant 96 : i32
      %add3A_86 = arith.addi %add3A_37, %add3A_85 : i32
      %add3A_87 = vector.broadcast %add3A_86 : i32 to vector<16xi32>
      %add3A_88 = arith.addi %iota3A, %add3A_87 : vector<16xi32>
      %swap3A_89 = arith.constant 96 : index
      %swap3A_90 = tpu.vector_load %arg11[%swap3A_89] {strides = array<i32>} : memref<128xi32, #tpu.memory_space<vmem>>, vector<16xi32>,
      %swap3A_91 = vector.shape_cast %swap3A_90 : vector<16xi32> to vector<16xi32>
      %swap3A_92 = vector.shape_cast %add3A_88 : vector<16xi32> to vector<16xi32>
      tpu.vector_store %arg11[%swap3A_89], %swap3A_92 {strides = array<i32>} : memref<128xi32, #tpu.memory_space<vmem>>, vector<16xi32>,
      %add3A_93 = arith.constant 112 : i32
      %add3A_94 = arith.addi %add3A_37, %add3A_93 : i32
      %add3A_95 = vector.broadcast %add3A_94 : i32 to vector<16xi32>
      %add3A_96 = arith.addi %iota3A, %add3A_95 : vector<16xi32>
      %swap3A_97 = arith.constant 112 : index
      %swap3A_98 = tpu.vector_load %arg11[%swap3A_97] {strides = array<i32>} : memref<128xi32, #tpu.memory_space<vmem>>, vector<16xi32>,
      %swap3A_99 = vector.shape_cast %swap3A_98 : vector<16xi32> to vector<16xi32>
      %swap3A_100 = vector.shape_cast %add3A_96 : vector<16xi32> to vector<16xi32>
      tpu.vector_store %arg11[%swap3A_97], %swap3A_100 {strides = array<i32>} : memref<128xi32, #tpu.memory_space<vmem>>, vector<16xi32>,
      %dma_start3A_101 = arith.constant 0 : i32
      %dma_start3A_102 = arith.constant 0 : i32
      %dma_start3A_103 = tpu.memref_slice %arg12[%dma_start3A_101, %dma_start3A_102] : memref<10240x128xf32, #tpu.memory_space<vmem_shared>> -> memref<10240x128xf32, #tpu.memory_space<vmem_shared>>
      tpu.enqueue_indirect_dma source(%dma_start3A_103 : memref<10240x128xf32, #tpu.memory_space<vmem_shared>>) target(%arg9 : memref<128x128xf32, #tpu.memory_space<vmem>>) offsets(%arg11 : memref<128xi32, #tpu.memory_space<vmem>>) semaphore(%arg17 : memref<!tpu.dma_semaphore, #tpu.memory_space<semaphore_mem>>)
      %dma_wait3A = arith.constant 0 : i32
      %dma_wait3A_104 = arith.constant 0 : i32
      %dma_wait3A_105 = tpu.memref_slice %arg12[%dma_wait3A, %dma_wait3A_104] : memref<10240x128xf32, #tpu.memory_space<vmem_shared>> -> memref<10240x128xf32, #tpu.memory_space<vmem_shared>>
      tpu.wait_indirect_dma semaphore(%arg17 : memref<!tpu.dma_semaphore, #tpu.memory_space<semaphore_mem>>) src(%dma_wait3A_105 : memref<10240x128xf32, #tpu.memory_space<vmem_shared>>) dst(%arg9 : memref<128x128xf32, #tpu.memory_space<vmem>>)
      "tpu.region"() ({
        %run_scoped3A = tpu.sem_alloc : memref<!tpu.dma_semaphore, #tpu.memory_space<semaphore_mem>>
        %dma_start3A_106 = arith.constant 0 : i32
        %dma_start3A_107 = tpu.memref_slice %arg5[%arg0, %add3A_37, %dma_start3A_106] : memref<2x10240x128xf32, #tpu.memory_space<hbm>> -> memref<1x128x128xf32, #tpu.memory_space<hbm>>
        %dma_start3A_108 = tpu.memref_squeeze %dma_start3A_107 : memref<1x128x128xf32, #tpu.memory_space<hbm>> -> memref<128x128xf32, #tpu.memory_space<hbm>>
        %dma_start3A_109 = arith.constant 0 : i32
        %dma_start3A_110 = tpu.memref_slice %arg5[%arg0, %add3A_37, %dma_start3A_109] : memref<2x10240x128xf32, #tpu.memory_space<hbm>> -> memref<1x128x128xf32, #tpu.memory_space<hbm>>
        %dma_start3A_111 = tpu.memref_squeeze %dma_start3A_110 : memref<1x128x128xf32, #tpu.memory_space<hbm>> -> memref<128x128xf32, #tpu.memory_space<hbm>>
        tpu.enqueue_dma source(%arg9 : memref<128x128xf32, #tpu.memory_space<vmem>>) target(%dma_start3A_111 : memref<128x128xf32, #tpu.memory_space<hbm>>) target_semaphore(%run_scoped3A : memref<!tpu.dma_semaphore, #tpu.memory_space<semaphore_mem>>)
        %dma_wait3A_112 = arith.constant 0 : i32
        %dma_wait3A_113 = tpu.memref_slice %arg5[%arg0, %add3A_37, %dma_wait3A_112] : memref<2x10240x128xf32, #tpu.memory_space<hbm>> -> memref<1x128x128xf32, #tpu.memory_space<hbm>>
        %dma_wait3A_114 = tpu.memref_squeeze %dma_wait3A_113 : memref<1x128x128xf32, #tpu.memory_space<hbm>> -> memref<128x128xf32, #tpu.memory_space<hbm>>
        %dma_wait3A_115 = arith.constant 0 : i32
        %dma_wait3A_116 = tpu.memref_slice %arg5[%arg0, %add3A_37, %dma_wait3A_115] : memref<2x10240x128xf32, #tpu.memory_space<hbm>> -> memref<1x128x128xf32, #tpu.memory_space<hbm>>
        %dma_wait3A_117 = tpu.memref_squeeze %dma_wait3A_116 : memref<1x128x128xf32, #tpu.memory_space<hbm>> -> memref<128x128xf32, #tpu.memory_space<hbm>>
        tpu.wait_dma2 semaphore(%run_scoped3A : memref<!tpu.dma_semaphore, #tpu.memory_space<semaphore_mem>>) src(%arg9 : memref<128x128xf32, #tpu.memory_space<vmem>>) dst(%dma_wait3A_117 : memref<128x128xf32, #tpu.memory_space<hbm>>)
        tpu.yield
      }) : () -> ()
    }
    %scan3A_31 = arith.constant 5 : i32
    return
  }
}

#map = affine_map<(d0, d1) -> (0, 0)>
#map1 = affine_map<(d0, d1) -> (0, 0, 0)>
module attributes {stable_mosaic.version = 14 : i64} {
  func.func @body_fn(%arg0: i32, %arg1: i32, %arg2: memref<10000x128xf32, #tpu.memory_space<hbm>>, %arg3: memref<32x80x128xi32, #tpu.memory_space<hbm>>, %arg4: memref<32x80x128xi32, #tpu.memory_space<hbm>>, %arg5: memref<2x10240x128xf32, #tpu.memory_space<hbm>>, %arg6: memref<2x16x16xf32, #tpu.memory_space<hbm>>, %arg7: memref<8x128xi32, #tpu.memory_space<vmem>>, %arg8: memref<8x128xi32, #tpu.memory_space<vmem>>, %arg9: memref<128x128xf32, #tpu.memory_space<vmem>>, %arg10: memref<128x128xf32, #tpu.memory_space<vmem>>, %arg11: memref<128xi32, #tpu.memory_space<vmem>>, %arg12: memref<10240x128xf32, #tpu.memory_space<vmem_shared>>, %arg13: memref<!tpu.dma_semaphore, #tpu.memory_space<semaphore_mem>>, %arg14: memref<!tpu.dma_semaphore, #tpu.memory_space<semaphore_mem>>, %arg15: memref<!tpu.dma_semaphore, #tpu.memory_space<semaphore_mem>>, %arg16: memref<!tpu.dma_semaphore, #tpu.memory_space<semaphore_mem>>, %arg17: memref<!tpu.dma_semaphore, #tpu.memory_space<semaphore_mem>>) attributes {dimension_semantics = [#tpu.dimension_semantics<core_parallel>, #tpu.dimension_semantics<subcore_parallel>], iteration_bounds = array<i64: 2, 16>, scalar_prefetch = 0 : i64, scratch_operands = 11 : i64, tpu.core_type = #tpu.core_type<sc_vector_subcore>, window_params = [{transform_indices = #map}, {transform_indices = #map1}, {transform_indices = #map1}, {transform_indices = #map1}, {transform_indices = #map1}]} {
    %mul3A = arith.constant 16 : i32
    %mul3A_0 = arith.muli %arg0, %mul3A : i32
    %add3A = arith.addi %mul3A_0, %arg1 : i32
    %broadcast_in_dim3A = arith.constant 0.000000e+00 : f32
    %broadcast_in_dim3A_1 = vector.broadcast %broadcast_in_dim3A : f32 to vector<16xf32>
    %scan3A = arith.constant 0 : i32
    %scan3A_2 = arith.constant 0 : i32
    %scan3A_3 = arith.constant 128 : i32
    %scan3A_4 = arith.addi %scan3A_2, %scan3A_3 : i32
    %scan3A_5 = arith.constant 1 : i32
    scf.for %scan3A_32 = %scan3A_2 to %scan3A_4 step %scan3A_5  : i32 {
      %swap3A = arith.index_cast %scan3A_32 : i32 to index
      %swap3A_33 = arith.constant 0 : index
      %swap3A_34 = tpu.vector_load %arg9[%swap3A, %swap3A_33] {strides = array<i32>} : memref<128x128xf32, #tpu.memory_space<vmem>>, vector<1x16xf32>,
      %swap3A_35 = vector.shape_cast %swap3A_34 : vector<1x16xf32> to vector<16xf32>
      %swap3A_36 = vector.shape_cast %broadcast_in_dim3A_1 : vector<16xf32> to vector<1x16xf32>
      tpu.vector_store %arg9[%swap3A, %swap3A_33], %swap3A_36 {strides = array<i32>} : memref<128x128xf32, #tpu.memory_space<vmem>>, vector<1x16xf32>,
      %swap3A_37 = arith.index_cast %scan3A_32 : i32 to index
      %swap3A_38 = arith.constant 16 : index
      %swap3A_39 = tpu.vector_load %arg9[%swap3A_37, %swap3A_38] {strides = array<i32>} : memref<128x128xf32, #tpu.memory_space<vmem>>, vector<1x16xf32>,
      %swap3A_40 = vector.shape_cast %swap3A_39 : vector<1x16xf32> to vector<16xf32>
      %swap3A_41 = vector.shape_cast %broadcast_in_dim3A_1 : vector<16xf32> to vector<1x16xf32>
      tpu.vector_store %arg9[%swap3A_37, %swap3A_38], %swap3A_41 {strides = array<i32>} : memref<128x128xf32, #tpu.memory_space<vmem>>, vector<1x16xf32>,
      %swap3A_42 = arith.index_cast %scan3A_32 : i32 to index
      %swap3A_43 = arith.constant 32 : index
      %swap3A_44 = tpu.vector_load %arg9[%swap3A_42, %swap3A_43] {strides = array<i32>} : memref<128x128xf32, #tpu.memory_space<vmem>>, vector<1x16xf32>,
      %swap3A_45 = vector.shape_cast %swap3A_44 : vector<1x16xf32> to vector<16xf32>
      %swap3A_46 = vector.shape_cast %broadcast_in_dim3A_1 : vector<16xf32> to vector<1x16xf32>
      tpu.vector_store %arg9[%swap3A_42, %swap3A_43], %swap3A_46 {strides = array<i32>} : memref<128x128xf32, #tpu.memory_space<vmem>>, vector<1x16xf32>,
      %swap3A_47 = arith.index_cast %scan3A_32 : i32 to index
      %swap3A_48 = arith.constant 48 : index
      %swap3A_49 = tpu.vector_load %arg9[%swap3A_47, %swap3A_48] {strides = array<i32>} : memref<128x128xf32, #tpu.memory_space<vmem>>, vector<1x16xf32>,
      %swap3A_50 = vector.shape_cast %swap3A_49 : vector<1x16xf32> to vector<16xf32>
      %swap3A_51 = vector.shape_cast %broadcast_in_dim3A_1 : vector<16xf32> to vector<1x16xf32>
      tpu.vector_store %arg9[%swap3A_47, %swap3A_48], %swap3A_51 {strides = array<i32>} : memref<128x128xf32, #tpu.memory_space<vmem>>, vector<1x16xf32>,
      %swap3A_52 = arith.index_cast %scan3A_32 : i32 to index
      %swap3A_53 = arith.constant 64 : index
      %swap3A_54 = tpu.vector_load %arg9[%swap3A_52, %swap3A_53] {strides = array<i32>} : memref<128x128xf32, #tpu.memory_space<vmem>>, vector<1x16xf32>,
      %swap3A_55 = vector.shape_cast %swap3A_54 : vector<1x16xf32> to vector<16xf32>
      %swap3A_56 = vector.shape_cast %broadcast_in_dim3A_1 : vector<16xf32> to vector<1x16xf32>
      tpu.vector_store %arg9[%swap3A_52, %swap3A_53], %swap3A_56 {strides = array<i32>} : memref<128x128xf32, #tpu.memory_space<vmem>>, vector<1x16xf32>,
      %swap3A_57 = arith.index_cast %scan3A_32 : i32 to index
      %swap3A_58 = arith.constant 80 : index
      %swap3A_59 = tpu.vector_load %arg9[%swap3A_57, %swap3A_58] {strides = array<i32>} : memref<128x128xf32, #tpu.memory_space<vmem>>, vector<1x16xf32>,
      %swap3A_60 = vector.shape_cast %swap3A_59 : vector<1x16xf32> to vector<16xf32>
      %swap3A_61 = vector.shape_cast %broadcast_in_dim3A_1 : vector<16xf32> to vector<1x16xf32>
      tpu.vector_store %arg9[%swap3A_57, %swap3A_58], %swap3A_61 {strides = array<i32>} : memref<128x128xf32, #tpu.memory_space<vmem>>, vector<1x16xf32>,
      %swap3A_62 = arith.index_cast %scan3A_32 : i32 to index
      %swap3A_63 = arith.constant 96 : index
      %swap3A_64 = tpu.vector_load %arg9[%swap3A_62, %swap3A_63] {strides = array<i32>} : memref<128x128xf32, #tpu.memory_space<vmem>>, vector<1x16xf32>,
      %swap3A_65 = vector.shape_cast %swap3A_64 : vector<1x16xf32> to vector<16xf32>
      %swap3A_66 = vector.shape_cast %broadcast_in_dim3A_1 : vector<16xf32> to vector<1x16xf32>
      tpu.vector_store %arg9[%swap3A_62, %swap3A_63], %swap3A_66 {strides = array<i32>} : memref<128x128xf32, #tpu.memory_space<vmem>>, vector<1x16xf32>,
      %swap3A_67 = arith.index_cast %scan3A_32 : i32 to index
      %swap3A_68 = arith.constant 112 : index
      %swap3A_69 = tpu.vector_load %arg9[%swap3A_67, %swap3A_68] {strides = array<i32>} : memref<128x128xf32, #tpu.memory_space<vmem>>, vector<1x16xf32>,
      %swap3A_70 = vector.shape_cast %swap3A_69 : vector<1x16xf32> to vector<16xf32>
      %swap3A_71 = vector.shape_cast %broadcast_in_dim3A_1 : vector<16xf32> to vector<1x16xf32>
      tpu.vector_store %arg9[%swap3A_67, %swap3A_68], %swap3A_71 {strides = array<i32>} : memref<128x128xf32, #tpu.memory_space<vmem>>, vector<1x16xf32>,
    }
    %scan3A_6 = arith.constant 128 : i32
    %iota3A = tpu.iota {dimensions = array<i32: 0>} : vector<16xi32>
    %scan3A_7 = arith.constant 0 : i32
    %scan3A_8 = arith.constant 0 : i32
    %scan3A_9 = arith.constant 5 : i32
    %scan3A_10 = arith.addi %scan3A_8, %scan3A_9 : i32
    %scan3A_11 = arith.constant 1 : i32
    scf.for %scan3A_32 = %scan3A_8 to %scan3A_10 step %scan3A_11  : i32 {
      %mul3A_33 = arith.constant 640 : i32
      %mul3A_34 = arith.muli %arg1, %mul3A_33 : i32
      %mul3A_35 = arith.constant 128 : i32
      %mul3A_36 = arith.muli %scan3A_32, %mul3A_35 : i32
      %add3A_37 = arith.addi %mul3A_34, %mul3A_36 : i32
      %add3A_38 = arith.constant 0 : i32
      %add3A_39 = arith.addi %add3A_37, %add3A_38 : i32
      %add3A_40 = vector.broadcast %add3A_39 : i32 to vector<16xi32>
      %add3A_41 = arith.addi %iota3A, %add3A_40 : vector<16xi32>
      %swap3A = arith.constant 0 : index
      %swap3A_42 = tpu.vector_load %arg11[%swap3A] {strides = array<i32>} : memref<128xi32, #tpu.memory_space<vmem>>, vector<16xi32>,
      %swap3A_43 = vector.shape_cast %swap3A_42 : vector<16xi32> to vector<16xi32>
      %swap3A_44 = vector.shape_cast %add3A_41 : vector<16xi32> to vector<16xi32>
      tpu.vector_store %arg11[%swap3A], %swap3A_44 {strides = array<i32>} : memref<128xi32, #tpu.memory_space<vmem>>, vector<16xi32>,
      %add3A_45 = arith.constant 16 : i32
      %add3A_46 = arith.addi %add3A_37, %add3A_45 : i32
      %add3A_47 = vector.broadcast %add3A_46 : i32 to vector<16xi32>
      %add3A_48 = arith.addi %iota3A, %add3A_47 : vector<16xi32>
      %swap3A_49 = arith.constant 16 : index
      %swap3A_50 = tpu.vector_load %arg11[%swap3A_49] {strides = array<i32>} : memref<128xi32, #tpu.memory_space<vmem>>, vector<16xi32>,
      %swap3A_51 = vector.shape_cast %swap3A_50 : vector<16xi32> to vector<16xi32>
      %swap3A_52 = vector.shape_cast %add3A_48 : vector<16xi32> to vector<16xi32>
      tpu.vector_store %arg11[%swap3A_49], %swap3A_52 {strides = array<i32>} : memref<128xi32, #tpu.memory_space<vmem>>, vector<16xi32>,
      %add3A_53 = arith.constant 32 : i32
      %add3A_54 = arith.addi %add3A_37, %add3A_53 : i32
      %add3A_55 = vector.broadcast %add3A_54 : i32 to vector<16xi32>
      %add3A_56 = arith.addi %iota3A, %add3A_55 : vector<16xi32>
      %swap3A_57 = arith.constant 32 : index
      %swap3A_58 = tpu.vector_load %arg11[%swap3A_57] {strides = array<i32>} : memref<128xi32, #tpu.memory_space<vmem>>, vector<16xi32>,
      %swap3A_59 = vector.shape_cast %swap3A_58 : vector<16xi32> to vector<16xi32>
      %swap3A_60 = vector.shape_cast %add3A_56 : vector<16xi32> to vector<16xi32>
      tpu.vector_store %arg11[%swap3A_57], %swap3A_60 {strides = array<i32>} : memref<128xi32, #tpu.memory_space<vmem>>, vector<16xi32>,
      %add3A_61 = arith.constant 48 : i32
      %add3A_62 = arith.addi %add3A_37, %add3A_61 : i32
      %add3A_63 = vector.broadcast %add3A_62 : i32 to vector<16xi32>
      %add3A_64 = arith.addi %iota3A, %add3A_63 : vector<16xi32>
      %swap3A_65 = arith.constant 48 : index
      %swap3A_66 = tpu.vector_load %arg11[%swap3A_65] {strides = array<i32>} : memref<128xi32, #tpu.memory_space<vmem>>, vector<16xi32>,
      %swap3A_67 = vector.shape_cast %swap3A_66 : vector<16xi32> to vector<16xi32>
      %swap3A_68 = vector.shape_cast %add3A_64 : vector<16xi32> to vector<16xi32>
      tpu.vector_store %arg11[%swap3A_65], %swap3A_68 {strides = array<i32>} : memref<128xi32, #tpu.memory_space<vmem>>, vector<16xi32>,
      %add3A_69 = arith.constant 64 : i32
      %add3A_70 = arith.addi %add3A_37, %add3A_69 : i32
      %add3A_71 = vector.broadcast %add3A_70 : i32 to vector<16xi32>
      %add3A_72 = arith.addi %iota3A, %add3A_71 : vector<16xi32>
      %swap3A_73 = arith.constant 64 : index
      %swap3A_74 = tpu.vector_load %arg11[%swap3A_73] {strides = array<i32>} : memref<128xi32, #tpu.memory_space<vmem>>, vector<16xi32>,
      %swap3A_75 = vector.shape_cast %swap3A_74 : vector<16xi32> to vector<16xi32>
      %swap3A_76 = vector.shape_cast %add3A_72 : vector<16xi32> to vector<16xi32>
      tpu.vector_store %arg11[%swap3A_73], %swap3A_76 {strides = array<i32>} : memref<128xi32, #tpu.memory_space<vmem>>, vector<16xi32>,
      %add3A_77 = arith.constant 80 : i32
      %add3A_78 = arith.addi %add3A_37, %add3A_77 : i32
      %add3A_79 = vector.broadcast %add3A_78 : i32 to vector<16xi32>
      %add3A_80 = arith.addi %iota3A, %add3A_79 : vector<16xi32>
      %swap3A_81 = arith.constant 80 : index
      %swap3A_82 = tpu.vector_load %arg11[%swap3A_81] {strides = array<i32>} : memref<128xi32, #tpu.memory_space<vmem>>, vector<16xi32>,
      %swap3A_83 = vector.shape_cast %swap3A_82 : vector<16xi32> to vector<16xi32>
      %swap3A_84 = vector.shape_cast %add3A_80 : vector<16xi32> to vector<16xi32>
      tpu.vector_store %arg11[%swap3A_81], %swap3A_84 {strides = array<i32>} : memref<128xi32, #tpu.memory_space<vmem>>, vector<16xi32>,
      %add3A_85 = arith.constant 96 : i32
      %add3A_86 = arith.addi %add3A_37, %add3A_85 : i32
      %add3A_87 = vector.broadcast %add3A_86 : i32 to vector<16xi32>
      %add3A_88 = arith.addi %iota3A, %add3A_87 : vector<16xi32>
      %swap3A_89 = arith.constant 96 : index
      %swap3A_90 = tpu.vector_load %arg11[%swap3A_89] {strides = array<i32>} : memref<128xi32, #tpu.memory_space<vmem>>, vector<16xi32>,
      %swap3A_91 = vector.shape_cast %swap3A_90 : vector<16xi32> to vector<16xi32>
      %swap3A_92 = vector.shape_cast %add3A_88 : vector<16xi32> to vector<16xi32>
      tpu.vector_store %arg11[%swap3A_89], %swap3A_92 {strides = array<i32>} : memref<128xi32, #tpu.memory_space<vmem>>, vector<16xi32>,
      %add3A_93 = arith.constant 112 : i32
      %add3A_94 = arith.addi %add3A_37, %add3A_93 : i32
      %add3A_95 = vector.broadcast %add3A_94 : i32 to vector<16xi32>
      %add3A_96 = arith.addi %iota3A, %add3A_95 : vector<16xi32>
      %swap3A_97 = arith.constant 112 : index
      %swap3A_98 = tpu.vector_load %arg11[%swap3A_97] {strides = array<i32>} : memref<128xi32, #tpu.memory_space<vmem>>, vector<16xi32>,
      %swap3A_99 = vector.shape_cast %swap3A_98 : vector<16xi32> to vector<16xi32>
      %swap3A_100 = vector.shape_cast %add3A_96 : vector<16xi32> to vector<16xi32>
      tpu.vector_store %arg11[%swap3A_97], %swap3A_100 {strides = array<i32>} : memref<128xi32, #tpu.memory_space<vmem>>, vector<16xi32>,
      "tpu.region"() ({
        %run_scoped3A = tpu.sem_alloc : memref<!tpu.dma_semaphore, #tpu.memory_space<semaphore_mem>>
        %dma_start3A_101 = arith.constant 0 : i32
        %dma_start3A_102 = arith.constant 0 : i32
        %dma_start3A_103 = tpu.memref_slice %arg12[%dma_start3A_101, %dma_start3A_102] : memref<10240x128xf32, #tpu.memory_space<vmem_shared>> -> memref<10240x128xf32, #tpu.memory_space<vmem_shared>>
        tpu.enqueue_indirect_dma source(%arg9 : memref<128x128xf32, #tpu.memory_space<vmem>>) target(%dma_start3A_103 : memref<10240x128xf32, #tpu.memory_space<vmem_shared>>) offsets(%arg11 : memref<128xi32, #tpu.memory_space<vmem>>) semaphore(%run_scoped3A : memref<!tpu.dma_semaphore, #tpu.memory_space<semaphore_mem>>)
        %dma_wait3A = arith.constant 0 : i32
        %dma_wait3A_104 = arith.constant 0 : i32
        %dma_wait3A_105 = tpu.memref_slice %arg12[%dma_wait3A, %dma_wait3A_104] : memref<10240x128xf32, #tpu.memory_space<vmem_shared>> -> memref<10240x128xf32, #tpu.memory_space<vmem_shared>>
        tpu.wait_indirect_dma semaphore(%run_scoped3A : memref<!tpu.dma_semaphore, #tpu.memory_space<semaphore_mem>>) src(%arg9 : memref<128x128xf32, #tpu.memory_space<vmem>>) dst(%dma_wait3A_105 : memref<10240x128xf32, #tpu.memory_space<vmem_shared>>)
        tpu.yield
      }) : () -> ()
    }
    %scan3A_12 = arith.constant 5 : i32
    %barrier3A = arith.constant 0 : index
    tpu.barrier barrier_id(%barrier3A)
    "tpu.region"() ({
      %run_scoped3A = tpu.sem_alloc : memref<!tpu.dma_semaphore, #tpu.memory_space<semaphore_mem>>
      %dma_start3A_32 = arith.constant 0 : i32
      %dma_start3A_33 = arith.constant 0 : i32
      %dma_start3A_34 = tpu.memref_slice %arg3[%add3A, %dma_start3A_32, %dma_start3A_33] : memref<32x80x128xi32, #tpu.memory_space<hbm>> -> memref<1x8x128xi32, #tpu.memory_space<hbm>>
      %dma_start3A_35 = tpu.memref_squeeze %dma_start3A_34 : memref<1x8x128xi32, #tpu.memory_space<hbm>> -> memref<8x128xi32, #tpu.memory_space<hbm>>
      %dma_start3A_36 = arith.constant 0 : i32
      %dma_start3A_37 = arith.constant 0 : i32
      %dma_start3A_38 = tpu.memref_slice %arg3[%add3A, %dma_start3A_36, %dma_start3A_37] : memref<32x80x128xi32, #tpu.memory_space<hbm>> -> memref<1x8x128xi32, #tpu.memory_space<hbm>>
      %dma_start3A_39 = tpu.memref_squeeze %dma_start3A_38 : memref<1x8x128xi32, #tpu.memory_space<hbm>> -> memref<8x128xi32, #tpu.memory_space<hbm>>
      tpu.enqueue_dma source(%dma_start3A_39 : memref<8x128xi32, #tpu.memory_space<hbm>>) target(%arg7 : memref<8x128xi32, #tpu.memory_space<vmem>>) target_semaphore(%run_scoped3A : memref<!tpu.dma_semaphore, #tpu.memory_space<semaphore_mem>>)
      %dma_wait3A = arith.constant 0 : i32
      %dma_wait3A_40 = arith.constant 0 : i32
      %dma_wait3A_41 = tpu.memref_slice %arg3[%add3A, %dma_wait3A, %dma_wait3A_40] : memref<32x80x128xi32, #tpu.memory_space<hbm>> -> memref<1x8x128xi32, #tpu.memory_space<hbm>>
      %dma_wait3A_42 = tpu.memref_squeeze %dma_wait3A_41 : memref<1x8x128xi32, #tpu.memory_space<hbm>> -> memref<8x128xi32, #tpu.memory_space<hbm>>
      %dma_wait3A_43 = arith.constant 0 : i32
      %dma_wait3A_44 = arith.constant 0 : i32
      %dma_wait3A_45 = tpu.memref_slice %arg3[%add3A, %dma_wait3A_43, %dma_wait3A_44] : memref<32x80x128xi32, #tpu.memory_space<hbm>> -> memref<1x8x128xi32, #tpu.memory_space<hbm>>
      %dma_wait3A_46 = tpu.memref_squeeze %dma_wait3A_45 : memref<1x8x128xi32, #tpu.memory_space<hbm>> -> memref<8x128xi32, #tpu.memory_space<hbm>>
      tpu.wait_dma2 semaphore(%run_scoped3A : memref<!tpu.dma_semaphore, #tpu.memory_space<semaphore_mem>>) src(%dma_wait3A_46 : memref<8x128xi32, #tpu.memory_space<hbm>>) dst(%arg7 : memref<8x128xi32, #tpu.memory_space<vmem>>)
      tpu.yield
    }) : () -> ()
    "tpu.region"() ({
      %run_scoped3A = tpu.sem_alloc : memref<!tpu.dma_semaphore, #tpu.memory_space<semaphore_mem>>
      %dma_start3A_32 = arith.constant 0 : i32
      %dma_start3A_33 = arith.constant 0 : i32
      %dma_start3A_34 = tpu.memref_slice %arg4[%add3A, %dma_start3A_32, %dma_start3A_33] : memref<32x80x128xi32, #tpu.memory_space<hbm>> -> memref<1x8x128xi32, #tpu.memory_space<hbm>>
      %dma_start3A_35 = tpu.memref_squeeze %dma_start3A_34 : memref<1x8x128xi32, #tpu.memory_space<hbm>> -> memref<8x128xi32, #tpu.memory_space<hbm>>
      %dma_start3A_36 = arith.constant 0 : i32
      %dma_start3A_37 = arith.constant 0 : i32
      %dma_start3A_38 = tpu.memref_slice %arg4[%add3A, %dma_start3A_36, %dma_start3A_37] : memref<32x80x128xi32, #tpu.memory_space<hbm>> -> memref<1x8x128xi32, #tpu.memory_space<hbm>>
      %dma_start3A_39 = tpu.memref_squeeze %dma_start3A_38 : memref<1x8x128xi32, #tpu.memory_space<hbm>> -> memref<8x128xi32, #tpu.memory_space<hbm>>
      tpu.enqueue_dma source(%dma_start3A_39 : memref<8x128xi32, #tpu.memory_space<hbm>>) target(%arg8 : memref<8x128xi32, #tpu.memory_space<vmem>>) target_semaphore(%run_scoped3A : memref<!tpu.dma_semaphore, #tpu.memory_space<semaphore_mem>>)
      %dma_wait3A = arith.constant 0 : i32
      %dma_wait3A_40 = arith.constant 0 : i32
      %dma_wait3A_41 = tpu.memref_slice %arg4[%add3A, %dma_wait3A, %dma_wait3A_40] : memref<32x80x128xi32, #tpu.memory_space<hbm>> -> memref<1x8x128xi32, #tpu.memory_space<hbm>>
      %dma_wait3A_42 = tpu.memref_squeeze %dma_wait3A_41 : memref<1x8x128xi32, #tpu.memory_space<hbm>> -> memref<8x128xi32, #tpu.memory_space<hbm>>
      %dma_wait3A_43 = arith.constant 0 : i32
      %dma_wait3A_44 = arith.constant 0 : i32
      %dma_wait3A_45 = tpu.memref_slice %arg4[%add3A, %dma_wait3A_43, %dma_wait3A_44] : memref<32x80x128xi32, #tpu.memory_space<hbm>> -> memref<1x8x128xi32, #tpu.memory_space<hbm>>
      %dma_wait3A_46 = tpu.memref_squeeze %dma_wait3A_45 : memref<1x8x128xi32, #tpu.memory_space<hbm>> -> memref<8x128xi32, #tpu.memory_space<hbm>>
      tpu.wait_dma2 semaphore(%run_scoped3A : memref<!tpu.dma_semaphore, #tpu.memory_space<semaphore_mem>>) src(%dma_wait3A_46 : memref<8x128xi32, #tpu.memory_space<hbm>>) dst(%arg8 : memref<8x128xi32, #tpu.memory_space<vmem>>)
      tpu.yield
    }) : () -> ()
    %dma_start3A = arith.constant 0 : i32
    %dma_start3A_13 = arith.constant 0 : i32
    %dma_start3A_14 = tpu.memref_slice %arg7[%dma_start3A, %dma_start3A_13] : memref<8x128xi32, #tpu.memory_space<vmem>> -> memref<1x128xi32, #tpu.memory_space<vmem>>
    %dma_start3A_15 = tpu.memref_squeeze %dma_start3A_14 : memref<1x128xi32, #tpu.memory_space<vmem>> -> memref<128xi32, #tpu.memory_space<vmem>>
    %dma_start3A_16 = arith.constant 0 : i32
    %dma_start3A_17 = arith.constant 0 : i32
    %dma_start3A_18 = tpu.memref_slice %arg2[%dma_start3A_16, %dma_start3A_17] : memref<10000x128xf32, #tpu.memory_space<hbm>> -> memref<10000x128xf32, #tpu.memory_space<hbm>>
    tpu.enqueue_indirect_dma source(%dma_start3A_18 : memref<10000x128xf32, #tpu.memory_space<hbm>>) target(%arg9 : memref<128x128xf32, #tpu.memory_space<vmem>>) offsets(%dma_start3A_15 : memref<128xi32, #tpu.memory_space<vmem>>) semaphore(%arg13 : memref<!tpu.dma_semaphore, #tpu.memory_space<semaphore_mem>>)
    %scan3A_19 = arith.constant 0 : i32
    %scan3A_20 = arith.constant 0 : i32
    %scan3A_21 = arith.constant 10 : i32
    %scan3A_22 = arith.addi %scan3A_20, %scan3A_21 : i32
    %scan3A_23 = arith.constant 1 : i32
    scf.for %scan3A_32 = %scan3A_20 to %scan3A_22 step %scan3A_23  : i32 {
      %dma_start3A_33 = arith.constant 1 : i32
      %dma_start3A_34 = arith.constant 0 : i32
      %dma_start3A_35 = tpu.memref_slice %arg7[%dma_start3A_33, %dma_start3A_34] : memref<8x128xi32, #tpu.memory_space<vmem>> -> memref<1x128xi32, #tpu.memory_space<vmem>>
      %dma_start3A_36 = tpu.memref_squeeze %dma_start3A_35 : memref<1x128xi32, #tpu.memory_space<vmem>> -> memref<128xi32, #tpu.memory_space<vmem>>
      %dma_start3A_37 = arith.constant 0 : i32
      %dma_start3A_38 = arith.constant 0 : i32
      %dma_start3A_39 = tpu.memref_slice %arg2[%dma_start3A_37, %dma_start3A_38] : memref<10000x128xf32, #tpu.memory_space<hbm>> -> memref<10000x128xf32, #tpu.memory_space<hbm>>
      tpu.enqueue_indirect_dma source(%dma_start3A_39 : memref<10000x128xf32, #tpu.memory_space<hbm>>) target(%arg10 : memref<128x128xf32, #tpu.memory_space<vmem>>) offsets(%dma_start3A_36 : memref<128xi32, #tpu.memory_space<vmem>>) semaphore(%arg14 : memref<!tpu.dma_semaphore, #tpu.memory_space<semaphore_mem>>)
      %dma_wait3A = arith.constant 0 : i32
      %dma_wait3A_40 = arith.constant 0 : i32
      %dma_wait3A_41 = tpu.memref_slice %arg7[%dma_wait3A, %dma_wait3A_40] : memref<8x128xi32, #tpu.memory_space<vmem>> -> memref<1x128xi32, #tpu.memory_space<vmem>>
      %dma_wait3A_42 = tpu.memref_squeeze %dma_wait3A_41 : memref<1x128xi32, #tpu.memory_space<vmem>> -> memref<128xi32, #tpu.memory_space<vmem>>
      %dma_wait3A_43 = arith.constant 0 : i32
      %dma_wait3A_44 = arith.constant 0 : i32
      %dma_wait3A_45 = tpu.memref_slice %arg2[%dma_wait3A_43, %dma_wait3A_44] : memref<10000x128xf32, #tpu.memory_space<hbm>> -> memref<10000x128xf32, #tpu.memory_space<hbm>>
      tpu.wait_indirect_dma semaphore(%arg13 : memref<!tpu.dma_semaphore, #tpu.memory_space<semaphore_mem>>) src(%dma_wait3A_45 : memref<10000x128xf32, #tpu.memory_space<hbm>>) dst(%arg9 : memref<128x128xf32, #tpu.memory_space<vmem>>)
      %dma_start3A_46 = arith.constant 0 : i32
      %dma_start3A_47 = arith.constant 0 : i32
      %dma_start3A_48 = tpu.memref_slice %arg8[%dma_start3A_46, %dma_start3A_47] : memref<8x128xi32, #tpu.memory_space<vmem>> -> memref<1x128xi32, #tpu.memory_space<vmem>>
      %dma_start3A_49 = tpu.memref_squeeze %dma_start3A_48 : memref<1x128xi32, #tpu.memory_space<vmem>> -> memref<128xi32, #tpu.memory_space<vmem>>
      %dma_start3A_50 = arith.constant 0 : i32
      %dma_start3A_51 = arith.constant 0 : i32
      %dma_start3A_52 = tpu.memref_slice %arg12[%dma_start3A_50, %dma_start3A_51] : memref<10240x128xf32, #tpu.memory_space<vmem_shared>> -> memref<10240x128xf32, #tpu.memory_space<vmem_shared>>
      tpu.enqueue_indirect_dma source(%arg9 : memref<128x128xf32, #tpu.memory_space<vmem>>) target(%dma_start3A_52 : memref<10240x128xf32, #tpu.memory_space<vmem_shared>>) offsets(%dma_start3A_49 : memref<128xi32, #tpu.memory_space<vmem>>) semaphore(%arg15 : memref<!tpu.dma_semaphore, #tpu.memory_space<semaphore_mem>>) {add = true}
      %dma_wait3A_53 = arith.constant 1 : i32
      %dma_wait3A_54 = arith.constant 0 : i32
      %dma_wait3A_55 = tpu.memref_slice %arg8[%dma_wait3A_53, %dma_wait3A_54] : memref<8x128xi32, #tpu.memory_space<vmem>> -> memref<1x128xi32, #tpu.memory_space<vmem>>
      %dma_wait3A_56 = tpu.memref_squeeze %dma_wait3A_55 : memref<1x128xi32, #tpu.memory_space<vmem>> -> memref<128xi32, #tpu.memory_space<vmem>>
      %dma_wait3A_57 = arith.constant 0 : i32
      %dma_wait3A_58 = arith.constant 0 : i32
      %dma_wait3A_59 = tpu.memref_slice %arg12[%dma_wait3A_57, %dma_wait3A_58] : memref<10240x128xf32, #tpu.memory_space<vmem_shared>> -> memref<10240x128xf32, #tpu.memory_space<vmem_shared>>
      tpu.wait_indirect_dma semaphore(%arg15 : memref<!tpu.dma_semaphore, #tpu.memory_space<semaphore_mem>>) src(%arg9 : memref<128x128xf32, #tpu.memory_space<vmem>>) dst(%dma_wait3A_59 : memref<10240x128xf32, #tpu.memory_space<vmem_shared>>)
      %dma_start3A_60 = arith.constant 2 : i32
      %dma_start3A_61 = arith.constant 0 : i32
      %dma_start3A_62 = tpu.memref_slice %arg7[%dma_start3A_60, %dma_start3A_61] : memref<8x128xi32, #tpu.memory_space<vmem>> -> memref<1x128xi32, #tpu.memory_space<vmem>>
      %dma_start3A_63 = tpu.memref_squeeze %dma_start3A_62 : memref<1x128xi32, #tpu.memory_space<vmem>> -> memref<128xi32, #tpu.memory_space<vmem>>
      %dma_start3A_64 = arith.constant 0 : i32
      %dma_start3A_65 = arith.constant 0 : i32
      %dma_start3A_66 = tpu.memref_slice %arg2[%dma_start3A_64, %dma_start3A_65] : memref<10000x128xf32, #tpu.memory_space<hbm>> -> memref<10000x128xf32, #tpu.memory_space<hbm>>
      tpu.enqueue_indirect_dma source(%dma_start3A_66 : memref<10000x128xf32, #tpu.memory_space<hbm>>) target(%arg9 : memref<128x128xf32, #tpu.memory_space<vmem>>) offsets(%dma_start3A_63 : memref<128xi32, #tpu.memory_space<vmem>>) semaphore(%arg13 : memref<!tpu.dma_semaphore, #tpu.memory_space<semaphore_mem>>)
      %dma_wait3A_67 = arith.constant 1 : i32
      %dma_wait3A_68 = arith.constant 0 : i32
      %dma_wait3A_69 = tpu.memref_slice %arg7[%dma_wait3A_67, %dma_wait3A_68] : memref<8x128xi32, #tpu.memory_space<vmem>> -> memref<1x128xi32, #tpu.memory_space<vmem>>
      %dma_wait3A_70 = tpu.memref_squeeze %dma_wait3A_69 : memref<1x128xi32, #tpu.memory_space<vmem>> -> memref<128xi32, #tpu.memory_space<vmem>>
      %dma_wait3A_71 = arith.constant 0 : i32
      %dma_wait3A_72 = arith.constant 0 : i32
      %dma_wait3A_73 = tpu.memref_slice %arg2[%dma_wait3A_71, %dma_wait3A_72] : memref<10000x128xf32, #tpu.memory_space<hbm>> -> memref<10000x128xf32, #tpu.memory_space<hbm>>
      tpu.wait_indirect_dma semaphore(%arg14 : memref<!tpu.dma_semaphore, #tpu.memory_space<semaphore_mem>>) src(%dma_wait3A_73 : memref<10000x128xf32, #tpu.memory_space<hbm>>) dst(%arg10 : memref<128x128xf32, #tpu.memory_space<vmem>>)
      %dma_start3A_74 = arith.constant 1 : i32
      %dma_start3A_75 = arith.constant 0 : i32
      %dma_start3A_76 = tpu.memref_slice %arg8[%dma_start3A_74, %dma_start3A_75] : memref<8x128xi32, #tpu.memory_space<vmem>> -> memref<1x128xi32, #tpu.memory_space<vmem>>
      %dma_start3A_77 = tpu.memref_squeeze %dma_start3A_76 : memref<1x128xi32, #tpu.memory_space<vmem>> -> memref<128xi32, #tpu.memory_space<vmem>>
      %dma_start3A_78 = arith.constant 0 : i32
      %dma_start3A_79 = arith.constant 0 : i32
      %dma_start3A_80 = tpu.memref_slice %arg12[%dma_start3A_78, %dma_start3A_79] : memref<10240x128xf32, #tpu.memory_space<vmem_shared>> -> memref<10240x128xf32, #tpu.memory_space<vmem_shared>>
      tpu.enqueue_indirect_dma source(%arg10 : memref<128x128xf32, #tpu.memory_space<vmem>>) target(%dma_start3A_80 : memref<10240x128xf32, #tpu.memory_space<vmem_shared>>) offsets(%dma_start3A_77 : memref<128xi32, #tpu.memory_space<vmem>>) semaphore(%arg16 : memref<!tpu.dma_semaphore, #tpu.memory_space<semaphore_mem>>) {add = true}
      %dma_wait3A_81 = arith.constant 2 : i32
      %dma_wait3A_82 = arith.constant 0 : i32
      %dma_wait3A_83 = tpu.memref_slice %arg8[%dma_wait3A_81, %dma_wait3A_82] : memref<8x128xi32, #tpu.memory_space<vmem>> -> memref<1x128xi32, #tpu.memory_space<vmem>>
      %dma_wait3A_84 = tpu.memref_squeeze %dma_wait3A_83 : memref<1x128xi32, #tpu.memory_space<vmem>> -> memref<128xi32, #tpu.memory_space<vmem>>
      %dma_wait3A_85 = arith.constant 0 : i32
      %dma_wait3A_86 = arith.constant 0 : i32
      %dma_wait3A_87 = tpu.memref_slice %arg12[%dma_wait3A_85, %dma_wait3A_86] : memref<10240x128xf32, #tpu.memory_space<vmem_shared>> -> memref<10240x128xf32, #tpu.memory_space<vmem_shared>>
      tpu.wait_indirect_dma semaphore(%arg16 : memref<!tpu.dma_semaphore, #tpu.memory_space<semaphore_mem>>) src(%arg10 : memref<128x128xf32, #tpu.memory_space<vmem>>) dst(%dma_wait3A_87 : memref<10240x128xf32, #tpu.memory_space<vmem_shared>>)
      %dma_start3A_88 = arith.constant 3 : i32
      %dma_start3A_89 = arith.constant 0 : i32
      %dma_start3A_90 = tpu.memref_slice %arg7[%dma_start3A_88, %dma_start3A_89] : memref<8x128xi32, #tpu.memory_space<vmem>> -> memref<1x128xi32, #tpu.memory_space<vmem>>
      %dma_start3A_91 = tpu.memref_squeeze %dma_start3A_90 : memref<1x128xi32, #tpu.memory_space<vmem>> -> memref<128xi32, #tpu.memory_space<vmem>>
      %dma_start3A_92 = arith.constant 0 : i32
      %dma_start3A_93 = arith.constant 0 : i32
      %dma_start3A_94 = tpu.memref_slice %arg2[%dma_start3A_92, %dma_start3A_93] : memref<10000x128xf32, #tpu.memory_space<hbm>> -> memref<10000x128xf32, #tpu.memory_space<hbm>>
      tpu.enqueue_indirect_dma source(%dma_start3A_94 : memref<10000x128xf32, #tpu.memory_space<hbm>>) target(%arg10 : memref<128x128xf32, #tpu.memory_space<vmem>>) offsets(%dma_start3A_91 : memref<128xi32, #tpu.memory_space<vmem>>) semaphore(%arg14 : memref<!tpu.dma_semaphore, #tpu.memory_space<semaphore_mem>>)
      %dma_wait3A_95 = arith.constant 2 : i32
      %dma_wait3A_96 = arith.constant 0 : i32
      %dma_wait3A_97 = tpu.memref_slice %arg7[%dma_wait3A_95, %dma_wait3A_96] : memref<8x128xi32, #tpu.memory_space<vmem>> -> memref<1x128xi32, #tpu.memory_space<vmem>>
      %dma_wait3A_98 = tpu.memref_squeeze %dma_wait3A_97 : memref<1x128xi32, #tpu.memory_space<vmem>> -> memref<128xi32, #tpu.memory_space<vmem>>
      %dma_wait3A_99 = arith.constant 0 : i32
      %dma_wait3A_100 = arith.constant 0 : i32
      %dma_wait3A_101 = tpu.memref_slice %arg2[%dma_wait3A_99, %dma_wait3A_100] : memref<10000x128xf32, #tpu.memory_space<hbm>> -> memref<10000x128xf32, #tpu.memory_space<hbm>>
      tpu.wait_indirect_dma semaphore(%arg13 : memref<!tpu.dma_semaphore, #tpu.memory_space<semaphore_mem>>) src(%dma_wait3A_101 : memref<10000x128xf32, #tpu.memory_space<hbm>>) dst(%arg9 : memref<128x128xf32, #tpu.memory_space<vmem>>)
      %dma_start3A_102 = arith.constant 2 : i32
      %dma_start3A_103 = arith.constant 0 : i32
      %dma_start3A_104 = tpu.memref_slice %arg8[%dma_start3A_102, %dma_start3A_103] : memref<8x128xi32, #tpu.memory_space<vmem>> -> memref<1x128xi32, #tpu.memory_space<vmem>>
      %dma_start3A_105 = tpu.memref_squeeze %dma_start3A_104 : memref<1x128xi32, #tpu.memory_space<vmem>> -> memref<128xi32, #tpu.memory_space<vmem>>
      %dma_start3A_106 = arith.constant 0 : i32
      %dma_start3A_107 = arith.constant 0 : i32
      %dma_start3A_108 = tpu.memref_slice %arg12[%dma_start3A_106, %dma_start3A_107] : memref<10240x128xf32, #tpu.memory_space<vmem_shared>> -> memref<10240x128xf32, #tpu.memory_space<vmem_shared>>
      tpu.enqueue_indirect_dma source(%arg9 : memref<128x128xf32, #tpu.memory_space<vmem>>) target(%dma_start3A_108 : memref<10240x128xf32, #tpu.memory_space<vmem_shared>>) offsets(%dma_start3A_105 : memref<128xi32, #tpu.memory_space<vmem>>) semaphore(%arg15 : memref<!tpu.dma_semaphore, #tpu.memory_space<semaphore_mem>>) {add = true}
      %dma_wait3A_109 = arith.constant 3 : i32
      %dma_wait3A_110 = arith.constant 0 : i32
      %dma_wait3A_111 = tpu.memref_slice %arg8[%dma_wait3A_109, %dma_wait3A_110] : memref<8x128xi32, #tpu.memory_space<vmem>> -> memref<1x128xi32, #tpu.memory_space<vmem>>
      %dma_wait3A_112 = tpu.memref_squeeze %dma_wait3A_111 : memref<1x128xi32, #tpu.memory_space<vmem>> -> memref<128xi32, #tpu.memory_space<vmem>>
      %dma_wait3A_113 = arith.constant 0 : i32
      %dma_wait3A_114 = arith.constant 0 : i32
      %dma_wait3A_115 = tpu.memref_slice %arg12[%dma_wait3A_113, %dma_wait3A_114] : memref<10240x128xf32, #tpu.memory_space<vmem_shared>> -> memref<10240x128xf32, #tpu.memory_space<vmem_shared>>
      tpu.wait_indirect_dma semaphore(%arg15 : memref<!tpu.dma_semaphore, #tpu.memory_space<semaphore_mem>>) src(%arg9 : memref<128x128xf32, #tpu.memory_space<vmem>>) dst(%dma_wait3A_115 : memref<10240x128xf32, #tpu.memory_space<vmem_shared>>)
      %dma_start3A_116 = arith.constant 4 : i32
      %dma_start3A_117 = arith.constant 0 : i32
      %dma_start3A_118 = tpu.memref_slice %arg7[%dma_start3A_116, %dma_start3A_117] : memref<8x128xi32, #tpu.memory_space<vmem>> -> memref<1x128xi32, #tpu.memory_space<vmem>>
      %dma_start3A_119 = tpu.memref_squeeze %dma_start3A_118 : memref<1x128xi32, #tpu.memory_space<vmem>> -> memref<128xi32, #tpu.memory_space<vmem>>
      %dma_start3A_120 = arith.constant 0 : i32
      %dma_start3A_121 = arith.constant 0 : i32
      %dma_start3A_122 = tpu.memref_slice %arg2[%dma_start3A_120, %dma_start3A_121] : memref<10000x128xf32, #tpu.memory_space<hbm>> -> memref<10000x128xf32, #tpu.memory_space<hbm>>
      tpu.enqueue_indirect_dma source(%dma_start3A_122 : memref<10000x128xf32, #tpu.memory_space<hbm>>) target(%arg9 : memref<128x128xf32, #tpu.memory_space<vmem>>) offsets(%dma_start3A_119 : memref<128xi32, #tpu.memory_space<vmem>>) semaphore(%arg13 : memref<!tpu.dma_semaphore, #tpu.memory_space<semaphore_mem>>)
      %dma_wait3A_123 = arith.constant 3 : i32
      %dma_wait3A_124 = arith.constant 0 : i32
      %dma_wait3A_125 = tpu.memref_slice %arg7[%dma_wait3A_123, %dma_wait3A_124] : memref<8x128xi32, #tpu.memory_space<vmem>> -> memref<1x128xi32, #tpu.memory_space<vmem>>
      %dma_wait3A_126 = tpu.memref_squeeze %dma_wait3A_125 : memref<1x128xi32, #tpu.memory_space<vmem>> -> memref<128xi32, #tpu.memory_space<vmem>>
      %dma_wait3A_127 = arith.constant 0 : i32
      %dma_wait3A_128 = arith.constant 0 : i32
      %dma_wait3A_129 = tpu.memref_slice %arg2[%dma_wait3A_127, %dma_wait3A_128] : memref<10000x128xf32, #tpu.memory_space<hbm>> -> memref<10000x128xf32, #tpu.memory_space<hbm>>
      tpu.wait_indirect_dma semaphore(%arg14 : memref<!tpu.dma_semaphore, #tpu.memory_space<semaphore_mem>>) src(%dma_wait3A_129 : memref<10000x128xf32, #tpu.memory_space<hbm>>) dst(%arg10 : memref<128x128xf32, #tpu.memory_space<vmem>>)
      %dma_start3A_130 = arith.constant 3 : i32
      %dma_start3A_131 = arith.constant 0 : i32
      %dma_start3A_132 = tpu.memref_slice %arg8[%dma_start3A_130, %dma_start3A_131] : memref<8x128xi32, #tpu.memory_space<vmem>> -> memref<1x128xi32, #tpu.memory_space<vmem>>
      %dma_start3A_133 = tpu.memref_squeeze %dma_start3A_132 : memref<1x128xi32, #tpu.memory_space<vmem>> -> memref<128xi32, #tpu.memory_space<vmem>>
      %dma_start3A_134 = arith.constant 0 : i32
      %dma_start3A_135 = arith.constant 0 : i32
      %dma_start3A_136 = tpu.memref_slice %arg12[%dma_start3A_134, %dma_start3A_135] : memref<10240x128xf32, #tpu.memory_space<vmem_shared>> -> memref<10240x128xf32, #tpu.memory_space<vmem_shared>>
      tpu.enqueue_indirect_dma source(%arg10 : memref<128x128xf32, #tpu.memory_space<vmem>>) target(%dma_start3A_136 : memref<10240x128xf32, #tpu.memory_space<vmem_shared>>) offsets(%dma_start3A_133 : memref<128xi32, #tpu.memory_space<vmem>>) semaphore(%arg16 : memref<!tpu.dma_semaphore, #tpu.memory_space<semaphore_mem>>) {add = true}
      %dma_wait3A_137 = arith.constant 4 : i32
      %dma_wait3A_138 = arith.constant 0 : i32
      %dma_wait3A_139 = tpu.memref_slice %arg8[%dma_wait3A_137, %dma_wait3A_138] : memref<8x128xi32, #tpu.memory_space<vmem>> -> memref<1x128xi32, #tpu.memory_space<vmem>>
      %dma_wait3A_140 = tpu.memref_squeeze %dma_wait3A_139 : memref<1x128xi32, #tpu.memory_space<vmem>> -> memref<128xi32, #tpu.memory_space<vmem>>
      %dma_wait3A_141 = arith.constant 0 : i32
      %dma_wait3A_142 = arith.constant 0 : i32
      %dma_wait3A_143 = tpu.memref_slice %arg12[%dma_wait3A_141, %dma_wait3A_142] : memref<10240x128xf32, #tpu.memory_space<vmem_shared>> -> memref<10240x128xf32, #tpu.memory_space<vmem_shared>>
      tpu.wait_indirect_dma semaphore(%arg16 : memref<!tpu.dma_semaphore, #tpu.memory_space<semaphore_mem>>) src(%arg10 : memref<128x128xf32, #tpu.memory_space<vmem>>) dst(%dma_wait3A_143 : memref<10240x128xf32, #tpu.memory_space<vmem_shared>>)
      %dma_start3A_144 = arith.constant 5 : i32
      %dma_start3A_145 = arith.constant 0 : i32
      %dma_start3A_146 = tpu.memref_slice %arg7[%dma_start3A_144, %dma_start3A_145] : memref<8x128xi32, #tpu.memory_space<vmem>> -> memref<1x128xi32, #tpu.memory_space<vmem>>
      %dma_start3A_147 = tpu.memref_squeeze %dma_start3A_146 : memref<1x128xi32, #tpu.memory_space<vmem>> -> memref<128xi32, #tpu.memory_space<vmem>>
      %dma_start3A_148 = arith.constant 0 : i32
      %dma_start3A_149 = arith.constant 0 : i32
      %dma_start3A_150 = tpu.memref_slice %arg2[%dma_start3A_148, %dma_start3A_149] : memref<10000x128xf32, #tpu.memory_space<hbm>> -> memref<10000x128xf32, #tpu.memory_space<hbm>>
      tpu.enqueue_indirect_dma source(%dma_start3A_150 : memref<10000x128xf32, #tpu.memory_space<hbm>>) target(%arg10 : memref<128x128xf32, #tpu.memory_space<vmem>>) offsets(%dma_start3A_147 : memref<128xi32, #tpu.memory_space<vmem>>) semaphore(%arg14 : memref<!tpu.dma_semaphore, #tpu.memory_space<semaphore_mem>>)
      %dma_wait3A_151 = arith.constant 4 : i32
      %dma_wait3A_152 = arith.constant 0 : i32
      %dma_wait3A_153 = tpu.memref_slice %arg7[%dma_wait3A_151, %dma_wait3A_152] : memref<8x128xi32, #tpu.memory_space<vmem>> -> memref<1x128xi32, #tpu.memory_space<vmem>>
      %dma_wait3A_154 = tpu.memref_squeeze %dma_wait3A_153 : memref<1x128xi32, #tpu.memory_space<vmem>> -> memref<128xi32, #tpu.memory_space<vmem>>
      %dma_wait3A_155 = arith.constant 0 : i32
      %dma_wait3A_156 = arith.constant 0 : i32
      %dma_wait3A_157 = tpu.memref_slice %arg2[%dma_wait3A_155, %dma_wait3A_156] : memref<10000x128xf32, #tpu.memory_space<hbm>> -> memref<10000x128xf32, #tpu.memory_space<hbm>>
      tpu.wait_indirect_dma semaphore(%arg13 : memref<!tpu.dma_semaphore, #tpu.memory_space<semaphore_mem>>) src(%dma_wait3A_157 : memref<10000x128xf32, #tpu.memory_space<hbm>>) dst(%arg9 : memref<128x128xf32, #tpu.memory_space<vmem>>)
      %dma_start3A_158 = arith.constant 4 : i32
      %dma_start3A_159 = arith.constant 0 : i32
      %dma_start3A_160 = tpu.memref_slice %arg8[%dma_start3A_158, %dma_start3A_159] : memref<8x128xi32, #tpu.memory_space<vmem>> -> memref<1x128xi32, #tpu.memory_space<vmem>>
      %dma_start3A_161 = tpu.memref_squeeze %dma_start3A_160 : memref<1x128xi32, #tpu.memory_space<vmem>> -> memref<128xi32, #tpu.memory_space<vmem>>
      %dma_start3A_162 = arith.constant 0 : i32
      %dma_start3A_163 = arith.constant 0 : i32
      %dma_start3A_164 = tpu.memref_slice %arg12[%dma_start3A_162, %dma_start3A_163] : memref<10240x128xf32, #tpu.memory_space<vmem_shared>> -> memref<10240x128xf32, #tpu.memory_space<vmem_shared>>
      tpu.enqueue_indirect_dma source(%arg9 : memref<128x128xf32, #tpu.memory_space<vmem>>) target(%dma_start3A_164 : memref<10240x128xf32, #tpu.memory_space<vmem_shared>>) offsets(%dma_start3A_161 : memref<128xi32, #tpu.memory_space<vmem>>) semaphore(%arg15 : memref<!tpu.dma_semaphore, #tpu.memory_space<semaphore_mem>>) {add = true}
      %dma_wait3A_165 = arith.constant 5 : i32
      %dma_wait3A_166 = arith.constant 0 : i32
      %dma_wait3A_167 = tpu.memref_slice %arg8[%dma_wait3A_165, %dma_wait3A_166] : memref<8x128xi32, #tpu.memory_space<vmem>> -> memref<1x128xi32, #tpu.memory_space<vmem>>
      %dma_wait3A_168 = tpu.memref_squeeze %dma_wait3A_167 : memref<1x128xi32, #tpu.memory_space<vmem>> -> memref<128xi32, #tpu.memory_space<vmem>>
      %dma_wait3A_169 = arith.constant 0 : i32
      %dma_wait3A_170 = arith.constant 0 : i32
      %dma_wait3A_171 = tpu.memref_slice %arg12[%dma_wait3A_169, %dma_wait3A_170] : memref<10240x128xf32, #tpu.memory_space<vmem_shared>> -> memref<10240x128xf32, #tpu.memory_space<vmem_shared>>
      tpu.wait_indirect_dma semaphore(%arg15 : memref<!tpu.dma_semaphore, #tpu.memory_space<semaphore_mem>>) src(%arg9 : memref<128x128xf32, #tpu.memory_space<vmem>>) dst(%dma_wait3A_171 : memref<10240x128xf32, #tpu.memory_space<vmem_shared>>)
      %dma_start3A_172 = arith.constant 6 : i32
      %dma_start3A_173 = arith.constant 0 : i32
      %dma_start3A_174 = tpu.memref_slice %arg7[%dma_start3A_172, %dma_start3A_173] : memref<8x128xi32, #tpu.memory_space<vmem>> -> memref<1x128xi32, #tpu.memory_space<vmem>>
      %dma_start3A_175 = tpu.memref_squeeze %dma_start3A_174 : memref<1x128xi32, #tpu.memory_space<vmem>> -> memref<128xi32, #tpu.memory_space<vmem>>
      %dma_start3A_176 = arith.constant 0 : i32
      %dma_start3A_177 = arith.constant 0 : i32
      %dma_start3A_178 = tpu.memref_slice %arg2[%dma_start3A_176, %dma_start3A_177] : memref<10000x128xf32, #tpu.memory_space<hbm>> -> memref<10000x128xf32, #tpu.memory_space<hbm>>
      tpu.enqueue_indirect_dma source(%dma_start3A_178 : memref<10000x128xf32, #tpu.memory_space<hbm>>) target(%arg9 : memref<128x128xf32, #tpu.memory_space<vmem>>) offsets(%dma_start3A_175 : memref<128xi32, #tpu.memory_space<vmem>>) semaphore(%arg13 : memref<!tpu.dma_semaphore, #tpu.memory_space<semaphore_mem>>)
      %dma_wait3A_179 = arith.constant 5 : i32
      %dma_wait3A_180 = arith.constant 0 : i32
      %dma_wait3A_181 = tpu.memref_slice %arg7[%dma_wait3A_179, %dma_wait3A_180] : memref<8x128xi32, #tpu.memory_space<vmem>> -> memref<1x128xi32, #tpu.memory_space<vmem>>
      %dma_wait3A_182 = tpu.memref_squeeze %dma_wait3A_181 : memref<1x128xi32, #tpu.memory_space<vmem>> -> memref<128xi32, #tpu.memory_space<vmem>>
      %dma_wait3A_183 = arith.constant 0 : i32
      %dma_wait3A_184 = arith.constant 0 : i32
      %dma_wait3A_185 = tpu.memref_slice %arg2[%dma_wait3A_183, %dma_wait3A_184] : memref<10000x128xf32, #tpu.memory_space<hbm>> -> memref<10000x128xf32, #tpu.memory_space<hbm>>
      tpu.wait_indirect_dma semaphore(%arg14 : memref<!tpu.dma_semaphore, #tpu.memory_space<semaphore_mem>>) src(%dma_wait3A_185 : memref<10000x128xf32, #tpu.memory_space<hbm>>) dst(%arg10 : memref<128x128xf32, #tpu.memory_space<vmem>>)
      %dma_start3A_186 = arith.constant 5 : i32
      %dma_start3A_187 = arith.constant 0 : i32
      %dma_start3A_188 = tpu.memref_slice %arg8[%dma_start3A_186, %dma_start3A_187] : memref<8x128xi32, #tpu.memory_space<vmem>> -> memref<1x128xi32, #tpu.memory_space<vmem>>
      %dma_start3A_189 = tpu.memref_squeeze %dma_start3A_188 : memref<1x128xi32, #tpu.memory_space<vmem>> -> memref<128xi32, #tpu.memory_space<vmem>>
      %dma_start3A_190 = arith.constant 0 : i32
      %dma_start3A_191 = arith.constant 0 : i32
      %dma_start3A_192 = tpu.memref_slice %arg12[%dma_start3A_190, %dma_start3A_191] : memref<10240x128xf32, #tpu.memory_space<vmem_shared>> -> memref<10240x128xf32, #tpu.memory_space<vmem_shared>>
      tpu.enqueue_indirect_dma source(%arg10 : memref<128x128xf32, #tpu.memory_space<vmem>>) target(%dma_start3A_192 : memref<10240x128xf32, #tpu.memory_space<vmem_shared>>) offsets(%dma_start3A_189 : memref<128xi32, #tpu.memory_space<vmem>>) semaphore(%arg16 : memref<!tpu.dma_semaphore, #tpu.memory_space<semaphore_mem>>) {add = true}
      %dma_wait3A_193 = arith.constant 6 : i32
      %dma_wait3A_194 = arith.constant 0 : i32
      %dma_wait3A_195 = tpu.memref_slice %arg8[%dma_wait3A_193, %dma_wait3A_194] : memref<8x128xi32, #tpu.memory_space<vmem>> -> memref<1x128xi32, #tpu.memory_space<vmem>>
      %dma_wait3A_196 = tpu.memref_squeeze %dma_wait3A_195 : memref<1x128xi32, #tpu.memory_space<vmem>> -> memref<128xi32, #tpu.memory_space<vmem>>
      %dma_wait3A_197 = arith.constant 0 : i32
      %dma_wait3A_198 = arith.constant 0 : i32
      %dma_wait3A_199 = tpu.memref_slice %arg12[%dma_wait3A_197, %dma_wait3A_198] : memref<10240x128xf32, #tpu.memory_space<vmem_shared>> -> memref<10240x128xf32, #tpu.memory_space<vmem_shared>>
      tpu.wait_indirect_dma semaphore(%arg16 : memref<!tpu.dma_semaphore, #tpu.memory_space<semaphore_mem>>) src(%arg10 : memref<128x128xf32, #tpu.memory_space<vmem>>) dst(%dma_wait3A_199 : memref<10240x128xf32, #tpu.memory_space<vmem_shared>>)
      %dma_start3A_200 = arith.constant 7 : i32
      %dma_start3A_201 = arith.constant 0 : i32
      %dma_start3A_202 = tpu.memref_slice %arg7[%dma_start3A_200, %dma_start3A_201] : memref<8x128xi32, #tpu.memory_space<vmem>> -> memref<1x128xi32, #tpu.memory_space<vmem>>
      %dma_start3A_203 = tpu.memref_squeeze %dma_start3A_202 : memref<1x128xi32, #tpu.memory_space<vmem>> -> memref<128xi32, #tpu.memory_space<vmem>>
      %dma_start3A_204 = arith.constant 0 : i32
      %dma_start3A_205 = arith.constant 0 : i32
      %dma_start3A_206 = tpu.memref_slice %arg2[%dma_start3A_204, %dma_start3A_205] : memref<10000x128xf32, #tpu.memory_space<hbm>> -> memref<10000x128xf32, #tpu.memory_space<hbm>>
      tpu.enqueue_indirect_dma source(%dma_start3A_206 : memref<10000x128xf32, #tpu.memory_space<hbm>>) target(%arg10 : memref<128x128xf32, #tpu.memory_space<vmem>>) offsets(%dma_start3A_203 : memref<128xi32, #tpu.memory_space<vmem>>) semaphore(%arg14 : memref<!tpu.dma_semaphore, #tpu.memory_space<semaphore_mem>>)
      %dma_wait3A_207 = arith.constant 6 : i32
      %dma_wait3A_208 = arith.constant 0 : i32
      %dma_wait3A_209 = tpu.memref_slice %arg7[%dma_wait3A_207, %dma_wait3A_208] : memref<8x128xi32, #tpu.memory_space<vmem>> -> memref<1x128xi32, #tpu.memory_space<vmem>>
      %dma_wait3A_210 = tpu.memref_squeeze %dma_wait3A_209 : memref<1x128xi32, #tpu.memory_space<vmem>> -> memref<128xi32, #tpu.memory_space<vmem>>
      %dma_wait3A_211 = arith.constant 0 : i32
      %dma_wait3A_212 = arith.constant 0 : i32
      %dma_wait3A_213 = tpu.memref_slice %arg2[%dma_wait3A_211, %dma_wait3A_212] : memref<10000x128xf32, #tpu.memory_space<hbm>> -> memref<10000x128xf32, #tpu.memory_space<hbm>>
      tpu.wait_indirect_dma semaphore(%arg13 : memref<!tpu.dma_semaphore, #tpu.memory_space<semaphore_mem>>) src(%dma_wait3A_213 : memref<10000x128xf32, #tpu.memory_space<hbm>>) dst(%arg9 : memref<128x128xf32, #tpu.memory_space<vmem>>)
      %dma_start3A_214 = arith.constant 6 : i32
      %dma_start3A_215 = arith.constant 0 : i32
      %dma_start3A_216 = tpu.memref_slice %arg8[%dma_start3A_214, %dma_start3A_215] : memref<8x128xi32, #tpu.memory_space<vmem>> -> memref<1x128xi32, #tpu.memory_space<vmem>>
      %dma_start3A_217 = tpu.memref_squeeze %dma_start3A_216 : memref<1x128xi32, #tpu.memory_space<vmem>> -> memref<128xi32, #tpu.memory_space<vmem>>
      %dma_start3A_218 = arith.constant 0 : i32
      %dma_start3A_219 = arith.constant 0 : i32
      %dma_start3A_220 = tpu.memref_slice %arg12[%dma_start3A_218, %dma_start3A_219] : memref<10240x128xf32, #tpu.memory_space<vmem_shared>> -> memref<10240x128xf32, #tpu.memory_space<vmem_shared>>
      tpu.enqueue_indirect_dma source(%arg9 : memref<128x128xf32, #tpu.memory_space<vmem>>) target(%dma_start3A_220 : memref<10240x128xf32, #tpu.memory_space<vmem_shared>>) offsets(%dma_start3A_217 : memref<128xi32, #tpu.memory_space<vmem>>) semaphore(%arg15 : memref<!tpu.dma_semaphore, #tpu.memory_space<semaphore_mem>>) {add = true}
      %dma_wait3A_221 = arith.constant 7 : i32
      %dma_wait3A_222 = arith.constant 0 : i32
      %dma_wait3A_223 = tpu.memref_slice %arg8[%dma_wait3A_221, %dma_wait3A_222] : memref<8x128xi32, #tpu.memory_space<vmem>> -> memref<1x128xi32, #tpu.memory_space<vmem>>
      %dma_wait3A_224 = tpu.memref_squeeze %dma_wait3A_223 : memref<1x128xi32, #tpu.memory_space<vmem>> -> memref<128xi32, #tpu.memory_space<vmem>>
      %dma_wait3A_225 = arith.constant 0 : i32
      %dma_wait3A_226 = arith.constant 0 : i32
      %dma_wait3A_227 = tpu.memref_slice %arg12[%dma_wait3A_225, %dma_wait3A_226] : memref<10240x128xf32, #tpu.memory_space<vmem_shared>> -> memref<10240x128xf32, #tpu.memory_space<vmem_shared>>
      tpu.wait_indirect_dma semaphore(%arg15 : memref<!tpu.dma_semaphore, #tpu.memory_space<semaphore_mem>>) src(%arg9 : memref<128x128xf32, #tpu.memory_space<vmem>>) dst(%dma_wait3A_227 : memref<10240x128xf32, #tpu.memory_space<vmem_shared>>)
      %dma_wait3A_228 = arith.constant 7 : i32
      %dma_wait3A_229 = arith.constant 0 : i32
      %dma_wait3A_230 = tpu.memref_slice %arg7[%dma_wait3A_228, %dma_wait3A_229] : memref<8x128xi32, #tpu.memory_space<vmem>> -> memref<1x128xi32, #tpu.memory_space<vmem>>
      %dma_wait3A_231 = tpu.memref_squeeze %dma_wait3A_230 : memref<1x128xi32, #tpu.memory_space<vmem>> -> memref<128xi32, #tpu.memory_space<vmem>>
      %dma_wait3A_232 = arith.constant 0 : i32
      %dma_wait3A_233 = arith.constant 0 : i32
      %dma_wait3A_234 = tpu.memref_slice %arg2[%dma_wait3A_232, %dma_wait3A_233] : memref<10000x128xf32, #tpu.memory_space<hbm>> -> memref<10000x128xf32, #tpu.memory_space<hbm>>
      tpu.wait_indirect_dma semaphore(%arg14 : memref<!tpu.dma_semaphore, #tpu.memory_space<semaphore_mem>>) src(%dma_wait3A_234 : memref<10000x128xf32, #tpu.memory_space<hbm>>) dst(%arg10 : memref<128x128xf32, #tpu.memory_space<vmem>>)
      %run_scoped3A = arith.constant 7 : i32
      "tpu.region"() ({
        %run_scoped3A_239 = tpu.sem_alloc : memref<!tpu.dma_semaphore, #tpu.memory_space<semaphore_mem>>
        %dma_start3A_240 = arith.constant 0 : i32
        %dma_start3A_241 = tpu.memref_slice %arg8[%run_scoped3A, %dma_start3A_240] : memref<8x128xi32, #tpu.memory_space<vmem>> -> memref<1x128xi32, #tpu.memory_space<vmem>>
        %dma_start3A_242 = tpu.memref_squeeze %dma_start3A_241 : memref<1x128xi32, #tpu.memory_space<vmem>> -> memref<128xi32, #tpu.memory_space<vmem>>
        %dma_start3A_243 = arith.constant 0 : i32
        %dma_start3A_244 = arith.constant 0 : i32
        %dma_start3A_245 = tpu.memref_slice %arg12[%dma_start3A_243, %dma_start3A_244] : memref<10240x128xf32, #tpu.memory_space<vmem_shared>> -> memref<10240x128xf32, #tpu.memory_space<vmem_shared>>
        tpu.enqueue_indirect_dma source(%arg10 : memref<128x128xf32, #tpu.memory_space<vmem>>) target(%dma_start3A_245 : memref<10240x128xf32, #tpu.memory_space<vmem_shared>>) offsets(%dma_start3A_242 : memref<128xi32, #tpu.memory_space<vmem>>) semaphore(%run_scoped3A_239 : memref<!tpu.dma_semaphore, #tpu.memory_space<semaphore_mem>>) {add = true}
        %dma_wait3A_246 = arith.constant 0 : i32
        %dma_wait3A_247 = tpu.memref_slice %arg8[%run_scoped3A, %dma_wait3A_246] : memref<8x128xi32, #tpu.memory_space<vmem>> -> memref<1x128xi32, #tpu.memory_space<vmem>>
        %dma_wait3A_248 = tpu.memref_squeeze %dma_wait3A_247 : memref<1x128xi32, #tpu.memory_space<vmem>> -> memref<128xi32, #tpu.memory_space<vmem>>
        %dma_wait3A_249 = arith.constant 0 : i32
        %dma_wait3A_250 = arith.constant 0 : i32
        %dma_wait3A_251 = tpu.memref_slice %arg12[%dma_wait3A_249, %dma_wait3A_250] : memref<10240x128xf32, #tpu.memory_space<vmem_shared>> -> memref<10240x128xf32, #tpu.memory_space<vmem_shared>>
        tpu.wait_indirect_dma semaphore(%run_scoped3A_239 : memref<!tpu.dma_semaphore, #tpu.memory_space<semaphore_mem>>) src(%arg10 : memref<128x128xf32, #tpu.memory_space<vmem>>) dst(%dma_wait3A_251 : memref<10240x128xf32, #tpu.memory_space<vmem_shared>>)
        tpu.yield
      }) : () -> ()
      %add3A_235 = arith.constant 1 : i32
      %add3A_236 = arith.addi %scan3A_32, %add3A_235 : i32
      %lt3A = arith.constant 10 : i32
      %lt3A_237 = arith.cmpi slt, %add3A_236, %lt3A : i32
      %convert_element_type3A = arith.extui %lt3A_237 : i1 to i32
      %cond3A = arith.constant 0 : i32
      %cond3A_238 = arith.cmpi ne, %convert_element_type3A, %cond3A : i32
      scf.if %cond3A_238 {
        %add3A_239 = arith.constant 1 : i32
        %add3A_240 = arith.addi %scan3A_32, %add3A_239 : i32
        %mul3A_241 = arith.constant 8 : i32
        %mul3A_242 = arith.muli %add3A_240, %mul3A_241 : i32
        "tpu.region"() ({
          %run_scoped3A_254 = tpu.sem_alloc : memref<!tpu.dma_semaphore, #tpu.memory_space<semaphore_mem>>
          %dma_start3A_255 = arith.constant 0 : i32
          %dma_start3A_256 = tpu.memref_slice %arg3[%add3A, %mul3A_242, %dma_start3A_255] : memref<32x80x128xi32, #tpu.memory_space<hbm>> -> memref<1x8x128xi32, #tpu.memory_space<hbm>>
          %dma_start3A_257 = tpu.memref_squeeze %dma_start3A_256 : memref<1x8x128xi32, #tpu.memory_space<hbm>> -> memref<8x128xi32, #tpu.memory_space<hbm>>
          %dma_start3A_258 = arith.constant 0 : i32
          %dma_start3A_259 = tpu.memref_slice %arg3[%add3A, %mul3A_242, %dma_start3A_258] : memref<32x80x128xi32, #tpu.memory_space<hbm>> -> memref<1x8x128xi32, #tpu.memory_space<hbm>>
          %dma_start3A_260 = tpu.memref_squeeze %dma_start3A_259 : memref<1x8x128xi32, #tpu.memory_space<hbm>> -> memref<8x128xi32, #tpu.memory_space<hbm>>
          tpu.enqueue_dma source(%dma_start3A_260 : memref<8x128xi32, #tpu.memory_space<hbm>>) target(%arg7 : memref<8x128xi32, #tpu.memory_space<vmem>>) target_semaphore(%run_scoped3A_254 : memref<!tpu.dma_semaphore, #tpu.memory_space<semaphore_mem>>)
          %dma_wait3A_261 = arith.constant 0 : i32
          %dma_wait3A_262 = tpu.memref_slice %arg3[%add3A, %mul3A_242, %dma_wait3A_261] : memref<32x80x128xi32, #tpu.memory_space<hbm>> -> memref<1x8x128xi32, #tpu.memory_space<hbm>>
          %dma_wait3A_263 = tpu.memref_squeeze %dma_wait3A_262 : memref<1x8x128xi32, #tpu.memory_space<hbm>> -> memref<8x128xi32, #tpu.memory_space<hbm>>
          %dma_wait3A_264 = arith.constant 0 : i32
          %dma_wait3A_265 = tpu.memref_slice %arg3[%add3A, %mul3A_242, %dma_wait3A_264] : memref<32x80x128xi32, #tpu.memory_space<hbm>> -> memref<1x8x128xi32, #tpu.memory_space<hbm>>
          %dma_wait3A_266 = tpu.memref_squeeze %dma_wait3A_265 : memref<1x8x128xi32, #tpu.memory_space<hbm>> -> memref<8x128xi32, #tpu.memory_space<hbm>>
          tpu.wait_dma2 semaphore(%run_scoped3A_254 : memref<!tpu.dma_semaphore, #tpu.memory_space<semaphore_mem>>) src(%dma_wait3A_266 : memref<8x128xi32, #tpu.memory_space<hbm>>) dst(%arg7 : memref<8x128xi32, #tpu.memory_space<vmem>>)
          tpu.yield
        }) : () -> ()
        %add3A_243 = arith.constant 1 : i32
        %add3A_244 = arith.addi %scan3A_32, %add3A_243 : i32
        %mul3A_245 = arith.constant 8 : i32
        %mul3A_246 = arith.muli %add3A_244, %mul3A_245 : i32
        "tpu.region"() ({
          %run_scoped3A_254 = tpu.sem_alloc : memref<!tpu.dma_semaphore, #tpu.memory_space<semaphore_mem>>
          %dma_start3A_255 = arith.constant 0 : i32
          %dma_start3A_256 = tpu.memref_slice %arg4[%add3A, %mul3A_246, %dma_start3A_255] : memref<32x80x128xi32, #tpu.memory_space<hbm>> -> memref<1x8x128xi32, #tpu.memory_space<hbm>>
          %dma_start3A_257 = tpu.memref_squeeze %dma_start3A_256 : memref<1x8x128xi32, #tpu.memory_space<hbm>> -> memref<8x128xi32, #tpu.memory_space<hbm>>
          %dma_start3A_258 = arith.constant 0 : i32
          %dma_start3A_259 = tpu.memref_slice %arg4[%add3A, %mul3A_246, %dma_start3A_258] : memref<32x80x128xi32, #tpu.memory_space<hbm>> -> memref<1x8x128xi32, #tpu.memory_space<hbm>>
          %dma_start3A_260 = tpu.memref_squeeze %dma_start3A_259 : memref<1x8x128xi32, #tpu.memory_space<hbm>> -> memref<8x128xi32, #tpu.memory_space<hbm>>
          tpu.enqueue_dma source(%dma_start3A_260 : memref<8x128xi32, #tpu.memory_space<hbm>>) target(%arg8 : memref<8x128xi32, #tpu.memory_space<vmem>>) target_semaphore(%run_scoped3A_254 : memref<!tpu.dma_semaphore, #tpu.memory_space<semaphore_mem>>)
          %dma_wait3A_261 = arith.constant 0 : i32
          %dma_wait3A_262 = tpu.memref_slice %arg4[%add3A, %mul3A_246, %dma_wait3A_261] : memref<32x80x128xi32, #tpu.memory_space<hbm>> -> memref<1x8x128xi32, #tpu.memory_space<hbm>>
          %dma_wait3A_263 = tpu.memref_squeeze %dma_wait3A_262 : memref<1x8x128xi32, #tpu.memory_space<hbm>> -> memref<8x128xi32, #tpu.memory_space<hbm>>
          %dma_wait3A_264 = arith.constant 0 : i32
          %dma_wait3A_265 = tpu.memref_slice %arg4[%add3A, %mul3A_246, %dma_wait3A_264] : memref<32x80x128xi32, #tpu.memory_space<hbm>> -> memref<1x8x128xi32, #tpu.memory_space<hbm>>
          %dma_wait3A_266 = tpu.memref_squeeze %dma_wait3A_265 : memref<1x8x128xi32, #tpu.memory_space<hbm>> -> memref<8x128xi32, #tpu.memory_space<hbm>>
          tpu.wait_dma2 semaphore(%run_scoped3A_254 : memref<!tpu.dma_semaphore, #tpu.memory_space<semaphore_mem>>) src(%dma_wait3A_266 : memref<8x128xi32, #tpu.memory_space<hbm>>) dst(%arg8 : memref<8x128xi32, #tpu.memory_space<vmem>>)
          tpu.yield
        }) : () -> ()
        %dma_start3A_247 = arith.constant 0 : i32
        %dma_start3A_248 = arith.constant 0 : i32
        %dma_start3A_249 = tpu.memref_slice %arg7[%dma_start3A_247, %dma_start3A_248] : memref<8x128xi32, #tpu.memory_space<vmem>> -> memref<1x128xi32, #tpu.memory_space<vmem>>
        %dma_start3A_250 = tpu.memref_squeeze %dma_start3A_249 : memref<1x128xi32, #tpu.memory_space<vmem>> -> memref<128xi32, #tpu.memory_space<vmem>>
        %dma_start3A_251 = arith.constant 0 : i32
        %dma_start3A_252 = arith.constant 0 : i32
        %dma_start3A_253 = tpu.memref_slice %arg2[%dma_start3A_251, %dma_start3A_252] : memref<10000x128xf32, #tpu.memory_space<hbm>> -> memref<10000x128xf32, #tpu.memory_space<hbm>>
        tpu.enqueue_indirect_dma source(%dma_start3A_253 : memref<10000x128xf32, #tpu.memory_space<hbm>>) target(%arg9 : memref<128x128xf32, #tpu.memory_space<vmem>>) offsets(%dma_start3A_250 : memref<128xi32, #tpu.memory_space<vmem>>) semaphore(%arg13 : memref<!tpu.dma_semaphore, #tpu.memory_space<semaphore_mem>>)
      } else {
      }
    }
    %scan3A_24 = arith.constant 10 : i32
    %barrier3A_25 = arith.constant 0 : index
    tpu.barrier barrier_id(%barrier3A_25)
    %scan3A_26 = arith.constant 0 : i32
    %scan3A_27 = arith.constant 0 : i32
    %scan3A_28 = arith.constant 5 : i32
    %scan3A_29 = arith.addi %scan3A_27, %scan3A_28 : i32
    %scan3A_30 = arith.constant 1 : i32
    scf.for %scan3A_32 = %scan3A_27 to %scan3A_29 step %scan3A_30  : i32 {
      %mul3A_33 = arith.constant 640 : i32
      %mul3A_34 = arith.muli %arg1, %mul3A_33 : i32
      %mul3A_35 = arith.constant 128 : i32
      %mul3A_36 = arith.muli %scan3A_32, %mul3A_35 : i32
      %add3A_37 = arith.addi %mul3A_34, %mul3A_36 : i32
      %add3A_38 = arith.constant 0 : i32
      %add3A_39 = arith.addi %add3A_37, %add3A_38 : i32
      %add3A_40 = vector.broadcast %add3A_39 : i32 to vector<16xi32>
      %add3A_41 = arith.addi %iota3A, %add3A_40 : vector<16xi32>
      %swap3A = arith.constant 0 : index
      %swap3A_42 = tpu.vector_load %arg11[%swap3A] {strides = array<i32>} : memref<128xi32, #tpu.memory_space<vmem>>, vector<16xi32>,
      %swap3A_43 = vector.shape_cast %swap3A_42 : vector<16xi32> to vector<16xi32>
      %swap3A_44 = vector.shape_cast %add3A_41 : vector<16xi32> to vector<16xi32>
      tpu.vector_store %arg11[%swap3A], %swap3A_44 {strides = array<i32>} : memref<128xi32, #tpu.memory_space<vmem>>, vector<16xi32>,
      %add3A_45 = arith.constant 16 : i32
      %add3A_46 = arith.addi %add3A_37, %add3A_45 : i32
      %add3A_47 = vector.broadcast %add3A_46 : i32 to vector<16xi32>
      %add3A_48 = arith.addi %iota3A, %add3A_47 : vector<16xi32>
      %swap3A_49 = arith.constant 16 : index
      %swap3A_50 = tpu.vector_load %arg11[%swap3A_49] {strides = array<i32>} : memref<128xi32, #tpu.memory_space<vmem>>, vector<16xi32>,
      %swap3A_51 = vector.shape_cast %swap3A_50 : vector<16xi32> to vector<16xi32>
      %swap3A_52 = vector.shape_cast %add3A_48 : vector<16xi32> to vector<16xi32>
      tpu.vector_store %arg11[%swap3A_49], %swap3A_52 {strides = array<i32>} : memref<128xi32, #tpu.memory_space<vmem>>, vector<16xi32>,
      %add3A_53 = arith.constant 32 : i32
      %add3A_54 = arith.addi %add3A_37, %add3A_53 : i32
      %add3A_55 = vector.broadcast %add3A_54 : i32 to vector<16xi32>
      %add3A_56 = arith.addi %iota3A, %add3A_55 : vector<16xi32>
      %swap3A_57 = arith.constant 32 : index
      %swap3A_58 = tpu.vector_load %arg11[%swap3A_57] {strides = array<i32>} : memref<128xi32, #tpu.memory_space<vmem>>, vector<16xi32>,
      %swap3A_59 = vector.shape_cast %swap3A_58 : vector<16xi32> to vector<16xi32>
      %swap3A_60 = vector.shape_cast %add3A_56 : vector<16xi32> to vector<16xi32>
      tpu.vector_store %arg11[%swap3A_57], %swap3A_60 {strides = array<i32>} : memref<128xi32, #tpu.memory_space<vmem>>, vector<16xi32>,
      %add3A_61 = arith.constant 48 : i32
      %add3A_62 = arith.addi %add3A_37, %add3A_61 : i32
      %add3A_63 = vector.broadcast %add3A_62 : i32 to vector<16xi32>
      %add3A_64 = arith.addi %iota3A, %add3A_63 : vector<16xi32>
      %swap3A_65 = arith.constant 48 : index
      %swap3A_66 = tpu.vector_load %arg11[%swap3A_65] {strides = array<i32>} : memref<128xi32, #tpu.memory_space<vmem>>, vector<16xi32>,
      %swap3A_67 = vector.shape_cast %swap3A_66 : vector<16xi32> to vector<16xi32>
      %swap3A_68 = vector.shape_cast %add3A_64 : vector<16xi32> to vector<16xi32>
      tpu.vector_store %arg11[%swap3A_65], %swap3A_68 {strides = array<i32>} : memref<128xi32, #tpu.memory_space<vmem>>, vector<16xi32>,
      %add3A_69 = arith.constant 64 : i32
      %add3A_70 = arith.addi %add3A_37, %add3A_69 : i32
      %add3A_71 = vector.broadcast %add3A_70 : i32 to vector<16xi32>
      %add3A_72 = arith.addi %iota3A, %add3A_71 : vector<16xi32>
      %swap3A_73 = arith.constant 64 : index
      %swap3A_74 = tpu.vector_load %arg11[%swap3A_73] {strides = array<i32>} : memref<128xi32, #tpu.memory_space<vmem>>, vector<16xi32>,
      %swap3A_75 = vector.shape_cast %swap3A_74 : vector<16xi32> to vector<16xi32>
      %swap3A_76 = vector.shape_cast %add3A_72 : vector<16xi32> to vector<16xi32>
      tpu.vector_store %arg11[%swap3A_73], %swap3A_76 {strides = array<i32>} : memref<128xi32, #tpu.memory_space<vmem>>, vector<16xi32>,
      %add3A_77 = arith.constant 80 : i32
      %add3A_78 = arith.addi %add3A_37, %add3A_77 : i32
      %add3A_79 = vector.broadcast %add3A_78 : i32 to vector<16xi32>
      %add3A_80 = arith.addi %iota3A, %add3A_79 : vector<16xi32>
      %swap3A_81 = arith.constant 80 : index
      %swap3A_82 = tpu.vector_load %arg11[%swap3A_81] {strides = array<i32>} : memref<128xi32, #tpu.memory_space<vmem>>, vector<16xi32>,
      %swap3A_83 = vector.shape_cast %swap3A_82 : vector<16xi32> to vector<16xi32>
      %swap3A_84 = vector.shape_cast %add3A_80 : vector<16xi32> to vector<16xi32>
      tpu.vector_store %arg11[%swap3A_81], %swap3A_84 {strides = array<i32>} : memref<128xi32, #tpu.memory_space<vmem>>, vector<16xi32>,
      %add3A_85 = arith.constant 96 : i32
      %add3A_86 = arith.addi %add3A_37, %add3A_85 : i32
      %add3A_87 = vector.broadcast %add3A_86 : i32 to vector<16xi32>
      %add3A_88 = arith.addi %iota3A, %add3A_87 : vector<16xi32>
      %swap3A_89 = arith.constant 96 : index
      %swap3A_90 = tpu.vector_load %arg11[%swap3A_89] {strides = array<i32>} : memref<128xi32, #tpu.memory_space<vmem>>, vector<16xi32>,
      %swap3A_91 = vector.shape_cast %swap3A_90 : vector<16xi32> to vector<16xi32>
      %swap3A_92 = vector.shape_cast %add3A_88 : vector<16xi32> to vector<16xi32>
      tpu.vector_store %arg11[%swap3A_89], %swap3A_92 {strides = array<i32>} : memref<128xi32, #tpu.memory_space<vmem>>, vector<16xi32>,
      %add3A_93 = arith.constant 112 : i32
      %add3A_94 = arith.addi %add3A_37, %add3A_93 : i32
      %add3A_95 = vector.broadcast %add3A_94 : i32 to vector<16xi32>
      %add3A_96 = arith.addi %iota3A, %add3A_95 : vector<16xi32>
      %swap3A_97 = arith.constant 112 : index
      %swap3A_98 = tpu.vector_load %arg11[%swap3A_97] {strides = array<i32>} : memref<128xi32, #tpu.memory_space<vmem>>, vector<16xi32>,
      %swap3A_99 = vector.shape_cast %swap3A_98 : vector<16xi32> to vector<16xi32>
      %swap3A_100 = vector.shape_cast %add3A_96 : vector<16xi32> to vector<16xi32>
      tpu.vector_store %arg11[%swap3A_97], %swap3A_100 {strides = array<i32>} : memref<128xi32, #tpu.memory_space<vmem>>, vector<16xi32>,
      %dma_start3A_101 = arith.constant 0 : i32
      %dma_start3A_102 = arith.constant 0 : i32
      %dma_start3A_103 = tpu.memref_slice %arg12[%dma_start3A_101, %dma_start3A_102] : memref<10240x128xf32, #tpu.memory_space<vmem_shared>> -> memref<10240x128xf32, #tpu.memory_space<vmem_shared>>
      tpu.enqueue_indirect_dma source(%dma_start3A_103 : memref<10240x128xf32, #tpu.memory_space<vmem_shared>>) target(%arg9 : memref<128x128xf32, #tpu.memory_space<vmem>>) offsets(%arg11 : memref<128xi32, #tpu.memory_space<vmem>>) semaphore(%arg17 : memref<!tpu.dma_semaphore, #tpu.memory_space<semaphore_mem>>)
      %dma_wait3A = arith.constant 0 : i32
      %dma_wait3A_104 = arith.constant 0 : i32
      %dma_wait3A_105 = tpu.memref_slice %arg12[%dma_wait3A, %dma_wait3A_104] : memref<10240x128xf32, #tpu.memory_space<vmem_shared>> -> memref<10240x128xf32, #tpu.memory_space<vmem_shared>>
      tpu.wait_indirect_dma semaphore(%arg17 : memref<!tpu.dma_semaphore, #tpu.memory_space<semaphore_mem>>) src(%dma_wait3A_105 : memref<10240x128xf32, #tpu.memory_space<vmem_shared>>) dst(%arg9 : memref<128x128xf32, #tpu.memory_space<vmem>>)
      "tpu.region"() ({
        %run_scoped3A = tpu.sem_alloc : memref<!tpu.dma_semaphore, #tpu.memory_space<semaphore_mem>>
        %dma_start3A_106 = arith.constant 0 : i32
        %dma_start3A_107 = tpu.memref_slice %arg5[%arg0, %add3A_37, %dma_start3A_106] : memref<2x10240x128xf32, #tpu.memory_space<hbm>> -> memref<1x128x128xf32, #tpu.memory_space<hbm>>
        %dma_start3A_108 = tpu.memref_squeeze %dma_start3A_107 : memref<1x128x128xf32, #tpu.memory_space<hbm>> -> memref<128x128xf32, #tpu.memory_space<hbm>>
        %dma_start3A_109 = arith.constant 0 : i32
        %dma_start3A_110 = tpu.memref_slice %arg5[%arg0, %add3A_37, %dma_start3A_109] : memref<2x10240x128xf32, #tpu.memory_space<hbm>> -> memref<1x128x128xf32, #tpu.memory_space<hbm>>
        %dma_start3A_111 = tpu.memref_squeeze %dma_start3A_110 : memref<1x128x128xf32, #tpu.memory_space<hbm>> -> memref<128x128xf32, #tpu.memory_space<hbm>>
        tpu.enqueue_dma source(%arg9 : memref<128x128xf32, #tpu.memory_space<vmem>>) target(%dma_start3A_111 : memref<128x128xf32, #tpu.memory_space<hbm>>) target_semaphore(%run_scoped3A : memref<!tpu.dma_semaphore, #tpu.memory_space<semaphore_mem>>)
        %dma_wait3A_112 = arith.constant 0 : i32
        %dma_wait3A_113 = tpu.memref_slice %arg5[%arg0, %add3A_37, %dma_wait3A_112] : memref<2x10240x128xf32, #tpu.memory_space<hbm>> -> memref<1x128x128xf32, #tpu.memory_space<hbm>>
        %dma_wait3A_114 = tpu.memref_squeeze %dma_wait3A_113 : memref<1x128x128xf32, #tpu.memory_space<hbm>> -> memref<128x128xf32, #tpu.memory_space<hbm>>
        %dma_wait3A_115 = arith.constant 0 : i32
        %dma_wait3A_116 = tpu.memref_slice %arg5[%arg0, %add3A_37, %dma_wait3A_115] : memref<2x10240x128xf32, #tpu.memory_space<hbm>> -> memref<1x128x128xf32, #tpu.memory_space<hbm>>
        %dma_wait3A_117 = tpu.memref_squeeze %dma_wait3A_116 : memref<1x128x128xf32, #tpu.memory_space<hbm>> -> memref<128x128xf32, #tpu.memory_space<hbm>>
        tpu.wait_dma2 semaphore(%run_scoped3A : memref<!tpu.dma_semaphore, #tpu.memory_space<semaphore_mem>>) src(%arg9 : memref<128x128xf32, #tpu.memory_space<vmem>>) dst(%dma_wait3A_117 : memref<128x128xf32, #tpu.memory_space<hbm>>)
        tpu.yield
      }) : () -> ()
    }
    %scan3A_31 = arith.constant 5 : i32
    return
  }
}

module attributes {stable_mosaic.version = 14 : i64} {
  func.func @_xci_body(%arg0: i32, %arg1: memref<1000x128xf32, #tpu.memory_space<vmem>>, %arg2: memref<128x128xf32, #tpu.memory_space<vmem>>, %arg3: memref<1x128xf32, #tpu.memory_space<vmem>>, %arg4: memref<1000x128xf32, #tpu.memory_space<vmem>>) attributes {dimension_semantics = [#tpu.dimension_semantics<arbitrary>], iteration_bounds = array<i64: 10>, scalar_prefetch = 0 : i64, scratch_operands = 0 : i64, tpu.core_type = #tpu.core_type<tc>, window_params = [{transform_indices = @transform_0, window_bounds = array<i64: 1000, 128>}, {pipeline_mode = #tpu.pipeline_mode<synchronous>, transform_indices = @transform_1, window_bounds = array<i64: 128, 128>}, {pipeline_mode = #tpu.pipeline_mode<synchronous>, transform_indices = @transform_2, window_bounds = array<i64: 1, 128>}, {transform_indices = @transform_3, window_bounds = array<i64: 1000, 128>}]} {
    %get3A = arith.constant 0 : index
    %get3A_0 = arith.constant 0 : index
    %get3A_1 = vector.load %arg1[%get3A, %get3A_0] : memref<1000x128xf32, #tpu.memory_space<vmem>>, vector<1000x128xf32>
    %get3A_2 = arith.constant 0 : index
    %get3A_3 = arith.constant 0 : index
    %get3A_4 = vector.load %arg2[%get3A_2, %get3A_3] : memref<128x128xf32, #tpu.memory_space<vmem>>, vector<128x128xf32>
    %dot_general3A = arith.constant dense<0.000000e+00> : vector<1000x128xf32>
    %dot_general3A_5 = tpu.matmul %get3A_1, %get3A_4, %dot_general3A {dimension_numbers = #tpu.dot_dimension_numbers<[1], [0], [0], [1], [0, 0, 1, 1], [], []>, transpose_lhs_hint = false} : vector<1000x128xf32>, vector<128x128xf32>, vector<1000x128xf32> -> vector<1000x128xf32>
    %get3A_6 = arith.constant 0 : index
    %get3A_7 = arith.constant 0 : index
    %get3A_8 = vector.load %arg3[%get3A_6, %get3A_7] : memref<1x128xf32, #tpu.memory_space<vmem>>, vector<1x128xf32>
    %add3A = vector.broadcast %get3A_8 : vector<1x128xf32> to vector<1000x128xf32>
    %add3A_9 = arith.addf %dot_general3A_5, %add3A : vector<1000x128xf32>
    %swap3A = arith.constant 0 : index
    %swap3A_10 = arith.constant 0 : index
    %swap3A_11 = vector.load %arg4[%swap3A, %swap3A_10] : memref<1000x128xf32, #tpu.memory_space<vmem>>, vector<1000x128xf32>
    tpu.vector_store %arg4[%swap3A, %swap3A_10], %add3A_9 {strides = array<i32>} : memref<1000x128xf32, #tpu.memory_space<vmem>>, vector<1000x128xf32>,
    return
  }
  func.func @transform_0(%arg0: i32) -> (i32, i32) {
    %c0_i32 = arith.constant 0 : i32
    %c0_i32_0 = arith.constant 0 : i32
    return %arg0, %c0_i32 : i32, i32
  }
  func.func @transform_1(%arg0: i32) -> (i32, i32) {
    %c0_i32 = arith.constant 0 : i32
    %c0_i32_0 = arith.constant 0 : i32
    %c0_i32_1 = arith.constant 0 : i32
    return %c0_i32, %c0_i32_0 : i32, i32
  }
  func.func @transform_2(%arg0: i32) -> (i32, i32) {
    %c0_i32 = arith.constant 0 : i32
    %c0_i32_0 = arith.constant 0 : i32
    %c0_i32_1 = arith.constant 0 : i32
    return %c0_i32, %c0_i32_0 : i32, i32
  }
  func.func @transform_3(%arg0: i32) -> (i32, i32) {
    %c0_i32 = arith.constant 0 : i32
    %c0_i32_0 = arith.constant 0 : i32
    return %arg0, %c0_i32 : i32, i32
  }
}

module attributes {stable_mosaic.version = 14 : i64} {
  func.func @_dense_fin(%arg0: i32, %arg1: memref<2x1000x128xf32, #tpu.memory_space<vmem>>, %arg2: memref<1000x128xf32, #tpu.memory_space<vmem>>, %arg3: memref<1000x128xf32, #tpu.memory_space<vmem>>, %arg4: memref<2x1000x16xf32, #tpu.memory_space<vmem>>, %arg5: memref<128x128xf32, #tpu.memory_space<vmem>>, %arg6: memref<128x128xf32, #tpu.memory_space<vmem>>, %arg7: memref<1x128xf32, #tpu.memory_space<vmem>>, %arg8: memref<128x128xf32, #tpu.memory_space<vmem>>, %arg9: memref<1000x128xf32, #tpu.memory_space<vmem>>, %arg10: memref<128x128xf32, #tpu.memory_space<vmem>>, %arg11: memref<1x128xf32, #tpu.memory_space<vmem>>, %arg12: memref<1000x128xf32, #tpu.memory_space<vmem>>) attributes {dimension_semantics = [#tpu.dimension_semantics<arbitrary>], iteration_bounds = array<i64: 10>, scalar_prefetch = 0 : i64, scratch_operands = 0 : i64, tpu.core_type = #tpu.core_type<tc>, window_params = [{transform_indices = @transform_0, window_bounds = array<i64: 2, 1000, 128>}, {transform_indices = @transform_1, window_bounds = array<i64: 1000, 128>}, {transform_indices = @transform_2, window_bounds = array<i64: 1000, 128>}, {transform_indices = @transform_3, window_bounds = array<i64: 2, 1000, 16>}, {pipeline_mode = #tpu.pipeline_mode<synchronous>, transform_indices = @transform_4, window_bounds = array<i64: 128, 128>}, {pipeline_mode = #tpu.pipeline_mode<synchronous>, transform_indices = @transform_5, window_bounds = array<i64: 128, 128>}, {pipeline_mode = #tpu.pipeline_mode<synchronous>, transform_indices = @transform_6, window_bounds = array<i64: 1, 128>}, {pipeline_mode = #tpu.pipeline_mode<synchronous>, transform_indices = @transform_7, window_bounds = array<i64: 128, 128>}, {transform_indices = @transform_8, window_bounds = array<i64: 1000, 128>}, {pipeline_mode = #tpu.pipeline_mode<synchronous>, transform_indices = @transform_9, window_bounds = array<i64: 128, 128>}, {pipeline_mode = #tpu.pipeline_mode<synchronous>, transform_indices = @transform_10, window_bounds = array<i64: 1, 128>}, {transform_indices = @transform_11, window_bounds = array<i64: 1000, 128>}]} {
    %get3A = arith.constant 0 : index
    %get3A_0 = arith.constant 0 : index
    %get3A_1 = arith.constant 0 : index
    %get3A_2 = vector.load %arg1[%get3A, %get3A_0, %get3A_1] : memref<2x1000x128xf32, #tpu.memory_space<vmem>>, vector<1x1000x128xf32>
    %get3A_3 = vector.shape_cast %get3A_2 : vector<1x1000x128xf32> to vector<1000x128xf32>
    %get3A_4 = arith.constant 1 : index
    %get3A_5 = arith.constant 0 : index
    %get3A_6 = arith.constant 0 : index
    %get3A_7 = vector.load %arg1[%get3A_4, %get3A_5, %get3A_6] : memref<2x1000x128xf32, #tpu.memory_space<vmem>>, vector<1x1000x128xf32>
    %get3A_8 = vector.shape_cast %get3A_7 : vector<1x1000x128xf32> to vector<1000x128xf32>
    %add3A = arith.addf %get3A_3, %get3A_8 : vector<1000x128xf32>
    %get3A_9 = arith.constant 0 : index
    %get3A_10 = arith.constant 0 : index
    %get3A_11 = arith.constant 0 : index
    %get3A_12 = vector.load %arg4[%get3A_9, %get3A_10, %get3A_11] : memref<2x1000x16xf32, #tpu.memory_space<vmem>>, vector<1x1000x1xf32>
    %get3A_13 = vector.shape_cast %get3A_12 : vector<1x1000x1xf32> to vector<1000x1xf32>
    %get3A_14 = arith.constant 1 : index
    %get3A_15 = arith.constant 0 : index
    %get3A_16 = arith.constant 0 : index
    %get3A_17 = vector.load %arg4[%get3A_14, %get3A_15, %get3A_16] : memref<2x1000x16xf32, #tpu.memory_space<vmem>>, vector<1x1000x1xf32>
    %get3A_18 = vector.shape_cast %get3A_17 : vector<1x1000x1xf32> to vector<1000x1xf32>
    %add3A_19 = arith.addf %get3A_13, %get3A_18 : vector<1000x1xf32>
    %div3A = vector.broadcast %add3A_19 : vector<1000x1xf32> to vector<1000x128xf32>
    %div3A_20 = arith.divf %add3A, %div3A : vector<1000x128xf32>
    %get3A_21 = arith.constant 0 : index
    %get3A_22 = arith.constant 0 : index
    %get3A_23 = vector.load %arg2[%get3A_21, %get3A_22] : memref<1000x128xf32, #tpu.memory_space<vmem>>, vector<1000x128xf32>
    %get3A_24 = arith.constant 0 : index
    %get3A_25 = arith.constant 0 : index
    %get3A_26 = vector.load %arg3[%get3A_24, %get3A_25] : memref<1000x128xf32, #tpu.memory_space<vmem>>, vector<1000x128xf32>
    %get3A_27 = arith.constant 0 : index
    %get3A_28 = arith.constant 0 : index
    %get3A_29 = vector.load %arg5[%get3A_27, %get3A_28] : memref<128x128xf32, #tpu.memory_space<vmem>>, vector<128x128xf32>
    %dot_general3A = arith.constant dense<0.000000e+00> : vector<1000x128xf32>
    %dot_general3A_30 = tpu.matmul %get3A_23, %get3A_29, %dot_general3A {dimension_numbers = #tpu.dot_dimension_numbers<[1], [0], [0], [1], [0, 0, 1, 1], [], []>, transpose_lhs_hint = false} : vector<1000x128xf32>, vector<128x128xf32>, vector<1000x128xf32> -> vector<1000x128xf32>
    %get3A_31 = arith.constant 0 : index
    %get3A_32 = arith.constant 0 : index
    %get3A_33 = vector.load %arg6[%get3A_31, %get3A_32] : memref<128x128xf32, #tpu.memory_space<vmem>>, vector<128x128xf32>
    %dot_general3A_34 = arith.constant dense<0.000000e+00> : vector<1000x128xf32>
    %dot_general3A_35 = tpu.matmul %div3A_20, %get3A_33, %dot_general3A_34 {dimension_numbers = #tpu.dot_dimension_numbers<[1], [0], [0], [1], [0, 0, 1, 1], [], []>, transpose_lhs_hint = false} : vector<1000x128xf32>, vector<128x128xf32>, vector<1000x128xf32> -> vector<1000x128xf32>
    %add3A_36 = arith.addf %dot_general3A_30, %dot_general3A_35 : vector<1000x128xf32>
    %get3A_37 = arith.constant 0 : index
    %get3A_38 = arith.constant 0 : index
    %get3A_39 = vector.load %arg7[%get3A_37, %get3A_38] : memref<1x128xf32, #tpu.memory_space<vmem>>, vector<1x128xf32>
    %add3A_40 = vector.broadcast %get3A_39 : vector<1x128xf32> to vector<1000x128xf32>
    %add3A_41 = arith.addf %add3A_36, %add3A_40 : vector<1000x128xf32>
    %get3A_42 = arith.constant 0 : index
    %get3A_43 = arith.constant 0 : index
    %get3A_44 = vector.load %arg9[%get3A_42, %get3A_43] : memref<1000x128xf32, #tpu.memory_space<vmem>>, vector<1000x128xf32>
    %get3A_45 = arith.constant 0 : index
    %get3A_46 = arith.constant 0 : index
    %get3A_47 = vector.load %arg8[%get3A_45, %get3A_46] : memref<128x128xf32, #tpu.memory_space<vmem>>, vector<128x128xf32>
    %dot_general3A_48 = arith.constant dense<0.000000e+00> : vector<1000x128xf32>
    %dot_general3A_49 = tpu.matmul %add3A_41, %get3A_47, %dot_general3A_48 {dimension_numbers = #tpu.dot_dimension_numbers<[1], [0], [0], [1], [0, 0, 1, 1], [], []>, transpose_lhs_hint = false} : vector<1000x128xf32>, vector<128x128xf32>, vector<1000x128xf32> -> vector<1000x128xf32>
    %add3A_50 = arith.addf %get3A_44, %dot_general3A_49 : vector<1000x128xf32>
    %logistic3A = arith.negf %add3A_50 : vector<1000x128xf32>
    %logistic3A_51 = math.exp %logistic3A : vector<1000x128xf32>
    %logistic3A_52 = arith.constant 1.000000e+00 : f32
    %logistic3A_53 = vector.broadcast %logistic3A_52 : f32 to vector<1000x128xf32>
    %logistic3A_54 = arith.addf %logistic3A_53, %logistic3A_51 : vector<1000x128xf32>
    %logistic3A_55 = arith.divf %logistic3A_53, %logistic3A_54 : vector<1000x128xf32>
    %mul3A = arith.mulf %logistic3A_55, %add3A_41 : vector<1000x128xf32>
    %sub3A = arith.constant 1.000000e+00 : f32
    %sub3A_56 = vector.broadcast %sub3A : f32 to vector<1000x128xf32>
    %sub3A_57 = arith.subf %sub3A_56, %logistic3A_55 : vector<1000x128xf32>
    %mul3A_58 = arith.mulf %sub3A_57, %get3A_26 : vector<1000x128xf32>
    %add3A_59 = arith.addf %mul3A, %mul3A_58 : vector<1000x128xf32>
    %get3A_60 = arith.constant 0 : index
    %get3A_61 = arith.constant 0 : index
    %get3A_62 = vector.load %arg10[%get3A_60, %get3A_61] : memref<128x128xf32, #tpu.memory_space<vmem>>, vector<128x128xf32>
    %dot_general3A_63 = arith.constant dense<0.000000e+00> : vector<1000x128xf32>
    %dot_general3A_64 = tpu.matmul %add3A_59, %get3A_62, %dot_general3A_63 {dimension_numbers = #tpu.dot_dimension_numbers<[1], [0], [0], [1], [0, 0, 1, 1], [], []>, transpose_lhs_hint = false} : vector<1000x128xf32>, vector<128x128xf32>, vector<1000x128xf32> -> vector<1000x128xf32>
    %get3A_65 = arith.constant 0 : index
    %get3A_66 = arith.constant 0 : index
    %get3A_67 = vector.load %arg11[%get3A_65, %get3A_66] : memref<1x128xf32, #tpu.memory_space<vmem>>, vector<1x128xf32>
    %add3A_68 = vector.broadcast %get3A_67 : vector<1x128xf32> to vector<1000x128xf32>
    %add3A_69 = arith.addf %dot_general3A_64, %add3A_68 : vector<1000x128xf32>
    %swap3A = arith.constant 0 : index
    %swap3A_70 = arith.constant 0 : index
    %swap3A_71 = vector.load %arg12[%swap3A, %swap3A_70] : memref<1000x128xf32, #tpu.memory_space<vmem>>, vector<1000x128xf32>
    tpu.vector_store %arg12[%swap3A, %swap3A_70], %add3A_69 {strides = array<i32>} : memref<1000x128xf32, #tpu.memory_space<vmem>>, vector<1000x128xf32>,
    return
  }
  func.func @transform_0(%arg0: i32) -> (i32, i32, i32) {
    %c0_i32 = arith.constant 0 : i32
    %c0_i32_0 = arith.constant 0 : i32
    %c0_i32_1 = arith.constant 0 : i32
    return %c0_i32, %arg0, %c0_i32_0 : i32, i32, i32
  }
  func.func @transform_1(%arg0: i32) -> (i32, i32) {
    %c0_i32 = arith.constant 0 : i32
    %c0_i32_0 = arith.constant 0 : i32
    return %arg0, %c0_i32 : i32, i32
  }
  func.func @transform_2(%arg0: i32) -> (i32, i32) {
    %c0_i32 = arith.constant 0 : i32
    %c0_i32_0 = arith.constant 0 : i32
    return %arg0, %c0_i32 : i32, i32
  }
  func.func @transform_3(%arg0: i32) -> (i32, i32, i32) {
    %c0_i32 = arith.constant 0 : i32
    %c0_i32_0 = arith.constant 0 : i32
    %c0_i32_1 = arith.constant 0 : i32
    return %c0_i32, %arg0, %c0_i32_0 : i32, i32, i32
  }
  func.func @transform_4(%arg0: i32) -> (i32, i32) {
    %c0_i32 = arith.constant 0 : i32
    %c0_i32_0 = arith.constant 0 : i32
    %c0_i32_1 = arith.constant 0 : i32
    return %c0_i32, %c0_i32_0 : i32, i32
  }
  func.func @transform_5(%arg0: i32) -> (i32, i32) {
    %c0_i32 = arith.constant 0 : i32
    %c0_i32_0 = arith.constant 0 : i32
    %c0_i32_1 = arith.constant 0 : i32
    return %c0_i32, %c0_i32_0 : i32, i32
  }
  func.func @transform_6(%arg0: i32) -> (i32, i32) {
    %c0_i32 = arith.constant 0 : i32
    %c0_i32_0 = arith.constant 0 : i32
    %c0_i32_1 = arith.constant 0 : i32
    return %c0_i32, %c0_i32_0 : i32, i32
  }
  func.func @transform_7(%arg0: i32) -> (i32, i32) {
    %c0_i32 = arith.constant 0 : i32
    %c0_i32_0 = arith.constant 0 : i32
    %c0_i32_1 = arith.constant 0 : i32
    return %c0_i32, %c0_i32_0 : i32, i32
  }
  func.func @transform_8(%arg0: i32) -> (i32, i32) {
    %c0_i32 = arith.constant 0 : i32
    %c0_i32_0 = arith.constant 0 : i32
    return %arg0, %c0_i32 : i32, i32
  }
  func.func @transform_9(%arg0: i32) -> (i32, i32) {
    %c0_i32 = arith.constant 0 : i32
    %c0_i32_0 = arith.constant 0 : i32
    %c0_i32_1 = arith.constant 0 : i32
    return %c0_i32, %c0_i32_0 : i32, i32
  }
  func.func @transform_10(%arg0: i32) -> (i32, i32) {
    %c0_i32 = arith.constant 0 : i32
    %c0_i32_0 = arith.constant 0 : i32
    %c0_i32_1 = arith.constant 0 : i32
    return %c0_i32, %c0_i32_0 : i32, i32
  }
  func.func @transform_11(%arg0: i32) -> (i32, i32) {
    %c0_i32 = arith.constant 0 : i32
    %c0_i32_0 = arith.constant 0 : i32
    return %arg0, %c0_i32 : i32, i32
  }
}

module attributes {stable_mosaic.version = 14 : i64} {
  func.func @_dense_mid(%arg0: i32, %arg1: memref<2x1000x128xf32, #tpu.memory_space<vmem>>, %arg2: memref<1000x128xf32, #tpu.memory_space<vmem>>, %arg3: memref<1000x128xf32, #tpu.memory_space<vmem>>, %arg4: memref<2x1000x16xf32, #tpu.memory_space<vmem>>, %arg5: memref<128x128xf32, #tpu.memory_space<vmem>>, %arg6: memref<128x128xf32, #tpu.memory_space<vmem>>, %arg7: memref<1x128xf32, #tpu.memory_space<vmem>>, %arg8: memref<128x128xf32, #tpu.memory_space<vmem>>, %arg9: memref<1000x128xf32, #tpu.memory_space<vmem>>, %arg10: memref<1000x128xf32, #tpu.memory_space<vmem>>) attributes {dimension_semantics = [#tpu.dimension_semantics<arbitrary>], iteration_bounds = array<i64: 10>, scalar_prefetch = 0 : i64, scratch_operands = 0 : i64, tpu.core_type = #tpu.core_type<tc>, window_params = [{transform_indices = @transform_0, window_bounds = array<i64: 2, 1000, 128>}, {transform_indices = @transform_1, window_bounds = array<i64: 1000, 128>}, {transform_indices = @transform_2, window_bounds = array<i64: 1000, 128>}, {transform_indices = @transform_3, window_bounds = array<i64: 2, 1000, 16>}, {pipeline_mode = #tpu.pipeline_mode<synchronous>, transform_indices = @transform_4, window_bounds = array<i64: 128, 128>}, {pipeline_mode = #tpu.pipeline_mode<synchronous>, transform_indices = @transform_5, window_bounds = array<i64: 128, 128>}, {pipeline_mode = #tpu.pipeline_mode<synchronous>, transform_indices = @transform_6, window_bounds = array<i64: 1, 128>}, {pipeline_mode = #tpu.pipeline_mode<synchronous>, transform_indices = @transform_7, window_bounds = array<i64: 128, 128>}, {transform_indices = @transform_8, window_bounds = array<i64: 1000, 128>}, {transform_indices = @transform_9, window_bounds = array<i64: 1000, 128>}]} {
    %get3A = arith.constant 0 : index
    %get3A_0 = arith.constant 0 : index
    %get3A_1 = arith.constant 0 : index
    %get3A_2 = vector.load %arg1[%get3A, %get3A_0, %get3A_1] : memref<2x1000x128xf32, #tpu.memory_space<vmem>>, vector<1x1000x128xf32>
    %get3A_3 = vector.shape_cast %get3A_2 : vector<1x1000x128xf32> to vector<1000x128xf32>
    %get3A_4 = arith.constant 1 : index
    %get3A_5 = arith.constant 0 : index
    %get3A_6 = arith.constant 0 : index
    %get3A_7 = vector.load %arg1[%get3A_4, %get3A_5, %get3A_6] : memref<2x1000x128xf32, #tpu.memory_space<vmem>>, vector<1x1000x128xf32>
    %get3A_8 = vector.shape_cast %get3A_7 : vector<1x1000x128xf32> to vector<1000x128xf32>
    %add3A = arith.addf %get3A_3, %get3A_8 : vector<1000x128xf32>
    %get3A_9 = arith.constant 0 : index
    %get3A_10 = arith.constant 0 : index
    %get3A_11 = arith.constant 0 : index
    %get3A_12 = vector.load %arg4[%get3A_9, %get3A_10, %get3A_11] : memref<2x1000x16xf32, #tpu.memory_space<vmem>>, vector<1x1000x1xf32>
    %get3A_13 = vector.shape_cast %get3A_12 : vector<1x1000x1xf32> to vector<1000x1xf32>
    %get3A_14 = arith.constant 1 : index
    %get3A_15 = arith.constant 0 : index
    %get3A_16 = arith.constant 0 : index
    %get3A_17 = vector.load %arg4[%get3A_14, %get3A_15, %get3A_16] : memref<2x1000x16xf32, #tpu.memory_space<vmem>>, vector<1x1000x1xf32>
    %get3A_18 = vector.shape_cast %get3A_17 : vector<1x1000x1xf32> to vector<1000x1xf32>
    %add3A_19 = arith.addf %get3A_13, %get3A_18 : vector<1000x1xf32>
    %div3A = vector.broadcast %add3A_19 : vector<1000x1xf32> to vector<1000x128xf32>
    %div3A_20 = arith.divf %add3A, %div3A : vector<1000x128xf32>
    %get3A_21 = arith.constant 0 : index
    %get3A_22 = arith.constant 0 : index
    %get3A_23 = vector.load %arg2[%get3A_21, %get3A_22] : memref<1000x128xf32, #tpu.memory_space<vmem>>, vector<1000x128xf32>
    %get3A_24 = arith.constant 0 : index
    %get3A_25 = arith.constant 0 : index
    %get3A_26 = vector.load %arg3[%get3A_24, %get3A_25] : memref<1000x128xf32, #tpu.memory_space<vmem>>, vector<1000x128xf32>
    %get3A_27 = arith.constant 0 : index
    %get3A_28 = arith.constant 0 : index
    %get3A_29 = vector.load %arg5[%get3A_27, %get3A_28] : memref<128x128xf32, #tpu.memory_space<vmem>>, vector<128x128xf32>
    %dot_general3A = arith.constant dense<0.000000e+00> : vector<1000x128xf32>
    %dot_general3A_30 = tpu.matmul %get3A_23, %get3A_29, %dot_general3A {dimension_numbers = #tpu.dot_dimension_numbers<[1], [0], [0], [1], [0, 0, 1, 1], [], []>, transpose_lhs_hint = false} : vector<1000x128xf32>, vector<128x128xf32>, vector<1000x128xf32> -> vector<1000x128xf32>
    %get3A_31 = arith.constant 0 : index
    %get3A_32 = arith.constant 0 : index
    %get3A_33 = vector.load %arg6[%get3A_31, %get3A_32] : memref<128x128xf32, #tpu.memory_space<vmem>>, vector<128x128xf32>
    %dot_general3A_34 = arith.constant dense<0.000000e+00> : vector<1000x128xf32>
    %dot_general3A_35 = tpu.matmul %div3A_20, %get3A_33, %dot_general3A_34 {dimension_numbers = #tpu.dot_dimension_numbers<[1], [0], [0], [1], [0, 0, 1, 1], [], []>, transpose_lhs_hint = false} : vector<1000x128xf32>, vector<128x128xf32>, vector<1000x128xf32> -> vector<1000x128xf32>
    %add3A_36 = arith.addf %dot_general3A_30, %dot_general3A_35 : vector<1000x128xf32>
    %get3A_37 = arith.constant 0 : index
    %get3A_38 = arith.constant 0 : index
    %get3A_39 = vector.load %arg7[%get3A_37, %get3A_38] : memref<1x128xf32, #tpu.memory_space<vmem>>, vector<1x128xf32>
    %add3A_40 = vector.broadcast %get3A_39 : vector<1x128xf32> to vector<1000x128xf32>
    %add3A_41 = arith.addf %add3A_36, %add3A_40 : vector<1000x128xf32>
    %get3A_42 = arith.constant 0 : index
    %get3A_43 = arith.constant 0 : index
    %get3A_44 = vector.load %arg9[%get3A_42, %get3A_43] : memref<1000x128xf32, #tpu.memory_space<vmem>>, vector<1000x128xf32>
    %get3A_45 = arith.constant 0 : index
    %get3A_46 = arith.constant 0 : index
    %get3A_47 = vector.load %arg8[%get3A_45, %get3A_46] : memref<128x128xf32, #tpu.memory_space<vmem>>, vector<128x128xf32>
    %dot_general3A_48 = arith.constant dense<0.000000e+00> : vector<1000x128xf32>
    %dot_general3A_49 = tpu.matmul %add3A_41, %get3A_47, %dot_general3A_48 {dimension_numbers = #tpu.dot_dimension_numbers<[1], [0], [0], [1], [0, 0, 1, 1], [], []>, transpose_lhs_hint = false} : vector<1000x128xf32>, vector<128x128xf32>, vector<1000x128xf32> -> vector<1000x128xf32>
    %add3A_50 = arith.addf %get3A_44, %dot_general3A_49 : vector<1000x128xf32>
    %logistic3A = arith.negf %add3A_50 : vector<1000x128xf32>
    %logistic3A_51 = math.exp %logistic3A : vector<1000x128xf32>
    %logistic3A_52 = arith.constant 1.000000e+00 : f32
    %logistic3A_53 = vector.broadcast %logistic3A_52 : f32 to vector<1000x128xf32>
    %logistic3A_54 = arith.addf %logistic3A_53, %logistic3A_51 : vector<1000x128xf32>
    %logistic3A_55 = arith.divf %logistic3A_53, %logistic3A_54 : vector<1000x128xf32>
    %mul3A = arith.mulf %logistic3A_55, %add3A_41 : vector<1000x128xf32>
    %sub3A = arith.constant 1.000000e+00 : f32
    %sub3A_56 = vector.broadcast %sub3A : f32 to vector<1000x128xf32>
    %sub3A_57 = arith.subf %sub3A_56, %logistic3A_55 : vector<1000x128xf32>
    %mul3A_58 = arith.mulf %sub3A_57, %get3A_26 : vector<1000x128xf32>
    %add3A_59 = arith.addf %mul3A, %mul3A_58 : vector<1000x128xf32>
    %max3A = arith.constant 0.000000e+00 : f32
    %max3A_60 = vector.broadcast %max3A : f32 to vector<1000x128xf32>
    %max3A_61 = arith.maximumf %add3A_59, %max3A_60 : vector<1000x128xf32>
    %swap3A = arith.constant 0 : index
    %swap3A_62 = arith.constant 0 : index
    %swap3A_63 = vector.load %arg10[%swap3A, %swap3A_62] : memref<1000x128xf32, #tpu.memory_space<vmem>>, vector<1000x128xf32>
    tpu.vector_store %arg10[%swap3A, %swap3A_62], %max3A_61 {strides = array<i32>} : memref<1000x128xf32, #tpu.memory_space<vmem>>, vector<1000x128xf32>,
    return
  }
  func.func @transform_0(%arg0: i32) -> (i32, i32, i32) {
    %c0_i32 = arith.constant 0 : i32
    %c0_i32_0 = arith.constant 0 : i32
    %c0_i32_1 = arith.constant 0 : i32
    return %c0_i32, %arg0, %c0_i32_0 : i32, i32, i32
  }
  func.func @transform_1(%arg0: i32) -> (i32, i32) {
    %c0_i32 = arith.constant 0 : i32
    %c0_i32_0 = arith.constant 0 : i32
    return %arg0, %c0_i32 : i32, i32
  }
  func.func @transform_2(%arg0: i32) -> (i32, i32) {
    %c0_i32 = arith.constant 0 : i32
    %c0_i32_0 = arith.constant 0 : i32
    return %arg0, %c0_i32 : i32, i32
  }
  func.func @transform_3(%arg0: i32) -> (i32, i32, i32) {
    %c0_i32 = arith.constant 0 : i32
    %c0_i32_0 = arith.constant 0 : i32
    %c0_i32_1 = arith.constant 0 : i32
    return %c0_i32, %arg0, %c0_i32_0 : i32, i32, i32
  }
  func.func @transform_4(%arg0: i32) -> (i32, i32) {
    %c0_i32 = arith.constant 0 : i32
    %c0_i32_0 = arith.constant 0 : i32
    %c0_i32_1 = arith.constant 0 : i32
    return %c0_i32, %c0_i32_0 : i32, i32
  }
  func.func @transform_5(%arg0: i32) -> (i32, i32) {
    %c0_i32 = arith.constant 0 : i32
    %c0_i32_0 = arith.constant 0 : i32
    %c0_i32_1 = arith.constant 0 : i32
    return %c0_i32, %c0_i32_0 : i32, i32
  }
  func.func @transform_6(%arg0: i32) -> (i32, i32) {
    %c0_i32 = arith.constant 0 : i32
    %c0_i32_0 = arith.constant 0 : i32
    %c0_i32_1 = arith.constant 0 : i32
    return %c0_i32, %c0_i32_0 : i32, i32
  }
  func.func @transform_7(%arg0: i32) -> (i32, i32) {
    %c0_i32 = arith.constant 0 : i32
    %c0_i32_0 = arith.constant 0 : i32
    %c0_i32_1 = arith.constant 0 : i32
    return %c0_i32, %c0_i32_0 : i32, i32
  }
  func.func @transform_8(%arg0: i32) -> (i32, i32) {
    %c0_i32 = arith.constant 0 : i32
    %c0_i32_0 = arith.constant 0 : i32
    return %arg0, %c0_i32 : i32, i32
  }
  func.func @transform_9(%arg0: i32) -> (i32, i32) {
    %c0_i32 = arith.constant 0 : i32
    %c0_i32_0 = arith.constant 0 : i32
    return %arg0, %c0_i32 : i32, i32
  }
}

</mosaic_0001>

<sc_bundles>
// kernel: kernel.12.cloned.1.call-start
scs
__scs_entry_jumppad:
0x0: {  	(pc) =	sbr.rel $0x88, $3  }
0x1: {  	(tag) =	ssettag $0x0;
	lr =	simm.s32 $0x1  }
0x2: {  	[smem:$0x3F93] =	sst lr;
	_ =	strace $0xD0000000  }
0x3: {  	_ = 	snop  }
0x4: {  	_ = 	snop  }
0x5: {  	_ = 	snop  }
0x6: {  	_ = 	snop  }
0x7: {  	_ = 	snop  }
__scs_overlays_trampoline_lowered:
0x8: {  	[smem:$0x3FA2] =	sst s0  }
0x9: {  	[smem:$0x3FA3] =	sst s1  }
0xa: {  	[smem:$0x3FA4] =	sst s2  }
0xb: {  	[smem:$0x3FA5] =	sst s3  }
0xc: {  	[smem:$0x3FA6] =	sst s4  }
0xd: {  	[smem:$0x3FA7] =	sst s5  }
0xe: {  	[smem:$0x3FA8] =	sst s6  }
0xf: {  	[smem:$0x3FA9] =	sst s7  }
0x10: {  	[smem:$0x3FAA] =	sst s8  }
0x11: {  	[smem:$0x3FAB] =	sst s9;
	s0 =	simm.s32 @!p0 $0x0  }
0x12: {  	s1 =	sld [smem:$0x3F91];
	s0 =	simm.s32 @p0 $0x1  }
0x13: {  	[smem:$0x3FAC] =	sst s0;
	s0 =	simm.s32 @!p1 $0x0  }
0x14: {  	s2 =	sld [smem:$0x3F90];
	s0 =	simm.s32 @p1 $0x1  }
0x15: {  	[smem:$0x3FAD] =	sst s0;
	s0 =	simm.s32 @!p2 $0x0  }
0x16: {  	s3 =	sld [smem:$0x3FDB];
	s0 =	simm.s32 @p2 $0x1  }
0x17: {  	s4 =	simm.s32 $0x1BF5;
	[smem:$0x3FAF] =	sst s0  }
0x18: {  	s0 =	sld [smem:$0x3F92];
	_ =	swait.ge [sflag:s4], $0x0  }
0x19: {  	s7 =	sld [smem:$0x3F93]  }
0x1a: {  	s8 =	sadd.s32 $0xFFFFE003, lr  }
0x1b: {  	s9 =	sadd.s32 $0xFFFFFEF7, lr;
	s5 =	simm.s32 $0xFFFFFFFF;
	p2 =	slt.u32 s8, $0xFFFFF086  }
0x1c: {  	p1 =	slt.u32 s9, $0xF7A;
	s5 =	simm.s32 @!p2 $0x0  }
0x1d: {  	s5 =	simm.s32 @p1 $0x1;
	p0 =	seq.s32 s7, s2  }
0x1e: {  	s7 =	smul.u32 @!p0 $0xF7A, s2;
	p2 =	seq.s32 @!p0 s5, $0x0  }
0x1f: {  	s9 =	smul.u32 $0xF7A, s1;
	s8 =	simm.s32 @!p0 $0x1BF5;
	p2 =	por !p2, p0  }
0x20: {  	[sflag:s8] =	ssyncset.s32 @!p0 $0xFFFFF086;
	s6 =	sadd.s32 @!p0 s3, s7;
	s7 =	simm.s32 @!p0 $0x108  }
0x21: {  	s3 =	sadd.s32 s3, s9;
	s6 =	sadd.s32 @!p0 $0x88, s6;
	s7 =	simm.s32 @p2 $0x1082  }
0x22: {  	[simem:s7], [sflag:s8] =	dma.local @!p0 [hbm:s6], $0xF7A  }
0x23: {  	s9 =	sor.u32 $0xD0000000, s2;
	s6 =	simm.s32 $0x108;
	_ =	swait.ge @!p0 [sflag:s8], $0x0  }
0x24: {  	s3 =	sadd.s32 $0x88, s3;
	s6 =	simm.s32 @!p1 $0x1082;
	[sflag:s4] =	ssyncset.s32 $0xFFFFF086  }
0x25: {  	[simem:s6], [sflag:s4] =	dma.local [hbm:s3], $0xF7A  }
0x26: {  	[smem:$0x3F93] =	sst s1;
	(tag) =	ssettag s2;
	_ =	strace s9  }
0x27: {  	s1 =	sld [smem:$0x3FA3]  }
0x28: {  	s2 =	sld [smem:$0x3FA4]  }
0x29: {  	s4 =	sld [smem:$0x3FA6]  }
0x2a: {  	p0 =	seq.s32 s5, $0x0;
	s5 =	sld [smem:$0x3FA7]  }
0x2b: {  	s6 =	sld [smem:$0x3FA8]  }
0x2c: {  	s7 =	sld [smem:$0x3FA9]  }
0x2d: {  	s3 =	simm.s32 $0x108;
	s8 =	sld [smem:$0x3FAA]  }
0x2e: {  	s3 =	simm.s32 @!p0 $0x1082;
	s9 =	sld [smem:$0x3FAB]  }
0x2f: {  	lr =	sadd.s32 s0, s3;
	s0 =	sld [smem:$0x3FA2]  }
0x30: {  	s3 =	sld [smem:$0x3FA5]  }
0x31: {  	[smem:$0x3FAE] =	sst s10  }
0x32: {  	s10 =	sld [smem:$0x3FAC];
	_ =	sdelay $0x3  }
0x33: {  	p0 =	seq.s32 s10, $0x1;
	s10 =	sld [smem:$0x3FAE];
	_ =	sdelay $0x3  }
0x34: {  	[smem:$0x3FAE] =	sst s10  }
0x35: {  	s10 =	sld [smem:$0x3FAD];
	_ =	sdelay $0x3  }
0x36: {  	p1 =	seq.s32 s10, $0x1;
	s10 =	sld [smem:$0x3FAE];
	_ =	sdelay $0x3  }
0x37: {  	[smem:$0x3FAE] =	sst s10  }
0x38: {  	s10 =	sld [smem:$0x3FAF]  }
0x39: {  	_ = 	snop;
	(pc) =	sbr.ind lr, $3  }
0x3a: {  	_ = 	snop  }
0x3b: {  	_ = 	snop  }
0x3c: {  	p2 =	seq.s32 s10, $0x1;
	s10 =	sld [smem:$0x3FAE]  }
0x3d: {  	_ =	shalt  }
0x3e: {  	_ =	shalt  }
0x3f: {  	_ =	shalt  }
0x40: {  	_ =	shalt  }
0x41: {  	_ =	shalt  }
0x42: {  	_ =	shalt  }
0x43: {  	_ =	shalt  }
0x44: {  	_ =	shalt  }
0x45: {  	_ =	shalt  }
0x46: {  	_ =	shalt  }
0x47: {  	_ =	shalt  }
0x48: {  	_ =	shalt  }
0x49: {  	_ =	shalt  }
0x4a: {  	_ =	shalt  }
0x4b: {  	_ =	shalt  }
0x4c: {  	_ =	shalt  }
0x4d: {  	_ =	shalt  }
0x4e: {  	_ =	shalt  }
0x4f: {  	_ =	shalt  }
0x50: {  	_ =	shalt  }
0x51: {  	_ =	shalt  }
0x52: {  	_ =	shalt  }
0x53: {  	_ =	shalt  }
0x54: {  	_ =	shalt  }
0x55: {  	_ =	shalt  }
0x56: {  	_ =	shalt  }
0x57: {  	_ =	shalt  }
0x58: {  	_ =	shalt  }
0x59: {  	_ =	shalt  }
0x5a: {  	_ =	shalt  }
0x5b: {  	_ =	shalt  }
0x5c: {  	_ =	shalt  }
0x5d: {  	_ =	shalt  }
0x5e: {  	_ =	shalt  }
0x5f: {  	_ =	shalt  }
0x60: {  	_ =	shalt  }
0x61: {  	_ =	shalt  }
0x62: {  	_ =	shalt  }
0x63: {  	_ =	shalt  }
0x64: {  	_ =	shalt  }
0x65: {  	_ =	shalt  }
0x66: {  	_ =	shalt  }
0x67: {  	_ =	shalt  }
0x68: {  	_ =	shalt  }
0x69: {  	_ =	shalt  }
0x6a: {  	_ =	shalt  }
0x6b: {  	_ =	shalt  }
0x6c: {  	_ =	shalt  }
0x6d: {  	_ =	shalt  }
0x6e: {  	_ =	shalt  }
0x6f: {  	_ =	shalt  }
0x70: {  	_ =	shalt  }
0x71: {  	_ =	shalt  }
0x72: {  	_ =	shalt  }
0x73: {  	_ =	shalt  }
0x74: {  	_ =	shalt  }
0x75: {  	_ =	shalt  }
0x76: {  	_ =	shalt  }
0x77: {  	_ =	shalt  }
0x78: {  	_ =	shalt  }
0x79: {  	_ =	shalt  }
0x7a: {  	_ =	shalt  }
0x7b: {  	_ =	shalt  }
0x7c: {  	_ =	shalt  }
0x7d: {  	_ =	shalt  }
0x7e: {  	_ =	shalt  }
0x7f: {  	_ =	shalt  }
0x80: {  	_ =	shalt  }
0x81: {  	_ =	shalt  }
0x82: {  	_ =	shalt  }
0x83: {  	_ =	shalt  }
0x84: {  	_ =	shalt  }
0x85: {  	_ =	shalt  }
0x86: {  	_ =	shalt  }
0x87: {  	_ =	shalt  }
.Lfunc_end0:
.L_simem_size_0:
called_computation.1_lowered:
.L_overlay_start_0:
0x88: {  	s2 =	sld [smem:$0x3FD9]  }
0x89: {  	s3 =	sld [smem:$0x3FFE];
	_ =	sdelay $0x1  }
0x8a: {  	s1 =	srdreg.scid  }
0x8b: {  	s0 =	sand.u32 $0x1, s1  }
0x8c: {  	s17 =	sshll.u32 s0, $0xA;
	s2 =	sadd.s32 s3, s2  }
0x8d: {  	s2 =	sadd.s32 s2, s17  }
0x8e: {  	[smem:$0x3FBA] =	sst s2  }
0x8f: {  	_ = 	snop  }
0x90: {  	s2 =	sld [smem:$0x3FD0];
	(tm) =	ssettm $0x1  }
0x91: {  	s18 =	sld [smem:$0x3FFB];
	_ =	sdelay $0x3  }
0x92: {  	_ =	strace s18  }
0x93: {  	s3 =	sld [smem:$0x3FFC];
	_ =	sdelay $0x3  }
0x94: {  	_ =	strace s3  }
0x95: {  	s3 =	sld [smem:$0x3FFD];
	_ =	sdelay $0x3  }
0x96: {  	_ =	strace s3  }
0x97: {  	_ =	strace $0x8FFFFFFF  }
0x98: {  	s19 =	sld [smem:$0x3FDB];
	_ =	sdelay $0x1  }
0x99: {  	s4 =	simm.s32 $_scs_section_size  }
0x9a: {  	s5 =	simm.s32 $_size__tile_overlayer_lowered;
	s6 =	simm.s32 $_tile_overlayer_lowered  }
0x9b: {  	s22 =	simm.s32 $0x1BFF;
	s21 =	sshll.u32 s6, $0x1;
	s3 =	sadd.s32 s4, s19  }
0x9c: {  	s7 =	simm.s32 $0x0;
	s20 =	sshll.u32 s5, $0x1;
	s5 =	sadd.s32 s21, s3  }
0x9d: {  	[timem:s7], [sflag:s22] =	dma.local [hbm:s5], s20  }
0x9e: {  	_ =	swait.ge [sflag:s22], s20  }
0x9f: {  	s4 =	ssub.s32 $0x0, s20;
	[sflag:s22] =	ssyncset.done $0x0  }
0xa0: {  	[sflag:s22] =	ssyncadd.s32 s4;
	_ =	sdelay $0x1  }
0xa1: {  	s23 =	simm.s32 $0x1B8B  }
0xa2: {  	_ =	swait.ge [sflag:s23], $0x1  }
0xa3: {  	[sflag:s23] =	ssyncset.done $0x0  }
0xa4: {  	s25 =	simm.s32 $0x1B8E;
	s24 =	sld [smem:$0x3FFE];
	[sflag:s23] =	ssyncadd.s32 $0xFFFFFFFF  }
0xa5: {  	s26 =	simm.s32 $execute0_lowered;
	[smem:$0x3FD2] =	sst s25  }
0xa6: {  	s5 =	sshll.u32 s26, $0x1;
	_ =	strace $0x80000049;
	[dreg:$0x1] =	wrdreg $0xFFFFFFFF  }
0xa7: {  	s28 =	simm.s32 $_size_execute0_lowered;
	s3 =	sadd.s32 s3, s5;
	[dreg:$0x0] =	wrdreg $0x0  }
0xa8: {  	s5 =	sshll.u32 s28, $0x1;
	[dreg:$0x2] =	wrdreg s3  }
0xa9: {  	[dreg:$0x3] =	wrdreg s5  }
0xaa: {  	[dreg:$0x4] =	wrdreg $0xC0  }
0xab: {  	_ =	task [dreg:s7], $0x5FFFF  }
0xac: {  	[dreg:$0x1] =	wrdreg $0xFFFFFFFF  }
0xad: {  	[dreg:$0x0] =	wrdreg $0x60  }
0xae: {  	[dreg:$0x2] =	wrdreg s2  }
0xaf: {  	[dreg:$0x3] =	wrdreg s24  }
0xb0: {  	[dreg:$0x4] =	wrdreg $0x88800  }
0xb1: {  	[dreg:$0x5] =	wrdreg $0x9  }
0xb2: {  	_ =	task.clear_ibuf [dreg:s7], $0x6FFFF;
	_ =	strace $0x90000049  }
0xb3: {  	s29 =	simm.s32 $0x9;
	_ =	strace $0x8000004B  }
0xb4: {  	_ =	swait.ge [sflag:s29], $0x1  }
0xb5: {  	[sflag:s29] =	ssyncadd.s32 $0xFFFFFFFF  }
0xb6: {  	_ =	strace $0x9000004B  }
0xb7: {  	_ =	sfence  }
0xb8: {  	s30 =	sld [smem:$0x0];
	_ =	sdelay $0x2  }
0xb9: {  	s31 =	sshll.u32 s1, $0xD;
	s1 =	sshrl.u32 s1, $0x2  }
0xba: {  	s3 =	sand.u32 $0x4000, s31;
	s1 =	sadd.s32 s1, s30  }
0xbb: {  	s0 =	sor.u32 s3, s0;
	s1 =	sshll.u32 s1, $0x11  }
0xbc: {  	s0 =	sor.u32 s1, s0  }
0xbd: {  	s0 =	sadd.s32 $0x8F2B, s0  }
0xbe: {  	[sflag:s0] =	ssyncadd.remote.s32 $0x1  }
0xbf: {  	_ =	sfence.sel $0xFFFF  }
0xc0: {  	[dreg:$0x0] =	wrdreg $0xFFFFFFFF;
	(pc) =	sbr.abs _section_cstart, $3  }
0xc1: {  	[dreg:$0x1] =	wrdreg $0xFFFFFFFF  }
0xc2: {  	_ =	task.clear_ibuf [dreg:s7], $0x2FFFF;
	_ =	strace $0x9FFFFFFF  }
0xc3: {  	(tm) =	ssettm $0x7FFFFFFF  }
tec
execute0_lowered:
.L_overlay_start_1:
0x0: {  	(tag) =	ssettag $0x1  }
0x1: {  	s1 =	rddreg [dreg:$0x0]  }
0x2: {  	s0 =	rddreg [dreg:$0x1]  }
0x3: {  	s2 =	rddreg [dreg:$0x2]  }
0x4: {  	s4 =	simm.s32 $0x0;
	s3 =	srdreg.scid;
	s11 =	stileid.u32  }
0x5: {  	s12 =	simm.s32 $0x80;
	s13 =	simm.s32 $0x8800;
	s14 =	simm.s32 $0x800  }
0x6: {  	s15 =	simm.s32 $0x6;
	s17 =	simm.s32 $0x4800;
	s18 =	simm.s32 $0x1  }
0x7: {  	s19 =	simm.s32 $0x3;
	s21 =	simm.s32 $0x2;
	s31 =	simm.s32 $0x200  }
0x8: {  	s29 =	simm.s32 $0x780;
	s30 =	simm.s32 $0x100;
	s7 =	smul.u32 $0x14000, s11  }
0x9: {  	[smem:$0x7FF] =	sst s4;
	s3 =	sand.u32 $0x1, s3;
	s23 =	smul.u32 $0x2800, s11  }
0xa: {  	s6 =	sadd.s32 $0xEA00, s0;
	s8 =	sadd.s32 $0x4A00, s0;
	s5 =	smul.u32 $0x140000, s3  }
0xb: {  	s9 =	sshll.u32 s3, $0x4;
	s10 =	smul.u32 $0x28000, s3;
	s3 =	ssub.s32 $0x2, s3  }
0xc: {  	_ =	strace $0x8000004A;
	s22 =	sor.u32 s11, s9;
	s24 =	sshrl.u32 s3, $0x1  }
0xd: {  	s5 =	sadd.s32 s7, s5;
	s7 =	smul.u32 $0x2800, s22;
	s9 =	sadd.s32 s23, s10  }
0xe: {  	s3 =	ssub.s32 s3, s24;
	s23 =	simm.s32 $0x4;
	s5 =	sshrl.u32 s5, $0x3  }
0xf: {  	s9 =	sor.u32 $0x400, s9;
	s3 =	smax.u32 s3, $0x1;
	s0 =	sadd.s32 s5, s0  }
0x10: {  	s7 =	sshrl.u32 s7, $0x3;
	s5 =	smul.u32 $0x280, s11;
	s26 =	sshrl.u32 s9, $0x3  }
0x11: {  	[dreg:$0x6] =	wrdreg s3;
	s3 =	simm.s32 $0x280;
	s25 =	sadd.s32 s6, s7  }
0x12: {  	s9 =	simm.s32 $0x680;
	s7 =	sadd.s32 s8, s7;
	[dreg:$0x4] =	wrdreg s25  }
0x13: {  	s28 =	sadd.s32 s26, s8;
	s0 =	sadd.s32 $0x18C00, s0;
	[dreg:$0x5] =	wrdreg s7  }
0x14: {  	s6 =	sadd.s32 s26, s6;
	s8 =	simm.s32 $0x5;
	[dreg:$0x7] =	wrdreg s0  }
0x15: {  	s25 =	simm.s32 $0x400;
	s0 =	simm.s32 $0x0;
	[dreg:$0x8] =	wrdreg s28  }
0x16: {  	v0 =	vimm.f32 $0.0e+00;
	v1 =	vlaneseq.u32;
	[dreg:$0x9] =	wrdreg s6;
	s6 =	simm.s32 $0x600;
	s7 =	simm.s32 $0x300  }
.LBB2_1:
0x17: {  	s11 =	simm.s32 $0x0;
	s20 =	simm.s32 $0x200  }
.LBB2_2:
0x18: {  	p0 =	sne.s32 s20, $0xFE00;
	[tilespmem:s11+$0x870] =	vst v0  }
0x19: {  	[tilespmem:s11+$0x800] =	vst v0  }
0x1a: {  	[tilespmem:s11+$0x810] =	vst v0  }
.Ltmp0:
0x1b: {  	[tilespmem:s11+$0x820] =	vst v0;
	(pc) =	sbr.rel @p0 .LBB2_2-.Ltmp0, $4  }
0x1c: {  	[tilespmem:s11+$0x830] =	vst v0  }
0x1d: {  	[tilespmem:s11+$0x840] =	vst v0  }
0x1e: {  	[tilespmem:s11+$0x850] =	vst v0  }
0x1f: {  	[tilespmem:s11+$0x860] =	vst v0;
	s11 =	sshra.s32 s20, $0x2;
	s20 =	sadd.s32 $0x200, s20  }
0x20: {  	[tilespmem:s11+$0x870] =	vst v0  }
0x21: {  	[tilespmem:s11+$0x800] =	vst v0  }
0x22: {  	[tilespmem:s11+$0x810] =	vst v0  }
0x23: {  	[tilespmem:s11+$0x820] =	vst v0  }
0x24: {  	[tilespmem:s11+$0x830] =	vst v0  }
0x25: {  	[tilespmem:s11+$0x840] =	vst v0  }
0x26: {  	[tilespmem:s11+$0x850] =	vst v0;
	s20 =	sadd.s32 $0x0, s5  }
0x27: {  	[tilespmem:s11+$0x860] =	vst v0;
	v2 =	vor.u32 s20, v1;
	s10 =	sadd.s32 $0x70, s20  }
0x28: {  	s22 =	sadd.s32 $0x60, s20;
	[tilespmem:$0x8800] =	vst v2;
	v2 =	vor.u32 s10, v1  }
0x29: {  	s26 =	sadd.s32 $0x30, s20;
	v3 =	vor.u32 s22, v1;
	[tilespmem:$0x8870] =	vst v2  }
0x2a: {  	s16 =	sadd.s32 $0x50, s20;
	v4 =	vor.u32 s26, v1;
	[tilespmem:$0x8860] =	vst v3  }
0x2b: {  	s24 =	sadd.s32 $0x40, s20;
	v2 =	vor.u32 s16, v1;
	[tilespmem:$0x8830] =	vst v4  }
0x2c: {  	s28 =	sadd.s32 $0x20, s20;
	v3 =	vor.u32 s24, v1;
	[tilespmem:$0x8850] =	vst v2  }
0x2d: {  	[dreg:$0xa] =	wrdreg s0;
	s11 =	simm.s32 $0x80;
	s20 =	sadd.s32 $0x10, s20;
	[tilespmem:$0x8840] =	vst v3;
	v2 =	vor.u32 s28, v1  }
.LBB2_4:
0x2e: {  	p0 =	sne.s32 s11, $0x200;
	v3 =	vor.u32 s20, v1;
	[tilespmem:$0x8820] =	vst v2  }
0x2f: {  	[tilespmem:$0x8810] =	vst v3;
	[spmem:s2] =	stream.indirect.scatter [tilespmem:s14], [sflag:$0x6], $0x80, s13, s12, $0xb8  }
0x30: {  	_ =	swait.ge [sflag:s15], $0x4000  }
0x31: {  	s20 =	sadd.s32 s11, s5;
	[sflag:s15] =	ssyncset.done $0x0  }
0x32: {  	v2 =	vor.u32 s20, v1;
	s22 =	sadd.s32 $0x70, s20;
	[sflag:s15] =	ssyncadd.s32 $0xFFFFC000  }
0x33: {  	s24 =	sadd.s32 $0x60, s20;
	[tilespmem:$0x8800] =	vst v2;
	v2 =	vor.u32 s22, v1  }
.Ltmp1:
0x34: {  	v3 =	vor.u32 s24, v1;
	s22 =	sadd.s32 $0x50, s20;
	[tilespmem:$0x8870] =	vst v2;
	(pc) =	sbr.rel @p0 .LBB2_4-.Ltmp1, $4  }
0x35: {  	s24 =	sadd.s32 $0x40, s20;
	v2 =	vor.u32 s22, v1;
	[tilespmem:$0x8860] =	vst v3  }
0x36: {  	s22 =	sadd.s32 $0x30, s20;
	v3 =	vor.u32 s24, v1;
	[tilespmem:$0x8850] =	vst v2  }
0x37: {  	s24 =	sadd.s32 $0x20, s20;
	v4 =	vor.u32 s22, v1;
	[tilespmem:$0x8840] =	vst v3  }
0x38: {  	s11 =	sadd.s32 $0x80, s11;
	s20 =	sadd.s32 $0x10, s20;
	v2 =	vor.u32 s24, v1;
	[tilespmem:$0x8830] =	vst v4  }
0x39: {  	v3 =	vor.u32 s20, v1;
	[tilespmem:$0x8820] =	vst v2  }
0x3a: {  	[tilespmem:$0x8810] =	vst v3  }
0x3b: {  	[spmem:s2] =	stream.indirect.scatter [tilespmem:s14], [sflag:$0x6], $0x80, s13, s12, $0xb8;
	[tilespmem:$0x1C880] =	vst v63  }
0x3c: {  	_ =	swait.ge [sflag:s15], $0x4000  }
0x3d: {  	[sflag:s15] =	ssyncset.done $0x0  }
0x3e: {  	[sflag:s15] =	ssyncadd.s32 $0xFFFFC000  }
0x3f: {  	[bflag:$0x0] =	sbarrier.arrive $0xFFFF  }
0x40: {  	s11 =	simm.s32 $0x0;
	s16 =	rddreg [dreg:$0x4]  }
0x41: {  	[tilespmem:s11], [sflag:$0x6] =	stream.linear.gather [hbm4b:s16+s11], $0x400, $0x38;
	[tilespmem:$0x1C880] =	vst v63  }
0x42: {  	_ =	swait.ge [sflag:s15], $0x400  }
0x43: {  	[sflag:s15] =	ssyncset.done $0x0  }
0x44: {  	s26 =	rddreg [dreg:$0x5];
	[sflag:s15] =	ssyncadd.s32 $0xFFFFFC00  }
0x45: {  	[tilespmem:s25], [sflag:$0x6] =	stream.linear.gather [hbm4b:s26+s11], $0x400, $0x38;
	[tilespmem:$0x1C880] =	vst v63  }
0x46: {  	s0 =	simm.s32 $0x580;
	_ =	swait.ge [sflag:s15], $0x400  }
0x47: {  	s16 =	simm.s32 $0x700;
	[sflag:s15] =	ssyncset.done $0x0;
	s10 =	rddreg [dreg:$0x8]  }
0x48: {  	s26 =	simm.s32 $0x380;
	s28 =	rddreg [dreg:$0x9];
	[sflag:s15] =	ssyncadd.s32 $0xFFFFFC00  }
0x49: {  	[tilespmem:s14], [sflag:$0x1] =	stream.indirect.gather [hbm4b:s1+s12], $0x80, s11, s12, $0xb8;
	[tilespmem:$0x1C880] =	vst v63  }
.LBB2_6:
0x4a: {  	[tilespmem:s17], [sflag:$0x2] =	stream.indirect.gather [hbm4b:s1+s12], $0x80, s12, s12, $0xb8;
	[tilespmem:$0x1C880] =	vst v63  }
0x4b: {  	_ =	swait.ge [sflag:s18], $0x4000  }
0x4c: {  	[sflag:s18] =	ssyncset.done $0x0  }
0x4d: {  	[sflag:s18] =	ssyncadd.s32 $0xFFFFC000  }
0x4e: {  	[spmem:s2] =	stream.indirect.scatter.add.f32 [tilespmem:s14], [sflag:$0x3], $0x80, s25, s12, $0xb8;
	[tilespmem:$0x1C880] =	vst v63  }
0x4f: {  	_ =	swait.ge [sflag:s19], $0x4000  }
0x50: {  	[sflag:s19] =	ssyncset.done $0x0  }
0x51: {  	[sflag:s19] =	ssyncadd.s32 $0xFFFFC000  }
0x52: {  	[tilespmem:s14], [sflag:$0x1] =	stream.indirect.gather [hbm4b:s1+s12], $0x80, s30, s12, $0xb8;
	[tilespmem:$0x1C880] =	vst v63  }
0x53: {  	_ =	swait.ge [sflag:s21], $0x4000  }
0x54: {  	[sflag:s21] =	ssyncset.done $0x0  }
0x55: {  	s20 =	simm.s32 $0x480;
	[sflag:s21] =	ssyncadd.s32 $0xFFFFC000  }
0x56: {  	[spmem:s2] =	stream.indirect.scatter.add.f32 [tilespmem:s17], [sflag:$0x4], $0x80, s20, s12, $0xb8;
	[tilespmem:$0x1C880] =	vst v63  }
0x57: {  	_ =	swait.ge [sflag:s23], $0x4000  }
0x58: {  	[sflag:s23] =	ssyncset.done $0x0  }
0x59: {  	s24 =	simm.s32 $0x180;
	[sflag:s23] =	ssyncadd.s32 $0xFFFFC000  }
0x5a: {  	[tilespmem:s17], [sflag:$0x2] =	stream.indirect.gather [hbm4b:s1+s12], $0x80, s24, s12, $0xb8;
	[tilespmem:$0x1C880] =	vst v63  }
0x5b: {  	_ =	swait.ge [sflag:s18], $0x4000  }
0x5c: {  	[sflag:s18] =	ssyncset.done $0x0  }
0x5d: {  	s25 =	simm.s32 $0x500;
	[sflag:s18] =	ssyncadd.s32 $0xFFFFC000  }
0x5e: {  	[spmem:s2] =	stream.indirect.scatter.add.f32 [tilespmem:s14], [sflag:$0x3], $0x80, s25, s12, $0xb8;
	[tilespmem:$0x1C880] =	vst v63  }
0x5f: {  	_ =	swait.ge [sflag:s19], $0x4000  }
0x60: {  	[sflag:s19] =	ssyncset.done $0x0  }
0x61: {  	[sflag:s19] =	ssyncadd.s32 $0xFFFFC000  }
0x62: {  	[tilespmem:s14], [sflag:$0x1] =	stream.indirect.gather [hbm4b:s1+s12], $0x80, s31, s12, $0xb8;
	[tilespmem:$0x1C880] =	vst v63  }
0x63: {  	_ =	swait.ge [sflag:s21], $0x4000  }
0x64: {  	[sflag:s21] =	ssyncset.done $0x0  }
0x65: {  	[sflag:s21] =	ssyncadd.s32 $0xFFFFC000  }
0x66: {  	[spmem:s2] =	stream.indirect.scatter.add.f32 [tilespmem:s17], [sflag:$0x4], $0x80, s0, s12, $0xb8;
	[tilespmem:$0x1C880] =	vst v63  }
0x67: {  	_ =	swait.ge [sflag:s23], $0x4000  }
0x68: {  	[sflag:s23] =	ssyncset.done $0x0  }
0x69: {  	[sflag:s23] =	ssyncadd.s32 $0xFFFFC000  }
0x6a: {  	[tilespmem:s17], [sflag:$0x2] =	stream.indirect.gather [hbm4b:s1+s12], $0x80, s3, s12, $0xb8;
	[tilespmem:$0x1C880] =	vst v63  }
0x6b: {  	_ =	swait.ge [sflag:s18], $0x4000  }
0x6c: {  	[sflag:s18] =	ssyncset.done $0x0  }
0x6d: {  	[sflag:s18] =	ssyncadd.s32 $0xFFFFC000  }
0x6e: {  	[spmem:s2] =	stream.indirect.scatter.add.f32 [tilespmem:s14], [sflag:$0x3], $0x80, s6, s12, $0xb8;
	[tilespmem:$0x1C880] =	vst v63  }
0x6f: {  	_ =	swait.ge [sflag:s19], $0x4000  }
0x70: {  	[sflag:s19] =	ssyncset.done $0x0  }
0x71: {  	[sflag:s19] =	ssyncadd.s32 $0xFFFFC000  }
0x72: {  	[tilespmem:s14], [sflag:$0x1] =	stream.indirect.gather [hbm4b:s1+s12], $0x80, s7, s12, $0xb8;
	[tilespmem:$0x1C880] =	vst v63  }
0x73: {  	_ =	swait.ge [sflag:s21], $0x4000  }
0x74: {  	[sflag:s21] =	ssyncset.done $0x0  }
0x75: {  	[sflag:s21] =	ssyncadd.s32 $0xFFFFC000  }
0x76: {  	[spmem:s2] =	stream.indirect.scatter.add.f32 [tilespmem:s17], [sflag:$0x4], $0x80, s9, s12, $0xb8;
	[tilespmem:$0x1C880] =	vst v63  }
0x77: {  	_ =	swait.ge [sflag:s23], $0x4000  }
0x78: {  	[sflag:s23] =	ssyncset.done $0x0  }
0x79: {  	[sflag:s23] =	ssyncadd.s32 $0xFFFFC000  }
0x7a: {  	[tilespmem:s17], [sflag:$0x2] =	stream.indirect.gather [hbm4b:s1+s12], $0x80, s26, s12, $0xb8;
	[tilespmem:$0x1C880] =	vst v63  }
0x7b: {  	_ =	swait.ge [sflag:s18], $0x4000  }
0x7c: {  	[sflag:s18] =	ssyncset.done $0x0  }
0x7d: {  	[sflag:s18] =	ssyncadd.s32 $0xFFFFC000  }
0x7e: {  	[spmem:s2] =	stream.indirect.scatter.add.f32 [tilespmem:s14], [sflag:$0x3], $0x80, s16, s12, $0xb8;
	[tilespmem:$0x1C880] =	vst v63  }
0x7f: {  	_ =	swait.ge [sflag:s19], $0x4000  }
0x80: {  	[sflag:s19] =	ssyncset.done $0x0  }
0x81: {  	[sflag:s19] =	ssyncadd.s32 $0xFFFFC000  }
0x82: {  	_ =	swait.ge [sflag:s21], $0x4000  }
0x83: {  	[sflag:s21] =	ssyncset.done $0x0  }
0x84: {  	[sflag:s21] =	ssyncadd.s32 $0xFFFFC000  }
0x85: {  	[spmem:s2] =	stream.indirect.scatter.add.f32 [tilespmem:s17], [sflag:$0x6], $0x80, s29, s12, $0xb8;
	[tilespmem:$0x1C880] =	vst v63  }
0x86: {  	_ =	swait.ge [sflag:s15], $0x4000  }
0x87: {  	p0 =	seq.s32 s11, $0x480;
	[sflag:s15] =	ssyncset.done $0x0  }
0x88: {  	s22 =	simm.s32 @!p0 $0x0;
	s20 =	sadd.s32 @!p0 s11, s28;
	[sflag:s15] =	ssyncadd.s32 $0xFFFFC000  }
0x89: {  	[tilespmem:s22], [sflag:$0x6] =	stream.linear.gather @!p0 [hbm4b:s20+s22], $0x400, $0x38;
	[tilespmem:$0x1C880] =	vst v63  }
0x8a: {  	s20 =	simm.s32 @!p0 $0x6  }
0x8b: {  	_ =	swait.ge @!p0 [sflag:s20], $0x400  }
0x8c: {  	[sflag:s20] =	ssyncset.done @!p0 $0x0  }
0x8d: {  	s24 =	sadd.s32 @!p0 s11, s10;
	s25 =	simm.s32 @!p0 $0x400;
	[sflag:s20] =	ssyncadd.s32 @!p0 $0xFFFFFC00  }
0x8e: {  	[tilespmem:s25], [sflag:$0x6] =	stream.linear.gather @!p0 [hbm4b:s24+s22], $0x400, $0x38;
	[tilespmem:$0x1C880] =	vst v63  }
0x8f: {  	s11 =	sadd.s32 @!p0 $0x80, s11;
	_ =	swait.ge @!p0 [sflag:s20], $0x400  }
0x90: {  	p1 =	sne.s32 @!p0 s11, $0x500;
	[sflag:s20] =	ssyncset.done @!p0 $0x0  }
0x91: {  	s24 =	simm.s32 @!p0 $0x800;
	[sflag:s20] =	ssyncadd.s32 @!p0 $0xFFFFFC00;
	s20 =	simm.s32 @!p0 $0x80  }
0x92: {  	[tilespmem:s24], [sflag:$0x1] =	stream.indirect.gather @!p0 [hbm4b:s1+s20], $0x80, s22, s20, $0xb8;
	[tilespmem:$0x1C880] =	vst v63  }
0x93: {  	p0 =	por p0, !p1  }
.Ltmp2:
0x94: {  	_ = 	snop;
	(pc) =	sbr.rel @!p0 .LBB2_6-.Ltmp2, $2  }
0x95: {  	_ =	sdelay $0x2  }
0x96: {  	s25 =	simm.s32 $0x400  }
0x97: {  	s11 =	sadd.s32 $0x0, s5  }
0x98: {  	[bflag:$0x0] =	sbarrier.arrive $0xFFFF;
	v2 =	vor.u32 s11, v1;
	s20 =	sadd.s32 $0x10, s11  }
0x99: {  	s22 =	sadd.s32 $0x20, s11;
	[tilespmem:$0x8800] =	vst v2;
	v2 =	vor.u32 s20, v1  }
0x9a: {  	s24 =	sadd.s32 $0x70, s11;
	v3 =	vor.u32 s22, v1;
	[tilespmem:$0x8810] =	vst v2  }
0x9b: {  	s26 =	sadd.s32 $0x40, s11;
	v2 =	vor.u32 s24, v1;
	[tilespmem:$0x8820] =	vst v3  }
0x9c: {  	s25 =	sadd.s32 $0x50, s11;
	v3 =	vor.u32 s26, v1;
	[tilespmem:$0x8870] =	vst v2  }
0x9d: {  	s28 =	sadd.s32 $0x60, s11;
	s11 =	sadd.s32 $0x30, s11;
	v2 =	vor.u32 s25, v1;
	[tilespmem:$0x8840] =	vst v3  }
0x9e: {  	v3 =	vor.u32 s11, v1;
	[tilespmem:$0x8850] =	vst v2  }
0x9f: {  	s20 =	rddreg [dreg:$0x7];
	v2 =	vor.u32 s28, v1;
	[tilespmem:$0x8830] =	vst v3  }
0xa0: {  	s22 =	smov.u32 s20;
	s11 =	simm.s32 $0x80;
	[tilespmem:$0x8860] =	vst v2  }
0xa1: {  	[tilespmem:s14], [sflag:$0x5] =	stream.indirect.gather [spmem:s2], $0x80, s13, s12, $0xb8;
	[tilespmem:$0x1C880] =	vst v63  }
.LBB2_8:
0xa2: {  	p0 =	sne.s32 s11, $0x200;
	_ =	swait.ge [sflag:s8], $0x4000;
	s22 =	sadd.s32 $0x800, s22  }
0xa3: {  	s24 =	smov.u32 s11;
	s11 =	sadd.s32 $0x80, s11;
	[sflag:s8] =	ssyncset.done $0x0  }
0xa4: {  	[sflag:s8] =	ssyncadd.s32 $0xFFFFC000  }
0xa5: {  	[hbm4b:s20+s4] =	stream.linear.scatter [tilespmem:s14], [sflag:$0x6], $0x4000, $0x38;
	[tilespmem:$0x1C880] =	vst v63  }
0xa6: {  	s20 =	smov.u32 s22;
	_ =	swait.ge [sflag:s15], $0x4000  }
0xa7: {  	s24 =	sadd.s32 s24, s5;
	[sflag:s15] =	ssyncset.done $0x0  }
0xa8: {  	v2 =	vor.u32 s24, v1;
	s25 =	sadd.s32 $0x10, s24;
	s26 =	sadd.s32 $0x20, s24;
	[sflag:s15] =	ssyncadd.s32 $0xFFFFC000  }
0xa9: {  	s16 =	sadd.s32 $0x70, s24;
	v3 =	vor.u32 s26, v1;
	s26 =	sadd.s32 $0x50, s24;
	[tilespmem:$0x8800] =	vst v2;
	v2 =	vor.u32 s25, v1;
	s25 =	sadd.s32 $0x40, s24  }
0xaa: {  	s28 =	sadd.s32 $0x30, s24;
	v5 =	vor.u32 s16, v1;
	v4 =	vor.u32 s26, v1;
	s24 =	sadd.s32 $0x60, s24;
	[tilespmem:$0x8810] =	vst v2;
	v2 =	vor.u32 s25, v1  }
0xab: {  	v6 =	vor.u32 s28, v1;
	v7 =	vor.u32 s24, v1;
	[tilespmem:$0x8870] =	vst v5  }
0xac: {  	[tilespmem:$0x8820] =	vst v3  }
.Ltmp3:
0xad: {  	[tilespmem:$0x8850] =	vst v4;
	(pc) =	sbr.rel @p0 .LBB2_8-.Ltmp3, $4  }
0xae: {  	[tilespmem:$0x8840] =	vst v2  }
0xaf: {  	[tilespmem:$0x8860] =	vst v7  }
0xb0: {  	[tilespmem:$0x8830] =	vst v6  }
0xb1: {  	[tilespmem:s14], [sflag:$0x5] =	stream.indirect.gather [spmem:s2], $0x80, s13, s12, $0xb8;
	[tilespmem:$0x1C880] =	vst v63  }
0xb2: {  	_ =	swait.ge [sflag:s8], $0x4000  }
0xb3: {  	[sflag:s8] =	ssyncset.done $0x0  }
0xb4: {  	[sflag:s8] =	ssyncadd.s32 $0xFFFFC000  }
0xb5: {  	[hbm4b:s20+s4] =	stream.linear.scatter [tilespmem:s14], [sflag:$0x6], $0x4000, $0x38;
	[tilespmem:$0x1C880] =	vst v63  }
0xb6: {  	_ =	swait.ge [sflag:s15], $0x4000  }
0xb7: {  	s0 =	rddreg [dreg:$0xa]  }
0xb8: {  	s11 =	rddreg [dreg:$0x6];
	s0 =	sadd.s32 $0x1, s0  }
0xb9: {  	p0 =	sne.s32 s0, s11  }
.Ltmp4:
0xba: {  	_ = 	snop;
	(pc) =	sbr.rel @p0 .LBB2_1-.Ltmp4, $3  }
0xbb: {  	_ =	sdelay $0x1  }
0xbc: {  	[sflag:s15] =	ssyncset.done $0x0  }
0xbd: {  	s25 =	simm.s32 $0x400;
	[sflag:s15] =	ssyncadd.s32 $0xFFFFC000  }
0xbe: {  	_ =	sfence.sel $0x180000  }
0xbf: {  	[bflag:$0x0] =	sbarrier.arrive $0xFFFF  }
0xc0: {  	_ =	strace $0x9000004A  }
0xc1: {  	s0 =	stileid.u32;
	[bflag:$0x2] =	sbarrier.arrive $0xFFFF  }
0xc2: {  	p0 =	sne.s32 s0, $0x0;
	s0 =	rddreg [dreg:$0x3]  }
0xc3: {  	s0 =	sadd.s32 @!p0 $0x100000, s0  }
0xc4: {  	[sflag:s0] =	ssyncadd.tile.s32 @!p0 $0x1;
	_ =	shalt  }
.Lfunc_end2:
_tile_overlayer_lowered:
.L_overlay_start_2:
0xc5: {  	(tag) =	ssettag $0x2  }
0xc6: {  	s0 =	rddreg [dreg:$0x0];
	s2 =	stileid.u32  }
0xc7: {  	s1 =	rddreg [dreg:$0x1];
	p0 =	sne.s32 s2, $0x0  }
0xc8: {  	s3 =	rddreg [dreg:$0x2];
	[bflag:$0x3] =	sbarrier.arrive $0xFFFF;
	s2 =	simm.s32 @!p0 $0x1C06  }
0xc9: {  	[timem:s3], [sflag:s2] =	dma.local @!p0 [hbm:s0], s1  }
0xca: {  	s0 =	simm.s32 @!p0 $0x6  }
0xcb: {  	_ =	swait.ge @!p0 [sflag:s0], s1  }
0xcc: {  	s1 =	ssub.s32 @!p0 $0x0, s1;
	[sflag:s0] =	ssyncset.done @!p0 $0x0  }
0xcd: {  	[sflag:s0] =	ssyncadd.s32 @!p0 s1  }
0xce: {  	[bflag:$0x3] =	sbarrier.arrive $0xFFFF  }
0xcf: {  	_ =	shalt  }

// kernel: kernel.15.cloned.1.call-start
scs
__scs_entry_jumppad:
0x0: {  	(pc) =	sbr.rel $0x88, $3  }
0x1: {  	(tag) =	ssettag $0x0;
	lr =	simm.s32 $0x1  }
0x2: {  	[smem:$0x3F93] =	sst lr;
	_ =	strace $0xD0000000  }
0x3: {  	_ = 	snop  }
0x4: {  	_ = 	snop  }
0x5: {  	_ = 	snop  }
0x6: {  	_ = 	snop  }
0x7: {  	_ = 	snop  }
__scs_overlays_trampoline_lowered:
0x8: {  	[smem:$0x3FA2] =	sst s0  }
0x9: {  	[smem:$0x3FA3] =	sst s1  }
0xa: {  	[smem:$0x3FA4] =	sst s2  }
0xb: {  	[smem:$0x3FA5] =	sst s3  }
0xc: {  	[smem:$0x3FA6] =	sst s4  }
0xd: {  	[smem:$0x3FA7] =	sst s5  }
0xe: {  	[smem:$0x3FA8] =	sst s6  }
0xf: {  	[smem:$0x3FA9] =	sst s7  }
0x10: {  	[smem:$0x3FAA] =	sst s8  }
0x11: {  	[smem:$0x3FAB] =	sst s9;
	s0 =	simm.s32 @!p0 $0x0  }
0x12: {  	s1 =	sld [smem:$0x3F91];
	s0 =	simm.s32 @p0 $0x1  }
0x13: {  	[smem:$0x3FAC] =	sst s0;
	s0 =	simm.s32 @!p1 $0x0  }
0x14: {  	s2 =	sld [smem:$0x3F90];
	s0 =	simm.s32 @p1 $0x1  }
0x15: {  	[smem:$0x3FAD] =	sst s0;
	s0 =	simm.s32 @!p2 $0x0  }
0x16: {  	s3 =	sld [smem:$0x3FDB];
	s0 =	simm.s32 @p2 $0x1  }
0x17: {  	s4 =	simm.s32 $0x1BF5;
	[smem:$0x3FAF] =	sst s0  }
0x18: {  	s0 =	sld [smem:$0x3F92];
	_ =	swait.ge [sflag:s4], $0x0  }
0x19: {  	s7 =	sld [smem:$0x3F93]  }
0x1a: {  	s8 =	sadd.s32 $0xFFFFE003, lr  }
0x1b: {  	s9 =	sadd.s32 $0xFFFFFEF7, lr;
	s5 =	simm.s32 $0xFFFFFFFF;
	p2 =	slt.u32 s8, $0xFFFFF086  }
0x1c: {  	p1 =	slt.u32 s9, $0xF7A;
	s5 =	simm.s32 @!p2 $0x0  }
0x1d: {  	s5 =	simm.s32 @p1 $0x1;
	p0 =	seq.s32 s7, s2  }
0x1e: {  	s7 =	smul.u32 @!p0 $0xF7A, s2;
	p2 =	seq.s32 @!p0 s5, $0x0  }
0x1f: {  	s9 =	smul.u32 $0xF7A, s1;
	s8 =	simm.s32 @!p0 $0x1BF5;
	p2 =	por !p2, p0  }
0x20: {  	[sflag:s8] =	ssyncset.s32 @!p0 $0xFFFFF086;
	s6 =	sadd.s32 @!p0 s3, s7;
	s7 =	simm.s32 @!p0 $0x108  }
0x21: {  	s3 =	sadd.s32 s3, s9;
	s6 =	sadd.s32 @!p0 $0x88, s6;
	s7 =	simm.s32 @p2 $0x1082  }
0x22: {  	[simem:s7], [sflag:s8] =	dma.local @!p0 [hbm:s6], $0xF7A  }
0x23: {  	s9 =	sor.u32 $0xD0000000, s2;
	s6 =	simm.s32 $0x108;
	_ =	swait.ge @!p0 [sflag:s8], $0x0  }
0x24: {  	s3 =	sadd.s32 $0x88, s3;
	s6 =	simm.s32 @!p1 $0x1082;
	[sflag:s4] =	ssyncset.s32 $0xFFFFF086  }
0x25: {  	[simem:s6], [sflag:s4] =	dma.local [hbm:s3], $0xF7A  }
0x26: {  	[smem:$0x3F93] =	sst s1;
	(tag) =	ssettag s2;
	_ =	strace s9  }
0x27: {  	s1 =	sld [smem:$0x3FA3]  }
0x28: {  	s2 =	sld [smem:$0x3FA4]  }
0x29: {  	s4 =	sld [smem:$0x3FA6]  }
0x2a: {  	p0 =	seq.s32 s5, $0x0;
	s5 =	sld [smem:$0x3FA7]  }
0x2b: {  	s6 =	sld [smem:$0x3FA8]  }
0x2c: {  	s7 =	sld [smem:$0x3FA9]  }
0x2d: {  	s3 =	simm.s32 $0x108;
	s8 =	sld [smem:$0x3FAA]  }
0x2e: {  	s3 =	simm.s32 @!p0 $0x1082;
	s9 =	sld [smem:$0x3FAB]  }
0x2f: {  	lr =	sadd.s32 s0, s3;
	s0 =	sld [smem:$0x3FA2]  }
0x30: {  	s3 =	sld [smem:$0x3FA5]  }
0x31: {  	[smem:$0x3FAE] =	sst s10  }
0x32: {  	s10 =	sld [smem:$0x3FAC];
	_ =	sdelay $0x3  }
0x33: {  	p0 =	seq.s32 s10, $0x1;
	s10 =	sld [smem:$0x3FAE];
	_ =	sdelay $0x3  }
0x34: {  	[smem:$0x3FAE] =	sst s10  }
0x35: {  	s10 =	sld [smem:$0x3FAD];
	_ =	sdelay $0x3  }
0x36: {  	p1 =	seq.s32 s10, $0x1;
	s10 =	sld [smem:$0x3FAE];
	_ =	sdelay $0x3  }
0x37: {  	[smem:$0x3FAE] =	sst s10  }
0x38: {  	s10 =	sld [smem:$0x3FAF]  }
0x39: {  	_ = 	snop;
	(pc) =	sbr.ind lr, $3  }
0x3a: {  	_ = 	snop  }
0x3b: {  	_ = 	snop  }
0x3c: {  	p2 =	seq.s32 s10, $0x1;
	s10 =	sld [smem:$0x3FAE]  }
0x3d: {  	_ =	shalt  }
0x3e: {  	_ =	shalt  }
0x3f: {  	_ =	shalt  }
0x40: {  	_ =	shalt  }
0x41: {  	_ =	shalt  }
0x42: {  	_ =	shalt  }
0x43: {  	_ =	shalt  }
0x44: {  	_ =	shalt  }
0x45: {  	_ =	shalt  }
0x46: {  	_ =	shalt  }
0x47: {  	_ =	shalt  }
0x48: {  	_ =	shalt  }
0x49: {  	_ =	shalt  }
0x4a: {  	_ =	shalt  }
0x4b: {  	_ =	shalt  }
0x4c: {  	_ =	shalt  }
0x4d: {  	_ =	shalt  }
0x4e: {  	_ =	shalt  }
0x4f: {  	_ =	shalt  }
0x50: {  	_ =	shalt  }
0x51: {  	_ =	shalt  }
0x52: {  	_ =	shalt  }
0x53: {  	_ =	shalt  }
0x54: {  	_ =	shalt  }
0x55: {  	_ =	shalt  }
0x56: {  	_ =	shalt  }
0x57: {  	_ =	shalt  }
0x58: {  	_ =	shalt  }
0x59: {  	_ =	shalt  }
0x5a: {  	_ =	shalt  }
0x5b: {  	_ =	shalt  }
0x5c: {  	_ =	shalt  }
0x5d: {  	_ =	shalt  }
0x5e: {  	_ =	shalt  }
0x5f: {  	_ =	shalt  }
0x60: {  	_ =	shalt  }
0x61: {  	_ =	shalt  }
0x62: {  	_ =	shalt  }
0x63: {  	_ =	shalt  }
0x64: {  	_ =	shalt  }
0x65: {  	_ =	shalt  }
0x66: {  	_ =	shalt  }
0x67: {  	_ =	shalt  }
0x68: {  	_ =	shalt  }
0x69: {  	_ =	shalt  }
0x6a: {  	_ =	shalt  }
0x6b: {  	_ =	shalt  }
0x6c: {  	_ =	shalt  }
0x6d: {  	_ =	shalt  }
0x6e: {  	_ =	shalt  }
0x6f: {  	_ =	shalt  }
0x70: {  	_ =	shalt  }
0x71: {  	_ =	shalt  }
0x72: {  	_ =	shalt  }
0x73: {  	_ =	shalt  }
0x74: {  	_ =	shalt  }
0x75: {  	_ =	shalt  }
0x76: {  	_ =	shalt  }
0x77: {  	_ =	shalt  }
0x78: {  	_ =	shalt  }
0x79: {  	_ =	shalt  }
0x7a: {  	_ =	shalt  }
0x7b: {  	_ =	shalt  }
0x7c: {  	_ =	shalt  }
0x7d: {  	_ =	shalt  }
0x7e: {  	_ =	shalt  }
0x7f: {  	_ =	shalt  }
0x80: {  	_ =	shalt  }
0x81: {  	_ =	shalt  }
0x82: {  	_ =	shalt  }
0x83: {  	_ =	shalt  }
0x84: {  	_ =	shalt  }
0x85: {  	_ =	shalt  }
0x86: {  	_ =	shalt  }
0x87: {  	_ =	shalt  }
.Lfunc_end0:
.L_simem_size_0:
called_computation.2_lowered:
.L_overlay_start_0:
0x88: {  	s2 =	sld [smem:$0x3FD9]  }
0x89: {  	s3 =	sld [smem:$0x3FFE];
	_ =	sdelay $0x1  }
0x8a: {  	s1 =	srdreg.scid  }
0x8b: {  	s0 =	sand.u32 $0x1, s1  }
0x8c: {  	s17 =	sshll.u32 s0, $0xA;
	s2 =	sadd.s32 s3, s2  }
0x8d: {  	s2 =	sadd.s32 s2, s17  }
0x8e: {  	[smem:$0x3FBA] =	sst s2  }
0x8f: {  	_ = 	snop  }
0x90: {  	s2 =	sld [smem:$0x3FD0];
	(tm) =	ssettm $0x1  }
0x91: {  	s18 =	sld [smem:$0x3FFB];
	_ =	sdelay $0x3  }
0x92: {  	_ =	strace s18  }
0x93: {  	s3 =	sld [smem:$0x3FFC];
	_ =	sdelay $0x3  }
0x94: {  	_ =	strace s3  }
0x95: {  	s3 =	sld [smem:$0x3FFD];
	_ =	sdelay $0x3  }
0x96: {  	_ =	strace s3  }
0x97: {  	_ =	strace $0x8FFFFFFF  }
0x98: {  	s19 =	sld [smem:$0x3FDB];
	_ =	sdelay $0x1  }
0x99: {  	s4 =	simm.s32 $_scs_section_size  }
0x9a: {  	s5 =	simm.s32 $_size__tile_overlayer_lowered;
	s6 =	simm.s32 $_tile_overlayer_lowered  }
0x9b: {  	s22 =	simm.s32 $0x1BFF;
	s21 =	sshll.u32 s6, $0x1;
	s3 =	sadd.s32 s4, s19  }
0x9c: {  	s7 =	simm.s32 $0x0;
	s20 =	sshll.u32 s5, $0x1;
	s5 =	sadd.s32 s21, s3  }
0x9d: {  	[timem:s7], [sflag:s22] =	dma.local [hbm:s5], s20  }
0x9e: {  	_ =	swait.ge [sflag:s22], s20  }
0x9f: {  	s4 =	ssub.s32 $0x0, s20;
	[sflag:s22] =	ssyncset.done $0x0  }
0xa0: {  	[sflag:s22] =	ssyncadd.s32 s4;
	_ =	sdelay $0x1  }
0xa1: {  	s23 =	simm.s32 $0x1B8B  }
0xa2: {  	_ =	swait.ge [sflag:s23], $0x1  }
0xa3: {  	[sflag:s23] =	ssyncset.done $0x0  }
0xa4: {  	s25 =	simm.s32 $0x1B8E;
	s24 =	sld [smem:$0x3FFE];
	[sflag:s23] =	ssyncadd.s32 $0xFFFFFFFF  }
0xa5: {  	s26 =	simm.s32 $execute0_lowered;
	[smem:$0x3FD2] =	sst s25  }
0xa6: {  	s5 =	sshll.u32 s26, $0x1;
	_ =	strace $0x8000004C;
	[dreg:$0x1] =	wrdreg $0xFFFFFFFF  }
0xa7: {  	s28 =	simm.s32 $_size_execute0_lowered;
	s3 =	sadd.s32 s3, s5;
	[dreg:$0x0] =	wrdreg $0x0  }
0xa8: {  	s5 =	sshll.u32 s28, $0x1;
	[dreg:$0x2] =	wrdreg s3  }
0xa9: {  	[dreg:$0x3] =	wrdreg s5  }
0xaa: {  	[dreg:$0x4] =	wrdreg $0xC0  }
0xab: {  	_ =	task [dreg:s7], $0x5FFFF  }
0xac: {  	[dreg:$0x1] =	wrdreg $0xFFFFFFFF  }
0xad: {  	[dreg:$0x0] =	wrdreg $0x60  }
0xae: {  	[dreg:$0x2] =	wrdreg s2  }
0xaf: {  	[dreg:$0x3] =	wrdreg s24  }
0xb0: {  	[dreg:$0x4] =	wrdreg $0x88800  }
0xb1: {  	[dreg:$0x5] =	wrdreg $0x9  }
0xb2: {  	_ =	task.clear_ibuf [dreg:s7], $0x6FFFF;
	_ =	strace $0x9000004C  }
0xb3: {  	s29 =	simm.s32 $0x9;
	_ =	strace $0x8000004E  }
0xb4: {  	_ =	swait.ge [sflag:s29], $0x1  }
0xb5: {  	[sflag:s29] =	ssyncadd.s32 $0xFFFFFFFF  }
0xb6: {  	_ =	strace $0x9000004E  }
0xb7: {  	_ =	sfence  }
0xb8: {  	s30 =	sld [smem:$0x0];
	_ =	sdelay $0x2  }
0xb9: {  	s31 =	sshll.u32 s1, $0xD;
	s1 =	sshrl.u32 s1, $0x2  }
0xba: {  	s3 =	sand.u32 $0x4000, s31;
	s1 =	sadd.s32 s1, s30  }
0xbb: {  	s0 =	sor.u32 s3, s0;
	s1 =	sshll.u32 s1, $0x11  }
0xbc: {  	s0 =	sor.u32 s1, s0  }
0xbd: {  	s0 =	sadd.s32 $0x8F2B, s0  }
0xbe: {  	[sflag:s0] =	ssyncadd.remote.s32 $0x1  }
0xbf: {  	_ =	sfence.sel $0xFFFF  }
0xc0: {  	[dreg:$0x0] =	wrdreg $0xFFFFFFFF;
	(pc) =	sbr.abs _section_cstart, $3  }
0xc1: {  	[dreg:$0x1] =	wrdreg $0xFFFFFFFF  }
0xc2: {  	_ =	task.clear_ibuf [dreg:s7], $0x2FFFF;
	_ =	strace $0x9FFFFFFF  }
0xc3: {  	(tm) =	ssettm $0x7FFFFFFF  }
tec
execute0_lowered:
.L_overlay_start_1:
0x0: {  	(tag) =	ssettag $0x1  }
0x1: {  	s1 =	rddreg [dreg:$0x0]  }
0x2: {  	s0 =	rddreg [dreg:$0x1]  }
0x3: {  	s2 =	rddreg [dreg:$0x2]  }
0x4: {  	s4 =	simm.s32 $0x0;
	s3 =	srdreg.scid;
	s11 =	stileid.u32  }
0x5: {  	s12 =	simm.s32 $0x80;
	s13 =	simm.s32 $0x8800;
	s14 =	simm.s32 $0x800  }
0x6: {  	s15 =	simm.s32 $0x6;
	s17 =	simm.s32 $0x4800;
	s18 =	simm.s32 $0x1  }
0x7: {  	s19 =	simm.s32 $0x3;
	s21 =	simm.s32 $0x2;
	s31 =	simm.s32 $0x200  }
0x8: {  	s29 =	simm.s32 $0x780;
	s30 =	simm.s32 $0x100;
	s7 =	smul.u32 $0x14000, s11  }
0x9: {  	[smem:$0x7FF] =	sst s4;
	s3 =	sand.u32 $0x1, s3;
	s23 =	smul.u32 $0x2800, s11  }
0xa: {  	s6 =	sadd.s32 $0xEA00, s0;
	s8 =	sadd.s32 $0x4A00, s0;
	s5 =	smul.u32 $0x140000, s3  }
0xb: {  	s9 =	sshll.u32 s3, $0x4;
	s10 =	smul.u32 $0x28000, s3;
	s3 =	ssub.s32 $0x2, s3  }
0xc: {  	_ =	strace $0x8000004D;
	s22 =	sor.u32 s11, s9;
	s24 =	sshrl.u32 s3, $0x1  }
0xd: {  	s5 =	sadd.s32 s7, s5;
	s7 =	smul.u32 $0x2800, s22;
	s9 =	sadd.s32 s23, s10  }
0xe: {  	s3 =	ssub.s32 s3, s24;
	s23 =	simm.s32 $0x4;
	s5 =	sshrl.u32 s5, $0x3  }
0xf: {  	s9 =	sor.u32 $0x400, s9;
	s3 =	smax.u32 s3, $0x1;
	s0 =	sadd.s32 s5, s0  }
0x10: {  	s7 =	sshrl.u32 s7, $0x3;
	s5 =	smul.u32 $0x280, s11;
	s26 =	sshrl.u32 s9, $0x3  }
0x11: {  	[dreg:$0x6] =	wrdreg s3;
	s3 =	simm.s32 $0x280;
	s25 =	sadd.s32 s6, s7  }
0x12: {  	s9 =	simm.s32 $0x680;
	s7 =	sadd.s32 s8, s7;
	[dreg:$0x4] =	wrdreg s25  }
0x13: {  	s28 =	sadd.s32 s26, s8;
	s0 =	sadd.s32 $0x18C00, s0;
	[dreg:$0x5] =	wrdreg s7  }
0x14: {  	s6 =	sadd.s32 s26, s6;
	s8 =	simm.s32 $0x5;
	[dreg:$0x7] =	wrdreg s0  }
0x15: {  	s25 =	simm.s32 $0x400;
	s0 =	simm.s32 $0x0;
	[dreg:$0x8] =	wrdreg s28  }
0x16: {  	v0 =	vimm.f32 $0.0e+00;
	v1 =	vlaneseq.u32;
	[dreg:$0x9] =	wrdreg s6;
	s6 =	simm.s32 $0x600;
	s7 =	simm.s32 $0x300  }
.LBB2_1:
0x17: {  	s11 =	simm.s32 $0x0;
	s20 =	simm.s32 $0x200  }
.LBB2_2:
0x18: {  	p0 =	sne.s32 s20, $0xFE00;
	[tilespmem:s11+$0x870] =	vst v0  }
0x19: {  	[tilespmem:s11+$0x800] =	vst v0  }
0x1a: {  	[tilespmem:s11+$0x810] =	vst v0  }
.Ltmp0:
0x1b: {  	[tilespmem:s11+$0x820] =	vst v0;
	(pc) =	sbr.rel @p0 .LBB2_2-.Ltmp0, $4  }
0x1c: {  	[tilespmem:s11+$0x830] =	vst v0  }
0x1d: {  	[tilespmem:s11+$0x840] =	vst v0  }
0x1e: {  	[tilespmem:s11+$0x850] =	vst v0  }
0x1f: {  	[tilespmem:s11+$0x860] =	vst v0;
	s11 =	sshra.s32 s20, $0x2;
	s20 =	sadd.s32 $0x200, s20  }
0x20: {  	[tilespmem:s11+$0x870] =	vst v0  }
0x21: {  	[tilespmem:s11+$0x800] =	vst v0  }
0x22: {  	[tilespmem:s11+$0x810] =	vst v0  }
0x23: {  	[tilespmem:s11+$0x820] =	vst v0  }
0x24: {  	[tilespmem:s11+$0x830] =	vst v0  }
0x25: {  	[tilespmem:s11+$0x840] =	vst v0  }
0x26: {  	[tilespmem:s11+$0x850] =	vst v0;
	s20 =	sadd.s32 $0x0, s5  }
0x27: {  	[tilespmem:s11+$0x860] =	vst v0;
	v2 =	vor.u32 s20, v1;
	s10 =	sadd.s32 $0x70, s20  }
0x28: {  	s22 =	sadd.s32 $0x60, s20;
	[tilespmem:$0x8800] =	vst v2;
	v2 =	vor.u32 s10, v1  }
0x29: {  	s26 =	sadd.s32 $0x30, s20;
	v3 =	vor.u32 s22, v1;
	[tilespmem:$0x8870] =	vst v2  }
0x2a: {  	s16 =	sadd.s32 $0x50, s20;
	v4 =	vor.u32 s26, v1;
	[tilespmem:$0x8860] =	vst v3  }
0x2b: {  	s24 =	sadd.s32 $0x40, s20;
	v2 =	vor.u32 s16, v1;
	[tilespmem:$0x8830] =	vst v4  }
0x2c: {  	s28 =	sadd.s32 $0x20, s20;
	v3 =	vor.u32 s24, v1;
	[tilespmem:$0x8850] =	vst v2  }
0x2d: {  	[dreg:$0xa] =	wrdreg s0;
	s11 =	simm.s32 $0x80;
	s20 =	sadd.s32 $0x10, s20;
	[tilespmem:$0x8840] =	vst v3;
	v2 =	vor.u32 s28, v1  }
.LBB2_4:
0x2e: {  	p0 =	sne.s32 s11, $0x200;
	v3 =	vor.u32 s20, v1;
	[tilespmem:$0x8820] =	vst v2  }
0x2f: {  	[tilespmem:$0x8810] =	vst v3;
	[spmem:s2] =	stream.indirect.scatter [tilespmem:s14], [sflag:$0x6], $0x80, s13, s12, $0xb8  }
0x30: {  	_ =	swait.ge [sflag:s15], $0x4000  }
0x31: {  	s20 =	sadd.s32 s11, s5;
	[sflag:s15] =	ssyncset.done $0x0  }
0x32: {  	v2 =	vor.u32 s20, v1;
	s22 =	sadd.s32 $0x70, s20;
	[sflag:s15] =	ssyncadd.s32 $0xFFFFC000  }
0x33: {  	s24 =	sadd.s32 $0x60, s20;
	[tilespmem:$0x8800] =	vst v2;
	v2 =	vor.u32 s22, v1  }
.Ltmp1:
0x34: {  	v3 =	vor.u32 s24, v1;
	s22 =	sadd.s32 $0x50, s20;
	[tilespmem:$0x8870] =	vst v2;
	(pc) =	sbr.rel @p0 .LBB2_4-.Ltmp1, $4  }
0x35: {  	s24 =	sadd.s32 $0x40, s20;
	v2 =	vor.u32 s22, v1;
	[tilespmem:$0x8860] =	vst v3  }
0x36: {  	s22 =	sadd.s32 $0x30, s20;
	v3 =	vor.u32 s24, v1;
	[tilespmem:$0x8850] =	vst v2  }
0x37: {  	s24 =	sadd.s32 $0x20, s20;
	v4 =	vor.u32 s22, v1;
	[tilespmem:$0x8840] =	vst v3  }
0x38: {  	s11 =	sadd.s32 $0x80, s11;
	s20 =	sadd.s32 $0x10, s20;
	v2 =	vor.u32 s24, v1;
	[tilespmem:$0x8830] =	vst v4  }
0x39: {  	v3 =	vor.u32 s20, v1;
	[tilespmem:$0x8820] =	vst v2  }
0x3a: {  	[tilespmem:$0x8810] =	vst v3  }
0x3b: {  	[spmem:s2] =	stream.indirect.scatter [tilespmem:s14], [sflag:$0x6], $0x80, s13, s12, $0xb8;
	[tilespmem:$0x1C880] =	vst v63  }
0x3c: {  	_ =	swait.ge [sflag:s15], $0x4000  }
0x3d: {  	[sflag:s15] =	ssyncset.done $0x0  }
0x3e: {  	[sflag:s15] =	ssyncadd.s32 $0xFFFFC000  }
0x3f: {  	[bflag:$0x0] =	sbarrier.arrive $0xFFFF  }
0x40: {  	s11 =	simm.s32 $0x0;
	s16 =	rddreg [dreg:$0x4]  }
0x41: {  	[tilespmem:s11], [sflag:$0x6] =	stream.linear.gather [hbm4b:s16+s11], $0x400, $0x38;
	[tilespmem:$0x1C880] =	vst v63  }
0x42: {  	_ =	swait.ge [sflag:s15], $0x400  }
0x43: {  	[sflag:s15] =	ssyncset.done $0x0  }
0x44: {  	s26 =	rddreg [dreg:$0x5];
	[sflag:s15] =	ssyncadd.s32 $0xFFFFFC00  }
0x45: {  	[tilespmem:s25], [sflag:$0x6] =	stream.linear.gather [hbm4b:s26+s11], $0x400, $0x38;
	[tilespmem:$0x1C880] =	vst v63  }
0x46: {  	s0 =	simm.s32 $0x580;
	_ =	swait.ge [sflag:s15], $0x400  }
0x47: {  	s16 =	simm.s32 $0x700;
	[sflag:s15] =	ssyncset.done $0x0;
	s10 =	rddreg [dreg:$0x8]  }
0x48: {  	s26 =	simm.s32 $0x380;
	s28 =	rddreg [dreg:$0x9];
	[sflag:s15] =	ssyncadd.s32 $0xFFFFFC00  }
0x49: {  	[tilespmem:s14], [sflag:$0x1] =	stream.indirect.gather [hbm4b:s1+s12], $0x80, s11, s12, $0xb8;
	[tilespmem:$0x1C880] =	vst v63  }
.LBB2_6:
0x4a: {  	[tilespmem:s17], [sflag:$0x2] =	stream.indirect.gather [hbm4b:s1+s12], $0x80, s12, s12, $0xb8;
	[tilespmem:$0x1C880] =	vst v63  }
0x4b: {  	_ =	swait.ge [sflag:s18], $0x4000  }
0x4c: {  	[sflag:s18] =	ssyncset.done $0x0  }
0x4d: {  	[sflag:s18] =	ssyncadd.s32 $0xFFFFC000  }
0x4e: {  	[spmem:s2] =	stream.indirect.scatter.add.f32 [tilespmem:s14], [sflag:$0x3], $0x80, s25, s12, $0xb8;
	[tilespmem:$0x1C880] =	vst v63  }
0x4f: {  	_ =	swait.ge [sflag:s19], $0x4000  }
0x50: {  	[sflag:s19] =	ssyncset.done $0x0  }
0x51: {  	[sflag:s19] =	ssyncadd.s32 $0xFFFFC000  }
0x52: {  	[tilespmem:s14], [sflag:$0x1] =	stream.indirect.gather [hbm4b:s1+s12], $0x80, s30, s12, $0xb8;
	[tilespmem:$0x1C880] =	vst v63  }
0x53: {  	_ =	swait.ge [sflag:s21], $0x4000  }
0x54: {  	[sflag:s21] =	ssyncset.done $0x0  }
0x55: {  	s20 =	simm.s32 $0x480;
	[sflag:s21] =	ssyncadd.s32 $0xFFFFC000  }
0x56: {  	[spmem:s2] =	stream.indirect.scatter.add.f32 [tilespmem:s17], [sflag:$0x4], $0x80, s20, s12, $0xb8;
	[tilespmem:$0x1C880] =	vst v63  }
0x57: {  	_ =	swait.ge [sflag:s23], $0x4000  }
0x58: {  	[sflag:s23] =	ssyncset.done $0x0  }
0x59: {  	s24 =	simm.s32 $0x180;
	[sflag:s23] =	ssyncadd.s32 $0xFFFFC000  }
0x5a: {  	[tilespmem:s17], [sflag:$0x2] =	stream.indirect.gather [hbm4b:s1+s12], $0x80, s24, s12, $0xb8;
	[tilespmem:$0x1C880] =	vst v63  }
0x5b: {  	_ =	swait.ge [sflag:s18], $0x4000  }
0x5c: {  	[sflag:s18] =	ssyncset.done $0x0  }
0x5d: {  	s25 =	simm.s32 $0x500;
	[sflag:s18] =	ssyncadd.s32 $0xFFFFC000  }
0x5e: {  	[spmem:s2] =	stream.indirect.scatter.add.f32 [tilespmem:s14], [sflag:$0x3], $0x80, s25, s12, $0xb8;
	[tilespmem:$0x1C880] =	vst v63  }
0x5f: {  	_ =	swait.ge [sflag:s19], $0x4000  }
0x60: {  	[sflag:s19] =	ssyncset.done $0x0  }
0x61: {  	[sflag:s19] =	ssyncadd.s32 $0xFFFFC000  }
0x62: {  	[tilespmem:s14], [sflag:$0x1] =	stream.indirect.gather [hbm4b:s1+s12], $0x80, s31, s12, $0xb8;
	[tilespmem:$0x1C880] =	vst v63  }
0x63: {  	_ =	swait.ge [sflag:s21], $0x4000  }
0x64: {  	[sflag:s21] =	ssyncset.done $0x0  }
0x65: {  	[sflag:s21] =	ssyncadd.s32 $0xFFFFC000  }
0x66: {  	[spmem:s2] =	stream.indirect.scatter.add.f32 [tilespmem:s17], [sflag:$0x4], $0x80, s0, s12, $0xb8;
	[tilespmem:$0x1C880] =	vst v63  }
0x67: {  	_ =	swait.ge [sflag:s23], $0x4000  }
0x68: {  	[sflag:s23] =	ssyncset.done $0x0  }
0x69: {  	[sflag:s23] =	ssyncadd.s32 $0xFFFFC000  }
0x6a: {  	[tilespmem:s17], [sflag:$0x2] =	stream.indirect.gather [hbm4b:s1+s12], $0x80, s3, s12, $0xb8;
	[tilespmem:$0x1C880] =	vst v63  }
0x6b: {  	_ =	swait.ge [sflag:s18], $0x4000  }
0x6c: {  	[sflag:s18] =	ssyncset.done $0x0  }
0x6d: {  	[sflag:s18] =	ssyncadd.s32 $0xFFFFC000  }
0x6e: {  	[spmem:s2] =	stream.indirect.scatter.add.f32 [tilespmem:s14], [sflag:$0x3], $0x80, s6, s12, $0xb8;
	[tilespmem:$0x1C880] =	vst v63  }
0x6f: {  	_ =	swait.ge [sflag:s19], $0x4000  }
0x70: {  	[sflag:s19] =	ssyncset.done $0x0  }
0x71: {  	[sflag:s19] =	ssyncadd.s32 $0xFFFFC000  }
0x72: {  	[tilespmem:s14], [sflag:$0x1] =	stream.indirect.gather [hbm4b:s1+s12], $0x80, s7, s12, $0xb8;
	[tilespmem:$0x1C880] =	vst v63  }
0x73: {  	_ =	swait.ge [sflag:s21], $0x4000  }
0x74: {  	[sflag:s21] =	ssyncset.done $0x0  }
0x75: {  	[sflag:s21] =	ssyncadd.s32 $0xFFFFC000  }
0x76: {  	[spmem:s2] =	stream.indirect.scatter.add.f32 [tilespmem:s17], [sflag:$0x4], $0x80, s9, s12, $0xb8;
	[tilespmem:$0x1C880] =	vst v63  }
0x77: {  	_ =	swait.ge [sflag:s23], $0x4000  }
0x78: {  	[sflag:s23] =	ssyncset.done $0x0  }
0x79: {  	[sflag:s23] =	ssyncadd.s32 $0xFFFFC000  }
0x7a: {  	[tilespmem:s17], [sflag:$0x2] =	stream.indirect.gather [hbm4b:s1+s12], $0x80, s26, s12, $0xb8;
	[tilespmem:$0x1C880] =	vst v63  }
0x7b: {  	_ =	swait.ge [sflag:s18], $0x4000  }
0x7c: {  	[sflag:s18] =	ssyncset.done $0x0  }
0x7d: {  	[sflag:s18] =	ssyncadd.s32 $0xFFFFC000  }
0x7e: {  	[spmem:s2] =	stream.indirect.scatter.add.f32 [tilespmem:s14], [sflag:$0x3], $0x80, s16, s12, $0xb8;
	[tilespmem:$0x1C880] =	vst v63  }
0x7f: {  	_ =	swait.ge [sflag:s19], $0x4000  }
0x80: {  	[sflag:s19] =	ssyncset.done $0x0  }
0x81: {  	[sflag:s19] =	ssyncadd.s32 $0xFFFFC000  }
0x82: {  	_ =	swait.ge [sflag:s21], $0x4000  }
0x83: {  	[sflag:s21] =	ssyncset.done $0x0  }
0x84: {  	[sflag:s21] =	ssyncadd.s32 $0xFFFFC000  }
0x85: {  	[spmem:s2] =	stream.indirect.scatter.add.f32 [tilespmem:s17], [sflag:$0x6], $0x80, s29, s12, $0xb8;
	[tilespmem:$0x1C880] =	vst v63  }
0x86: {  	_ =	swait.ge [sflag:s15], $0x4000  }
0x87: {  	p0 =	seq.s32 s11, $0x480;
	[sflag:s15] =	ssyncset.done $0x0  }
0x88: {  	s22 =	simm.s32 @!p0 $0x0;
	s20 =	sadd.s32 @!p0 s11, s28;
	[sflag:s15] =	ssyncadd.s32 $0xFFFFC000  }
0x89: {  	[tilespmem:s22], [sflag:$0x6] =	stream.linear.gather @!p0 [hbm4b:s20+s22], $0x400, $0x38;
	[tilespmem:$0x1C880] =	vst v63  }
0x8a: {  	s20 =	simm.s32 @!p0 $0x6  }
0x8b: {  	_ =	swait.ge @!p0 [sflag:s20], $0x400  }
0x8c: {  	[sflag:s20] =	ssyncset.done @!p0 $0x0  }
0x8d: {  	s24 =	sadd.s32 @!p0 s11, s10;
	s25 =	simm.s32 @!p0 $0x400;
	[sflag:s20] =	ssyncadd.s32 @!p0 $0xFFFFFC00  }
0x8e: {  	[tilespmem:s25], [sflag:$0x6] =	stream.linear.gather @!p0 [hbm4b:s24+s22], $0x400, $0x38;
	[tilespmem:$0x1C880] =	vst v63  }
0x8f: {  	s11 =	sadd.s32 @!p0 $0x80, s11;
	_ =	swait.ge @!p0 [sflag:s20], $0x400  }
0x90: {  	p1 =	sne.s32 @!p0 s11, $0x500;
	[sflag:s20] =	ssyncset.done @!p0 $0x0  }
0x91: {  	s24 =	simm.s32 @!p0 $0x800;
	[sflag:s20] =	ssyncadd.s32 @!p0 $0xFFFFFC00;
	s20 =	simm.s32 @!p0 $0x80  }
0x92: {  	[tilespmem:s24], [sflag:$0x1] =	stream.indirect.gather @!p0 [hbm4b:s1+s20], $0x80, s22, s20, $0xb8;
	[tilespmem:$0x1C880] =	vst v63  }
0x93: {  	p0 =	por p0, !p1  }
.Ltmp2:
0x94: {  	_ = 	snop;
	(pc) =	sbr.rel @!p0 .LBB2_6-.Ltmp2, $2  }
0x95: {  	_ =	sdelay $0x2  }
0x96: {  	s25 =	simm.s32 $0x400  }
0x97: {  	s11 =	sadd.s32 $0x0, s5  }
0x98: {  	[bflag:$0x0] =	sbarrier.arrive $0xFFFF;
	v2 =	vor.u32 s11, v1;
	s20 =	sadd.s32 $0x10, s11  }
0x99: {  	s22 =	sadd.s32 $0x20, s11;
	[tilespmem:$0x8800] =	vst v2;
	v2 =	vor.u32 s20, v1  }
0x9a: {  	s24 =	sadd.s32 $0x70, s11;
	v3 =	vor.u32 s22, v1;
	[tilespmem:$0x8810] =	vst v2  }
0x9b: {  	s26 =	sadd.s32 $0x40, s11;
	v2 =	vor.u32 s24, v1;
	[tilespmem:$0x8820] =	vst v3  }
0x9c: {  	s25 =	sadd.s32 $0x50, s11;
	v3 =	vor.u32 s26, v1;
	[tilespmem:$0x8870] =	vst v2  }
0x9d: {  	s28 =	sadd.s32 $0x60, s11;
	s11 =	sadd.s32 $0x30, s11;
	v2 =	vor.u32 s25, v1;
	[tilespmem:$0x8840] =	vst v3  }
0x9e: {  	v3 =	vor.u32 s11, v1;
	[tilespmem:$0x8850] =	vst v2  }
0x9f: {  	s20 =	rddreg [dreg:$0x7];
	v2 =	vor.u32 s28, v1;
	[tilespmem:$0x8830] =	vst v3  }
0xa0: {  	s22 =	smov.u32 s20;
	s11 =	simm.s32 $0x80;
	[tilespmem:$0x8860] =	vst v2  }
0xa1: {  	[tilespmem:s14], [sflag:$0x5] =	stream.indirect.gather [spmem:s2], $0x80, s13, s12, $0xb8;
	[tilespmem:$0x1C880] =	vst v63  }
.LBB2_8:
0xa2: {  	p0 =	sne.s32 s11, $0x200;
	_ =	swait.ge [sflag:s8], $0x4000;
	s22 =	sadd.s32 $0x800, s22  }
0xa3: {  	s24 =	smov.u32 s11;
	s11 =	sadd.s32 $0x80, s11;
	[sflag:s8] =	ssyncset.done $0x0  }
0xa4: {  	[sflag:s8] =	ssyncadd.s32 $0xFFFFC000  }
0xa5: {  	[hbm4b:s20+s4] =	stream.linear.scatter [tilespmem:s14], [sflag:$0x6], $0x4000, $0x38;
	[tilespmem:$0x1C880] =	vst v63  }
0xa6: {  	s20 =	smov.u32 s22;
	_ =	swait.ge [sflag:s15], $0x4000  }
0xa7: {  	s24 =	sadd.s32 s24, s5;
	[sflag:s15] =	ssyncset.done $0x0  }
0xa8: {  	v2 =	vor.u32 s24, v1;
	s25 =	sadd.s32 $0x10, s24;
	s26 =	sadd.s32 $0x20, s24;
	[sflag:s15] =	ssyncadd.s32 $0xFFFFC000  }
0xa9: {  	s16 =	sadd.s32 $0x70, s24;
	v3 =	vor.u32 s26, v1;
	s26 =	sadd.s32 $0x50, s24;
	[tilespmem:$0x8800] =	vst v2;
	v2 =	vor.u32 s25, v1;
	s25 =	sadd.s32 $0x40, s24  }
0xaa: {  	s28 =	sadd.s32 $0x30, s24;
	v5 =	vor.u32 s16, v1;
	v4 =	vor.u32 s26, v1;
	s24 =	sadd.s32 $0x60, s24;
	[tilespmem:$0x8810] =	vst v2;
	v2 =	vor.u32 s25, v1  }
0xab: {  	v6 =	vor.u32 s28, v1;
	v7 =	vor.u32 s24, v1;
	[tilespmem:$0x8870] =	vst v5  }
0xac: {  	[tilespmem:$0x8820] =	vst v3  }
.Ltmp3:
0xad: {  	[tilespmem:$0x8850] =	vst v4;
	(pc) =	sbr.rel @p0 .LBB2_8-.Ltmp3, $4  }
0xae: {  	[tilespmem:$0x8840] =	vst v2  }
0xaf: {  	[tilespmem:$0x8860] =	vst v7  }
0xb0: {  	[tilespmem:$0x8830] =	vst v6  }
0xb1: {  	[tilespmem:s14], [sflag:$0x5] =	stream.indirect.gather [spmem:s2], $0x80, s13, s12, $0xb8;
	[tilespmem:$0x1C880] =	vst v63  }
0xb2: {  	_ =	swait.ge [sflag:s8], $0x4000  }
0xb3: {  	[sflag:s8] =	ssyncset.done $0x0  }
0xb4: {  	[sflag:s8] =	ssyncadd.s32 $0xFFFFC000  }
0xb5: {  	[hbm4b:s20+s4] =	stream.linear.scatter [tilespmem:s14], [sflag:$0x6], $0x4000, $0x38;
	[tilespmem:$0x1C880] =	vst v63  }
0xb6: {  	_ =	swait.ge [sflag:s15], $0x4000  }
0xb7: {  	s0 =	rddreg [dreg:$0xa]  }
0xb8: {  	s11 =	rddreg [dreg:$0x6];
	s0 =	sadd.s32 $0x1, s0  }
0xb9: {  	p0 =	sne.s32 s0, s11  }
.Ltmp4:
0xba: {  	_ = 	snop;
	(pc) =	sbr.rel @p0 .LBB2_1-.Ltmp4, $3  }
0xbb: {  	_ =	sdelay $0x1  }
0xbc: {  	[sflag:s15] =	ssyncset.done $0x0  }
0xbd: {  	s25 =	simm.s32 $0x400;
	[sflag:s15] =	ssyncadd.s32 $0xFFFFC000  }
0xbe: {  	_ =	sfence.sel $0x180000  }
0xbf: {  	[bflag:$0x0] =	sbarrier.arrive $0xFFFF  }
0xc0: {  	_ =	strace $0x9000004D  }
0xc1: {  	s0 =	stileid.u32;
	[bflag:$0x2] =	sbarrier.arrive $0xFFFF  }
0xc2: {  	p0 =	sne.s32 s0, $0x0;
	s0 =	rddreg [dreg:$0x3]  }
0xc3: {  	s0 =	sadd.s32 @!p0 $0x100000, s0  }
0xc4: {  	[sflag:s0] =	ssyncadd.tile.s32 @!p0 $0x1;
	_ =	shalt  }
.Lfunc_end2:
_tile_overlayer_lowered:
.L_overlay_start_2:
0xc5: {  	(tag) =	ssettag $0x2  }
0xc6: {  	s0 =	rddreg [dreg:$0x0];
	s2 =	stileid.u32  }
0xc7: {  	s1 =	rddreg [dreg:$0x1];
	p0 =	sne.s32 s2, $0x0  }
0xc8: {  	s3 =	rddreg [dreg:$0x2];
	[bflag:$0x3] =	sbarrier.arrive $0xFFFF;
	s2 =	simm.s32 @!p0 $0x1C06  }
0xc9: {  	[timem:s3], [sflag:s2] =	dma.local @!p0 [hbm:s0], s1  }
0xca: {  	s0 =	simm.s32 @!p0 $0x6  }
0xcb: {  	_ =	swait.ge @!p0 [sflag:s0], s1  }
0xcc: {  	s1 =	ssub.s32 @!p0 $0x0, s1;
	[sflag:s0] =	ssyncset.done @!p0 $0x0  }
0xcd: {  	[sflag:s0] =	ssyncadd.s32 @!p0 s1  }
0xce: {  	[bflag:$0x3] =	sbarrier.arrive $0xFFFF  }
0xcf: {  	_ =	shalt  }

// kernel: kernel.9.cloned.1.call-start
scs
__scs_entry_jumppad:
0x0: {  	(pc) =	sbr.rel $0x88, $3  }
0x1: {  	(tag) =	ssettag $0x0;
	lr =	simm.s32 $0x1  }
0x2: {  	[smem:$0x3F93] =	sst lr;
	_ =	strace $0xD0000000  }
0x3: {  	_ = 	snop  }
0x4: {  	_ = 	snop  }
0x5: {  	_ = 	snop  }
0x6: {  	_ = 	snop  }
0x7: {  	_ = 	snop  }
__scs_overlays_trampoline_lowered:
0x8: {  	[smem:$0x3FA2] =	sst s0  }
0x9: {  	[smem:$0x3FA3] =	sst s1  }
0xa: {  	[smem:$0x3FA4] =	sst s2  }
0xb: {  	[smem:$0x3FA5] =	sst s3  }
0xc: {  	[smem:$0x3FA6] =	sst s4  }
0xd: {  	[smem:$0x3FA7] =	sst s5  }
0xe: {  	[smem:$0x3FA8] =	sst s6  }
0xf: {  	[smem:$0x3FA9] =	sst s7  }
0x10: {  	[smem:$0x3FAA] =	sst s8  }
0x11: {  	[smem:$0x3FAB] =	sst s9;
	s0 =	simm.s32 @!p0 $0x0  }
0x12: {  	s1 =	sld [smem:$0x3F91];
	s0 =	simm.s32 @p0 $0x1  }
0x13: {  	[smem:$0x3FAC] =	sst s0;
	s0 =	simm.s32 @!p1 $0x0  }
0x14: {  	s2 =	sld [smem:$0x3F90];
	s0 =	simm.s32 @p1 $0x1  }
0x15: {  	[smem:$0x3FAD] =	sst s0;
	s0 =	simm.s32 @!p2 $0x0  }
0x16: {  	s3 =	sld [smem:$0x3FDB];
	s0 =	simm.s32 @p2 $0x1  }
0x17: {  	s4 =	simm.s32 $0x1BF5;
	[smem:$0x3FAF] =	sst s0  }
0x18: {  	s0 =	sld [smem:$0x3F92];
	_ =	swait.ge [sflag:s4], $0x0  }
0x19: {  	s7 =	sld [smem:$0x3F93]  }
0x1a: {  	s8 =	sadd.s32 $0xFFFFE003, lr  }
0x1b: {  	s9 =	sadd.s32 $0xFFFFFEF7, lr;
	s5 =	simm.s32 $0xFFFFFFFF;
	p2 =	slt.u32 s8, $0xFFFFF086  }
0x1c: {  	p1 =	slt.u32 s9, $0xF7A;
	s5 =	simm.s32 @!p2 $0x0  }
0x1d: {  	s5 =	simm.s32 @p1 $0x1;
	p0 =	seq.s32 s7, s2  }
0x1e: {  	s7 =	smul.u32 @!p0 $0xF7A, s2;
	p2 =	seq.s32 @!p0 s5, $0x0  }
0x1f: {  	s9 =	smul.u32 $0xF7A, s1;
	s8 =	simm.s32 @!p0 $0x1BF5;
	p2 =	por !p2, p0  }
0x20: {  	[sflag:s8] =	ssyncset.s32 @!p0 $0xFFFFF086;
	s6 =	sadd.s32 @!p0 s3, s7;
	s7 =	simm.s32 @!p0 $0x108  }
0x21: {  	s3 =	sadd.s32 s3, s9;
	s6 =	sadd.s32 @!p0 $0x88, s6;
	s7 =	simm.s32 @p2 $0x1082  }
0x22: {  	[simem:s7], [sflag:s8] =	dma.local @!p0 [hbm:s6], $0xF7A  }
0x23: {  	s9 =	sor.u32 $0xD0000000, s2;
	s6 =	simm.s32 $0x108;
	_ =	swait.ge @!p0 [sflag:s8], $0x0  }
0x24: {  	s3 =	sadd.s32 $0x88, s3;
	s6 =	simm.s32 @!p1 $0x1082;
	[sflag:s4] =	ssyncset.s32 $0xFFFFF086  }
0x25: {  	[simem:s6], [sflag:s4] =	dma.local [hbm:s3], $0xF7A  }
0x26: {  	[smem:$0x3F93] =	sst s1;
	(tag) =	ssettag s2;
	_ =	strace s9  }
0x27: {  	s1 =	sld [smem:$0x3FA3]  }
0x28: {  	s2 =	sld [smem:$0x3FA4]  }
0x29: {  	s4 =	sld [smem:$0x3FA6]  }
0x2a: {  	p0 =	seq.s32 s5, $0x0;
	s5 =	sld [smem:$0x3FA7]  }
0x2b: {  	s6 =	sld [smem:$0x3FA8]  }
0x2c: {  	s7 =	sld [smem:$0x3FA9]  }
0x2d: {  	s3 =	simm.s32 $0x108;
	s8 =	sld [smem:$0x3FAA]  }
0x2e: {  	s3 =	simm.s32 @!p0 $0x1082;
	s9 =	sld [smem:$0x3FAB]  }
0x2f: {  	lr =	sadd.s32 s0, s3;
	s0 =	sld [smem:$0x3FA2]  }
0x30: {  	s3 =	sld [smem:$0x3FA5]  }
0x31: {  	[smem:$0x3FAE] =	sst s10  }
0x32: {  	s10 =	sld [smem:$0x3FAC];
	_ =	sdelay $0x3  }
0x33: {  	p0 =	seq.s32 s10, $0x1;
	s10 =	sld [smem:$0x3FAE];
	_ =	sdelay $0x3  }
0x34: {  	[smem:$0x3FAE] =	sst s10  }
0x35: {  	s10 =	sld [smem:$0x3FAD];
	_ =	sdelay $0x3  }
0x36: {  	p1 =	seq.s32 s10, $0x1;
	s10 =	sld [smem:$0x3FAE];
	_ =	sdelay $0x3  }
0x37: {  	[smem:$0x3FAE] =	sst s10  }
0x38: {  	s10 =	sld [smem:$0x3FAF]  }
0x39: {  	_ = 	snop;
	(pc) =	sbr.ind lr, $3  }
0x3a: {  	_ = 	snop  }
0x3b: {  	_ = 	snop  }
0x3c: {  	p2 =	seq.s32 s10, $0x1;
	s10 =	sld [smem:$0x3FAE]  }
0x3d: {  	_ =	shalt  }
0x3e: {  	_ =	shalt  }
0x3f: {  	_ =	shalt  }
0x40: {  	_ =	shalt  }
0x41: {  	_ =	shalt  }
0x42: {  	_ =	shalt  }
0x43: {  	_ =	shalt  }
0x44: {  	_ =	shalt  }
0x45: {  	_ =	shalt  }
0x46: {  	_ =	shalt  }
0x47: {  	_ =	shalt  }
0x48: {  	_ =	shalt  }
0x49: {  	_ =	shalt  }
0x4a: {  	_ =	shalt  }
0x4b: {  	_ =	shalt  }
0x4c: {  	_ =	shalt  }
0x4d: {  	_ =	shalt  }
0x4e: {  	_ =	shalt  }
0x4f: {  	_ =	shalt  }
0x50: {  	_ =	shalt  }
0x51: {  	_ =	shalt  }
0x52: {  	_ =	shalt  }
0x53: {  	_ =	shalt  }
0x54: {  	_ =	shalt  }
0x55: {  	_ =	shalt  }
0x56: {  	_ =	shalt  }
0x57: {  	_ =	shalt  }
0x58: {  	_ =	shalt  }
0x59: {  	_ =	shalt  }
0x5a: {  	_ =	shalt  }
0x5b: {  	_ =	shalt  }
0x5c: {  	_ =	shalt  }
0x5d: {  	_ =	shalt  }
0x5e: {  	_ =	shalt  }
0x5f: {  	_ =	shalt  }
0x60: {  	_ =	shalt  }
0x61: {  	_ =	shalt  }
0x62: {  	_ =	shalt  }
0x63: {  	_ =	shalt  }
0x64: {  	_ =	shalt  }
0x65: {  	_ =	shalt  }
0x66: {  	_ =	shalt  }
0x67: {  	_ =	shalt  }
0x68: {  	_ =	shalt  }
0x69: {  	_ =	shalt  }
0x6a: {  	_ =	shalt  }
0x6b: {  	_ =	shalt  }
0x6c: {  	_ =	shalt  }
0x6d: {  	_ =	shalt  }
0x6e: {  	_ =	shalt  }
0x6f: {  	_ =	shalt  }
0x70: {  	_ =	shalt  }
0x71: {  	_ =	shalt  }
0x72: {  	_ =	shalt  }
0x73: {  	_ =	shalt  }
0x74: {  	_ =	shalt  }
0x75: {  	_ =	shalt  }
0x76: {  	_ =	shalt  }
0x77: {  	_ =	shalt  }
0x78: {  	_ =	shalt  }
0x79: {  	_ =	shalt  }
0x7a: {  	_ =	shalt  }
0x7b: {  	_ =	shalt  }
0x7c: {  	_ =	shalt  }
0x7d: {  	_ =	shalt  }
0x7e: {  	_ =	shalt  }
0x7f: {  	_ =	shalt  }
0x80: {  	_ =	shalt  }
0x81: {  	_ =	shalt  }
0x82: {  	_ =	shalt  }
0x83: {  	_ =	shalt  }
0x84: {  	_ =	shalt  }
0x85: {  	_ =	shalt  }
0x86: {  	_ =	shalt  }
0x87: {  	_ =	shalt  }
.Lfunc_end0:
.L_simem_size_0:
called_computation_lowered:
.L_overlay_start_0:
0x88: {  	s2 =	sld [smem:$0x3FD9]  }
0x89: {  	s3 =	sld [smem:$0x3FFE];
	_ =	sdelay $0x1  }
0x8a: {  	s1 =	srdreg.scid  }
0x8b: {  	s0 =	sand.u32 $0x1, s1  }
0x8c: {  	s17 =	sshll.u32 s0, $0xA;
	s2 =	sadd.s32 s3, s2  }
0x8d: {  	s2 =	sadd.s32 s2, s17  }
0x8e: {  	[smem:$0x3FBA] =	sst s2  }
0x8f: {  	_ = 	snop  }
0x90: {  	s2 =	sld [smem:$0x3FC9]  }
0x91: {  	s18 =	sld [smem:$0x3FD0];
	(tm) =	ssettm $0x1  }
0x92: {  	s4 =	sld [smem:$0x3FFB];
	_ =	sdelay $0x3  }
0x93: {  	_ =	strace s4  }
0x94: {  	s4 =	sld [smem:$0x3FFC];
	_ =	sdelay $0x3  }
0x95: {  	_ =	strace s4  }
0x96: {  	s4 =	sld [smem:$0x3FFD];
	_ =	sdelay $0x3  }
0x97: {  	_ =	strace s4  }
0x98: {  	_ =	strace $0x8FFFFFFF  }
0x99: {  	s19 =	sld [smem:$0x3FDB];
	_ =	sdelay $0x1  }
0x9a: {  	s5 =	simm.s32 $_scs_section_size  }
0x9b: {  	s6 =	simm.s32 $_size__tile_overlayer_lowered;
	s7 =	simm.s32 $_tile_overlayer_lowered  }
0x9c: {  	s22 =	simm.s32 $0x1BFF;
	s21 =	sshll.u32 s7, $0x1;
	s4 =	sadd.s32 s5, s19  }
0x9d: {  	s8 =	simm.s32 $0x0;
	s20 =	sshll.u32 s6, $0x1;
	s6 =	sadd.s32 s21, s4  }
0x9e: {  	[timem:s8], [sflag:s22] =	dma.local [hbm:s6], s20  }
0x9f: {  	_ =	swait.ge [sflag:s22], s20  }
0xa0: {  	s5 =	ssub.s32 $0x0, s20;
	[sflag:s22] =	ssyncset.done $0x0  }
0xa1: {  	[sflag:s22] =	ssyncadd.s32 s5;
	_ =	sdelay $0x1  }
0xa2: {  	s23 =	simm.s32 $0x1B8B  }
0xa3: {  	_ =	swait.ge [sflag:s23], $0x1  }
0xa4: {  	[sflag:s23] =	ssyncset.done $0x0  }
0xa5: {  	s25 =	simm.s32 $0x1B8E;
	s24 =	sld [smem:$0x3FFE];
	[sflag:s23] =	ssyncadd.s32 $0xFFFFFFFF  }
0xa6: {  	s26 =	simm.s32 $execute0_lowered;
	[smem:$0x3FD2] =	sst s25  }
0xa7: {  	s6 =	sshll.u32 s26, $0x1;
	_ =	strace $0x80000046;
	[dreg:$0x1] =	wrdreg $0xFFFFFFFF  }
0xa8: {  	s28 =	simm.s32 $_size_execute0_lowered;
	s4 =	sadd.s32 s4, s6;
	[dreg:$0x0] =	wrdreg $0x0  }
0xa9: {  	s6 =	sshll.u32 s28, $0x1;
	[dreg:$0x2] =	wrdreg s4  }
0xaa: {  	[dreg:$0x3] =	wrdreg s6  }
0xab: {  	[dreg:$0x4] =	wrdreg $0xC0  }
0xac: {  	_ =	task [dreg:s8], $0x5FFFF  }
0xad: {  	[dreg:$0x1] =	wrdreg $0xFFFFFFFF  }
0xae: {  	[dreg:$0x0] =	wrdreg $0x60  }
0xaf: {  	[dreg:$0x2] =	wrdreg s2  }
0xb0: {  	[dreg:$0x3] =	wrdreg s18  }
0xb1: {  	[dreg:$0x4] =	wrdreg s24  }
0xb2: {  	[dreg:$0x5] =	wrdreg $0x88800  }
0xb3: {  	[dreg:$0x6] =	wrdreg $0x1C8800  }
0xb4: {  	[dreg:$0x7] =	wrdreg $0x9  }
0xb5: {  	_ =	task.clear_ibuf [dreg:s8], $0x8FFFF;
	_ =	strace $0x90000046  }
0xb6: {  	s29 =	simm.s32 $0x9;
	_ =	strace $0x80000048  }
0xb7: {  	_ =	swait.ge [sflag:s29], $0x1  }
0xb8: {  	[sflag:s29] =	ssyncadd.s32 $0xFFFFFFFF  }
0xb9: {  	_ =	strace $0x90000048  }
0xba: {  	_ =	sfence  }
0xbb: {  	s30 =	sld [smem:$0x0];
	_ =	sdelay $0x2  }
0xbc: {  	s31 =	sshll.u32 s1, $0xD;
	s1 =	sshrl.u32 s1, $0x2  }
0xbd: {  	s3 =	sand.u32 $0x4000, s31;
	s1 =	sadd.s32 s1, s30  }
0xbe: {  	s0 =	sor.u32 s3, s0;
	s1 =	sshll.u32 s1, $0x11  }
0xbf: {  	s0 =	sor.u32 s1, s0  }
0xc0: {  	s0 =	sadd.s32 $0x8F2B, s0  }
0xc1: {  	[sflag:s0] =	ssyncadd.remote.s32 $0x1  }
0xc2: {  	_ =	sfence.sel $0xFFFF  }
0xc3: {  	[dreg:$0x0] =	wrdreg $0xFFFFFFFF;
	(pc) =	sbr.abs _section_cstart, $3  }
0xc4: {  	[dreg:$0x1] =	wrdreg $0xFFFFFFFF  }
0xc5: {  	_ =	task.clear_ibuf [dreg:s8], $0x2FFFF;
	_ =	strace $0x9FFFFFFF  }
0xc6: {  	(tm) =	ssettm $0x7FFFFFFF  }
0xc7: {  	_ =	shalt  }
tec
execute0_lowered:
.L_overlay_start_1:
0x0: {  	(tag) =	ssettag $0x1  }
0x1: {  	s1 =	rddreg [dreg:$0x0]  }
0x2: {  	s0 =	rddreg [dreg:$0x1]  }
0x3: {  	s3 =	rddreg [dreg:$0x2]  }
0x4: {  	s2 =	rddreg [dreg:$0x3]  }
0x5: {  	s4 =	rddreg [dreg:$0x4]  }
0x6: {  	s5 =	srdreg.scid;
	s12 =	stileid.u32;
	s14 =	simm.s32 $0x40  }
0x7: {  	s15 =	simm.s32 $0x4800;
	s28 =	simm.s32 $0x400;
	s21 =	simm.s32 $0x2800  }
0x8: {  	s22 =	simm.s32 $0x1;
	s23 =	simm.s32 $0x4880;
	s24 =	simm.s32 $0x3  }
0x9: {  	s29 =	simm.s32 $0x4;
	s30 =	simm.s32 $0x6;
	s9 =	smul.u32 $0x14000, s12  }
0xa: {  	s31 =	simm.s32 $0x780;
	s6 =	sand.u32 $0x1, s5;
	s10 =	smul.u32 $0x5000, s12  }
0xb: {  	s5 =	simm.s32 $0x0;
	s11 =	sadd.s32 $0x18A00, s3;
	s7 =	smul.u32 $0x140000, s6  }
0xc: {  	s8 =	sshll.u32 s6, $0x4;
	[smem:$0x7FF] =	sst s5;
	s16 =	smul.u32 $0x50000, s6  }
0xd: {  	s6 =	ssub.s32 $0x2, s6;
	s8 =	sor.u32 s12, s8;
	_ =	strace $0x80000047  }
0xe: {  	s17 =	sshrl.u32 s6, $0x1;
	s8 =	smul.u32 $0x5000, s8;
	s7 =	sadd.s32 s9, s7  }
0xf: {  	s9 =	sadd.s32 s10, s16;
	s16 =	simm.s32 $0x800;
	s7 =	sshrl.u32 s7, $0x3  }
0x10: {  	s9 =	sor.u32 $0x400, s9;
	s3 =	sadd.s32 s7, s3;
	s8 =	sshrl.u32 s8, $0x3  }
0x11: {  	s7 =	ssub.s32 s6, s17;
	s6 =	smul.u32 $0x280, s12;
	s18 =	sadd.s32 s0, s8  }
0x12: {  	s19 =	sshrl.u32 s9, $0x3;
	s8 =	sadd.s32 s11, s8;
	[dreg:$0x6] =	wrdreg s18  }
0x13: {  	s17 =	simm.s32 $0x7;
	s7 =	smax.u32 s7, $0x1;
	[dreg:$0x7] =	wrdreg s8  }
0x14: {  	s20 =	sadd.s32 s19, s11;
	s25 =	sadd.s32 $0x7CA00, s3;
	[dreg:$0x8] =	wrdreg s7  }
0x15: {  	s11 =	sadd.s32 s19, s0;
	s26 =	sadd.s32 $0x2CA00, s3;
	[dreg:$0xa] =	wrdreg s25  }
0x16: {  	s0 =	simm.s32 $0x5;
	s3 =	simm.s32 $0x0;
	[dreg:$0xb] =	wrdreg s26  }
0x17: {  	s18 =	simm.s32 $0x6880;
	s26 =	simm.s32 $0x2;
	[dreg:$0x9] =	wrdreg s20  }
0x18: {  	v0 =	vimm.f32 $0.0e+00;
	v1 =	vimm.f32 $1.000000000e+00;
	v2 =	vlaneseq.u32;
	s25 =	simm.s32 $0x500;
	s20 =	simm.s32 $0x600;
	s8 =	simm.s32 $0x680  }
.LBB2_1:
0x19: {  	s7 =	simm.s32 $0x0;
	s9 =	simm.s32 $0x200  }
.LBB2_2:
0x1a: {  	p0 =	sne.s32 s9, $0x7E00;
	[tilespmem:s7+$0x870] =	vst v0  }
0x1b: {  	[tilespmem:s7+$0x800] =	vst v0  }
0x1c: {  	[tilespmem:s7+$0x810] =	vst v0  }
.Ltmp0:
0x1d: {  	[tilespmem:s7+$0x820] =	vst v0;
	(pc) =	sbr.rel @p0 .LBB2_2-.Ltmp0, $4  }
0x1e: {  	[tilespmem:s7+$0x830] =	vst v0  }
0x1f: {  	[tilespmem:s7+$0x840] =	vst v0  }
0x20: {  	[tilespmem:s7+$0x850] =	vst v0  }
0x21: {  	[tilespmem:s7+$0x860] =	vst v0;
	s7 =	sshra.s32 s9, $0x2;
	s9 =	sadd.s32 $0x200, s9  }
0x22: {  	[tilespmem:s7+$0x870] =	vst v0  }
0x23: {  	[tilespmem:s7+$0x800] =	vst v0  }
0x24: {  	[tilespmem:s7+$0x810] =	vst v0  }
0x25: {  	[tilespmem:s7+$0x820] =	vst v0  }
0x26: {  	[tilespmem:s7+$0x830] =	vst v0  }
0x27: {  	[tilespmem:s7+$0x840] =	vst v0  }
0x28: {  	[tilespmem:s7+$0x850] =	vst v0  }
0x29: {  	[tilespmem:s7+$0x860] =	vst v0  }
0x2a: {  	[tilespmem:$0x4880] =	vst v1  }
0x2b: {  	[tilespmem:$0x6880] =	vst v0  }
0x2c: {  	[tilespmem:$0x4900] =	vst v1  }
0x2d: {  	[tilespmem:$0x6900] =	vst v0  }
0x2e: {  	[tilespmem:$0x4980] =	vst v1  }
0x2f: {  	[tilespmem:$0x6980] =	vst v0  }
0x30: {  	[tilespmem:$0x4A00] =	vst v1  }
0x31: {  	[tilespmem:$0x6A00] =	vst v0  }
0x32: {  	[tilespmem:$0x4A80] =	vst v1  }
0x33: {  	[tilespmem:$0x6A80] =	vst v0  }
0x34: {  	[tilespmem:$0x4B00] =	vst v1  }
0x35: {  	[tilespmem:$0x6B00] =	vst v0  }
0x36: {  	[tilespmem:$0x4B80] =	vst v1  }
0x37: {  	[tilespmem:$0x6B80] =	vst v0  }
0x38: {  	[tilespmem:$0x4C00] =	vst v1  }
0x39: {  	[tilespmem:$0x6C00] =	vst v0  }
0x3a: {  	[tilespmem:$0x4C80] =	vst v1  }
0x3b: {  	[tilespmem:$0x6C80] =	vst v0  }
0x3c: {  	[tilespmem:$0x4D00] =	vst v1  }
0x3d: {  	[tilespmem:$0x6D00] =	vst v0  }
0x3e: {  	[tilespmem:$0x4D80] =	vst v1  }
0x3f: {  	[tilespmem:$0x6D80] =	vst v0  }
0x40: {  	[tilespmem:$0x4E00] =	vst v1  }
0x41: {  	[tilespmem:$0x6E00] =	vst v0  }
0x42: {  	[tilespmem:$0x4E80] =	vst v1  }
0x43: {  	[tilespmem:$0x6E80] =	vst v0  }
0x44: {  	[tilespmem:$0x4F00] =	vst v1  }
0x45: {  	[tilespmem:$0x6F00] =	vst v0  }
0x46: {  	[tilespmem:$0x4F80] =	vst v1  }
0x47: {  	[tilespmem:$0x6F80] =	vst v0  }
0x48: {  	[tilespmem:$0x5000] =	vst v1  }
0x49: {  	[tilespmem:$0x7000] =	vst v0  }
0x4a: {  	[tilespmem:$0x5080] =	vst v1  }
0x4b: {  	[tilespmem:$0x7080] =	vst v0  }
0x4c: {  	[tilespmem:$0x5100] =	vst v1  }
0x4d: {  	[tilespmem:$0x7100] =	vst v0  }
0x4e: {  	[tilespmem:$0x5180] =	vst v1  }
0x4f: {  	[tilespmem:$0x7180] =	vst v0  }
0x50: {  	[tilespmem:$0x5200] =	vst v1  }
0x51: {  	[tilespmem:$0x7200] =	vst v0  }
0x52: {  	[tilespmem:$0x5280] =	vst v1  }
0x53: {  	[tilespmem:$0x7280] =	vst v0  }
0x54: {  	[tilespmem:$0x5300] =	vst v1  }
0x55: {  	[tilespmem:$0x7300] =	vst v0  }
0x56: {  	[tilespmem:$0x5380] =	vst v1  }
0x57: {  	[tilespmem:$0x7380] =	vst v0  }
0x58: {  	[tilespmem:$0x5400] =	vst v1  }
0x59: {  	[tilespmem:$0x7400] =	vst v0  }
0x5a: {  	[tilespmem:$0x5480] =	vst v1  }
0x5b: {  	[tilespmem:$0x7480] =	vst v0  }
0x5c: {  	[tilespmem:$0x5500] =	vst v1  }
0x5d: {  	[tilespmem:$0x7500] =	vst v0  }
0x5e: {  	[tilespmem:$0x5580] =	vst v1  }
0x5f: {  	[tilespmem:$0x7580] =	vst v0  }
0x60: {  	[tilespmem:$0x5600] =	vst v1  }
0x61: {  	[tilespmem:$0x7600] =	vst v0  }
0x62: {  	[tilespmem:$0x5680] =	vst v1  }
0x63: {  	[tilespmem:$0x7680] =	vst v0  }
0x64: {  	[tilespmem:$0x5700] =	vst v1  }
0x65: {  	[tilespmem:$0x7700] =	vst v0  }
0x66: {  	[tilespmem:$0x5780] =	vst v1  }
0x67: {  	[tilespmem:$0x7780] =	vst v0  }
0x68: {  	[tilespmem:$0x5800] =	vst v1  }
0x69: {  	[tilespmem:$0x7800] =	vst v0  }
0x6a: {  	[tilespmem:$0x5880] =	vst v1  }
0x6b: {  	[tilespmem:$0x7880] =	vst v0  }
0x6c: {  	[tilespmem:$0x5900] =	vst v1  }
0x6d: {  	[tilespmem:$0x7900] =	vst v0  }
0x6e: {  	[tilespmem:$0x5980] =	vst v1  }
0x6f: {  	[tilespmem:$0x7980] =	vst v0  }
0x70: {  	[tilespmem:$0x5A00] =	vst v1  }
0x71: {  	[tilespmem:$0x7A00] =	vst v0  }
0x72: {  	[tilespmem:$0x5A80] =	vst v1  }
0x73: {  	[tilespmem:$0x7A80] =	vst v0  }
0x74: {  	[tilespmem:$0x5B00] =	vst v1  }
0x75: {  	[tilespmem:$0x7B00] =	vst v0  }
0x76: {  	[tilespmem:$0x5B80] =	vst v1  }
0x77: {  	[tilespmem:$0x7B80] =	vst v0  }
0x78: {  	[tilespmem:$0x5C00] =	vst v1  }
0x79: {  	[tilespmem:$0x7C00] =	vst v0  }
0x7a: {  	[tilespmem:$0x5C80] =	vst v1  }
0x7b: {  	[tilespmem:$0x7C80] =	vst v0  }
0x7c: {  	[tilespmem:$0x5D00] =	vst v1  }
0x7d: {  	[tilespmem:$0x7D00] =	vst v0  }
0x7e: {  	[tilespmem:$0x5D80] =	vst v1  }
0x7f: {  	[tilespmem:$0x7D80] =	vst v0  }
0x80: {  	[tilespmem:$0x5E00] =	vst v1  }
0x81: {  	[tilespmem:$0x7E00] =	vst v0  }
0x82: {  	[tilespmem:$0x5E80] =	vst v1  }
0x83: {  	[tilespmem:$0x7E80] =	vst v0  }
0x84: {  	[tilespmem:$0x5F00] =	vst v1  }
0x85: {  	[tilespmem:$0x7F00] =	vst v0  }
0x86: {  	[tilespmem:$0x5F80] =	vst v1  }
0x87: {  	[tilespmem:$0x7F80] =	vst v0  }
0x88: {  	[tilespmem:$0x6000] =	vst v1  }
0x89: {  	[tilespmem:$0x8000] =	vst v0  }
0x8a: {  	[tilespmem:$0x6080] =	vst v1  }
0x8b: {  	[tilespmem:$0x8080] =	vst v0  }
0x8c: {  	[tilespmem:$0x6100] =	vst v1  }
0x8d: {  	[tilespmem:$0x8100] =	vst v0  }
0x8e: {  	[tilespmem:$0x6180] =	vst v1  }
0x8f: {  	[tilespmem:$0x8180] =	vst v0  }
0x90: {  	[tilespmem:$0x6200] =	vst v1  }
0x91: {  	[tilespmem:$0x8200] =	vst v0  }
0x92: {  	[tilespmem:$0x6280] =	vst v1  }
0x93: {  	[tilespmem:$0x8280] =	vst v0  }
0x94: {  	[tilespmem:$0x6300] =	vst v1  }
0x95: {  	[tilespmem:$0x8300] =	vst v0  }
0x96: {  	[tilespmem:$0x6380] =	vst v1  }
0x97: {  	[tilespmem:$0x8380] =	vst v0  }
0x98: {  	[tilespmem:$0x6400] =	vst v1  }
0x99: {  	[tilespmem:$0x8400] =	vst v0  }
0x9a: {  	[tilespmem:$0x6480] =	vst v1  }
0x9b: {  	[tilespmem:$0x8480] =	vst v0  }
0x9c: {  	[tilespmem:$0x6500] =	vst v1  }
0x9d: {  	[tilespmem:$0x8500] =	vst v0  }
0x9e: {  	[tilespmem:$0x6580] =	vst v1  }
0x9f: {  	[tilespmem:$0x8580] =	vst v0  }
0xa0: {  	[tilespmem:$0x6600] =	vst v1  }
0xa1: {  	[tilespmem:$0x8600] =	vst v0  }
0xa2: {  	[tilespmem:$0x6680] =	vst v1  }
0xa3: {  	[tilespmem:$0x8680] =	vst v0  }
0xa4: {  	[tilespmem:$0x6700] =	vst v1  }
0xa5: {  	[tilespmem:$0x8700] =	vst v0  }
0xa6: {  	[tilespmem:$0x6780] =	vst v1  }
0xa7: {  	[tilespmem:$0x8780] =	vst v0  }
0xa8: {  	s19 =	sadd.s32 $0x0, s6;
	[tilespmem:$0x6800] =	vst v1  }
0xa9: {  	[tilespmem:$0x8800] =	vst v0;
	v3 =	vor.u32 s19, v2;
	s9 =	sadd.s32 $0x30, s19  }
0xaa: {  	s10 =	sadd.s32 $0x10, s19;
	[tilespmem:$0x4800] =	vst v3;
	v3 =	vor.u32 s9, v2  }
0xab: {  	s7 =	sadd.s32 $0x20, s19;
	v4 =	vor.u32 s10, v2;
	[tilespmem:$0x4830] =	vst v3  }
0xac: {  	v3 =	vor.u32 s7, v2;
	[tilespmem:$0x4810] =	vst v4  }
0xad: {  	[dreg:$0xc] =	wrdreg s3;
	[tilespmem:$0x4820] =	vst v3  }
0xae: {  	[spmem:s2] =	stream.indirect.scatter [tilespmem:s16], [sflag:$0x7], $0x80, s15, s14, $0xb8;
	[tilespmem:$0x1F080] =	vst v63  }
0xaf: {  	_ =	swait.ge [sflag:s17], $0x2000  }
0xb0: {  	[sflag:s17] =	ssyncset.done $0x0  }
0xb1: {  	s7 =	simm.s32 $0x40;
	[sflag:s17] =	ssyncadd.s32 $0xFFFFE000  }
.LBB2_4:
0xb2: {  	[spmem:s4] =	stream.indirect.scatter [tilespmem:s18], [sflag:$0x7], $0x10, s15, s14, $0xb8;
	[tilespmem:$0x1F080] =	vst v63  }
0xb3: {  	s9 =	sadd.s32 s7, s6;
	p0 =	sne.s32 s7, $0x240;
	_ =	swait.ge [sflag:s17], $0x400  }
0xb4: {  	v3 =	vor.u32 s9, v2;
	s10 =	sadd.s32 $0x10, s9;
	s12 =	sadd.s32 $0x20, s9;
	[sflag:s17] =	ssyncset.done $0x0  }
0xb5: {  	s7 =	sadd.s32 $0x40, s7;
	s9 =	sadd.s32 $0x30, s9;
	v4 =	vor.u32 s10, v2;
	v5 =	vor.u32 s12, v2;
	[sflag:s17] =	ssyncadd.s32 $0xFFFFFC00  }
0xb6: {  	[tilespmem:$0x4800] =	vst v3;
	v3 =	vor.u32 s9, v2  }
0xb7: {  	[tilespmem:$0x4830] =	vst v3  }
0xb8: {  	[tilespmem:$0x4810] =	vst v4  }
.Ltmp1:
0xb9: {  	[tilespmem:$0x4820] =	vst v5;
	(pc) =	sbr.rel @p0 .LBB2_4-.Ltmp1, $4  }
0xba: {  	[spmem:s2] =	stream.indirect.scatter [tilespmem:s16], [sflag:$0x7], $0x80, s15, s14, $0xb8;
	[tilespmem:$0x1F080] =	vst v63  }
0xbb: {  	_ =	swait.ge [sflag:s17], $0x2000  }
0xbc: {  	[sflag:s17] =	ssyncset.done $0x0  }
0xbd: {  	[sflag:s17] =	ssyncadd.s32 $0xFFFFE000  }
0xbe: {  	[spmem:s4] =	stream.indirect.scatter [tilespmem:s18], [sflag:$0x7], $0x10, s15, s14, $0xb8;
	[tilespmem:$0x1F080] =	vst v63  }
0xbf: {  	_ =	swait.ge [sflag:s17], $0x400  }
0xc0: {  	[sflag:s17] =	ssyncset.done $0x0  }
0xc1: {  	[sflag:s17] =	ssyncadd.s32 $0xFFFFFC00  }
0xc2: {  	[bflag:$0x0] =	sbarrier.arrive $0xFFFF  }
0xc3: {  	s7 =	simm.s32 $0x0;
	s9 =	rddreg [dreg:$0x6]  }
0xc4: {  	[tilespmem:s7], [sflag:$0x7] =	stream.linear.gather [hbm4b:s9+s7], $0x400, $0x38;
	[tilespmem:$0x1F080] =	vst v63  }
0xc5: {  	_ =	swait.ge [sflag:s17], $0x400  }
0xc6: {  	[sflag:s17] =	ssyncset.done $0x0  }
0xc7: {  	s19 =	rddreg [dreg:$0x7];
	[sflag:s17] =	ssyncadd.s32 $0xFFFFFC00  }
0xc8: {  	[tilespmem:s28], [sflag:$0x7] =	stream.linear.gather [hbm4b:s19+s7], $0x400, $0x38;
	[tilespmem:$0x1F080] =	vst v63  }
0xc9: {  	_ =	swait.ge [sflag:s17], $0x400  }
0xca: {  	s3 =	simm.s32 $0x580;
	s28 =	smov.u32 s11;
	[sflag:s17] =	ssyncset.done $0x0  }
0xcb: {  	s19 =	simm.s32 $0x700;
	s13 =	rddreg [dreg:$0x9];
	[sflag:s17] =	ssyncadd.s32 $0xFFFFFC00  }
0xcc: {  	[tilespmem:s16], [sflag:$0x1] =	stream.indirect.gather [hbm4b:s1+s14], $0x80, s7, s14, $0xb8;
	[tilespmem:$0x1F080] =	vst v63  }
.LBB2_6:
0xcd: {  	s9 =	simm.s32 $0x80  }
0xce: {  	[tilespmem:s21], [sflag:$0x2] =	stream.indirect.gather [hbm4b:s1+s14], $0x80, s9, s14, $0xb8;
	[tilespmem:$0x1F080] =	vst v63  }
0xcf: {  	_ =	swait.ge [sflag:s22], $0x2000  }
0xd0: {  	[sflag:s22] =	ssyncset.done $0x0  }
0xd1: {  	s11 =	simm.s32 $0x400;
	[sflag:s22] =	ssyncadd.s32 $0xFFFFE000  }
0xd2: {  	[spmem:s2] =	stream.indirect.scatter.add.f32 [tilespmem:s16], [sflag:$0x3], $0x80, s11, s14, $0xb8;
	[tilespmem:$0x1F080] =	vst v63  }
0xd3: {  	_ = 	snop  }
0xd4: {  	[spmem:s4] =	stream.indirect.scatter.add.f32 [tilespmem:s23], [sflag:$0x6], $0x10, s11, s14, $0xb8;
	[tilespmem:$0x1F080] =	vst v63  }
0xd5: {  	_ =	swait.ge [sflag:s24], $0x2000  }
0xd6: {  	[sflag:s24] =	ssyncset.done $0x0  }
0xd7: {  	s12 =	simm.s32 $0x100;
	[sflag:s24] =	ssyncadd.s32 $0xFFFFE000  }
0xd8: {  	[tilespmem:s16], [sflag:$0x1] =	stream.indirect.gather [hbm4b:s1+s14], $0x80, s12, s14, $0xb8;
	[tilespmem:$0x1F080] =	vst v63  }
0xd9: {  	_ =	swait.ge [sflag:s26], $0x2000  }
0xda: {  	[sflag:s26] =	ssyncset.done $0x0  }
0xdb: {  	s10 =	simm.s32 $0x480;
	[sflag:s26] =	ssyncadd.s32 $0xFFFFE000  }
0xdc: {  	[spmem:s2] =	stream.indirect.scatter.add.f32 [tilespmem:s21], [sflag:$0x4], $0x80, s10, s14, $0xb8;
	[tilespmem:$0x1F080] =	vst v63  }
0xdd: {  	_ = 	snop  }
0xde: {  	[spmem:s4] =	stream.indirect.scatter.add.f32 [tilespmem:s23], [sflag:$0x6], $0x10, s10, s14, $0xb8;
	[tilespmem:$0x1F080] =	vst v63  }
0xdf: {  	_ =	swait.ge [sflag:s29], $0x2000  }
0xe0: {  	[sflag:s29] =	ssyncset.done $0x0  }
0xe1: {  	s11 =	simm.s32 $0x180;
	[sflag:s29] =	ssyncadd.s32 $0xFFFFE000  }
0xe2: {  	[tilespmem:s21], [sflag:$0x2] =	stream.indirect.gather [hbm4b:s1+s14], $0x80, s11, s14, $0xb8;
	[tilespmem:$0x1F080] =	vst v63  }
0xe3: {  	_ =	swait.ge [sflag:s22], $0x2000  }
0xe4: {  	[sflag:s22] =	ssyncset.done $0x0  }
0xe5: {  	[sflag:s22] =	ssyncadd.s32 $0xFFFFE000  }
0xe6: {  	[spmem:s2] =	stream.indirect.scatter.add.f32 [tilespmem:s16], [sflag:$0x3], $0x80, s25, s14, $0xb8;
	[tilespmem:$0x1F080] =	vst v63  }
0xe7: {  	_ = 	snop  }
0xe8: {  	[spmem:s4] =	stream.indirect.scatter.add.f32 [tilespmem:s23], [sflag:$0x6], $0x10, s25, s14, $0xb8;
	[tilespmem:$0x1F080] =	vst v63  }
0xe9: {  	_ =	swait.ge [sflag:s24], $0x2000  }
0xea: {  	[sflag:s24] =	ssyncset.done $0x0  }
0xeb: {  	s12 =	simm.s32 $0x200;
	[sflag:s24] =	ssyncadd.s32 $0xFFFFE000  }
0xec: {  	[tilespmem:s16], [sflag:$0x1] =	stream.indirect.gather [hbm4b:s1+s14], $0x80, s12, s14, $0xb8;
	[tilespmem:$0x1F080] =	vst v63  }
0xed: {  	_ =	swait.ge [sflag:s26], $0x2000  }
0xee: {  	[sflag:s26] =	ssyncset.done $0x0  }
0xef: {  	[sflag:s26] =	ssyncadd.s32 $0xFFFFE000  }
0xf0: {  	[spmem:s2] =	stream.indirect.scatter.add.f32 [tilespmem:s21], [sflag:$0x4], $0x80, s3, s14, $0xb8;
	[tilespmem:$0x1F080] =	vst v63  }
0xf1: {  	_ = 	snop  }
0xf2: {  	[spmem:s4] =	stream.indirect.scatter.add.f32 [tilespmem:s23], [sflag:$0x6], $0x10, s3, s14, $0xb8;
	[tilespmem:$0x1F080] =	vst v63  }
0xf3: {  	_ =	swait.ge [sflag:s29], $0x2000  }
0xf4: {  	[sflag:s29] =	ssyncset.done $0x0  }
0xf5: {  	s10 =	simm.s32 $0x280;
	[sflag:s29] =	ssyncadd.s32 $0xFFFFE000  }
0xf6: {  	[tilespmem:s21], [sflag:$0x2] =	stream.indirect.gather [hbm4b:s1+s14], $0x80, s10, s14, $0xb8;
	[tilespmem:$0x1F080] =	vst v63  }
0xf7: {  	_ =	swait.ge [sflag:s22], $0x2000  }
0xf8: {  	[sflag:s22] =	ssyncset.done $0x0  }
0xf9: {  	[sflag:s22] =	ssyncadd.s32 $0xFFFFE000  }
0xfa: {  	[spmem:s2] =	stream.indirect.scatter.add.f32 [tilespmem:s16], [sflag:$0x3], $0x80, s20, s14, $0xb8;
	[tilespmem:$0x1F080] =	vst v63  }
0xfb: {  	_ = 	snop  }
0xfc: {  	[spmem:s4] =	stream.indirect.scatter.add.f32 [tilespmem:s23], [sflag:$0x6], $0x10, s20, s14, $0xb8;
	[tilespmem:$0x1F080] =	vst v63  }
0xfd: {  	_ =	swait.ge [sflag:s24], $0x2000  }
0xfe: {  	[sflag:s24] =	ssyncset.done $0x0  }
0xff: {  	s11 =	simm.s32 $0x300;
	[sflag:s24] =	ssyncadd.s32 $0xFFFFE000  }
0x100: {  	[tilespmem:s16], [sflag:$0x1] =	stream.indirect.gather [hbm4b:s1+s14], $0x80, s11, s14, $0xb8;
	[tilespmem:$0x1F080] =	vst v63  }
0x101: {  	_ =	swait.ge [sflag:s26], $0x2000  }
0x102: {  	[sflag:s26] =	ssyncset.done $0x0  }
0x103: {  	[sflag:s26] =	ssyncadd.s32 $0xFFFFE000  }
0x104: {  	[spmem:s2] =	stream.indirect.scatter.add.f32 [tilespmem:s21], [sflag:$0x4], $0x80, s8, s14, $0xb8;
	[tilespmem:$0x1F080] =	vst v63  }
0x105: {  	_ = 	snop  }
0x106: {  	[spmem:s4] =	stream.indirect.scatter.add.f32 [tilespmem:s23], [sflag:$0x6], $0x10, s8, s14, $0xb8;
	[tilespmem:$0x1F080] =	vst v63  }
0x107: {  	_ =	swait.ge [sflag:s29], $0x2000  }
0x108: {  	[sflag:s29] =	ssyncset.done $0x0  }
0x109: {  	s12 =	simm.s32 $0x380;
	[sflag:s29] =	ssyncadd.s32 $0xFFFFE000  }
0x10a: {  	[tilespmem:s21], [sflag:$0x2] =	stream.indirect.gather [hbm4b:s1+s14], $0x80, s12, s14, $0xb8;
	[tilespmem:$0x1F080] =	vst v63  }
0x10b: {  	_ =	swait.ge [sflag:s22], $0x2000  }
0x10c: {  	[sflag:s22] =	ssyncset.done $0x0  }
0x10d: {  	[sflag:s22] =	ssyncadd.s32 $0xFFFFE000  }
0x10e: {  	[spmem:s2] =	stream.indirect.scatter.add.f32 [tilespmem:s16], [sflag:$0x3], $0x80, s19, s14, $0xb8;
	[tilespmem:$0x1F080] =	vst v63  }
0x10f: {  	_ = 	snop  }
0x110: {  	[spmem:s4] =	stream.indirect.scatter.add.f32 [tilespmem:s23], [sflag:$0x6], $0x10, s19, s14, $0xb8;
	[tilespmem:$0x1F080] =	vst v63  }
0x111: {  	_ =	swait.ge [sflag:s24], $0x2000  }
0x112: {  	[sflag:s24] =	ssyncset.done $0x0  }
0x113: {  	[sflag:s24] =	ssyncadd.s32 $0xFFFFE000  }
0x114: {  	_ =	swait.ge [sflag:s26], $0x2000  }
0x115: {  	[sflag:s26] =	ssyncset.done $0x0  }
0x116: {  	[sflag:s26] =	ssyncadd.s32 $0xFFFFE000  }
0x117: {  	[spmem:s2] =	stream.indirect.scatter.add.f32 [tilespmem:s21], [sflag:$0x7], $0x80, s31, s14, $0xb8;
	[tilespmem:$0x1F080] =	vst v63  }
0x118: {  	_ =	swait.ge [sflag:s17], $0x2000  }
0x119: {  	[sflag:s17] =	ssyncset.done $0x0  }
0x11a: {  	[sflag:s17] =	ssyncadd.s32 $0xFFFFE000  }
0x11b: {  	[spmem:s4] =	stream.indirect.scatter.add.f32 [tilespmem:s23], [sflag:$0x7], $0x10, s31, s14, $0xb8;
	[tilespmem:$0x1F080] =	vst v63  }
0x11c: {  	_ =	swait.ge [sflag:s17], $0x400  }
0x11d: {  	[sflag:s17] =	ssyncset.done $0x0  }
0x11e: {  	[sflag:s17] =	ssyncadd.s32 $0xFFFFFC00  }
0x11f: {  	_ =	swait.ge [sflag:s30], $0x400  }
0x120: {  	[sflag:s30] =	ssyncset.done $0x0  }
0x121: {  	[sflag:s30] =	ssyncadd.s32 $0xFFFFFC00  }
0x122: {  	_ =	swait.ge [sflag:s30], $0x400  }
0x123: {  	[sflag:s30] =	ssyncset.done $0x0  }
0x124: {  	[sflag:s30] =	ssyncadd.s32 $0xFFFFFC00  }
0x125: {  	_ =	swait.ge [sflag:s30], $0x400  }
0x126: {  	[sflag:s30] =	ssyncset.done $0x0  }
0x127: {  	[sflag:s30] =	ssyncadd.s32 $0xFFFFFC00  }
0x128: {  	_ =	swait.ge [sflag:s30], $0x400  }
0x129: {  	[sflag:s30] =	ssyncset.done $0x0  }
0x12a: {  	[sflag:s30] =	ssyncadd.s32 $0xFFFFFC00  }
0x12b: {  	_ =	swait.ge [sflag:s30], $0x400  }
0x12c: {  	[sflag:s30] =	ssyncset.done $0x0  }
0x12d: {  	[sflag:s30] =	ssyncadd.s32 $0xFFFFFC00  }
0x12e: {  	_ =	swait.ge [sflag:s30], $0x400  }
0x12f: {  	[sflag:s30] =	ssyncset.done $0x0  }
0x130: {  	[sflag:s30] =	ssyncadd.s32 $0xFFFFFC00  }
0x131: {  	_ =	swait.ge [sflag:s30], $0x400  }
0x132: {  	p0 =	seq.s32 s7, $0x980;
	[sflag:s30] =	ssyncset.done $0x0  }
0x133: {  	s9 =	sadd.s32 @!p0 s7, s28;
	s10 =	simm.s32 @!p0 $0x0;
	[sflag:s30] =	ssyncadd.s32 $0xFFFFFC00  }
0x134: {  	[tilespmem:s10], [sflag:$0x7] =	stream.linear.gather @!p0 [hbm4b:s9+s10], $0x400, $0x38;
	[tilespmem:$0x1F080] =	vst v63  }
0x135: {  	s9 =	simm.s32 @!p0 $0x7  }
0x136: {  	_ =	swait.ge @!p0 [sflag:s9], $0x400  }
0x137: {  	[sflag:s9] =	ssyncset.done @!p0 $0x0  }
0x138: {  	s11 =	simm.s32 @!p0 $0x400;
	s12 =	sadd.s32 @!p0 s7, s13;
	[sflag:s9] =	ssyncadd.s32 @!p0 $0xFFFFFC00  }
0x139: {  	[tilespmem:s11], [sflag:$0x7] =	stream.linear.gather @!p0 [hbm4b:s12+s10], $0x400, $0x38;
	[tilespmem:$0x1F080] =	vst v63  }
0x13a: {  	s7 =	sadd.s32 @!p0 $0x80, s7;
	_ =	swait.ge @!p0 [sflag:s9], $0x400  }
0x13b: {  	p1 =	sne.s32 @!p0 s7, $0xA00;
	[sflag:s9] =	ssyncset.done @!p0 $0x0  }
0x13c: {  	s11 =	simm.s32 @!p0 $0x800;
	[sflag:s9] =	ssyncadd.s32 @!p0 $0xFFFFFC00;
	s9 =	simm.s32 @!p0 $0x40  }
0x13d: {  	[tilespmem:s11], [sflag:$0x1] =	stream.indirect.gather @!p0 [hbm4b:s1+s9], $0x80, s10, s9, $0xb8;
	[tilespmem:$0x1F080] =	vst v63  }
0x13e: {  	p0 =	por p0, !p1  }
.Ltmp2:
0x13f: {  	_ = 	snop;
	(pc) =	sbr.rel @!p0 .LBB2_6-.Ltmp2, $1  }
0x140: {  	_ =	sdelay $0x3  }
0x141: {  	s7 =	sadd.s32 $0x0, s6  }
0x142: {  	[bflag:$0x0] =	sbarrier.arrive $0xFFFF;
	v3 =	vor.u32 s7, v2;
	s9 =	sadd.s32 $0x30, s7  }
0x143: {  	s10 =	sadd.s32 $0x10, s7;
	[tilespmem:$0x4800] =	vst v3;
	v3 =	vor.u32 s9, v2  }
0x144: {  	s7 =	sadd.s32 $0x20, s7;
	v4 =	vor.u32 s10, v2;
	[tilespmem:$0x4830] =	vst v3  }
0x145: {  	v3 =	vor.u32 s7, v2;
	[tilespmem:$0x4810] =	vst v4  }
0x146: {  	[tilespmem:$0x4820] =	vst v3  }
0x147: {  	[tilespmem:s16], [sflag:$0x5] =	stream.indirect.gather [spmem:s2], $0x80, s15, s14, $0xb8;
	[tilespmem:$0x1F080] =	vst v63  }
0x148: {  	_ =	swait.ge [sflag:s0], $0x2000  }
0x149: {  	[sflag:s0] =	ssyncset.done $0x0  }
0x14a: {  	s11 =	rddreg [dreg:$0xb];
	[sflag:s0] =	ssyncadd.s32 $0xFFFFE000  }
0x14b: {  	[hbm4b:s11+s5] =	stream.linear.scatter [tilespmem:s16], [sflag:$0x7], $0x2000, $0x38;
	[tilespmem:$0x1F080] =	vst v63  }
0x14c: {  	_ =	swait.ge [sflag:s17], $0x2000  }
0x14d: {  	[sflag:s17] =	ssyncset.done $0x0  }
0x14e: {  	[sflag:s17] =	ssyncadd.s32 $0xFFFFE000  }
0x14f: {  	[tilespmem:s18], [sflag:$0x5] =	stream.indirect.gather [spmem:s4], $0x10, s15, s14, $0xb8;
	[tilespmem:$0x1F080] =	vst v63  }
0x150: {  	_ =	swait.ge [sflag:s0], $0x400  }
0x151: {  	s7 =	simm.s32 $0x40;
	[sflag:s0] =	ssyncset.done $0x0;
	s10 =	rddreg [dreg:$0xa]  }
0x152: {  	s12 =	sadd.s32 $0x400, s11;
	[sflag:s0] =	ssyncadd.s32 $0xFFFFFC00;
	s9 =	sadd.s32 $0x400, s10  }
.LBB2_8:
0x153: {  	[hbm4b:s10+s5] =	stream.linear.scatter [tilespmem:s18], [sflag:$0x7], $0x2000, $0x38;
	[tilespmem:$0x1F080] =	vst v63  }
0x154: {  	s10 =	sadd.s32 s7, s6;
	p0 =	sne.s32 s7, $0x240;
	_ =	swait.ge [sflag:s17], $0x2000  }
0x155: {  	v3 =	vor.u32 s10, v2;
	s11 =	sadd.s32 $0x10, s10;
	s19 =	sadd.s32 $0x20, s10;
	[sflag:s17] =	ssyncset.done $0x0  }
0x156: {  	s7 =	sadd.s32 $0x40, s7;
	s10 =	sadd.s32 $0x30, s10;
	v4 =	vor.u32 s11, v2;
	v5 =	vor.u32 s19, v2;
	[sflag:s17] =	ssyncadd.s32 $0xFFFFE000  }
0x157: {  	[tilespmem:$0x4800] =	vst v3;
	v3 =	vor.u32 s10, v2;
	s10 =	smov.u32 s9  }
0x158: {  	[tilespmem:$0x4830] =	vst v3  }
0x159: {  	[tilespmem:$0x4810] =	vst v4  }
0x15a: {  	[tilespmem:$0x4820] =	vst v5  }
0x15b: {  	[tilespmem:s16], [sflag:$0x5] =	stream.indirect.gather [spmem:s2], $0x80, s15, s14, $0xb8;
	[tilespmem:$0x1F080] =	vst v63  }
0x15c: {  	_ =	swait.ge [sflag:s0], $0x2000  }
0x15d: {  	[sflag:s0] =	ssyncset.done $0x0  }
0x15e: {  	[sflag:s0] =	ssyncadd.s32 $0xFFFFE000  }
0x15f: {  	[hbm4b:s12+s5] =	stream.linear.scatter [tilespmem:s16], [sflag:$0x7], $0x2000, $0x38;
	[tilespmem:$0x1F080] =	vst v63  }
0x160: {  	_ =	swait.ge [sflag:s17], $0x2000  }
0x161: {  	[sflag:s17] =	ssyncset.done $0x0  }
.Ltmp3:
0x162: {  	[sflag:s17] =	ssyncadd.s32 $0xFFFFE000;
	(pc) =	sbr.rel @p0 .LBB2_8-.Ltmp3, $4  }
0x163: {  	[tilespmem:s18], [sflag:$0x5] =	stream.indirect.gather [spmem:s4], $0x10, s15, s14, $0xb8;
	[tilespmem:$0x1F080] =	vst v63  }
0x164: {  	_ =	swait.ge [sflag:s0], $0x400  }
0x165: {  	[sflag:s0] =	ssyncset.done $0x0  }
0x166: {  	s9 =	sadd.s32 $0x400, s9;
	s12 =	sadd.s32 $0x400, s12;
	[sflag:s0] =	ssyncadd.s32 $0xFFFFFC00  }
0x167: {  	[hbm4b:s10+s5] =	stream.linear.scatter [tilespmem:s18], [sflag:$0x7], $0x2000, $0x38;
	[tilespmem:$0x1F080] =	vst v63  }
0x168: {  	_ =	swait.ge [sflag:s17], $0x2000  }
0x169: {  	s3 =	rddreg [dreg:$0xc]  }
0x16a: {  	s7 =	rddreg [dreg:$0x8];
	s3 =	sadd.s32 $0x1, s3  }
0x16b: {  	p0 =	sne.s32 s3, s7  }
.Ltmp4:
0x16c: {  	_ = 	snop;
	(pc) =	sbr.rel @p0 .LBB2_1-.Ltmp4, $3  }
0x16d: {  	_ =	sdelay $0x1  }
0x16e: {  	[sflag:s17] =	ssyncset.done $0x0  }
0x16f: {  	s11 =	smov.u32 s28;
	s28 =	simm.s32 $0x400;
	[sflag:s17] =	ssyncadd.s32 $0xFFFFE000  }
0x170: {  	_ =	sfence.sel $0x180000  }
0x171: {  	[bflag:$0x0] =	sbarrier.arrive $0xFFFF  }
0x172: {  	_ =	strace $0x90000047  }
0x173: {  	s0 =	stileid.u32;
	[bflag:$0x2] =	sbarrier.arrive $0xFFFF  }
0x174: {  	p0 =	sne.s32 s0, $0x0;
	s0 =	rddreg [dreg:$0x5]  }
0x175: {  	s0 =	sadd.s32 @!p0 $0x100000, s0  }
0x176: {  	[sflag:s0] =	ssyncadd.tile.s32 @!p0 $0x1;
	_ =	shalt  }
.Lfunc_end2:
_tile_overlayer_lowered:
.L_overlay_start_2:
0x177: {  	(tag) =	ssettag $0x2  }
0x178: {  	s0 =	rddreg [dreg:$0x0];
	s2 =	stileid.u32  }
0x179: {  	s1 =	rddreg [dreg:$0x1];
	p0 =	sne.s32 s2, $0x0  }
0x17a: {  	s3 =	rddreg [dreg:$0x2];
	[bflag:$0x3] =	sbarrier.arrive $0xFFFF;
	s2 =	simm.s32 @!p0 $0x1C07  }
0x17b: {  	[timem:s3], [sflag:s2] =	dma.local @!p0 [hbm:s0], s1  }
0x17c: {  	s0 =	simm.s32 @!p0 $0x7  }
0x17d: {  	_ =	swait.ge @!p0 [sflag:s0], s1  }
0x17e: {  	s1 =	ssub.s32 @!p0 $0x0, s1;
	[sflag:s0] =	ssyncset.done @!p0 $0x0  }
0x17f: {  	[sflag:s0] =	ssyncadd.s32 @!p0 s1  }
0x180: {  	[bflag:$0x3] =	sbarrier.arrive $0xFFFF  }
0x181: {  	_ =	shalt  }

</sc_bundles>
